<compile_context>
chip_gen: v7x
topology: tpu7x:2x2x1
jax: 0.10.2.dev20260603
libtpu: 0.0.44.dev20260713+nightly
codegen_flags: <defaults>
</compile_context>

<pallas_src>
import jax
import jax.numpy as jnp
from jax import lax
from jax.experimental import pallas as pl
from jax.experimental.pallas import tpu as pltpu
from jax.experimental.pallas import tpu_sc as plsc

DIM = 2048
N = 32
NB = 8
B = 4
T = 128
TB = T * B


OK_ = 0
OV_ = 256
OB_ = 512
OQ_ = 768
OL_ = 896
PADC = 1024


def _proj_body(x_ref, wt_ref, bb_ref, g_ref, gt_ref, l_ref,
               kn_ref, v_ref, beta_ref, q_ref, w8_ref, sel8_ref):
    res = jnp.dot(x_ref[...], wt_ref[...],
                  preferred_element_type=jnp.float32,
                  precision=jax.lax.Precision.HIGHEST)
    K = res[:, OK_:OK_ + NB * N]
    L = l_ref[...]
    e = jnp.exp(L - jnp.max(L, axis=-1, keepdims=True))
    w8_ref[...] = e / jnp.sum(e, axis=-1, keepdims=True)
    idx = lax.broadcasted_iota(jnp.int32, L.shape, 1)
    i1 = jnp.min(jnp.where(L == jnp.max(L, axis=-1, keepdims=True), idx, NB),
                 axis=-1, keepdims=True)
    sel1 = idx == i1
    L2 = jnp.where(sel1, -1e30, L)
    i2 = jnp.min(jnp.where(L2 == jnp.max(L2, axis=-1, keepdims=True), idx, NB),
                 axis=-1, keepdims=True)
    sel8_ref[...] = jnp.where(sel1 | (idx == i2), 1.0, 0.0)
    nrm2 = jnp.dot(K * K, g_ref[...], preferred_element_type=jnp.float32)
    inv = 1.0 / (jnp.sqrt(nrm2) + 1e-6)
    kn_ref[...] = K * jnp.dot(inv, gt_ref[...], preferred_element_type=jnp.float32)
    v_ref[...] = res[:, OV_:OV_ + NB * N]
    beta_ref[...] = 1.0 / (1.0 + jnp.exp(-(res[:, OB_:OB_ + NB * N] + bb_ref[...])))
    q_ref[...] = res[:, OQ_:OQ_ + N]


def _sc_body(kv_h, beta_h, q_h, wsel_h,
             part_h, sfin_h,
             kv_v, beta_v, q_v, wsel_v, S_v, out_v):
    c = lax.axis_index("c")
    s = lax.axis_index("s")
    jb = s // 2
    sb = s % 2
    b = c * 2 + sb
    cell = jb * B + b

    pltpu.sync_copy(kv_h.at[cell], kv_v)
    pltpu.sync_copy(beta_h.at[cell], beta_v)
    pltpu.sync_copy(q_h.at[b], q_v)
    pltpu.sync_copy(wsel_h.at[cell], wsel_v)

    z16 = jnp.zeros((16,), jnp.float32)
    for r in range(N):
        S_v[r, pl.ds(0, 16)] = z16
        S_v[r, pl.ds(16, 16)] = z16

    def step(t, carry):
        ws_row = wsel_v[t, pl.ds(0, 16)]

        @pl.when(ws_row[1] > 0.5)
        def _update():
            kr0 = kv_v[t, pl.ds(0, 16)]
            kr1 = kv_v[t, pl.ds(16, 16)]
            acc = [z16] * 8
            for jc in range(N):
                ks = kr0[jc] if jc < 16 else kr1[jc - 16]
                acc[jc % 4] = acc[jc % 4] + ks * S_v[jc, pl.ds(0, 16)]
                acc[4 + jc % 4] = acc[4 + jc % 4] + ks * S_v[jc, pl.ds(16, 16)]
            r0 = (acc[0] + acc[1]) + (acc[2] + acc[3])
            r1 = (acc[4] + acc[5]) + (acc[6] + acc[7])
            d0 = kv_v[t, pl.ds(32, 16)] - r0
            d1 = kv_v[t, pl.ds(48, 16)] - r1
            b0 = beta_v[t, pl.ds(0, 16)]
            b1 = beta_v[t, pl.ds(16, 16)]
            for jc in range(N):
                ks = kr0[jc] if jc < 16 else kr1[jc - 16]
                z0 = b0 * S_v[jc, pl.ds(0, 16)] + ks * d0
                z1 = b1 * S_v[jc, pl.ds(16, 16)] + ks * d1
                e0 = jnp.exp(z0 + z0)
                e1 = jnp.exp(z1 + z1)
                S_v[jc, pl.ds(0, 16)] = 1.0 - 2.0 / (e0 + 1.0)
                S_v[jc, pl.ds(16, 16)] = 1.0 - 2.0 / (e1 + 1.0)

        q0 = q_v[t, pl.ds(0, 16)]
        q1 = q_v[t, pl.ds(16, 16)]
        acc = [z16] * 8
        for jc in range(N):
            qs = q0[jc] if jc < 16 else q1[jc - 16]
            acc[jc % 4] = acc[jc % 4] + qs * S_v[jc, pl.ds(0, 16)]
            acc[4 + jc % 4] = acc[4 + jc % 4] + qs * S_v[jc, pl.ds(16, 16)]
        a0 = (acc[0] + acc[1]) + (acc[2] + acc[3])
        a1 = (acc[4] + acc[5]) + (acc[6] + acc[7])
        ws = ws_row[0]
        sg0 = 1.0 / (1.0 + jnp.exp(-a0))
        sg1 = 1.0 / (1.0 + jnp.exp(-a1))
        out_v[t, pl.ds(0, 16)] = a0 * a0 * sg0 * ws
        out_v[t, pl.ds(16, 16)] = a1 * a1 * sg1 * ws

        return carry

    lax.fori_loop(0, T, step, jnp.int32(0))

    pltpu.sync_copy(S_v, sfin_h.at[cell])
    pltpu.sync_copy(out_v, part_h.at[cell])


def _combine_body(p_ref, out_ref):
    acc = p_ref[0]
    for j in range(1, NB):
        acc = acc + p_ref[j]
    out_ref[...] = acc


def kernel(x, W_router, W_kv, W_beta, b_beta, W_q):
    f32 = jnp.float32
    xf = x.reshape(TB, DIM)
    bb = b_beta.reshape(1, NB * N)
    Wkv4 = W_kv.reshape(NB, 2, N, DIM)
    Wk = Wkv4[:, 0].reshape(NB * N, DIM)
    Wv = Wkv4[:, 1].reshape(NB * N, DIM)
    zpad1 = jnp.zeros((OL_ - (OQ_ + N), DIM), f32)
    zpad2 = jnp.zeros((PADC - (OL_ + NB), DIM), f32)
    Wt = jnp.concatenate([Wk, Wv, W_beta, W_q, zpad1, W_router, zpad2], axis=0).T
    G = (jnp.arange(NB * N)[:, None] // N == jnp.arange(NB)[None, :]).astype(f32)
    logits3 = jnp.einsum('tbd,jd->tbj', x, W_router)

    kn, v, beta, q, w8, sel8 = pl.pallas_call(
        _proj_body,
        out_shape=[
            jax.ShapeDtypeStruct((TB, NB * N), f32),
            jax.ShapeDtypeStruct((TB, NB * N), f32),
            jax.ShapeDtypeStruct((TB, NB * N), f32),
            jax.ShapeDtypeStruct((TB, N), f32),
            jax.ShapeDtypeStruct((TB, NB), f32),
            jax.ShapeDtypeStruct((TB, NB), f32),
        ],
    )(xf, Wt, bb, G, G.T, logits3.reshape(TB, NB))

    sc = pl.kernel(
        _sc_body,
        mesh=plsc.VectorSubcoreMesh(core_axis_name="c", subcore_axis_name="s"),
        out_type=[
            jax.ShapeDtypeStruct((NB * B, T, N), f32),
            jax.ShapeDtypeStruct((NB * B, N, N), f32),
        ],
        scratch_types=[
            pltpu.VMEM((T, 2 * N), f32),
            pltpu.VMEM((T, N), f32),
            pltpu.VMEM((T, N), f32),
            pltpu.VMEM((T, 16), f32),
            pltpu.VMEM((N, N), f32),
            pltpu.VMEM((T, N), f32),
        ],
    )
    kv_c = jnp.concatenate(
        [kn.reshape(T, B, NB, N), v.reshape(T, B, NB, N)],
        axis=-1).transpose(2, 1, 0, 3).reshape(NB * B, T, 2 * N)
    beta_c = beta.reshape(T, B, NB, N).transpose(2, 1, 0, 3).reshape(NB * B, T, N)
    q_c = q.reshape(T, B, N).transpose(1, 0, 2)
    w_c = w8.reshape(T, B, NB).transpose(2, 1, 0).reshape(NB * B, T)
    sel_c = sel8.reshape(T, B, NB).transpose(2, 1, 0).reshape(NB * B, T)
    wsel_c = jnp.concatenate(
        [w_c[..., None], sel_c[..., None],
         jnp.zeros((NB * B, T, 14), f32)], axis=-1)
    part, sfin = sc(kv_c, beta_c, q_c, wsel_c)

    part_g = part.reshape(NB, B, T, N).transpose(0, 2, 1, 3).reshape(NB, T, B * N)
    out_tb = pl.pallas_call(
        _combine_body,
        out_shape=jax.ShapeDtypeStruct((T, B * N), f32),
    )(part_g)

    outputs = out_tb.reshape(T, B, N)
    S_final = sfin.reshape(NB, B, N, N).transpose(0, 1, 3, 2)
    return outputs, S_final

# --- scband reference (transcript-rebuilt; emitter-appended) ---
"""Pipeline reference for scband-e87-sparse-block-cell-11416023073340 (READ-ONLY COPY).

The authoritative reference and input builder live on the scoring server;
editing this copy changes nothing except your own understanding.
"""

import jax, jax.numpy as jnp
import numpy as np

DIM = 2048
N_STATE = 32
N_BLOCKS = 8
TOP_K = 2
ROUTER_TEMP = 1.0
INIT_BETA_BIAS = 2.0
T = 128
BATCH = 4


def _xavier_uniform(key, shape):
    fan_out, fan_in = shape
    limit = float(np.sqrt(6.0 / (fan_in + fan_out)))
    return jax.random.uniform(key, shape, jnp.float32, -limit, limit)


def setup_inputs(seed: int = 0) -> dict:
    key = jax.random.key(seed)
    k_x, k_r, k_kv, k_b, k_q = jax.random.split(key, 5)
    x = jax.random.normal(k_x, (T, BATCH, DIM), dtype=jnp.float32)
    W_router = _xavier_uniform(k_r, (N_BLOCKS, DIM))
    W_kv = _xavier_uniform(k_kv, (N_BLOCKS * 2 * N_STATE, DIM))
    W_beta = _xavier_uniform(k_b, (N_BLOCKS * N_STATE, DIM))
    b_beta = jnp.full((N_BLOCKS, N_STATE), INIT_BETA_BIAS, dtype=jnp.float32)
    W_q = _xavier_uniform(k_q, (N_STATE, DIM))
    return {"x": x, "W_router": W_router, "W_kv": W_kv, "W_beta": W_beta, "b_beta": b_beta, "W_q": W_q}


def reference(x, W_router, W_kv, W_beta, b_beta, W_q):
    Tlen, batch, D = x.shape
    n = N_STATE
    Bk = N_BLOCKS
    k = TOP_K
    x_flat = x.reshape(Tlen * batch, D)
    router_logits = (x_flat @ W_router.T / ROUTER_TEMP).reshape(Tlen, batch, Bk)
    kv_all = (x_flat @ W_kv.T).reshape(Tlen, batch, Bk, 2, n)
    beta_all = jax.nn.sigmoid((x_flat @ W_beta.T).reshape(Tlen, batch, Bk, n) + b_beta)
    q_all = (x_flat @ W_q.T).reshape(Tlen, batch, n)
    S0 = jnp.zeros((Bk, batch, n, n), dtype=x.dtype)
    barange = jnp.arange(batch)

    def step(S, inputs):
        logits_t, kv_t, beta_t, q_t = inputs
        _, top_idx = jax.lax.top_k(logits_t, k)
        router_weights = jax.nn.softmax(logits_t, axis=-1)
        for ki in range(k):
            bi = top_idx[:, ki]
            kv_sel = kv_t[barange, bi]
            k_i = kv_sel[:, 0]
            v_i = kv_sel[:, 1]
            beta_i = beta_t[barange, bi]
            k_norm = k_i / (jnp.linalg.norm(k_i, axis=-1, keepdims=True) + 1e-06)
            S_sel = S[bi, barange]
            retrieved = jnp.einsum('bij,bj->bi', S_sel, k_norm)
            delta = v_i - retrieved
            S_new = jnp.tanh(beta_i[:, :, None] * S_sel + delta[:, :, None] * k_norm[:, None, :])
            S = S.at[bi, barange].set(S_new)
        Sq = jnp.einsum('kbij,bj->kbi', S, q_t)
        block_out = Sq * jax.nn.silu(Sq)
        block_out = jnp.transpose(block_out, (1, 0, 2))
        out_t = jnp.einsum('bn,bnd->bd', router_weights, block_out)
        return S, out_t

    S_final, outputs = jax.lax.scan(step, S0, (router_logits, kv_all, beta_all, q_all))
    return outputs, S_final

if __name__ == "__main__":
    import jax
    _d = setup_inputs()
    print(jax.jit(kernel)(*tuple(_d.values())))

</pallas_src>

<mosaic_0001>
#map = affine_map<(d0, d1) -> (0, 0, 0)>
module attributes {stable_mosaic.version = 14 : i64} {
  func.func @_sc_body(%arg0: i32, %arg1: i32, %arg2: memref<32x128x64xf32, #tpu.memory_space<hbm>>, %arg3: memref<32x128x32xf32, #tpu.memory_space<hbm>>, %arg4: memref<4x128x32xf32, #tpu.memory_space<hbm>>, %arg5: memref<32x128x16xf32, #tpu.memory_space<hbm>>, %arg6: memref<32x128x32xf32, #tpu.memory_space<hbm>>, %arg7: memref<32x32x32xf32, #tpu.memory_space<hbm>>, %arg8: memref<128x64xf32, #tpu.memory_space<vmem>>, %arg9: memref<128x32xf32, #tpu.memory_space<vmem>>, %arg10: memref<128x32xf32, #tpu.memory_space<vmem>>, %arg11: memref<128x16xf32, #tpu.memory_space<vmem>>, %arg12: memref<32x32xf32, #tpu.memory_space<vmem>>, %arg13: memref<128x32xf32, #tpu.memory_space<vmem>>) attributes {dimension_semantics = [#tpu.dimension_semantics<core_parallel>, #tpu.dimension_semantics<subcore_parallel>], iteration_bounds = array<i64: 2, 16>, scalar_prefetch = 0 : i64, scratch_operands = 6 : i64, tpu.core_type = #tpu.core_type<sc_vector_subcore>, window_params = [{transform_indices = #map}, {transform_indices = #map}, {transform_indices = #map}, {transform_indices = #map}, {transform_indices = #map}, {transform_indices = #map}]} {
    %jit3A = arith.constant 2 : i32
    %div3A = arith.divsi %arg1, %jit3A : i32
    %sign3A = arith.constant 0 : i32
    %sign3A_0 = arith.cmpi sgt, %arg1, %sign3A : i32
    %sign3A_1 = arith.extui %sign3A_0 : i1 to i32
    %sign3A_2 = arith.constant 0 : i32
    %sign3A_3 = arith.cmpi slt, %arg1, %sign3A_2 : i32
    %sign3A_4 = arith.extui %sign3A_3 : i1 to i32
    %sign3A_5 = arith.subi %sign3A_1, %sign3A_4 : i32
    %sign3A_6 = arith.constant 0 : i32
    %sign3A_7 = arith.cmpi sgt, %jit3A, %sign3A_6 : i32
    %sign3A_8 = arith.extui %sign3A_7 : i1 to i32
    %sign3A_9 = arith.constant 0 : i32
    %sign3A_10 = arith.cmpi slt, %jit3A, %sign3A_9 : i32
    %sign3A_11 = arith.extui %sign3A_10 : i1 to i32
    %sign3A_12 = arith.subi %sign3A_8, %sign3A_11 : i32
    %ne3A = arith.cmpi ne, %sign3A_5, %sign3A_12 : i32
    %rem3A = arith.remsi %arg1, %jit3A : i32
    %ne3A_13 = arith.constant 0 : i32
    %ne3A_14 = arith.cmpi ne, %rem3A, %ne3A_13 : i32
    %and3A = arith.andi %ne3A, %ne3A_14 : i1
    %sub3A = arith.constant 1 : i32
    %sub3A_15 = arith.subi %div3A, %sub3A : i32
    %select_n3A = arith.select %and3A, %sub3A_15, %div3A : i32
    %jit3A_16 = arith.constant 2 : i32
    %eq3A = arith.constant 0 : i32
    %eq3A_17 = arith.cmpi eq, %jit3A_16, %eq3A : i32
    %jit3A_18 = arith.constant 1 : i32
    %select_n3A_19 = arith.select %eq3A_17, %jit3A_18, %jit3A_16 : i32
    %rem3A_20 = arith.remsi %arg1, %select_n3A_19 : i32
    %ne3A_21 = arith.constant 0 : i32
    %ne3A_22 = arith.cmpi ne, %rem3A_20, %ne3A_21 : i32
    %lt3A = arith.constant 0 : i32
    %lt3A_23 = arith.cmpi slt, %rem3A_20, %lt3A : i32
    %lt3A_24 = arith.constant 0 : i32
    %lt3A_25 = arith.cmpi slt, %select_n3A_19, %lt3A_24 : i32
    %ne3A_26 = arith.xori %lt3A_23, %lt3A_25 : i1
    %and3A_27 = arith.andi %ne3A_26, %ne3A_22 : i1
    %add3A = arith.addi %rem3A_20, %select_n3A_19 : i32
    %select_n3A_28 = arith.select %and3A_27, %add3A, %rem3A_20 : i32
    %mul3A = arith.constant 2 : i32
    %mul3A_29 = arith.muli %arg0, %mul3A : i32
    %add3A_30 = arith.addi %mul3A_29, %select_n3A_28 : i32
    %mul3A_31 = arith.constant 4 : i32
    %mul3A_32 = arith.muli %select_n3A, %mul3A_31 : i32
    %add3A_33 = arith.addi %mul3A_32, %add3A_30 : i32
    "tpu.region"() ({
      %run_scoped3A = tpu.sem_alloc : memref<!tpu.dma_semaphore, #tpu.memory_space<semaphore_mem>>
      %dma_start3A = arith.constant 0 : i32
      %dma_start3A_423 = arith.constant 0 : i32
      %dma_start3A_424 = tpu.memref_slice %arg2[%add3A_33, %dma_start3A, %dma_start3A_423] : memref<32x128x64xf32, #tpu.memory_space<hbm>> -> memref<1x128x64xf32, #tpu.memory_space<hbm>>
      %dma_start3A_425 = tpu.memref_squeeze %dma_start3A_424 : memref<1x128x64xf32, #tpu.memory_space<hbm>> -> memref<128x64xf32, #tpu.memory_space<hbm>>
      %dma_start3A_426 = arith.constant 0 : i32
      %dma_start3A_427 = arith.constant 0 : i32
      %dma_start3A_428 = tpu.memref_slice %arg2[%add3A_33, %dma_start3A_426, %dma_start3A_427] : memref<32x128x64xf32, #tpu.memory_space<hbm>> -> memref<1x128x64xf32, #tpu.memory_space<hbm>>
      %dma_start3A_429 = tpu.memref_squeeze %dma_start3A_428 : memref<1x128x64xf32, #tpu.memory_space<hbm>> -> memref<128x64xf32, #tpu.memory_space<hbm>>
      tpu.enqueue_dma source(%dma_start3A_429 : memref<128x64xf32, #tpu.memory_space<hbm>>) target(%arg8 : memref<128x64xf32, #tpu.memory_space<vmem>>) target_semaphore(%run_scoped3A : memref<!tpu.dma_semaphore, #tpu.memory_space<semaphore_mem>>)
      %dma_wait3A = arith.constant 0 : i32
      %dma_wait3A_430 = arith.constant 0 : i32
      %dma_wait3A_431 = tpu.memref_slice %arg2[%add3A_33, %dma_wait3A, %dma_wait3A_430] : memref<32x128x64xf32, #tpu.memory_space<hbm>> -> memref<1x128x64xf32, #tpu.memory_space<hbm>>
      %dma_wait3A_432 = tpu.memref_squeeze %dma_wait3A_431 : memref<1x128x64xf32, #tpu.memory_space<hbm>> -> memref<128x64xf32, #tpu.memory_space<hbm>>
      %dma_wait3A_433 = arith.constant 0 : i32
      %dma_wait3A_434 = arith.constant 0 : i32
      %dma_wait3A_435 = tpu.memref_slice %arg2[%add3A_33, %dma_wait3A_433, %dma_wait3A_434] : memref<32x128x64xf32, #tpu.memory_space<hbm>> -> memref<1x128x64xf32, #tpu.memory_space<hbm>>
      %dma_wait3A_436 = tpu.memref_squeeze %dma_wait3A_435 : memref<1x128x64xf32, #tpu.memory_space<hbm>> -> memref<128x64xf32, #tpu.memory_space<hbm>>
      tpu.wait_dma2 semaphore(%run_scoped3A : memref<!tpu.dma_semaphore, #tpu.memory_space<semaphore_mem>>) src(%dma_wait3A_436 : memref<128x64xf32, #tpu.memory_space<hbm>>) dst(%arg8 : memref<128x64xf32, #tpu.memory_space<vmem>>)
      tpu.yield
    }) : () -> ()
    "tpu.region"() ({
      %run_scoped3A = tpu.sem_alloc : memref<!tpu.dma_semaphore, #tpu.memory_space<semaphore_mem>>
      %dma_start3A = arith.constant 0 : i32
      %dma_start3A_423 = arith.constant 0 : i32
      %dma_start3A_424 = tpu.memref_slice %arg3[%add3A_33, %dma_start3A, %dma_start3A_423] : memref<32x128x32xf32, #tpu.memory_space<hbm>> -> memref<1x128x32xf32, #tpu.memory_space<hbm>>
      %dma_start3A_425 = tpu.memref_squeeze %dma_start3A_424 : memref<1x128x32xf32, #tpu.memory_space<hbm>> -> memref<128x32xf32, #tpu.memory_space<hbm>>
      %dma_start3A_426 = arith.constant 0 : i32
      %dma_start3A_427 = arith.constant 0 : i32
      %dma_start3A_428 = tpu.memref_slice %arg3[%add3A_33, %dma_start3A_426, %dma_start3A_427] : memref<32x128x32xf32, #tpu.memory_space<hbm>> -> memref<1x128x32xf32, #tpu.memory_space<hbm>>
      %dma_start3A_429 = tpu.memref_squeeze %dma_start3A_428 : memref<1x128x32xf32, #tpu.memory_space<hbm>> -> memref<128x32xf32, #tpu.memory_space<hbm>>
      tpu.enqueue_dma source(%dma_start3A_429 : memref<128x32xf32, #tpu.memory_space<hbm>>) target(%arg9 : memref<128x32xf32, #tpu.memory_space<vmem>>) target_semaphore(%run_scoped3A : memref<!tpu.dma_semaphore, #tpu.memory_space<semaphore_mem>>)
      %dma_wait3A = arith.constant 0 : i32
      %dma_wait3A_430 = arith.constant 0 : i32
      %dma_wait3A_431 = tpu.memref_slice %arg3[%add3A_33, %dma_wait3A, %dma_wait3A_430] : memref<32x128x32xf32, #tpu.memory_space<hbm>> -> memref<1x128x32xf32, #tpu.memory_space<hbm>>
      %dma_wait3A_432 = tpu.memref_squeeze %dma_wait3A_431 : memref<1x128x32xf32, #tpu.memory_space<hbm>> -> memref<128x32xf32, #tpu.memory_space<hbm>>
      %dma_wait3A_433 = arith.constant 0 : i32
      %dma_wait3A_434 = arith.constant 0 : i32
      %dma_wait3A_435 = tpu.memref_slice %arg3[%add3A_33, %dma_wait3A_433, %dma_wait3A_434] : memref<32x128x32xf32, #tpu.memory_space<hbm>> -> memref<1x128x32xf32, #tpu.memory_space<hbm>>
      %dma_wait3A_436 = tpu.memref_squeeze %dma_wait3A_435 : memref<1x128x32xf32, #tpu.memory_space<hbm>> -> memref<128x32xf32, #tpu.memory_space<hbm>>
      tpu.wait_dma2 semaphore(%run_scoped3A : memref<!tpu.dma_semaphore, #tpu.memory_space<semaphore_mem>>) src(%dma_wait3A_436 : memref<128x32xf32, #tpu.memory_space<hbm>>) dst(%arg9 : memref<128x32xf32, #tpu.memory_space<vmem>>)
      tpu.yield
    }) : () -> ()
    "tpu.region"() ({
      %run_scoped3A = tpu.sem_alloc : memref<!tpu.dma_semaphore, #tpu.memory_space<semaphore_mem>>
      %dma_start3A = arith.constant 0 : i32
      %dma_start3A_423 = arith.constant 0 : i32
      %dma_start3A_424 = tpu.memref_slice %arg4[%add3A_30, %dma_start3A, %dma_start3A_423] : memref<4x128x32xf32, #tpu.memory_space<hbm>> -> memref<1x128x32xf32, #tpu.memory_space<hbm>>
      %dma_start3A_425 = tpu.memref_squeeze %dma_start3A_424 : memref<1x128x32xf32, #tpu.memory_space<hbm>> -> memref<128x32xf32, #tpu.memory_space<hbm>>
      %dma_start3A_426 = arith.constant 0 : i32
      %dma_start3A_427 = arith.constant 0 : i32
      %dma_start3A_428 = tpu.memref_slice %arg4[%add3A_30, %dma_start3A_426, %dma_start3A_427] : memref<4x128x32xf32, #tpu.memory_space<hbm>> -> memref<1x128x32xf32, #tpu.memory_space<hbm>>
      %dma_start3A_429 = tpu.memref_squeeze %dma_start3A_428 : memref<1x128x32xf32, #tpu.memory_space<hbm>> -> memref<128x32xf32, #tpu.memory_space<hbm>>
      tpu.enqueue_dma source(%dma_start3A_429 : memref<128x32xf32, #tpu.memory_space<hbm>>) target(%arg10 : memref<128x32xf32, #tpu.memory_space<vmem>>) target_semaphore(%run_scoped3A : memref<!tpu.dma_semaphore, #tpu.memory_space<semaphore_mem>>)
      %dma_wait3A = arith.constant 0 : i32
      %dma_wait3A_430 = arith.constant 0 : i32
      %dma_wait3A_431 = tpu.memref_slice %arg4[%add3A_30, %dma_wait3A, %dma_wait3A_430] : memref<4x128x32xf32, #tpu.memory_space<hbm>> -> memref<1x128x32xf32, #tpu.memory_space<hbm>>
      %dma_wait3A_432 = tpu.memref_squeeze %dma_wait3A_431 : memref<1x128x32xf32, #tpu.memory_space<hbm>> -> memref<128x32xf32, #tpu.memory_space<hbm>>
      %dma_wait3A_433 = arith.constant 0 : i32
      %dma_wait3A_434 = arith.constant 0 : i32
      %dma_wait3A_435 = tpu.memref_slice %arg4[%add3A_30, %dma_wait3A_433, %dma_wait3A_434] : memref<4x128x32xf32, #tpu.memory_space<hbm>> -> memref<1x128x32xf32, #tpu.memory_space<hbm>>
      %dma_wait3A_436 = tpu.memref_squeeze %dma_wait3A_435 : memref<1x128x32xf32, #tpu.memory_space<hbm>> -> memref<128x32xf32, #tpu.memory_space<hbm>>
      tpu.wait_dma2 semaphore(%run_scoped3A : memref<!tpu.dma_semaphore, #tpu.memory_space<semaphore_mem>>) src(%dma_wait3A_436 : memref<128x32xf32, #tpu.memory_space<hbm>>) dst(%arg10 : memref<128x32xf32, #tpu.memory_space<vmem>>)
      tpu.yield
    }) : () -> ()
    "tpu.region"() ({
      %run_scoped3A = tpu.sem_alloc : memref<!tpu.dma_semaphore, #tpu.memory_space<semaphore_mem>>
      %dma_start3A = arith.constant 0 : i32
      %dma_start3A_423 = arith.constant 0 : i32
      %dma_start3A_424 = tpu.memref_slice %arg5[%add3A_33, %dma_start3A, %dma_start3A_423] : memref<32x128x16xf32, #tpu.memory_space<hbm>> -> memref<1x128x16xf32, #tpu.memory_space<hbm>>
      %dma_start3A_425 = tpu.memref_squeeze %dma_start3A_424 : memref<1x128x16xf32, #tpu.memory_space<hbm>> -> memref<128x16xf32, #tpu.memory_space<hbm>>
      %dma_start3A_426 = arith.constant 0 : i32
      %dma_start3A_427 = arith.constant 0 : i32
      %dma_start3A_428 = tpu.memref_slice %arg5[%add3A_33, %dma_start3A_426, %dma_start3A_427] : memref<32x128x16xf32, #tpu.memory_space<hbm>> -> memref<1x128x16xf32, #tpu.memory_space<hbm>>
      %dma_start3A_429 = tpu.memref_squeeze %dma_start3A_428 : memref<1x128x16xf32, #tpu.memory_space<hbm>> -> memref<128x16xf32, #tpu.memory_space<hbm>>
      tpu.enqueue_dma source(%dma_start3A_429 : memref<128x16xf32, #tpu.memory_space<hbm>>) target(%arg11 : memref<128x16xf32, #tpu.memory_space<vmem>>) target_semaphore(%run_scoped3A : memref<!tpu.dma_semaphore, #tpu.memory_space<semaphore_mem>>)
      %dma_wait3A = arith.constant 0 : i32
      %dma_wait3A_430 = arith.constant 0 : i32
      %dma_wait3A_431 = tpu.memref_slice %arg5[%add3A_33, %dma_wait3A, %dma_wait3A_430] : memref<32x128x16xf32, #tpu.memory_space<hbm>> -> memref<1x128x16xf32, #tpu.memory_space<hbm>>
      %dma_wait3A_432 = tpu.memref_squeeze %dma_wait3A_431 : memref<1x128x16xf32, #tpu.memory_space<hbm>> -> memref<128x16xf32, #tpu.memory_space<hbm>>
      %dma_wait3A_433 = arith.constant 0 : i32
      %dma_wait3A_434 = arith.constant 0 : i32
      %dma_wait3A_435 = tpu.memref_slice %arg5[%add3A_33, %dma_wait3A_433, %dma_wait3A_434] : memref<32x128x16xf32, #tpu.memory_space<hbm>> -> memref<1x128x16xf32, #tpu.memory_space<hbm>>
      %dma_wait3A_436 = tpu.memref_squeeze %dma_wait3A_435 : memref<1x128x16xf32, #tpu.memory_space<hbm>> -> memref<128x16xf32, #tpu.memory_space<hbm>>
      tpu.wait_dma2 semaphore(%run_scoped3A : memref<!tpu.dma_semaphore, #tpu.memory_space<semaphore_mem>>) src(%dma_wait3A_436 : memref<128x16xf32, #tpu.memory_space<hbm>>) dst(%arg11 : memref<128x16xf32, #tpu.memory_space<vmem>>)
      tpu.yield
    }) : () -> ()
    %broadcast_in_dim3A = arith.constant 0.000000e+00 : f32
    %broadcast_in_dim3A_34 = vector.broadcast %broadcast_in_dim3A : f32 to vector<16xf32>
    %swap3A = arith.constant 0 : i32
    %swap3A_35 = arith.index_cast %swap3A : i32 to index
    %swap3A_36 = arith.constant 0 : index
    %swap3A_37 = tpu.vector_load %arg12[%swap3A_35, %swap3A_36] {strides = array<i32>} : memref<32x32xf32, #tpu.memory_space<vmem>>, vector<1x16xf32>,
    %swap3A_38 = vector.shape_cast %swap3A_37 : vector<1x16xf32> to vector<16xf32>
    %swap3A_39 = vector.shape_cast %broadcast_in_dim3A_34 : vector<16xf32> to vector<1x16xf32>
    tpu.vector_store %arg12[%swap3A_35, %swap3A_36], %swap3A_39 {strides = array<i32>} : memref<32x32xf32, #tpu.memory_space<vmem>>, vector<1x16xf32>,
    %swap3A_40 = arith.constant 0 : i32
    %swap3A_41 = arith.index_cast %swap3A_40 : i32 to index
    %swap3A_42 = arith.constant 16 : index
    %swap3A_43 = tpu.vector_load %arg12[%swap3A_41, %swap3A_42] {strides = array<i32>} : memref<32x32xf32, #tpu.memory_space<vmem>>, vector<1x16xf32>,
    %swap3A_44 = vector.shape_cast %swap3A_43 : vector<1x16xf32> to vector<16xf32>
    %swap3A_45 = vector.shape_cast %broadcast_in_dim3A_34 : vector<16xf32> to vector<1x16xf32>
    tpu.vector_store %arg12[%swap3A_41, %swap3A_42], %swap3A_45 {strides = array<i32>} : memref<32x32xf32, #tpu.memory_space<vmem>>, vector<1x16xf32>,
    %swap3A_46 = arith.constant 1 : i32
    %swap3A_47 = arith.index_cast %swap3A_46 : i32 to index
    %swap3A_48 = arith.constant 0 : index
    %swap3A_49 = tpu.vector_load %arg12[%swap3A_47, %swap3A_48] {strides = array<i32>} : memref<32x32xf32, #tpu.memory_space<vmem>>, vector<1x16xf32>,
    %swap3A_50 = vector.shape_cast %swap3A_49 : vector<1x16xf32> to vector<16xf32>
    %swap3A_51 = vector.shape_cast %broadcast_in_dim3A_34 : vector<16xf32> to vector<1x16xf32>
    tpu.vector_store %arg12[%swap3A_47, %swap3A_48], %swap3A_51 {strides = array<i32>} : memref<32x32xf32, #tpu.memory_space<vmem>>, vector<1x16xf32>,
    %swap3A_52 = arith.constant 1 : i32
    %swap3A_53 = arith.index_cast %swap3A_52 : i32 to index
    %swap3A_54 = arith.constant 16 : index
    %swap3A_55 = tpu.vector_load %arg12[%swap3A_53, %swap3A_54] {strides = array<i32>} : memref<32x32xf32, #tpu.memory_space<vmem>>, vector<1x16xf32>,
    %swap3A_56 = vector.shape_cast %swap3A_55 : vector<1x16xf32> to vector<16xf32>
    %swap3A_57 = vector.shape_cast %broadcast_in_dim3A_34 : vector<16xf32> to vector<1x16xf32>
    tpu.vector_store %arg12[%swap3A_53, %swap3A_54], %swap3A_57 {strides = array<i32>} : memref<32x32xf32, #tpu.memory_space<vmem>>, vector<1x16xf32>,
    %swap3A_58 = arith.constant 2 : i32
    %swap3A_59 = arith.index_cast %swap3A_58 : i32 to index
    %swap3A_60 = arith.constant 0 : index
    %swap3A_61 = tpu.vector_load %arg12[%swap3A_59, %swap3A_60] {strides = array<i32>} : memref<32x32xf32, #tpu.memory_space<vmem>>, vector<1x16xf32>,
    %swap3A_62 = vector.shape_cast %swap3A_61 : vector<1x16xf32> to vector<16xf32>
    %swap3A_63 = vector.shape_cast %broadcast_in_dim3A_34 : vector<16xf32> to vector<1x16xf32>
    tpu.vector_store %arg12[%swap3A_59, %swap3A_60], %swap3A_63 {strides = array<i32>} : memref<32x32xf32, #tpu.memory_space<vmem>>, vector<1x16xf32>,
    %swap3A_64 = arith.constant 2 : i32
    %swap3A_65 = arith.index_cast %swap3A_64 : i32 to index
    %swap3A_66 = arith.constant 16 : index
    %swap3A_67 = tpu.vector_load %arg12[%swap3A_65, %swap3A_66] {strides = array<i32>} : memref<32x32xf32, #tpu.memory_space<vmem>>, vector<1x16xf32>,
    %swap3A_68 = vector.shape_cast %swap3A_67 : vector<1x16xf32> to vector<16xf32>
    %swap3A_69 = vector.shape_cast %broadcast_in_dim3A_34 : vector<16xf32> to vector<1x16xf32>
    tpu.vector_store %arg12[%swap3A_65, %swap3A_66], %swap3A_69 {strides = array<i32>} : memref<32x32xf32, #tpu.memory_space<vmem>>, vector<1x16xf32>,
    %swap3A_70 = arith.constant 3 : i32
    %swap3A_71 = arith.index_cast %swap3A_70 : i32 to index
    %swap3A_72 = arith.constant 0 : index
    %swap3A_73 = tpu.vector_load %arg12[%swap3A_71, %swap3A_72] {strides = array<i32>} : memref<32x32xf32, #tpu.memory_space<vmem>>, vector<1x16xf32>,
    %swap3A_74 = vector.shape_cast %swap3A_73 : vector<1x16xf32> to vector<16xf32>
    %swap3A_75 = vector.shape_cast %broadcast_in_dim3A_34 : vector<16xf32> to vector<1x16xf32>
    tpu.vector_store %arg12[%swap3A_71, %swap3A_72], %swap3A_75 {strides = array<i32>} : memref<32x32xf32, #tpu.memory_space<vmem>>, vector<1x16xf32>,
    %swap3A_76 = arith.constant 3 : i32
    %swap3A_77 = arith.index_cast %swap3A_76 : i32 to index
    %swap3A_78 = arith.constant 16 : index
    %swap3A_79 = tpu.vector_load %arg12[%swap3A_77, %swap3A_78] {strides = array<i32>} : memref<32x32xf32, #tpu.memory_space<vmem>>, vector<1x16xf32>,
    %swap3A_80 = vector.shape_cast %swap3A_79 : vector<1x16xf32> to vector<16xf32>
    %swap3A_81 = vector.shape_cast %broadcast_in_dim3A_34 : vector<16xf32> to vector<1x16xf32>
    tpu.vector_store %arg12[%swap3A_77, %swap3A_78], %swap3A_81 {strides = array<i32>} : memref<32x32xf32, #tpu.memory_space<vmem>>, vector<1x16xf32>,
    %swap3A_82 = arith.constant 4 : i32
    %swap3A_83 = arith.index_cast %swap3A_82 : i32 to index
    %swap3A_84 = arith.constant 0 : index
    %swap3A_85 = tpu.vector_load %arg12[%swap3A_83, %swap3A_84] {strides = array<i32>} : memref<32x32xf32, #tpu.memory_space<vmem>>, vector<1x16xf32>,
    %swap3A_86 = vector.shape_cast %swap3A_85 : vector<1x16xf32> to vector<16xf32>
    %swap3A_87 = vector.shape_cast %broadcast_in_dim3A_34 : vector<16xf32> to vector<1x16xf32>
    tpu.vector_store %arg12[%swap3A_83, %swap3A_84], %swap3A_87 {strides = array<i32>} : memref<32x32xf32, #tpu.memory_space<vmem>>, vector<1x16xf32>,
    %swap3A_88 = arith.constant 4 : i32
    %swap3A_89 = arith.index_cast %swap3A_88 : i32 to index
    %swap3A_90 = arith.constant 16 : index
    %swap3A_91 = tpu.vector_load %arg12[%swap3A_89, %swap3A_90] {strides = array<i32>} : memref<32x32xf32, #tpu.memory_space<vmem>>, vector<1x16xf32>,
    %swap3A_92 = vector.shape_cast %swap3A_91 : vector<1x16xf32> to vector<16xf32>
    %swap3A_93 = vector.shape_cast %broadcast_in_dim3A_34 : vector<16xf32> to vector<1x16xf32>
    tpu.vector_store %arg12[%swap3A_89, %swap3A_90], %swap3A_93 {strides = array<i32>} : memref<32x32xf32, #tpu.memory_space<vmem>>, vector<1x16xf32>,
    %swap3A_94 = arith.constant 5 : i32
    %swap3A_95 = arith.index_cast %swap3A_94 : i32 to index
    %swap3A_96 = arith.constant 0 : index
    %swap3A_97 = tpu.vector_load %arg12[%swap3A_95, %swap3A_96] {strides = array<i32>} : memref<32x32xf32, #tpu.memory_space<vmem>>, vector<1x16xf32>,
    %swap3A_98 = vector.shape_cast %swap3A_97 : vector<1x16xf32> to vector<16xf32>
    %swap3A_99 = vector.shape_cast %broadcast_in_dim3A_34 : vector<16xf32> to vector<1x16xf32>
    tpu.vector_store %arg12[%swap3A_95, %swap3A_96], %swap3A_99 {strides = array<i32>} : memref<32x32xf32, #tpu.memory_space<vmem>>, vector<1x16xf32>,
    %swap3A_100 = arith.constant 5 : i32
    %swap3A_101 = arith.index_cast %swap3A_100 : i32 to index
    %swap3A_102 = arith.constant 16 : index
    %swap3A_103 = tpu.vector_load %arg12[%swap3A_101, %swap3A_102] {strides = array<i32>} : memref<32x32xf32, #tpu.memory_space<vmem>>, vector<1x16xf32>,
    %swap3A_104 = vector.shape_cast %swap3A_103 : vector<1x16xf32> to vector<16xf32>
    %swap3A_105 = vector.shape_cast %broadcast_in_dim3A_34 : vector<16xf32> to vector<1x16xf32>
    tpu.vector_store %arg12[%swap3A_101, %swap3A_102], %swap3A_105 {strides = array<i32>} : memref<32x32xf32, #tpu.memory_space<vmem>>, vector<1x16xf32>,
    %swap3A_106 = arith.constant 6 : i32
    %swap3A_107 = arith.index_cast %swap3A_106 : i32 to index
    %swap3A_108 = arith.constant 0 : index
    %swap3A_109 = tpu.vector_load %arg12[%swap3A_107, %swap3A_108] {strides = array<i32>} : memref<32x32xf32, #tpu.memory_space<vmem>>, vector<1x16xf32>,
    %swap3A_110 = vector.shape_cast %swap3A_109 : vector<1x16xf32> to vector<16xf32>
    %swap3A_111 = vector.shape_cast %broadcast_in_dim3A_34 : vector<16xf32> to vector<1x16xf32>
    tpu.vector_store %arg12[%swap3A_107, %swap3A_108], %swap3A_111 {strides = array<i32>} : memref<32x32xf32, #tpu.memory_space<vmem>>, vector<1x16xf32>,
    %swap3A_112 = arith.constant 6 : i32
    %swap3A_113 = arith.index_cast %swap3A_112 : i32 to index
    %swap3A_114 = arith.constant 16 : index
    %swap3A_115 = tpu.vector_load %arg12[%swap3A_113, %swap3A_114] {strides = array<i32>} : memref<32x32xf32, #tpu.memory_space<vmem>>, vector<1x16xf32>,
    %swap3A_116 = vector.shape_cast %swap3A_115 : vector<1x16xf32> to vector<16xf32>
    %swap3A_117 = vector.shape_cast %broadcast_in_dim3A_34 : vector<16xf32> to vector<1x16xf32>
    tpu.vector_store %arg12[%swap3A_113, %swap3A_114], %swap3A_117 {strides = array<i32>} : memref<32x32xf32, #tpu.memory_space<vmem>>, vector<1x16xf32>,
    %swap3A_118 = arith.constant 7 : i32
    %swap3A_119 = arith.index_cast %swap3A_118 : i32 to index
    %swap3A_120 = arith.constant 0 : index
    %swap3A_121 = tpu.vector_load %arg12[%swap3A_119, %swap3A_120] {strides = array<i32>} : memref<32x32xf32, #tpu.memory_space<vmem>>, vector<1x16xf32>,
    %swap3A_122 = vector.shape_cast %swap3A_121 : vector<1x16xf32> to vector<16xf32>
    %swap3A_123 = vector.shape_cast %broadcast_in_dim3A_34 : vector<16xf32> to vector<1x16xf32>
    tpu.vector_store %arg12[%swap3A_119, %swap3A_120], %swap3A_123 {strides = array<i32>} : memref<32x32xf32, #tpu.memory_space<vmem>>, vector<1x16xf32>,
    %swap3A_124 = arith.constant 7 : i32
    %swap3A_125 = arith.index_cast %swap3A_124 : i32 to index
    %swap3A_126 = arith.constant 16 : index
    %swap3A_127 = tpu.vector_load %arg12[%swap3A_125, %swap3A_126] {strides = array<i32>} : memref<32x32xf32, #tpu.memory_space<vmem>>, vector<1x16xf32>,
    %swap3A_128 = vector.shape_cast %swap3A_127 : vector<1x16xf32> to vector<16xf32>
    %swap3A_129 = vector.shape_cast %broadcast_in_dim3A_34 : vector<16xf32> to vector<1x16xf32>
    tpu.vector_store %arg12[%swap3A_125, %swap3A_126], %swap3A_129 {strides = array<i32>} : memref<32x32xf32, #tpu.memory_space<vmem>>, vector<1x16xf32>,
    %swap3A_130 = arith.constant 8 : i32
    %swap3A_131 = arith.index_cast %swap3A_130 : i32 to index
    %swap3A_132 = arith.constant 0 : index
    %swap3A_133 = tpu.vector_load %arg12[%swap3A_131, %swap3A_132] {strides = array<i32>} : memref<32x32xf32, #tpu.memory_space<vmem>>, vector<1x16xf32>,
    %swap3A_134 = vector.shape_cast %swap3A_133 : vector<1x16xf32> to vector<16xf32>
    %swap3A_135 = vector.shape_cast %broadcast_in_dim3A_34 : vector<16xf32> to vector<1x16xf32>
    tpu.vector_store %arg12[%swap3A_131, %swap3A_132], %swap3A_135 {strides = array<i32>} : memref<32x32xf32, #tpu.memory_space<vmem>>, vector<1x16xf32>,
    %swap3A_136 = arith.constant 8 : i32
    %swap3A_137 = arith.index_cast %swap3A_136 : i32 to index
    %swap3A_138 = arith.constant 16 : index
    %swap3A_139 = tpu.vector_load %arg12[%swap3A_137, %swap3A_138] {strides = array<i32>} : memref<32x32xf32, #tpu.memory_space<vmem>>, vector<1x16xf32>,
    %swap3A_140 = vector.shape_cast %swap3A_139 : vector<1x16xf32> to vector<16xf32>
    %swap3A_141 = vector.shape_cast %broadcast_in_dim3A_34 : vector<16xf32> to vector<1x16xf32>
    tpu.vector_store %arg12[%swap3A_137, %swap3A_138], %swap3A_141 {strides = array<i32>} : memref<32x32xf32, #tpu.memory_space<vmem>>, vector<1x16xf32>,
    %swap3A_142 = arith.constant 9 : i32
    %swap3A_143 = arith.index_cast %swap3A_142 : i32 to index
    %swap3A_144 = arith.constant 0 : index
    %swap3A_145 = tpu.vector_load %arg12[%swap3A_143, %swap3A_144] {strides = array<i32>} : memref<32x32xf32, #tpu.memory_space<vmem>>, vector<1x16xf32>,
    %swap3A_146 = vector.shape_cast %swap3A_145 : vector<1x16xf32> to vector<16xf32>
    %swap3A_147 = vector.shape_cast %broadcast_in_dim3A_34 : vector<16xf32> to vector<1x16xf32>
    tpu.vector_store %arg12[%swap3A_143, %swap3A_144], %swap3A_147 {strides = array<i32>} : memref<32x32xf32, #tpu.memory_space<vmem>>, vector<1x16xf32>,
    %swap3A_148 = arith.constant 9 : i32
    %swap3A_149 = arith.index_cast %swap3A_148 : i32 to index
    %swap3A_150 = arith.constant 16 : index
    %swap3A_151 = tpu.vector_load %arg12[%swap3A_149, %swap3A_150] {strides = array<i32>} : memref<32x32xf32, #tpu.memory_space<vmem>>, vector<1x16xf32>,
    %swap3A_152 = vector.shape_cast %swap3A_151 : vector<1x16xf32> to vector<16xf32>
    %swap3A_153 = vector.shape_cast %broadcast_in_dim3A_34 : vector<16xf32> to vector<1x16xf32>
    tpu.vector_store %arg12[%swap3A_149, %swap3A_150], %swap3A_153 {strides = array<i32>} : memref<32x32xf32, #tpu.memory_space<vmem>>, vector<1x16xf32>,
    %swap3A_154 = arith.constant 10 : i32
    %swap3A_155 = arith.index_cast %swap3A_154 : i32 to index
    %swap3A_156 = arith.constant 0 : index
    %swap3A_157 = tpu.vector_load %arg12[%swap3A_155, %swap3A_156] {strides = array<i32>} : memref<32x32xf32, #tpu.memory_space<vmem>>, vector<1x16xf32>,
    %swap3A_158 = vector.shape_cast %swap3A_157 : vector<1x16xf32> to vector<16xf32>
    %swap3A_159 = vector.shape_cast %broadcast_in_dim3A_34 : vector<16xf32> to vector<1x16xf32>
    tpu.vector_store %arg12[%swap3A_155, %swap3A_156], %swap3A_159 {strides = array<i32>} : memref<32x32xf32, #tpu.memory_space<vmem>>, vector<1x16xf32>,
    %swap3A_160 = arith.constant 10 : i32
    %swap3A_161 = arith.index_cast %swap3A_160 : i32 to index
    %swap3A_162 = arith.constant 16 : index
    %swap3A_163 = tpu.vector_load %arg12[%swap3A_161, %swap3A_162] {strides = array<i32>} : memref<32x32xf32, #tpu.memory_space<vmem>>, vector<1x16xf32>,
    %swap3A_164 = vector.shape_cast %swap3A_163 : vector<1x16xf32> to vector<16xf32>
    %swap3A_165 = vector.shape_cast %broadcast_in_dim3A_34 : vector<16xf32> to vector<1x16xf32>
    tpu.vector_store %arg12[%swap3A_161, %swap3A_162], %swap3A_165 {strides = array<i32>} : memref<32x32xf32, #tpu.memory_space<vmem>>, vector<1x16xf32>,
    %swap3A_166 = arith.constant 11 : i32
    %swap3A_167 = arith.index_cast %swap3A_166 : i32 to index
    %swap3A_168 = arith.constant 0 : index
    %swap3A_169 = tpu.vector_load %arg12[%swap3A_167, %swap3A_168] {strides = array<i32>} : memref<32x32xf32, #tpu.memory_space<vmem>>, vector<1x16xf32>,
    %swap3A_170 = vector.shape_cast %swap3A_169 : vector<1x16xf32> to vector<16xf32>
    %swap3A_171 = vector.shape_cast %broadcast_in_dim3A_34 : vector<16xf32> to vector<1x16xf32>
    tpu.vector_store %arg12[%swap3A_167, %swap3A_168], %swap3A_171 {strides = array<i32>} : memref<32x32xf32, #tpu.memory_space<vmem>>, vector<1x16xf32>,
    %swap3A_172 = arith.constant 11 : i32
    %swap3A_173 = arith.index_cast %swap3A_172 : i32 to index
    %swap3A_174 = arith.constant 16 : index
    %swap3A_175 = tpu.vector_load %arg12[%swap3A_173, %swap3A_174] {strides = array<i32>} : memref<32x32xf32, #tpu.memory_space<vmem>>, vector<1x16xf32>,
    %swap3A_176 = vector.shape_cast %swap3A_175 : vector<1x16xf32> to vector<16xf32>
    %swap3A_177 = vector.shape_cast %broadcast_in_dim3A_34 : vector<16xf32> to vector<1x16xf32>
    tpu.vector_store %arg12[%swap3A_173, %swap3A_174], %swap3A_177 {strides = array<i32>} : memref<32x32xf32, #tpu.memory_space<vmem>>, vector<1x16xf32>,
    %swap3A_178 = arith.constant 12 : i32
    %swap3A_179 = arith.index_cast %swap3A_178 : i32 to index
    %swap3A_180 = arith.constant 0 : index
    %swap3A_181 = tpu.vector_load %arg12[%swap3A_179, %swap3A_180] {strides = array<i32>} : memref<32x32xf32, #tpu.memory_space<vmem>>, vector<1x16xf32>,
    %swap3A_182 = vector.shape_cast %swap3A_181 : vector<1x16xf32> to vector<16xf32>
    %swap3A_183 = vector.shape_cast %broadcast_in_dim3A_34 : vector<16xf32> to vector<1x16xf32>
    tpu.vector_store %arg12[%swap3A_179, %swap3A_180], %swap3A_183 {strides = array<i32>} : memref<32x32xf32, #tpu.memory_space<vmem>>, vector<1x16xf32>,
    %swap3A_184 = arith.constant 12 : i32
    %swap3A_185 = arith.index_cast %swap3A_184 : i32 to index
    %swap3A_186 = arith.constant 16 : index
    %swap3A_187 = tpu.vector_load %arg12[%swap3A_185, %swap3A_186] {strides = array<i32>} : memref<32x32xf32, #tpu.memory_space<vmem>>, vector<1x16xf32>,
    %swap3A_188 = vector.shape_cast %swap3A_187 : vector<1x16xf32> to vector<16xf32>
    %swap3A_189 = vector.shape_cast %broadcast_in_dim3A_34 : vector<16xf32> to vector<1x16xf32>
    tpu.vector_store %arg12[%swap3A_185, %swap3A_186], %swap3A_189 {strides = array<i32>} : memref<32x32xf32, #tpu.memory_space<vmem>>, vector<1x16xf32>,
    %swap3A_190 = arith.constant 13 : i32
    %swap3A_191 = arith.index_cast %swap3A_190 : i32 to index
    %swap3A_192 = arith.constant 0 : index
    %swap3A_193 = tpu.vector_load %arg12[%swap3A_191, %swap3A_192] {strides = array<i32>} : memref<32x32xf32, #tpu.memory_space<vmem>>, vector<1x16xf32>,
    %swap3A_194 = vector.shape_cast %swap3A_193 : vector<1x16xf32> to vector<16xf32>
    %swap3A_195 = vector.shape_cast %broadcast_in_dim3A_34 : vector<16xf32> to vector<1x16xf32>
    tpu.vector_store %arg12[%swap3A_191, %swap3A_192], %swap3A_195 {strides = array<i32>} : memref<32x32xf32, #tpu.memory_space<vmem>>, vector<1x16xf32>,
    %swap3A_196 = arith.constant 13 : i32
    %swap3A_197 = arith.index_cast %swap3A_196 : i32 to index
    %swap3A_198 = arith.constant 16 : index
    %swap3A_199 = tpu.vector_load %arg12[%swap3A_197, %swap3A_198] {strides = array<i32>} : memref<32x32xf32, #tpu.memory_space<vmem>>, vector<1x16xf32>,
    %swap3A_200 = vector.shape_cast %swap3A_199 : vector<1x16xf32> to vector<16xf32>
    %swap3A_201 = vector.shape_cast %broadcast_in_dim3A_34 : vector<16xf32> to vector<1x16xf32>
    tpu.vector_store %arg12[%swap3A_197, %swap3A_198], %swap3A_201 {strides = array<i32>} : memref<32x32xf32, #tpu.memory_space<vmem>>, vector<1x16xf32>,
    %swap3A_202 = arith.constant 14 : i32
    %swap3A_203 = arith.index_cast %swap3A_202 : i32 to index
    %swap3A_204 = arith.constant 0 : index
    %swap3A_205 = tpu.vector_load %arg12[%swap3A_203, %swap3A_204] {strides = array<i32>} : memref<32x32xf32, #tpu.memory_space<vmem>>, vector<1x16xf32>,
    %swap3A_206 = vector.shape_cast %swap3A_205 : vector<1x16xf32> to vector<16xf32>
    %swap3A_207 = vector.shape_cast %broadcast_in_dim3A_34 : vector<16xf32> to vector<1x16xf32>
    tpu.vector_store %arg12[%swap3A_203, %swap3A_204], %swap3A_207 {strides = array<i32>} : memref<32x32xf32, #tpu.memory_space<vmem>>, vector<1x16xf32>,
    %swap3A_208 = arith.constant 14 : i32
    %swap3A_209 = arith.index_cast %swap3A_208 : i32 to index
    %swap3A_210 = arith.constant 16 : index
    %swap3A_211 = tpu.vector_load %arg12[%swap3A_209, %swap3A_210] {strides = array<i32>} : memref<32x32xf32, #tpu.memory_space<vmem>>, vector<1x16xf32>,
    %swap3A_212 = vector.shape_cast %swap3A_211 : vector<1x16xf32> to vector<16xf32>
    %swap3A_213 = vector.shape_cast %broadcast_in_dim3A_34 : vector<16xf32> to vector<1x16xf32>
    tpu.vector_store %arg12[%swap3A_209, %swap3A_210], %swap3A_213 {strides = array<i32>} : memref<32x32xf32, #tpu.memory_space<vmem>>, vector<1x16xf32>,
    %swap3A_214 = arith.constant 15 : i32
    %swap3A_215 = arith.index_cast %swap3A_214 : i32 to index
    %swap3A_216 = arith.constant 0 : index
    %swap3A_217 = tpu.vector_load %arg12[%swap3A_215, %swap3A_216] {strides = array<i32>} : memref<32x32xf32, #tpu.memory_space<vmem>>, vector<1x16xf32>,
    %swap3A_218 = vector.shape_cast %swap3A_217 : vector<1x16xf32> to vector<16xf32>
    %swap3A_219 = vector.shape_cast %broadcast_in_dim3A_34 : vector<16xf32> to vector<1x16xf32>
    tpu.vector_store %arg12[%swap3A_215, %swap3A_216], %swap3A_219 {strides = array<i32>} : memref<32x32xf32, #tpu.memory_space<vmem>>, vector<1x16xf32>,
    %swap3A_220 = arith.constant 15 : i32
    %swap3A_221 = arith.index_cast %swap3A_220 : i32 to index
    %swap3A_222 = arith.constant 16 : index
    %swap3A_223 = tpu.vector_load %arg12[%swap3A_221, %swap3A_222] {strides = array<i32>} : memref<32x32xf32, #tpu.memory_space<vmem>>, vector<1x16xf32>,
    %swap3A_224 = vector.shape_cast %swap3A_223 : vector<1x16xf32> to vector<16xf32>
    %swap3A_225 = vector.shape_cast %broadcast_in_dim3A_34 : vector<16xf32> to vector<1x16xf32>
    tpu.vector_store %arg12[%swap3A_221, %swap3A_222], %swap3A_225 {strides = array<i32>} : memref<32x32xf32, #tpu.memory_space<vmem>>, vector<1x16xf32>,
    %swap3A_226 = arith.constant 16 : i32
    %swap3A_227 = arith.index_cast %swap3A_226 : i32 to index
    %swap3A_228 = arith.constant 0 : index
    %swap3A_229 = tpu.vector_load %arg12[%swap3A_227, %swap3A_228] {strides = array<i32>} : memref<32x32xf32, #tpu.memory_space<vmem>>, vector<1x16xf32>,
    %swap3A_230 = vector.shape_cast %swap3A_229 : vector<1x16xf32> to vector<16xf32>
    %swap3A_231 = vector.shape_cast %broadcast_in_dim3A_34 : vector<16xf32> to vector<1x16xf32>
    tpu.vector_store %arg12[%swap3A_227, %swap3A_228], %swap3A_231 {strides = array<i32>} : memref<32x32xf32, #tpu.memory_space<vmem>>, vector<1x16xf32>,
    %swap3A_232 = arith.constant 16 : i32
    %swap3A_233 = arith.index_cast %swap3A_232 : i32 to index
    %swap3A_234 = arith.constant 16 : index
    %swap3A_235 = tpu.vector_load %arg12[%swap3A_233, %swap3A_234] {strides = array<i32>} : memref<32x32xf32, #tpu.memory_space<vmem>>, vector<1x16xf32>,
    %swap3A_236 = vector.shape_cast %swap3A_235 : vector<1x16xf32> to vector<16xf32>
    %swap3A_237 = vector.shape_cast %broadcast_in_dim3A_34 : vector<16xf32> to vector<1x16xf32>
    tpu.vector_store %arg12[%swap3A_233, %swap3A_234], %swap3A_237 {strides = array<i32>} : memref<32x32xf32, #tpu.memory_space<vmem>>, vector<1x16xf32>,
    %swap3A_238 = arith.constant 17 : i32
    %swap3A_239 = arith.index_cast %swap3A_238 : i32 to index
    %swap3A_240 = arith.constant 0 : index
    %swap3A_241 = tpu.vector_load %arg12[%swap3A_239, %swap3A_240] {strides = array<i32>} : memref<32x32xf32, #tpu.memory_space<vmem>>, vector<1x16xf32>,
    %swap3A_242 = vector.shape_cast %swap3A_241 : vector<1x16xf32> to vector<16xf32>
    %swap3A_243 = vector.shape_cast %broadcast_in_dim3A_34 : vector<16xf32> to vector<1x16xf32>
    tpu.vector_store %arg12[%swap3A_239, %swap3A_240], %swap3A_243 {strides = array<i32>} : memref<32x32xf32, #tpu.memory_space<vmem>>, vector<1x16xf32>,
    %swap3A_244 = arith.constant 17 : i32
    %swap3A_245 = arith.index_cast %swap3A_244 : i32 to index
    %swap3A_246 = arith.constant 16 : index
    %swap3A_247 = tpu.vector_load %arg12[%swap3A_245, %swap3A_246] {strides = array<i32>} : memref<32x32xf32, #tpu.memory_space<vmem>>, vector<1x16xf32>,
    %swap3A_248 = vector.shape_cast %swap3A_247 : vector<1x16xf32> to vector<16xf32>
    %swap3A_249 = vector.shape_cast %broadcast_in_dim3A_34 : vector<16xf32> to vector<1x16xf32>
    tpu.vector_store %arg12[%swap3A_245, %swap3A_246], %swap3A_249 {strides = array<i32>} : memref<32x32xf32, #tpu.memory_space<vmem>>, vector<1x16xf32>,
    %swap3A_250 = arith.constant 18 : i32
    %swap3A_251 = arith.index_cast %swap3A_250 : i32 to index
    %swap3A_252 = arith.constant 0 : index
    %swap3A_253 = tpu.vector_load %arg12[%swap3A_251, %swap3A_252] {strides = array<i32>} : memref<32x32xf32, #tpu.memory_space<vmem>>, vector<1x16xf32>,
    %swap3A_254 = vector.shape_cast %swap3A_253 : vector<1x16xf32> to vector<16xf32>
    %swap3A_255 = vector.shape_cast %broadcast_in_dim3A_34 : vector<16xf32> to vector<1x16xf32>
    tpu.vector_store %arg12[%swap3A_251, %swap3A_252], %swap3A_255 {strides = array<i32>} : memref<32x32xf32, #tpu.memory_space<vmem>>, vector<1x16xf32>,
    %swap3A_256 = arith.constant 18 : i32
    %swap3A_257 = arith.index_cast %swap3A_256 : i32 to index
    %swap3A_258 = arith.constant 16 : index
    %swap3A_259 = tpu.vector_load %arg12[%swap3A_257, %swap3A_258] {strides = array<i32>} : memref<32x32xf32, #tpu.memory_space<vmem>>, vector<1x16xf32>,
    %swap3A_260 = vector.shape_cast %swap3A_259 : vector<1x16xf32> to vector<16xf32>
    %swap3A_261 = vector.shape_cast %broadcast_in_dim3A_34 : vector<16xf32> to vector<1x16xf32>
    tpu.vector_store %arg12[%swap3A_257, %swap3A_258], %swap3A_261 {strides = array<i32>} : memref<32x32xf32, #tpu.memory_space<vmem>>, vector<1x16xf32>,
    %swap3A_262 = arith.constant 19 : i32
    %swap3A_263 = arith.index_cast %swap3A_262 : i32 to index
    %swap3A_264 = arith.constant 0 : index
    %swap3A_265 = tpu.vector_load %arg12[%swap3A_263, %swap3A_264] {strides = array<i32>} : memref<32x32xf32, #tpu.memory_space<vmem>>, vector<1x16xf32>,
    %swap3A_266 = vector.shape_cast %swap3A_265 : vector<1x16xf32> to vector<16xf32>
    %swap3A_267 = vector.shape_cast %broadcast_in_dim3A_34 : vector<16xf32> to vector<1x16xf32>
    tpu.vector_store %arg12[%swap3A_263, %swap3A_264], %swap3A_267 {strides = array<i32>} : memref<32x32xf32, #tpu.memory_space<vmem>>, vector<1x16xf32>,
    %swap3A_268 = arith.constant 19 : i32
    %swap3A_269 = arith.index_cast %swap3A_268 : i32 to index
    %swap3A_270 = arith.constant 16 : index
    %swap3A_271 = tpu.vector_load %arg12[%swap3A_269, %swap3A_270] {strides = array<i32>} : memref<32x32xf32, #tpu.memory_space<vmem>>, vector<1x16xf32>,
    %swap3A_272 = vector.shape_cast %swap3A_271 : vector<1x16xf32> to vector<16xf32>
    %swap3A_273 = vector.shape_cast %broadcast_in_dim3A_34 : vector<16xf32> to vector<1x16xf32>
    tpu.vector_store %arg12[%swap3A_269, %swap3A_270], %swap3A_273 {strides = array<i32>} : memref<32x32xf32, #tpu.memory_space<vmem>>, vector<1x16xf32>,
    %swap3A_274 = arith.constant 20 : i32
    %swap3A_275 = arith.index_cast %swap3A_274 : i32 to index
    %swap3A_276 = arith.constant 0 : index
    %swap3A_277 = tpu.vector_load %arg12[%swap3A_275, %swap3A_276] {strides = array<i32>} : memref<32x32xf32, #tpu.memory_space<vmem>>, vector<1x16xf32>,
    %swap3A_278 = vector.shape_cast %swap3A_277 : vector<1x16xf32> to vector<16xf32>
    %swap3A_279 = vector.shape_cast %broadcast_in_dim3A_34 : vector<16xf32> to vector<1x16xf32>
    tpu.vector_store %arg12[%swap3A_275, %swap3A_276], %swap3A_279 {strides = array<i32>} : memref<32x32xf32, #tpu.memory_space<vmem>>, vector<1x16xf32>,
    %swap3A_280 = arith.constant 20 : i32
    %swap3A_281 = arith.index_cast %swap3A_280 : i32 to index
    %swap3A_282 = arith.constant 16 : index
    %swap3A_283 = tpu.vector_load %arg12[%swap3A_281, %swap3A_282] {strides = array<i32>} : memref<32x32xf32, #tpu.memory_space<vmem>>, vector<1x16xf32>,
    %swap3A_284 = vector.shape_cast %swap3A_283 : vector<1x16xf32> to vector<16xf32>
    %swap3A_285 = vector.shape_cast %broadcast_in_dim3A_34 : vector<16xf32> to vector<1x16xf32>
    tpu.vector_store %arg12[%swap3A_281, %swap3A_282], %swap3A_285 {strides = array<i32>} : memref<32x32xf32, #tpu.memory_space<vmem>>, vector<1x16xf32>,
    %swap3A_286 = arith.constant 21 : i32
    %swap3A_287 = arith.index_cast %swap3A_286 : i32 to index
    %swap3A_288 = arith.constant 0 : index
    %swap3A_289 = tpu.vector_load %arg12[%swap3A_287, %swap3A_288] {strides = array<i32>} : memref<32x32xf32, #tpu.memory_space<vmem>>, vector<1x16xf32>,
    %swap3A_290 = vector.shape_cast %swap3A_289 : vector<1x16xf32> to vector<16xf32>
    %swap3A_291 = vector.shape_cast %broadcast_in_dim3A_34 : vector<16xf32> to vector<1x16xf32>
    tpu.vector_store %arg12[%swap3A_287, %swap3A_288], %swap3A_291 {strides = array<i32>} : memref<32x32xf32, #tpu.memory_space<vmem>>, vector<1x16xf32>,
    %swap3A_292 = arith.constant 21 : i32
    %swap3A_293 = arith.index_cast %swap3A_292 : i32 to index
    %swap3A_294 = arith.constant 16 : index
    %swap3A_295 = tpu.vector_load %arg12[%swap3A_293, %swap3A_294] {strides = array<i32>} : memref<32x32xf32, #tpu.memory_space<vmem>>, vector<1x16xf32>,
    %swap3A_296 = vector.shape_cast %swap3A_295 : vector<1x16xf32> to vector<16xf32>
    %swap3A_297 = vector.shape_cast %broadcast_in_dim3A_34 : vector<16xf32> to vector<1x16xf32>
    tpu.vector_store %arg12[%swap3A_293, %swap3A_294], %swap3A_297 {strides = array<i32>} : memref<32x32xf32, #tpu.memory_space<vmem>>, vector<1x16xf32>,
    %swap3A_298 = arith.constant 22 : i32
    %swap3A_299 = arith.index_cast %swap3A_298 : i32 to index
    %swap3A_300 = arith.constant 0 : index
    %swap3A_301 = tpu.vector_load %arg12[%swap3A_299, %swap3A_300] {strides = array<i32>} : memref<32x32xf32, #tpu.memory_space<vmem>>, vector<1x16xf32>,
    %swap3A_302 = vector.shape_cast %swap3A_301 : vector<1x16xf32> to vector<16xf32>
    %swap3A_303 = vector.shape_cast %broadcast_in_dim3A_34 : vector<16xf32> to vector<1x16xf32>
    tpu.vector_store %arg12[%swap3A_299, %swap3A_300], %swap3A_303 {strides = array<i32>} : memref<32x32xf32, #tpu.memory_space<vmem>>, vector<1x16xf32>,
    %swap3A_304 = arith.constant 22 : i32
    %swap3A_305 = arith.index_cast %swap3A_304 : i32 to index
    %swap3A_306 = arith.constant 16 : index
    %swap3A_307 = tpu.vector_load %arg12[%swap3A_305, %swap3A_306] {strides = array<i32>} : memref<32x32xf32, #tpu.memory_space<vmem>>, vector<1x16xf32>,
    %swap3A_308 = vector.shape_cast %swap3A_307 : vector<1x16xf32> to vector<16xf32>
    %swap3A_309 = vector.shape_cast %broadcast_in_dim3A_34 : vector<16xf32> to vector<1x16xf32>
    tpu.vector_store %arg12[%swap3A_305, %swap3A_306], %swap3A_309 {strides = array<i32>} : memref<32x32xf32, #tpu.memory_space<vmem>>, vector<1x16xf32>,
    %swap3A_310 = arith.constant 23 : i32
    %swap3A_311 = arith.index_cast %swap3A_310 : i32 to index
    %swap3A_312 = arith.constant 0 : index
    %swap3A_313 = tpu.vector_load %arg12[%swap3A_311, %swap3A_312] {strides = array<i32>} : memref<32x32xf32, #tpu.memory_space<vmem>>, vector<1x16xf32>,
    %swap3A_314 = vector.shape_cast %swap3A_313 : vector<1x16xf32> to vector<16xf32>
    %swap3A_315 = vector.shape_cast %broadcast_in_dim3A_34 : vector<16xf32> to vector<1x16xf32>
    tpu.vector_store %arg12[%swap3A_311, %swap3A_312], %swap3A_315 {strides = array<i32>} : memref<32x32xf32, #tpu.memory_space<vmem>>, vector<1x16xf32>,
    %swap3A_316 = arith.constant 23 : i32
    %swap3A_317 = arith.index_cast %swap3A_316 : i32 to index
    %swap3A_318 = arith.constant 16 : index
    %swap3A_319 = tpu.vector_load %arg12[%swap3A_317, %swap3A_318] {strides = array<i32>} : memref<32x32xf32, #tpu.memory_space<vmem>>, vector<1x16xf32>,
    %swap3A_320 = vector.shape_cast %swap3A_319 : vector<1x16xf32> to vector<16xf32>
    %swap3A_321 = vector.shape_cast %broadcast_in_dim3A_34 : vector<16xf32> to vector<1x16xf32>
    tpu.vector_store %arg12[%swap3A_317, %swap3A_318], %swap3A_321 {strides = array<i32>} : memref<32x32xf32, #tpu.memory_space<vmem>>, vector<1x16xf32>,
    %swap3A_322 = arith.constant 24 : i32
    %swap3A_323 = arith.index_cast %swap3A_322 : i32 to index
    %swap3A_324 = arith.constant 0 : index
    %swap3A_325 = tpu.vector_load %arg12[%swap3A_323, %swap3A_324] {strides = array<i32>} : memref<32x32xf32, #tpu.memory_space<vmem>>, vector<1x16xf32>,
    %swap3A_326 = vector.shape_cast %swap3A_325 : vector<1x16xf32> to vector<16xf32>
    %swap3A_327 = vector.shape_cast %broadcast_in_dim3A_34 : vector<16xf32> to vector<1x16xf32>
    tpu.vector_store %arg12[%swap3A_323, %swap3A_324], %swap3A_327 {strides = array<i32>} : memref<32x32xf32, #tpu.memory_space<vmem>>, vector<1x16xf32>,
    %swap3A_328 = arith.constant 24 : i32
    %swap3A_329 = arith.index_cast %swap3A_328 : i32 to index
    %swap3A_330 = arith.constant 16 : index
    %swap3A_331 = tpu.vector_load %arg12[%swap3A_329, %swap3A_330] {strides = array<i32>} : memref<32x32xf32, #tpu.memory_space<vmem>>, vector<1x16xf32>,
    %swap3A_332 = vector.shape_cast %swap3A_331 : vector<1x16xf32> to vector<16xf32>
    %swap3A_333 = vector.shape_cast %broadcast_in_dim3A_34 : vector<16xf32> to vector<1x16xf32>
    tpu.vector_store %arg12[%swap3A_329, %swap3A_330], %swap3A_333 {strides = array<i32>} : memref<32x32xf32, #tpu.memory_space<vmem>>, vector<1x16xf32>,
    %swap3A_334 = arith.constant 25 : i32
    %swap3A_335 = arith.index_cast %swap3A_334 : i32 to index
    %swap3A_336 = arith.constant 0 : index
    %swap3A_337 = tpu.vector_load %arg12[%swap3A_335, %swap3A_336] {strides = array<i32>} : memref<32x32xf32, #tpu.memory_space<vmem>>, vector<1x16xf32>,
    %swap3A_338 = vector.shape_cast %swap3A_337 : vector<1x16xf32> to vector<16xf32>
    %swap3A_339 = vector.shape_cast %broadcast_in_dim3A_34 : vector<16xf32> to vector<1x16xf32>
    tpu.vector_store %arg12[%swap3A_335, %swap3A_336], %swap3A_339 {strides = array<i32>} : memref<32x32xf32, #tpu.memory_space<vmem>>, vector<1x16xf32>,
    %swap3A_340 = arith.constant 25 : i32
    %swap3A_341 = arith.index_cast %swap3A_340 : i32 to index
    %swap3A_342 = arith.constant 16 : index
    %swap3A_343 = tpu.vector_load %arg12[%swap3A_341, %swap3A_342] {strides = array<i32>} : memref<32x32xf32, #tpu.memory_space<vmem>>, vector<1x16xf32>,
    %swap3A_344 = vector.shape_cast %swap3A_343 : vector<1x16xf32> to vector<16xf32>
    %swap3A_345 = vector.shape_cast %broadcast_in_dim3A_34 : vector<16xf32> to vector<1x16xf32>
    tpu.vector_store %arg12[%swap3A_341, %swap3A_342], %swap3A_345 {strides = array<i32>} : memref<32x32xf32, #tpu.memory_space<vmem>>, vector<1x16xf32>,
    %swap3A_346 = arith.constant 26 : i32
    %swap3A_347 = arith.index_cast %swap3A_346 : i32 to index
    %swap3A_348 = arith.constant 0 : index
    %swap3A_349 = tpu.vector_load %arg12[%swap3A_347, %swap3A_348] {strides = array<i32>} : memref<32x32xf32, #tpu.memory_space<vmem>>, vector<1x16xf32>,
    %swap3A_350 = vector.shape_cast %swap3A_349 : vector<1x16xf32> to vector<16xf32>
    %swap3A_351 = vector.shape_cast %broadcast_in_dim3A_34 : vector<16xf32> to vector<1x16xf32>
    tpu.vector_store %arg12[%swap3A_347, %swap3A_348], %swap3A_351 {strides = array<i32>} : memref<32x32xf32, #tpu.memory_space<vmem>>, vector<1x16xf32>,
    %swap3A_352 = arith.constant 26 : i32
    %swap3A_353 = arith.index_cast %swap3A_352 : i32 to index
    %swap3A_354 = arith.constant 16 : index
    %swap3A_355 = tpu.vector_load %arg12[%swap3A_353, %swap3A_354] {strides = array<i32>} : memref<32x32xf32, #tpu.memory_space<vmem>>, vector<1x16xf32>,
    %swap3A_356 = vector.shape_cast %swap3A_355 : vector<1x16xf32> to vector<16xf32>
    %swap3A_357 = vector.shape_cast %broadcast_in_dim3A_34 : vector<16xf32> to vector<1x16xf32>
    tpu.vector_store %arg12[%swap3A_353, %swap3A_354], %swap3A_357 {strides = array<i32>} : memref<32x32xf32, #tpu.memory_space<vmem>>, vector<1x16xf32>,
    %swap3A_358 = arith.constant 27 : i32
    %swap3A_359 = arith.index_cast %swap3A_358 : i32 to index
    %swap3A_360 = arith.constant 0 : index
    %swap3A_361 = tpu.vector_load %arg12[%swap3A_359, %swap3A_360] {strides = array<i32>} : memref<32x32xf32, #tpu.memory_space<vmem>>, vector<1x16xf32>,
    %swap3A_362 = vector.shape_cast %swap3A_361 : vector<1x16xf32> to vector<16xf32>
    %swap3A_363 = vector.shape_cast %broadcast_in_dim3A_34 : vector<16xf32> to vector<1x16xf32>
    tpu.vector_store %arg12[%swap3A_359, %swap3A_360], %swap3A_363 {strides = array<i32>} : memref<32x32xf32, #tpu.memory_space<vmem>>, vector<1x16xf32>,
    %swap3A_364 = arith.constant 27 : i32
    %swap3A_365 = arith.index_cast %swap3A_364 : i32 to index
    %swap3A_366 = arith.constant 16 : index
    %swap3A_367 = tpu.vector_load %arg12[%swap3A_365, %swap3A_366] {strides = array<i32>} : memref<32x32xf32, #tpu.memory_space<vmem>>, vector<1x16xf32>,
    %swap3A_368 = vector.shape_cast %swap3A_367 : vector<1x16xf32> to vector<16xf32>
    %swap3A_369 = vector.shape_cast %broadcast_in_dim3A_34 : vector<16xf32> to vector<1x16xf32>
    tpu.vector_store %arg12[%swap3A_365, %swap3A_366], %swap3A_369 {strides = array<i32>} : memref<32x32xf32, #tpu.memory_space<vmem>>, vector<1x16xf32>,
    %swap3A_370 = arith.constant 28 : i32
    %swap3A_371 = arith.index_cast %swap3A_370 : i32 to index
    %swap3A_372 = arith.constant 0 : index
    %swap3A_373 = tpu.vector_load %arg12[%swap3A_371, %swap3A_372] {strides = array<i32>} : memref<32x32xf32, #tpu.memory_space<vmem>>, vector<1x16xf32>,
    %swap3A_374 = vector.shape_cast %swap3A_373 : vector<1x16xf32> to vector<16xf32>
    %swap3A_375 = vector.shape_cast %broadcast_in_dim3A_34 : vector<16xf32> to vector<1x16xf32>
    tpu.vector_store %arg12[%swap3A_371, %swap3A_372], %swap3A_375 {strides = array<i32>} : memref<32x32xf32, #tpu.memory_space<vmem>>, vector<1x16xf32>,
    %swap3A_376 = arith.constant 28 : i32
    %swap3A_377 = arith.index_cast %swap3A_376 : i32 to index
    %swap3A_378 = arith.constant 16 : index
    %swap3A_379 = tpu.vector_load %arg12[%swap3A_377, %swap3A_378] {strides = array<i32>} : memref<32x32xf32, #tpu.memory_space<vmem>>, vector<1x16xf32>,
    %swap3A_380 = vector.shape_cast %swap3A_379 : vector<1x16xf32> to vector<16xf32>
    %swap3A_381 = vector.shape_cast %broadcast_in_dim3A_34 : vector<16xf32> to vector<1x16xf32>
    tpu.vector_store %arg12[%swap3A_377, %swap3A_378], %swap3A_381 {strides = array<i32>} : memref<32x32xf32, #tpu.memory_space<vmem>>, vector<1x16xf32>,
    %swap3A_382 = arith.constant 29 : i32
    %swap3A_383 = arith.index_cast %swap3A_382 : i32 to index
    %swap3A_384 = arith.constant 0 : index
    %swap3A_385 = tpu.vector_load %arg12[%swap3A_383, %swap3A_384] {strides = array<i32>} : memref<32x32xf32, #tpu.memory_space<vmem>>, vector<1x16xf32>,
    %swap3A_386 = vector.shape_cast %swap3A_385 : vector<1x16xf32> to vector<16xf32>
    %swap3A_387 = vector.shape_cast %broadcast_in_dim3A_34 : vector<16xf32> to vector<1x16xf32>
    tpu.vector_store %arg12[%swap3A_383, %swap3A_384], %swap3A_387 {strides = array<i32>} : memref<32x32xf32, #tpu.memory_space<vmem>>, vector<1x16xf32>,
    %swap3A_388 = arith.constant 29 : i32
    %swap3A_389 = arith.index_cast %swap3A_388 : i32 to index
    %swap3A_390 = arith.constant 16 : index
    %swap3A_391 = tpu.vector_load %arg12[%swap3A_389, %swap3A_390] {strides = array<i32>} : memref<32x32xf32, #tpu.memory_space<vmem>>, vector<1x16xf32>,
    %swap3A_392 = vector.shape_cast %swap3A_391 : vector<1x16xf32> to vector<16xf32>
    %swap3A_393 = vector.shape_cast %broadcast_in_dim3A_34 : vector<16xf32> to vector<1x16xf32>
    tpu.vector_store %arg12[%swap3A_389, %swap3A_390], %swap3A_393 {strides = array<i32>} : memref<32x32xf32, #tpu.memory_space<vmem>>, vector<1x16xf32>,
    %swap3A_394 = arith.constant 30 : i32
    %swap3A_395 = arith.index_cast %swap3A_394 : i32 to index
    %swap3A_396 = arith.constant 0 : index
    %swap3A_397 = tpu.vector_load %arg12[%swap3A_395, %swap3A_396] {strides = array<i32>} : memref<32x32xf32, #tpu.memory_space<vmem>>, vector<1x16xf32>,
    %swap3A_398 = vector.shape_cast %swap3A_397 : vector<1x16xf32> to vector<16xf32>
    %swap3A_399 = vector.shape_cast %broadcast_in_dim3A_34 : vector<16xf32> to vector<1x16xf32>
    tpu.vector_store %arg12[%swap3A_395, %swap3A_396], %swap3A_399 {strides = array<i32>} : memref<32x32xf32, #tpu.memory_space<vmem>>, vector<1x16xf32>,
    %swap3A_400 = arith.constant 30 : i32
    %swap3A_401 = arith.index_cast %swap3A_400 : i32 to index
    %swap3A_402 = arith.constant 16 : index
    %swap3A_403 = tpu.vector_load %arg12[%swap3A_401, %swap3A_402] {strides = array<i32>} : memref<32x32xf32, #tpu.memory_space<vmem>>, vector<1x16xf32>,
    %swap3A_404 = vector.shape_cast %swap3A_403 : vector<1x16xf32> to vector<16xf32>
    %swap3A_405 = vector.shape_cast %broadcast_in_dim3A_34 : vector<16xf32> to vector<1x16xf32>
    tpu.vector_store %arg12[%swap3A_401, %swap3A_402], %swap3A_405 {strides = array<i32>} : memref<32x32xf32, #tpu.memory_space<vmem>>, vector<1x16xf32>,
    %swap3A_406 = arith.constant 31 : i32
    %swap3A_407 = arith.index_cast %swap3A_406 : i32 to index
    %swap3A_408 = arith.constant 0 : index
    %swap3A_409 = tpu.vector_load %arg12[%swap3A_407, %swap3A_408] {strides = array<i32>} : memref<32x32xf32, #tpu.memory_space<vmem>>, vector<1x16xf32>,
    %swap3A_410 = vector.shape_cast %swap3A_409 : vector<1x16xf32> to vector<16xf32>
    %swap3A_411 = vector.shape_cast %broadcast_in_dim3A_34 : vector<16xf32> to vector<1x16xf32>
    tpu.vector_store %arg12[%swap3A_407, %swap3A_408], %swap3A_411 {strides = array<i32>} : memref<32x32xf32, #tpu.memory_space<vmem>>, vector<1x16xf32>,
    %swap3A_412 = arith.constant 31 : i32
    %swap3A_413 = arith.index_cast %swap3A_412 : i32 to index
    %swap3A_414 = arith.constant 16 : index
    %swap3A_415 = tpu.vector_load %arg12[%swap3A_413, %swap3A_414] {strides = array<i32>} : memref<32x32xf32, #tpu.memory_space<vmem>>, vector<1x16xf32>,
    %swap3A_416 = vector.shape_cast %swap3A_415 : vector<1x16xf32> to vector<16xf32>
    %swap3A_417 = vector.shape_cast %broadcast_in_dim3A_34 : vector<16xf32> to vector<1x16xf32>
    tpu.vector_store %arg12[%swap3A_413, %swap3A_414], %swap3A_417 {strides = array<i32>} : memref<32x32xf32, #tpu.memory_space<vmem>>, vector<1x16xf32>,
    %scan3A = arith.constant 0 : i32
    %scan3A_418 = arith.constant 0 : i32
    %scan3A_419 = arith.constant 128 : i32
    %scan3A_420 = arith.addi %scan3A_418, %scan3A_419 : i32
    %scan3A_421 = arith.constant 1 : i32
    scf.for %scan3A_423 = %scan3A_418 to %scan3A_420 step %scan3A_421  : i32 {
      %get3A = arith.index_cast %scan3A_423 : i32 to index
      %get3A_424 = arith.constant 0 : index
      %get3A_425 = tpu.vector_load %arg11[%get3A, %get3A_424] {strides = array<i32>} : memref<128x16xf32, #tpu.memory_space<vmem>>, vector<1x16xf32>,
      %get3A_426 = vector.shape_cast %get3A_425 : vector<1x16xf32> to vector<16xf32>
      %slice3A = vector.extract_strided_slice %get3A_426 {offsets = [1], sizes = [1], strides = [1]} : vector<16xf32> to vector<1xf32>
      %squeeze3A = vector.extract %slice3A[0] : f32 from vector<1xf32>
      %gt3A = arith.constant 5.000000e-01 : f32
      %gt3A_427 = arith.cmpf ogt, %squeeze3A, %gt3A : f32
      %convert_element_type3A = arith.extui %gt3A_427 : i1 to i32
      %cond3A = arith.constant 0 : i32
      %cond3A_428 = arith.cmpi ne, %convert_element_type3A, %cond3A : i32
      scf.if %cond3A_428 {
        %get3A_1057 = arith.index_cast %scan3A_423 : i32 to index
        %get3A_1058 = arith.constant 0 : index
        %get3A_1059 = tpu.vector_load %arg8[%get3A_1057, %get3A_1058] {strides = array<i32>} : memref<128x64xf32, #tpu.memory_space<vmem>>, vector<1x16xf32>,
        %get3A_1060 = vector.shape_cast %get3A_1059 : vector<1x16xf32> to vector<16xf32>
        %get3A_1061 = arith.index_cast %scan3A_423 : i32 to index
        %get3A_1062 = arith.constant 16 : index
        %get3A_1063 = tpu.vector_load %arg8[%get3A_1061, %get3A_1062] {strides = array<i32>} : memref<128x64xf32, #tpu.memory_space<vmem>>, vector<1x16xf32>,
        %get3A_1064 = vector.shape_cast %get3A_1063 : vector<1x16xf32> to vector<16xf32>
        %slice3A_1065 = vector.extract_strided_slice %get3A_1060 {offsets = [0], sizes = [1], strides = [1]} : vector<16xf32> to vector<1xf32>
        %squeeze3A_1066 = vector.extract %slice3A_1065[0] : f32 from vector<1xf32>
        %get3A_1067 = arith.constant 0 : i32
        %get3A_1068 = arith.index_cast %get3A_1067 : i32 to index
        %get3A_1069 = arith.constant 0 : index
        %get3A_1070 = tpu.vector_load %arg12[%get3A_1068, %get3A_1069] {strides = array<i32>} : memref<32x32xf32, #tpu.memory_space<vmem>>, vector<1x16xf32>,
        %get3A_1071 = vector.shape_cast %get3A_1070 : vector<1x16xf32> to vector<16xf32>
        %mul3A_1072 = vector.broadcast %squeeze3A_1066 : f32 to vector<16xf32>
        %mul3A_1073 = arith.mulf %mul3A_1072, %get3A_1071 : vector<16xf32>
        %add3A_1074 = arith.addf %broadcast_in_dim3A_34, %mul3A_1073 : vector<16xf32>
        %get3A_1075 = arith.constant 0 : i32
        %get3A_1076 = arith.index_cast %get3A_1075 : i32 to index
        %get3A_1077 = arith.constant 16 : index
        %get3A_1078 = tpu.vector_load %arg12[%get3A_1076, %get3A_1077] {strides = array<i32>} : memref<32x32xf32, #tpu.memory_space<vmem>>, vector<1x16xf32>,
        %get3A_1079 = vector.shape_cast %get3A_1078 : vector<1x16xf32> to vector<16xf32>
        %mul3A_1080 = vector.broadcast %squeeze3A_1066 : f32 to vector<16xf32>
        %mul3A_1081 = arith.mulf %mul3A_1080, %get3A_1079 : vector<16xf32>
        %add3A_1082 = arith.addf %broadcast_in_dim3A_34, %mul3A_1081 : vector<16xf32>
        %slice3A_1083 = vector.extract_strided_slice %get3A_1060 {offsets = [1], sizes = [1], strides = [1]} : vector<16xf32> to vector<1xf32>
        %squeeze3A_1084 = vector.extract %slice3A_1083[0] : f32 from vector<1xf32>
        %get3A_1085 = arith.constant 1 : i32
        %get3A_1086 = arith.index_cast %get3A_1085 : i32 to index
        %get3A_1087 = arith.constant 0 : index
        %get3A_1088 = tpu.vector_load %arg12[%get3A_1086, %get3A_1087] {strides = array<i32>} : memref<32x32xf32, #tpu.memory_space<vmem>>, vector<1x16xf32>,
        %get3A_1089 = vector.shape_cast %get3A_1088 : vector<1x16xf32> to vector<16xf32>
        %mul3A_1090 = vector.broadcast %squeeze3A_1084 : f32 to vector<16xf32>
        %mul3A_1091 = arith.mulf %mul3A_1090, %get3A_1089 : vector<16xf32>
        %add3A_1092 = arith.addf %broadcast_in_dim3A_34, %mul3A_1091 : vector<16xf32>
        %get3A_1093 = arith.constant 1 : i32
        %get3A_1094 = arith.index_cast %get3A_1093 : i32 to index
        %get3A_1095 = arith.constant 16 : index
        %get3A_1096 = tpu.vector_load %arg12[%get3A_1094, %get3A_1095] {strides = array<i32>} : memref<32x32xf32, #tpu.memory_space<vmem>>, vector<1x16xf32>,
        %get3A_1097 = vector.shape_cast %get3A_1096 : vector<1x16xf32> to vector<16xf32>
        %mul3A_1098 = vector.broadcast %squeeze3A_1084 : f32 to vector<16xf32>
        %mul3A_1099 = arith.mulf %mul3A_1098, %get3A_1097 : vector<16xf32>
        %add3A_1100 = arith.addf %broadcast_in_dim3A_34, %mul3A_1099 : vector<16xf32>
        %slice3A_1101 = vector.extract_strided_slice %get3A_1060 {offsets = [2], sizes = [1], strides = [1]} : vector<16xf32> to vector<1xf32>
        %squeeze3A_1102 = vector.extract %slice3A_1101[0] : f32 from vector<1xf32>
        %get3A_1103 = arith.constant 2 : i32
        %get3A_1104 = arith.index_cast %get3A_1103 : i32 to index
        %get3A_1105 = arith.constant 0 : index
        %get3A_1106 = tpu.vector_load %arg12[%get3A_1104, %get3A_1105] {strides = array<i32>} : memref<32x32xf32, #tpu.memory_space<vmem>>, vector<1x16xf32>,
        %get3A_1107 = vector.shape_cast %get3A_1106 : vector<1x16xf32> to vector<16xf32>
        %mul3A_1108 = vector.broadcast %squeeze3A_1102 : f32 to vector<16xf32>
        %mul3A_1109 = arith.mulf %mul3A_1108, %get3A_1107 : vector<16xf32>
        %add3A_1110 = arith.addf %broadcast_in_dim3A_34, %mul3A_1109 : vector<16xf32>
        %get3A_1111 = arith.constant 2 : i32
        %get3A_1112 = arith.index_cast %get3A_1111 : i32 to index
        %get3A_1113 = arith.constant 16 : index
        %get3A_1114 = tpu.vector_load %arg12[%get3A_1112, %get3A_1113] {strides = array<i32>} : memref<32x32xf32, #tpu.memory_space<vmem>>, vector<1x16xf32>,
        %get3A_1115 = vector.shape_cast %get3A_1114 : vector<1x16xf32> to vector<16xf32>
        %mul3A_1116 = vector.broadcast %squeeze3A_1102 : f32 to vector<16xf32>
        %mul3A_1117 = arith.mulf %mul3A_1116, %get3A_1115 : vector<16xf32>
        %add3A_1118 = arith.addf %broadcast_in_dim3A_34, %mul3A_1117 : vector<16xf32>
        %slice3A_1119 = vector.extract_strided_slice %get3A_1060 {offsets = [3], sizes = [1], strides = [1]} : vector<16xf32> to vector<1xf32>
        %squeeze3A_1120 = vector.extract %slice3A_1119[0] : f32 from vector<1xf32>
        %get3A_1121 = arith.constant 3 : i32
        %get3A_1122 = arith.index_cast %get3A_1121 : i32 to index
        %get3A_1123 = arith.constant 0 : index
        %get3A_1124 = tpu.vector_load %arg12[%get3A_1122, %get3A_1123] {strides = array<i32>} : memref<32x32xf32, #tpu.memory_space<vmem>>, vector<1x16xf32>,
        %get3A_1125 = vector.shape_cast %get3A_1124 : vector<1x16xf32> to vector<16xf32>
        %mul3A_1126 = vector.broadcast %squeeze3A_1120 : f32 to vector<16xf32>
        %mul3A_1127 = arith.mulf %mul3A_1126, %get3A_1125 : vector<16xf32>
        %add3A_1128 = arith.addf %broadcast_in_dim3A_34, %mul3A_1127 : vector<16xf32>
        %get3A_1129 = arith.constant 3 : i32
        %get3A_1130 = arith.index_cast %get3A_1129 : i32 to index
        %get3A_1131 = arith.constant 16 : index
        %get3A_1132 = tpu.vector_load %arg12[%get3A_1130, %get3A_1131] {strides = array<i32>} : memref<32x32xf32, #tpu.memory_space<vmem>>, vector<1x16xf32>,
        %get3A_1133 = vector.shape_cast %get3A_1132 : vector<1x16xf32> to vector<16xf32>
        %mul3A_1134 = vector.broadcast %squeeze3A_1120 : f32 to vector<16xf32>
        %mul3A_1135 = arith.mulf %mul3A_1134, %get3A_1133 : vector<16xf32>
        %add3A_1136 = arith.addf %broadcast_in_dim3A_34, %mul3A_1135 : vector<16xf32>
        %slice3A_1137 = vector.extract_strided_slice %get3A_1060 {offsets = [4], sizes = [1], strides = [1]} : vector<16xf32> to vector<1xf32>
        %squeeze3A_1138 = vector.extract %slice3A_1137[0] : f32 from vector<1xf32>
        %get3A_1139 = arith.constant 4 : i32
        %get3A_1140 = arith.index_cast %get3A_1139 : i32 to index
        %get3A_1141 = arith.constant 0 : index
        %get3A_1142 = tpu.vector_load %arg12[%get3A_1140, %get3A_1141] {strides = array<i32>} : memref<32x32xf32, #tpu.memory_space<vmem>>, vector<1x16xf32>,
        %get3A_1143 = vector.shape_cast %get3A_1142 : vector<1x16xf32> to vector<16xf32>
        %mul3A_1144 = vector.broadcast %squeeze3A_1138 : f32 to vector<16xf32>
        %mul3A_1145 = arith.mulf %mul3A_1144, %get3A_1143 : vector<16xf32>
        %add3A_1146 = arith.addf %add3A_1074, %mul3A_1145 : vector<16xf32>
        %get3A_1147 = arith.constant 4 : i32
        %get3A_1148 = arith.index_cast %get3A_1147 : i32 to index
        %get3A_1149 = arith.constant 16 : index
        %get3A_1150 = tpu.vector_load %arg12[%get3A_1148, %get3A_1149] {strides = array<i32>} : memref<32x32xf32, #tpu.memory_space<vmem>>, vector<1x16xf32>,
        %get3A_1151 = vector.shape_cast %get3A_1150 : vector<1x16xf32> to vector<16xf32>
        %mul3A_1152 = vector.broadcast %squeeze3A_1138 : f32 to vector<16xf32>
        %mul3A_1153 = arith.mulf %mul3A_1152, %get3A_1151 : vector<16xf32>
        %add3A_1154 = arith.addf %add3A_1082, %mul3A_1153 : vector<16xf32>
        %slice3A_1155 = vector.extract_strided_slice %get3A_1060 {offsets = [5], sizes = [1], strides = [1]} : vector<16xf32> to vector<1xf32>
        %squeeze3A_1156 = vector.extract %slice3A_1155[0] : f32 from vector<1xf32>
        %get3A_1157 = arith.constant 5 : i32
        %get3A_1158 = arith.index_cast %get3A_1157 : i32 to index
        %get3A_1159 = arith.constant 0 : index
        %get3A_1160 = tpu.vector_load %arg12[%get3A_1158, %get3A_1159] {strides = array<i32>} : memref<32x32xf32, #tpu.memory_space<vmem>>, vector<1x16xf32>,
        %get3A_1161 = vector.shape_cast %get3A_1160 : vector<1x16xf32> to vector<16xf32>
        %mul3A_1162 = vector.broadcast %squeeze3A_1156 : f32 to vector<16xf32>
        %mul3A_1163 = arith.mulf %mul3A_1162, %get3A_1161 : vector<16xf32>
        %add3A_1164 = arith.addf %add3A_1092, %mul3A_1163 : vector<16xf32>
        %get3A_1165 = arith.constant 5 : i32
        %get3A_1166 = arith.index_cast %get3A_1165 : i32 to index
        %get3A_1167 = arith.constant 16 : index
        %get3A_1168 = tpu.vector_load %arg12[%get3A_1166, %get3A_1167] {strides = array<i32>} : memref<32x32xf32, #tpu.memory_space<vmem>>, vector<1x16xf32>,
        %get3A_1169 = vector.shape_cast %get3A_1168 : vector<1x16xf32> to vector<16xf32>
        %mul3A_1170 = vector.broadcast %squeeze3A_1156 : f32 to vector<16xf32>
        %mul3A_1171 = arith.mulf %mul3A_1170, %get3A_1169 : vector<16xf32>
        %add3A_1172 = arith.addf %add3A_1100, %mul3A_1171 : vector<16xf32>
        %slice3A_1173 = vector.extract_strided_slice %get3A_1060 {offsets = [6], sizes = [1], strides = [1]} : vector<16xf32> to vector<1xf32>
        %squeeze3A_1174 = vector.extract %slice3A_1173[0] : f32 from vector<1xf32>
        %get3A_1175 = arith.constant 6 : i32
        %get3A_1176 = arith.index_cast %get3A_1175 : i32 to index
        %get3A_1177 = arith.constant 0 : index
        %get3A_1178 = tpu.vector_load %arg12[%get3A_1176, %get3A_1177] {strides = array<i32>} : memref<32x32xf32, #tpu.memory_space<vmem>>, vector<1x16xf32>,
        %get3A_1179 = vector.shape_cast %get3A_1178 : vector<1x16xf32> to vector<16xf32>
        %mul3A_1180 = vector.broadcast %squeeze3A_1174 : f32 to vector<16xf32>
        %mul3A_1181 = arith.mulf %mul3A_1180, %get3A_1179 : vector<16xf32>
        %add3A_1182 = arith.addf %add3A_1110, %mul3A_1181 : vector<16xf32>
        %get3A_1183 = arith.constant 6 : i32
        %get3A_1184 = arith.index_cast %get3A_1183 : i32 to index
        %get3A_1185 = arith.constant 16 : index
        %get3A_1186 = tpu.vector_load %arg12[%get3A_1184, %get3A_1185] {strides = array<i32>} : memref<32x32xf32, #tpu.memory_space<vmem>>, vector<1x16xf32>,
        %get3A_1187 = vector.shape_cast %get3A_1186 : vector<1x16xf32> to vector<16xf32>
        %mul3A_1188 = vector.broadcast %squeeze3A_1174 : f32 to vector<16xf32>
        %mul3A_1189 = arith.mulf %mul3A_1188, %get3A_1187 : vector<16xf32>
        %add3A_1190 = arith.addf %add3A_1118, %mul3A_1189 : vector<16xf32>
        %slice3A_1191 = vector.extract_strided_slice %get3A_1060 {offsets = [7], sizes = [1], strides = [1]} : vector<16xf32> to vector<1xf32>
        %squeeze3A_1192 = vector.extract %slice3A_1191[0] : f32 from vector<1xf32>
        %get3A_1193 = arith.constant 7 : i32
        %get3A_1194 = arith.index_cast %get3A_1193 : i32 to index
        %get3A_1195 = arith.constant 0 : index
        %get3A_1196 = tpu.vector_load %arg12[%get3A_1194, %get3A_1195] {strides = array<i32>} : memref<32x32xf32, #tpu.memory_space<vmem>>, vector<1x16xf32>,
        %get3A_1197 = vector.shape_cast %get3A_1196 : vector<1x16xf32> to vector<16xf32>
        %mul3A_1198 = vector.broadcast %squeeze3A_1192 : f32 to vector<16xf32>
        %mul3A_1199 = arith.mulf %mul3A_1198, %get3A_1197 : vector<16xf32>
        %add3A_1200 = arith.addf %add3A_1128, %mul3A_1199 : vector<16xf32>
        %get3A_1201 = arith.constant 7 : i32
        %get3A_1202 = arith.index_cast %get3A_1201 : i32 to index
        %get3A_1203 = arith.constant 16 : index
        %get3A_1204 = tpu.vector_load %arg12[%get3A_1202, %get3A_1203] {strides = array<i32>} : memref<32x32xf32, #tpu.memory_space<vmem>>, vector<1x16xf32>,
        %get3A_1205 = vector.shape_cast %get3A_1204 : vector<1x16xf32> to vector<16xf32>
        %mul3A_1206 = vector.broadcast %squeeze3A_1192 : f32 to vector<16xf32>
        %mul3A_1207 = arith.mulf %mul3A_1206, %get3A_1205 : vector<16xf32>
        %add3A_1208 = arith.addf %add3A_1136, %mul3A_1207 : vector<16xf32>
        %slice3A_1209 = vector.extract_strided_slice %get3A_1060 {offsets = [8], sizes = [1], strides = [1]} : vector<16xf32> to vector<1xf32>
        %squeeze3A_1210 = vector.extract %slice3A_1209[0] : f32 from vector<1xf32>
        %get3A_1211 = arith.constant 8 : i32
        %get3A_1212 = arith.index_cast %get3A_1211 : i32 to index
        %get3A_1213 = arith.constant 0 : index
        %get3A_1214 = tpu.vector_load %arg12[%get3A_1212, %get3A_1213] {strides = array<i32>} : memref<32x32xf32, #tpu.memory_space<vmem>>, vector<1x16xf32>,
        %get3A_1215 = vector.shape_cast %get3A_1214 : vector<1x16xf32> to vector<16xf32>
        %mul3A_1216 = vector.broadcast %squeeze3A_1210 : f32 to vector<16xf32>
        %mul3A_1217 = arith.mulf %mul3A_1216, %get3A_1215 : vector<16xf32>
        %add3A_1218 = arith.addf %add3A_1146, %mul3A_1217 : vector<16xf32>
        %get3A_1219 = arith.constant 8 : i32
        %get3A_1220 = arith.index_cast %get3A_1219 : i32 to index
        %get3A_1221 = arith.constant 16 : index
        %get3A_1222 = tpu.vector_load %arg12[%get3A_1220, %get3A_1221] {strides = array<i32>} : memref<32x32xf32, #tpu.memory_space<vmem>>, vector<1x16xf32>,
        %get3A_1223 = vector.shape_cast %get3A_1222 : vector<1x16xf32> to vector<16xf32>
        %mul3A_1224 = vector.broadcast %squeeze3A_1210 : f32 to vector<16xf32>
        %mul3A_1225 = arith.mulf %mul3A_1224, %get3A_1223 : vector<16xf32>
        %add3A_1226 = arith.addf %add3A_1154, %mul3A_1225 : vector<16xf32>
        %slice3A_1227 = vector.extract_strided_slice %get3A_1060 {offsets = [9], sizes = [1], strides = [1]} : vector<16xf32> to vector<1xf32>
        %squeeze3A_1228 = vector.extract %slice3A_1227[0] : f32 from vector<1xf32>
        %get3A_1229 = arith.constant 9 : i32
        %get3A_1230 = arith.index_cast %get3A_1229 : i32 to index
        %get3A_1231 = arith.constant 0 : index
        %get3A_1232 = tpu.vector_load %arg12[%get3A_1230, %get3A_1231] {strides = array<i32>} : memref<32x32xf32, #tpu.memory_space<vmem>>, vector<1x16xf32>,
        %get3A_1233 = vector.shape_cast %get3A_1232 : vector<1x16xf32> to vector<16xf32>
        %mul3A_1234 = vector.broadcast %squeeze3A_1228 : f32 to vector<16xf32>
        %mul3A_1235 = arith.mulf %mul3A_1234, %get3A_1233 : vector<16xf32>
        %add3A_1236 = arith.addf %add3A_1164, %mul3A_1235 : vector<16xf32>
        %get3A_1237 = arith.constant 9 : i32
        %get3A_1238 = arith.index_cast %get3A_1237 : i32 to index
        %get3A_1239 = arith.constant 16 : index
        %get3A_1240 = tpu.vector_load %arg12[%get3A_1238, %get3A_1239] {strides = array<i32>} : memref<32x32xf32, #tpu.memory_space<vmem>>, vector<1x16xf32>,
        %get3A_1241 = vector.shape_cast %get3A_1240 : vector<1x16xf32> to vector<16xf32>
        %mul3A_1242 = vector.broadcast %squeeze3A_1228 : f32 to vector<16xf32>
        %mul3A_1243 = arith.mulf %mul3A_1242, %get3A_1241 : vector<16xf32>
        %add3A_1244 = arith.addf %add3A_1172, %mul3A_1243 : vector<16xf32>
        %slice3A_1245 = vector.extract_strided_slice %get3A_1060 {offsets = [10], sizes = [1], strides = [1]} : vector<16xf32> to vector<1xf32>
        %squeeze3A_1246 = vector.extract %slice3A_1245[0] : f32 from vector<1xf32>
        %get3A_1247 = arith.constant 10 : i32
        %get3A_1248 = arith.index_cast %get3A_1247 : i32 to index
        %get3A_1249 = arith.constant 0 : index
        %get3A_1250 = tpu.vector_load %arg12[%get3A_1248, %get3A_1249] {strides = array<i32>} : memref<32x32xf32, #tpu.memory_space<vmem>>, vector<1x16xf32>,
        %get3A_1251 = vector.shape_cast %get3A_1250 : vector<1x16xf32> to vector<16xf32>
        %mul3A_1252 = vector.broadcast %squeeze3A_1246 : f32 to vector<16xf32>
        %mul3A_1253 = arith.mulf %mul3A_1252, %get3A_1251 : vector<16xf32>
        %add3A_1254 = arith.addf %add3A_1182, %mul3A_1253 : vector<16xf32>
        %get3A_1255 = arith.constant 10 : i32
        %get3A_1256 = arith.index_cast %get3A_1255 : i32 to index
        %get3A_1257 = arith.constant 16 : index
        %get3A_1258 = tpu.vector_load %arg12[%get3A_1256, %get3A_1257] {strides = array<i32>} : memref<32x32xf32, #tpu.memory_space<vmem>>, vector<1x16xf32>,
        %get3A_1259 = vector.shape_cast %get3A_1258 : vector<1x16xf32> to vector<16xf32>
        %mul3A_1260 = vector.broadcast %squeeze3A_1246 : f32 to vector<16xf32>
        %mul3A_1261 = arith.mulf %mul3A_1260, %get3A_1259 : vector<16xf32>
        %add3A_1262 = arith.addf %add3A_1190, %mul3A_1261 : vector<16xf32>
        %slice3A_1263 = vector.extract_strided_slice %get3A_1060 {offsets = [11], sizes = [1], strides = [1]} : vector<16xf32> to vector<1xf32>
        %squeeze3A_1264 = vector.extract %slice3A_1263[0] : f32 from vector<1xf32>
        %get3A_1265 = arith.constant 11 : i32
        %get3A_1266 = arith.index_cast %get3A_1265 : i32 to index
        %get3A_1267 = arith.constant 0 : index
        %get3A_1268 = tpu.vector_load %arg12[%get3A_1266, %get3A_1267] {strides = array<i32>} : memref<32x32xf32, #tpu.memory_space<vmem>>, vector<1x16xf32>,
        %get3A_1269 = vector.shape_cast %get3A_1268 : vector<1x16xf32> to vector<16xf32>
        %mul3A_1270 = vector.broadcast %squeeze3A_1264 : f32 to vector<16xf32>
        %mul3A_1271 = arith.mulf %mul3A_1270, %get3A_1269 : vector<16xf32>
        %add3A_1272 = arith.addf %add3A_1200, %mul3A_1271 : vector<16xf32>
        %get3A_1273 = arith.constant 11 : i32
        %get3A_1274 = arith.index_cast %get3A_1273 : i32 to index
        %get3A_1275 = arith.constant 16 : index
        %get3A_1276 = tpu.vector_load %arg12[%get3A_1274, %get3A_1275] {strides = array<i32>} : memref<32x32xf32, #tpu.memory_space<vmem>>, vector<1x16xf32>,
        %get3A_1277 = vector.shape_cast %get3A_1276 : vector<1x16xf32> to vector<16xf32>
        %mul3A_1278 = vector.broadcast %squeeze3A_1264 : f32 to vector<16xf32>
        %mul3A_1279 = arith.mulf %mul3A_1278, %get3A_1277 : vector<16xf32>
        %add3A_1280 = arith.addf %add3A_1208, %mul3A_1279 : vector<16xf32>
        %slice3A_1281 = vector.extract_strided_slice %get3A_1060 {offsets = [12], sizes = [1], strides = [1]} : vector<16xf32> to vector<1xf32>
        %squeeze3A_1282 = vector.extract %slice3A_1281[0] : f32 from vector<1xf32>
        %get3A_1283 = arith.constant 12 : i32
        %get3A_1284 = arith.index_cast %get3A_1283 : i32 to index
        %get3A_1285 = arith.constant 0 : index
        %get3A_1286 = tpu.vector_load %arg12[%get3A_1284, %get3A_1285] {strides = array<i32>} : memref<32x32xf32, #tpu.memory_space<vmem>>, vector<1x16xf32>,
        %get3A_1287 = vector.shape_cast %get3A_1286 : vector<1x16xf32> to vector<16xf32>
        %mul3A_1288 = vector.broadcast %squeeze3A_1282 : f32 to vector<16xf32>
        %mul3A_1289 = arith.mulf %mul3A_1288, %get3A_1287 : vector<16xf32>
        %add3A_1290 = arith.addf %add3A_1218, %mul3A_1289 : vector<16xf32>
        %get3A_1291 = arith.constant 12 : i32
        %get3A_1292 = arith.index_cast %get3A_1291 : i32 to index
        %get3A_1293 = arith.constant 16 : index
        %get3A_1294 = tpu.vector_load %arg12[%get3A_1292, %get3A_1293] {strides = array<i32>} : memref<32x32xf32, #tpu.memory_space<vmem>>, vector<1x16xf32>,
        %get3A_1295 = vector.shape_cast %get3A_1294 : vector<1x16xf32> to vector<16xf32>
        %mul3A_1296 = vector.broadcast %squeeze3A_1282 : f32 to vector<16xf32>
        %mul3A_1297 = arith.mulf %mul3A_1296, %get3A_1295 : vector<16xf32>
        %add3A_1298 = arith.addf %add3A_1226, %mul3A_1297 : vector<16xf32>
        %slice3A_1299 = vector.extract_strided_slice %get3A_1060 {offsets = [13], sizes = [1], strides = [1]} : vector<16xf32> to vector<1xf32>
        %squeeze3A_1300 = vector.extract %slice3A_1299[0] : f32 from vector<1xf32>
        %get3A_1301 = arith.constant 13 : i32
        %get3A_1302 = arith.index_cast %get3A_1301 : i32 to index
        %get3A_1303 = arith.constant 0 : index
        %get3A_1304 = tpu.vector_load %arg12[%get3A_1302, %get3A_1303] {strides = array<i32>} : memref<32x32xf32, #tpu.memory_space<vmem>>, vector<1x16xf32>,
        %get3A_1305 = vector.shape_cast %get3A_1304 : vector<1x16xf32> to vector<16xf32>
        %mul3A_1306 = vector.broadcast %squeeze3A_1300 : f32 to vector<16xf32>
        %mul3A_1307 = arith.mulf %mul3A_1306, %get3A_1305 : vector<16xf32>
        %add3A_1308 = arith.addf %add3A_1236, %mul3A_1307 : vector<16xf32>
        %get3A_1309 = arith.constant 13 : i32
        %get3A_1310 = arith.index_cast %get3A_1309 : i32 to index
        %get3A_1311 = arith.constant 16 : index
        %get3A_1312 = tpu.vector_load %arg12[%get3A_1310, %get3A_1311] {strides = array<i32>} : memref<32x32xf32, #tpu.memory_space<vmem>>, vector<1x16xf32>,
        %get3A_1313 = vector.shape_cast %get3A_1312 : vector<1x16xf32> to vector<16xf32>
        %mul3A_1314 = vector.broadcast %squeeze3A_1300 : f32 to vector<16xf32>
        %mul3A_1315 = arith.mulf %mul3A_1314, %get3A_1313 : vector<16xf32>
        %add3A_1316 = arith.addf %add3A_1244, %mul3A_1315 : vector<16xf32>
        %slice3A_1317 = vector.extract_strided_slice %get3A_1060 {offsets = [14], sizes = [1], strides = [1]} : vector<16xf32> to vector<1xf32>
        %squeeze3A_1318 = vector.extract %slice3A_1317[0] : f32 from vector<1xf32>
        %get3A_1319 = arith.constant 14 : i32
        %get3A_1320 = arith.index_cast %get3A_1319 : i32 to index
        %get3A_1321 = arith.constant 0 : index
        %get3A_1322 = tpu.vector_load %arg12[%get3A_1320, %get3A_1321] {strides = array<i32>} : memref<32x32xf32, #tpu.memory_space<vmem>>, vector<1x16xf32>,
        %get3A_1323 = vector.shape_cast %get3A_1322 : vector<1x16xf32> to vector<16xf32>
        %mul3A_1324 = vector.broadcast %squeeze3A_1318 : f32 to vector<16xf32>
        %mul3A_1325 = arith.mulf %mul3A_1324, %get3A_1323 : vector<16xf32>
        %add3A_1326 = arith.addf %add3A_1254, %mul3A_1325 : vector<16xf32>
        %get3A_1327 = arith.constant 14 : i32
        %get3A_1328 = arith.index_cast %get3A_1327 : i32 to index
        %get3A_1329 = arith.constant 16 : index
        %get3A_1330 = tpu.vector_load %arg12[%get3A_1328, %get3A_1329] {strides = array<i32>} : memref<32x32xf32, #tpu.memory_space<vmem>>, vector<1x16xf32>,
        %get3A_1331 = vector.shape_cast %get3A_1330 : vector<1x16xf32> to vector<16xf32>
        %mul3A_1332 = vector.broadcast %squeeze3A_1318 : f32 to vector<16xf32>
        %mul3A_1333 = arith.mulf %mul3A_1332, %get3A_1331 : vector<16xf32>
        %add3A_1334 = arith.addf %add3A_1262, %mul3A_1333 : vector<16xf32>
        %slice3A_1335 = vector.extract_strided_slice %get3A_1060 {offsets = [15], sizes = [1], strides = [1]} : vector<16xf32> to vector<1xf32>
        %squeeze3A_1336 = vector.extract %slice3A_1335[0] : f32 from vector<1xf32>
        %get3A_1337 = arith.constant 15 : i32
        %get3A_1338 = arith.index_cast %get3A_1337 : i32 to index
        %get3A_1339 = arith.constant 0 : index
        %get3A_1340 = tpu.vector_load %arg12[%get3A_1338, %get3A_1339] {strides = array<i32>} : memref<32x32xf32, #tpu.memory_space<vmem>>, vector<1x16xf32>,
        %get3A_1341 = vector.shape_cast %get3A_1340 : vector<1x16xf32> to vector<16xf32>
        %mul3A_1342 = vector.broadcast %squeeze3A_1336 : f32 to vector<16xf32>
        %mul3A_1343 = arith.mulf %mul3A_1342, %get3A_1341 : vector<16xf32>
        %add3A_1344 = arith.addf %add3A_1272, %mul3A_1343 : vector<16xf32>
        %get3A_1345 = arith.constant 15 : i32
        %get3A_1346 = arith.index_cast %get3A_1345 : i32 to index
        %get3A_1347 = arith.constant 16 : index
        %get3A_1348 = tpu.vector_load %arg12[%get3A_1346, %get3A_1347] {strides = array<i32>} : memref<32x32xf32, #tpu.memory_space<vmem>>, vector<1x16xf32>,
        %get3A_1349 = vector.shape_cast %get3A_1348 : vector<1x16xf32> to vector<16xf32>
        %mul3A_1350 = vector.broadcast %squeeze3A_1336 : f32 to vector<16xf32>
        %mul3A_1351 = arith.mulf %mul3A_1350, %get3A_1349 : vector<16xf32>
        %add3A_1352 = arith.addf %add3A_1280, %mul3A_1351 : vector<16xf32>
        %slice3A_1353 = vector.extract_strided_slice %get3A_1064 {offsets = [0], sizes = [1], strides = [1]} : vector<16xf32> to vector<1xf32>
        %squeeze3A_1354 = vector.extract %slice3A_1353[0] : f32 from vector<1xf32>
        %get3A_1355 = arith.constant 16 : i32
        %get3A_1356 = arith.index_cast %get3A_1355 : i32 to index
        %get3A_1357 = arith.constant 0 : index
        %get3A_1358 = tpu.vector_load %arg12[%get3A_1356, %get3A_1357] {strides = array<i32>} : memref<32x32xf32, #tpu.memory_space<vmem>>, vector<1x16xf32>,
        %get3A_1359 = vector.shape_cast %get3A_1358 : vector<1x16xf32> to vector<16xf32>
        %mul3A_1360 = vector.broadcast %squeeze3A_1354 : f32 to vector<16xf32>
        %mul3A_1361 = arith.mulf %mul3A_1360, %get3A_1359 : vector<16xf32>
        %add3A_1362 = arith.addf %add3A_1290, %mul3A_1361 : vector<16xf32>
        %get3A_1363 = arith.constant 16 : i32
        %get3A_1364 = arith.index_cast %get3A_1363 : i32 to index
        %get3A_1365 = arith.constant 16 : index
        %get3A_1366 = tpu.vector_load %arg12[%get3A_1364, %get3A_1365] {strides = array<i32>} : memref<32x32xf32, #tpu.memory_space<vmem>>, vector<1x16xf32>,
        %get3A_1367 = vector.shape_cast %get3A_1366 : vector<1x16xf32> to vector<16xf32>
        %mul3A_1368 = vector.broadcast %squeeze3A_1354 : f32 to vector<16xf32>
        %mul3A_1369 = arith.mulf %mul3A_1368, %get3A_1367 : vector<16xf32>
        %add3A_1370 = arith.addf %add3A_1298, %mul3A_1369 : vector<16xf32>
        %slice3A_1371 = vector.extract_strided_slice %get3A_1064 {offsets = [1], sizes = [1], strides = [1]} : vector<16xf32> to vector<1xf32>
        %squeeze3A_1372 = vector.extract %slice3A_1371[0] : f32 from vector<1xf32>
        %get3A_1373 = arith.constant 17 : i32
        %get3A_1374 = arith.index_cast %get3A_1373 : i32 to index
        %get3A_1375 = arith.constant 0 : index
        %get3A_1376 = tpu.vector_load %arg12[%get3A_1374, %get3A_1375] {strides = array<i32>} : memref<32x32xf32, #tpu.memory_space<vmem>>, vector<1x16xf32>,
        %get3A_1377 = vector.shape_cast %get3A_1376 : vector<1x16xf32> to vector<16xf32>
        %mul3A_1378 = vector.broadcast %squeeze3A_1372 : f32 to vector<16xf32>
        %mul3A_1379 = arith.mulf %mul3A_1378, %get3A_1377 : vector<16xf32>
        %add3A_1380 = arith.addf %add3A_1308, %mul3A_1379 : vector<16xf32>
        %get3A_1381 = arith.constant 17 : i32
        %get3A_1382 = arith.index_cast %get3A_1381 : i32 to index
        %get3A_1383 = arith.constant 16 : index
        %get3A_1384 = tpu.vector_load %arg12[%get3A_1382, %get3A_1383] {strides = array<i32>} : memref<32x32xf32, #tpu.memory_space<vmem>>, vector<1x16xf32>,
        %get3A_1385 = vector.shape_cast %get3A_1384 : vector<1x16xf32> to vector<16xf32>
        %mul3A_1386 = vector.broadcast %squeeze3A_1372 : f32 to vector<16xf32>
        %mul3A_1387 = arith.mulf %mul3A_1386, %get3A_1385 : vector<16xf32>
        %add3A_1388 = arith.addf %add3A_1316, %mul3A_1387 : vector<16xf32>
        %slice3A_1389 = vector.extract_strided_slice %get3A_1064 {offsets = [2], sizes = [1], strides = [1]} : vector<16xf32> to vector<1xf32>
        %squeeze3A_1390 = vector.extract %slice3A_1389[0] : f32 from vector<1xf32>
        %get3A_1391 = arith.constant 18 : i32
        %get3A_1392 = arith.index_cast %get3A_1391 : i32 to index
        %get3A_1393 = arith.constant 0 : index
        %get3A_1394 = tpu.vector_load %arg12[%get3A_1392, %get3A_1393] {strides = array<i32>} : memref<32x32xf32, #tpu.memory_space<vmem>>, vector<1x16xf32>,
        %get3A_1395 = vector.shape_cast %get3A_1394 : vector<1x16xf32> to vector<16xf32>
        %mul3A_1396 = vector.broadcast %squeeze3A_1390 : f32 to vector<16xf32>
        %mul3A_1397 = arith.mulf %mul3A_1396, %get3A_1395 : vector<16xf32>
        %add3A_1398 = arith.addf %add3A_1326, %mul3A_1397 : vector<16xf32>
        %get3A_1399 = arith.constant 18 : i32
        %get3A_1400 = arith.index_cast %get3A_1399 : i32 to index
        %get3A_1401 = arith.constant 16 : index
        %get3A_1402 = tpu.vector_load %arg12[%get3A_1400, %get3A_1401] {strides = array<i32>} : memref<32x32xf32, #tpu.memory_space<vmem>>, vector<1x16xf32>,
        %get3A_1403 = vector.shape_cast %get3A_1402 : vector<1x16xf32> to vector<16xf32>
        %mul3A_1404 = vector.broadcast %squeeze3A_1390 : f32 to vector<16xf32>
        %mul3A_1405 = arith.mulf %mul3A_1404, %get3A_1403 : vector<16xf32>
        %add3A_1406 = arith.addf %add3A_1334, %mul3A_1405 : vector<16xf32>
        %slice3A_1407 = vector.extract_strided_slice %get3A_1064 {offsets = [3], sizes = [1], strides = [1]} : vector<16xf32> to vector<1xf32>
        %squeeze3A_1408 = vector.extract %slice3A_1407[0] : f32 from vector<1xf32>
        %get3A_1409 = arith.constant 19 : i32
        %get3A_1410 = arith.index_cast %get3A_1409 : i32 to index
        %get3A_1411 = arith.constant 0 : index
        %get3A_1412 = tpu.vector_load %arg12[%get3A_1410, %get3A_1411] {strides = array<i32>} : memref<32x32xf32, #tpu.memory_space<vmem>>, vector<1x16xf32>,
        %get3A_1413 = vector.shape_cast %get3A_1412 : vector<1x16xf32> to vector<16xf32>
        %mul3A_1414 = vector.broadcast %squeeze3A_1408 : f32 to vector<16xf32>
        %mul3A_1415 = arith.mulf %mul3A_1414, %get3A_1413 : vector<16xf32>
        %add3A_1416 = arith.addf %add3A_1344, %mul3A_1415 : vector<16xf32>
        %get3A_1417 = arith.constant 19 : i32
        %get3A_1418 = arith.index_cast %get3A_1417 : i32 to index
        %get3A_1419 = arith.constant 16 : index
        %get3A_1420 = tpu.vector_load %arg12[%get3A_1418, %get3A_1419] {strides = array<i32>} : memref<32x32xf32, #tpu.memory_space<vmem>>, vector<1x16xf32>,
        %get3A_1421 = vector.shape_cast %get3A_1420 : vector<1x16xf32> to vector<16xf32>
        %mul3A_1422 = vector.broadcast %squeeze3A_1408 : f32 to vector<16xf32>
        %mul3A_1423 = arith.mulf %mul3A_1422, %get3A_1421 : vector<16xf32>
        %add3A_1424 = arith.addf %add3A_1352, %mul3A_1423 : vector<16xf32>
        %slice3A_1425 = vector.extract_strided_slice %get3A_1064 {offsets = [4], sizes = [1], strides = [1]} : vector<16xf32> to vector<1xf32>
        %squeeze3A_1426 = vector.extract %slice3A_1425[0] : f32 from vector<1xf32>
        %get3A_1427 = arith.constant 20 : i32
        %get3A_1428 = arith.index_cast %get3A_1427 : i32 to index
        %get3A_1429 = arith.constant 0 : index
        %get3A_1430 = tpu.vector_load %arg12[%get3A_1428, %get3A_1429] {strides = array<i32>} : memref<32x32xf32, #tpu.memory_space<vmem>>, vector<1x16xf32>,
        %get3A_1431 = vector.shape_cast %get3A_1430 : vector<1x16xf32> to vector<16xf32>
        %mul3A_1432 = vector.broadcast %squeeze3A_1426 : f32 to vector<16xf32>
        %mul3A_1433 = arith.mulf %mul3A_1432, %get3A_1431 : vector<16xf32>
        %add3A_1434 = arith.addf %add3A_1362, %mul3A_1433 : vector<16xf32>
        %get3A_1435 = arith.constant 20 : i32
        %get3A_1436 = arith.index_cast %get3A_1435 : i32 to index
        %get3A_1437 = arith.constant 16 : index
        %get3A_1438 = tpu.vector_load %arg12[%get3A_1436, %get3A_1437] {strides = array<i32>} : memref<32x32xf32, #tpu.memory_space<vmem>>, vector<1x16xf32>,
        %get3A_1439 = vector.shape_cast %get3A_1438 : vector<1x16xf32> to vector<16xf32>
        %mul3A_1440 = vector.broadcast %squeeze3A_1426 : f32 to vector<16xf32>
        %mul3A_1441 = arith.mulf %mul3A_1440, %get3A_1439 : vector<16xf32>
        %add3A_1442 = arith.addf %add3A_1370, %mul3A_1441 : vector<16xf32>
        %slice3A_1443 = vector.extract_strided_slice %get3A_1064 {offsets = [5], sizes = [1], strides = [1]} : vector<16xf32> to vector<1xf32>
        %squeeze3A_1444 = vector.extract %slice3A_1443[0] : f32 from vector<1xf32>
        %get3A_1445 = arith.constant 21 : i32
        %get3A_1446 = arith.index_cast %get3A_1445 : i32 to index
        %get3A_1447 = arith.constant 0 : index
        %get3A_1448 = tpu.vector_load %arg12[%get3A_1446, %get3A_1447] {strides = array<i32>} : memref<32x32xf32, #tpu.memory_space<vmem>>, vector<1x16xf32>,
        %get3A_1449 = vector.shape_cast %get3A_1448 : vector<1x16xf32> to vector<16xf32>
        %mul3A_1450 = vector.broadcast %squeeze3A_1444 : f32 to vector<16xf32>
        %mul3A_1451 = arith.mulf %mul3A_1450, %get3A_1449 : vector<16xf32>
        %add3A_1452 = arith.addf %add3A_1380, %mul3A_1451 : vector<16xf32>
        %get3A_1453 = arith.constant 21 : i32
        %get3A_1454 = arith.index_cast %get3A_1453 : i32 to index
        %get3A_1455 = arith.constant 16 : index
        %get3A_1456 = tpu.vector_load %arg12[%get3A_1454, %get3A_1455] {strides = array<i32>} : memref<32x32xf32, #tpu.memory_space<vmem>>, vector<1x16xf32>,
        %get3A_1457 = vector.shape_cast %get3A_1456 : vector<1x16xf32> to vector<16xf32>
        %mul3A_1458 = vector.broadcast %squeeze3A_1444 : f32 to vector<16xf32>
        %mul3A_1459 = arith.mulf %mul3A_1458, %get3A_1457 : vector<16xf32>
        %add3A_1460 = arith.addf %add3A_1388, %mul3A_1459 : vector<16xf32>
        %slice3A_1461 = vector.extract_strided_slice %get3A_1064 {offsets = [6], sizes = [1], strides = [1]} : vector<16xf32> to vector<1xf32>
        %squeeze3A_1462 = vector.extract %slice3A_1461[0] : f32 from vector<1xf32>
        %get3A_1463 = arith.constant 22 : i32
        %get3A_1464 = arith.index_cast %get3A_1463 : i32 to index
        %get3A_1465 = arith.constant 0 : index
        %get3A_1466 = tpu.vector_load %arg12[%get3A_1464, %get3A_1465] {strides = array<i32>} : memref<32x32xf32, #tpu.memory_space<vmem>>, vector<1x16xf32>,
        %get3A_1467 = vector.shape_cast %get3A_1466 : vector<1x16xf32> to vector<16xf32>
        %mul3A_1468 = vector.broadcast %squeeze3A_1462 : f32 to vector<16xf32>
        %mul3A_1469 = arith.mulf %mul3A_1468, %get3A_1467 : vector<16xf32>
        %add3A_1470 = arith.addf %add3A_1398, %mul3A_1469 : vector<16xf32>
        %get3A_1471 = arith.constant 22 : i32
        %get3A_1472 = arith.index_cast %get3A_1471 : i32 to index
        %get3A_1473 = arith.constant 16 : index
        %get3A_1474 = tpu.vector_load %arg12[%get3A_1472, %get3A_1473] {strides = array<i32>} : memref<32x32xf32, #tpu.memory_space<vmem>>, vector<1x16xf32>,
        %get3A_1475 = vector.shape_cast %get3A_1474 : vector<1x16xf32> to vector<16xf32>
        %mul3A_1476 = vector.broadcast %squeeze3A_1462 : f32 to vector<16xf32>
        %mul3A_1477 = arith.mulf %mul3A_1476, %get3A_1475 : vector<16xf32>
        %add3A_1478 = arith.addf %add3A_1406, %mul3A_1477 : vector<16xf32>
        %slice3A_1479 = vector.extract_strided_slice %get3A_1064 {offsets = [7], sizes = [1], strides = [1]} : vector<16xf32> to vector<1xf32>
        %squeeze3A_1480 = vector.extract %slice3A_1479[0] : f32 from vector<1xf32>
        %get3A_1481 = arith.constant 23 : i32
        %get3A_1482 = arith.index_cast %get3A_1481 : i32 to index
        %get3A_1483 = arith.constant 0 : index
        %get3A_1484 = tpu.vector_load %arg12[%get3A_1482, %get3A_1483] {strides = array<i32>} : memref<32x32xf32, #tpu.memory_space<vmem>>, vector<1x16xf32>,
        %get3A_1485 = vector.shape_cast %get3A_1484 : vector<1x16xf32> to vector<16xf32>
        %mul3A_1486 = vector.broadcast %squeeze3A_1480 : f32 to vector<16xf32>
        %mul3A_1487 = arith.mulf %mul3A_1486, %get3A_1485 : vector<16xf32>
        %add3A_1488 = arith.addf %add3A_1416, %mul3A_1487 : vector<16xf32>
        %get3A_1489 = arith.constant 23 : i32
        %get3A_1490 = arith.index_cast %get3A_1489 : i32 to index
        %get3A_1491 = arith.constant 16 : index
        %get3A_1492 = tpu.vector_load %arg12[%get3A_1490, %get3A_1491] {strides = array<i32>} : memref<32x32xf32, #tpu.memory_space<vmem>>, vector<1x16xf32>,
        %get3A_1493 = vector.shape_cast %get3A_1492 : vector<1x16xf32> to vector<16xf32>
        %mul3A_1494 = vector.broadcast %squeeze3A_1480 : f32 to vector<16xf32>
        %mul3A_1495 = arith.mulf %mul3A_1494, %get3A_1493 : vector<16xf32>
        %add3A_1496 = arith.addf %add3A_1424, %mul3A_1495 : vector<16xf32>
        %slice3A_1497 = vector.extract_strided_slice %get3A_1064 {offsets = [8], sizes = [1], strides = [1]} : vector<16xf32> to vector<1xf32>
        %squeeze3A_1498 = vector.extract %slice3A_1497[0] : f32 from vector<1xf32>
        %get3A_1499 = arith.constant 24 : i32
        %get3A_1500 = arith.index_cast %get3A_1499 : i32 to index
        %get3A_1501 = arith.constant 0 : index
        %get3A_1502 = tpu.vector_load %arg12[%get3A_1500, %get3A_1501] {strides = array<i32>} : memref<32x32xf32, #tpu.memory_space<vmem>>, vector<1x16xf32>,
        %get3A_1503 = vector.shape_cast %get3A_1502 : vector<1x16xf32> to vector<16xf32>
        %mul3A_1504 = vector.broadcast %squeeze3A_1498 : f32 to vector<16xf32>
        %mul3A_1505 = arith.mulf %mul3A_1504, %get3A_1503 : vector<16xf32>
        %add3A_1506 = arith.addf %add3A_1434, %mul3A_1505 : vector<16xf32>
        %get3A_1507 = arith.constant 24 : i32
        %get3A_1508 = arith.index_cast %get3A_1507 : i32 to index
        %get3A_1509 = arith.constant 16 : index
        %get3A_1510 = tpu.vector_load %arg12[%get3A_1508, %get3A_1509] {strides = array<i32>} : memref<32x32xf32, #tpu.memory_space<vmem>>, vector<1x16xf32>,
        %get3A_1511 = vector.shape_cast %get3A_1510 : vector<1x16xf32> to vector<16xf32>
        %mul3A_1512 = vector.broadcast %squeeze3A_1498 : f32 to vector<16xf32>
        %mul3A_1513 = arith.mulf %mul3A_1512, %get3A_1511 : vector<16xf32>
        %add3A_1514 = arith.addf %add3A_1442, %mul3A_1513 : vector<16xf32>
        %slice3A_1515 = vector.extract_strided_slice %get3A_1064 {offsets = [9], sizes = [1], strides = [1]} : vector<16xf32> to vector<1xf32>
        %squeeze3A_1516 = vector.extract %slice3A_1515[0] : f32 from vector<1xf32>
        %get3A_1517 = arith.constant 25 : i32
        %get3A_1518 = arith.index_cast %get3A_1517 : i32 to index
        %get3A_1519 = arith.constant 0 : index
        %get3A_1520 = tpu.vector_load %arg12[%get3A_1518, %get3A_1519] {strides = array<i32>} : memref<32x32xf32, #tpu.memory_space<vmem>>, vector<1x16xf32>,
        %get3A_1521 = vector.shape_cast %get3A_1520 : vector<1x16xf32> to vector<16xf32>
        %mul3A_1522 = vector.broadcast %squeeze3A_1516 : f32 to vector<16xf32>
        %mul3A_1523 = arith.mulf %mul3A_1522, %get3A_1521 : vector<16xf32>
        %add3A_1524 = arith.addf %add3A_1452, %mul3A_1523 : vector<16xf32>
        %get3A_1525 = arith.constant 25 : i32
        %get3A_1526 = arith.index_cast %get3A_1525 : i32 to index
        %get3A_1527 = arith.constant 16 : index
        %get3A_1528 = tpu.vector_load %arg12[%get3A_1526, %get3A_1527] {strides = array<i32>} : memref<32x32xf32, #tpu.memory_space<vmem>>, vector<1x16xf32>,
        %get3A_1529 = vector.shape_cast %get3A_1528 : vector<1x16xf32> to vector<16xf32>
        %mul3A_1530 = vector.broadcast %squeeze3A_1516 : f32 to vector<16xf32>
        %mul3A_1531 = arith.mulf %mul3A_1530, %get3A_1529 : vector<16xf32>
        %add3A_1532 = arith.addf %add3A_1460, %mul3A_1531 : vector<16xf32>
        %slice3A_1533 = vector.extract_strided_slice %get3A_1064 {offsets = [10], sizes = [1], strides = [1]} : vector<16xf32> to vector<1xf32>
        %squeeze3A_1534 = vector.extract %slice3A_1533[0] : f32 from vector<1xf32>
        %get3A_1535 = arith.constant 26 : i32
        %get3A_1536 = arith.index_cast %get3A_1535 : i32 to index
        %get3A_1537 = arith.constant 0 : index
        %get3A_1538 = tpu.vector_load %arg12[%get3A_1536, %get3A_1537] {strides = array<i32>} : memref<32x32xf32, #tpu.memory_space<vmem>>, vector<1x16xf32>,
        %get3A_1539 = vector.shape_cast %get3A_1538 : vector<1x16xf32> to vector<16xf32>
        %mul3A_1540 = vector.broadcast %squeeze3A_1534 : f32 to vector<16xf32>
        %mul3A_1541 = arith.mulf %mul3A_1540, %get3A_1539 : vector<16xf32>
        %add3A_1542 = arith.addf %add3A_1470, %mul3A_1541 : vector<16xf32>
        %get3A_1543 = arith.constant 26 : i32
        %get3A_1544 = arith.index_cast %get3A_1543 : i32 to index
        %get3A_1545 = arith.constant 16 : index
        %get3A_1546 = tpu.vector_load %arg12[%get3A_1544, %get3A_1545] {strides = array<i32>} : memref<32x32xf32, #tpu.memory_space<vmem>>, vector<1x16xf32>,
        %get3A_1547 = vector.shape_cast %get3A_1546 : vector<1x16xf32> to vector<16xf32>
        %mul3A_1548 = vector.broadcast %squeeze3A_1534 : f32 to vector<16xf32>
        %mul3A_1549 = arith.mulf %mul3A_1548, %get3A_1547 : vector<16xf32>
        %add3A_1550 = arith.addf %add3A_1478, %mul3A_1549 : vector<16xf32>
        %slice3A_1551 = vector.extract_strided_slice %get3A_1064 {offsets = [11], sizes = [1], strides = [1]} : vector<16xf32> to vector<1xf32>
        %squeeze3A_1552 = vector.extract %slice3A_1551[0] : f32 from vector<1xf32>
        %get3A_1553 = arith.constant 27 : i32
        %get3A_1554 = arith.index_cast %get3A_1553 : i32 to index
        %get3A_1555 = arith.constant 0 : index
        %get3A_1556 = tpu.vector_load %arg12[%get3A_1554, %get3A_1555] {strides = array<i32>} : memref<32x32xf32, #tpu.memory_space<vmem>>, vector<1x16xf32>,
        %get3A_1557 = vector.shape_cast %get3A_1556 : vector<1x16xf32> to vector<16xf32>
        %mul3A_1558 = vector.broadcast %squeeze3A_1552 : f32 to vector<16xf32>
        %mul3A_1559 = arith.mulf %mul3A_1558, %get3A_1557 : vector<16xf32>
        %add3A_1560 = arith.addf %add3A_1488, %mul3A_1559 : vector<16xf32>
        %get3A_1561 = arith.constant 27 : i32
        %get3A_1562 = arith.index_cast %get3A_1561 : i32 to index
        %get3A_1563 = arith.constant 16 : index
        %get3A_1564 = tpu.vector_load %arg12[%get3A_1562, %get3A_1563] {strides = array<i32>} : memref<32x32xf32, #tpu.memory_space<vmem>>, vector<1x16xf32>,
        %get3A_1565 = vector.shape_cast %get3A_1564 : vector<1x16xf32> to vector<16xf32>
        %mul3A_1566 = vector.broadcast %squeeze3A_1552 : f32 to vector<16xf32>
        %mul3A_1567 = arith.mulf %mul3A_1566, %get3A_1565 : vector<16xf32>
        %add3A_1568 = arith.addf %add3A_1496, %mul3A_1567 : vector<16xf32>
        %slice3A_1569 = vector.extract_strided_slice %get3A_1064 {offsets = [12], sizes = [1], strides = [1]} : vector<16xf32> to vector<1xf32>
        %squeeze3A_1570 = vector.extract %slice3A_1569[0] : f32 from vector<1xf32>
        %get3A_1571 = arith.constant 28 : i32
        %get3A_1572 = arith.index_cast %get3A_1571 : i32 to index
        %get3A_1573 = arith.constant 0 : index
        %get3A_1574 = tpu.vector_load %arg12[%get3A_1572, %get3A_1573] {strides = array<i32>} : memref<32x32xf32, #tpu.memory_space<vmem>>, vector<1x16xf32>,
        %get3A_1575 = vector.shape_cast %get3A_1574 : vector<1x16xf32> to vector<16xf32>
        %mul3A_1576 = vector.broadcast %squeeze3A_1570 : f32 to vector<16xf32>
        %mul3A_1577 = arith.mulf %mul3A_1576, %get3A_1575 : vector<16xf32>
        %add3A_1578 = arith.addf %add3A_1506, %mul3A_1577 : vector<16xf32>
        %get3A_1579 = arith.constant 28 : i32
        %get3A_1580 = arith.index_cast %get3A_1579 : i32 to index
        %get3A_1581 = arith.constant 16 : index
        %get3A_1582 = tpu.vector_load %arg12[%get3A_1580, %get3A_1581] {strides = array<i32>} : memref<32x32xf32, #tpu.memory_space<vmem>>, vector<1x16xf32>,
        %get3A_1583 = vector.shape_cast %get3A_1582 : vector<1x16xf32> to vector<16xf32>
        %mul3A_1584 = vector.broadcast %squeeze3A_1570 : f32 to vector<16xf32>
        %mul3A_1585 = arith.mulf %mul3A_1584, %get3A_1583 : vector<16xf32>
        %add3A_1586 = arith.addf %add3A_1514, %mul3A_1585 : vector<16xf32>
        %slice3A_1587 = vector.extract_strided_slice %get3A_1064 {offsets = [13], sizes = [1], strides = [1]} : vector<16xf32> to vector<1xf32>
        %squeeze3A_1588 = vector.extract %slice3A_1587[0] : f32 from vector<1xf32>
        %get3A_1589 = arith.constant 29 : i32
        %get3A_1590 = arith.index_cast %get3A_1589 : i32 to index
        %get3A_1591 = arith.constant 0 : index
        %get3A_1592 = tpu.vector_load %arg12[%get3A_1590, %get3A_1591] {strides = array<i32>} : memref<32x32xf32, #tpu.memory_space<vmem>>, vector<1x16xf32>,
        %get3A_1593 = vector.shape_cast %get3A_1592 : vector<1x16xf32> to vector<16xf32>
        %mul3A_1594 = vector.broadcast %squeeze3A_1588 : f32 to vector<16xf32>
        %mul3A_1595 = arith.mulf %mul3A_1594, %get3A_1593 : vector<16xf32>
        %add3A_1596 = arith.addf %add3A_1524, %mul3A_1595 : vector<16xf32>
        %get3A_1597 = arith.constant 29 : i32
        %get3A_1598 = arith.index_cast %get3A_1597 : i32 to index
        %get3A_1599 = arith.constant 16 : index
        %get3A_1600 = tpu.vector_load %arg12[%get3A_1598, %get3A_1599] {strides = array<i32>} : memref<32x32xf32, #tpu.memory_space<vmem>>, vector<1x16xf32>,
        %get3A_1601 = vector.shape_cast %get3A_1600 : vector<1x16xf32> to vector<16xf32>
        %mul3A_1602 = vector.broadcast %squeeze3A_1588 : f32 to vector<16xf32>
        %mul3A_1603 = arith.mulf %mul3A_1602, %get3A_1601 : vector<16xf32>
        %add3A_1604 = arith.addf %add3A_1532, %mul3A_1603 : vector<16xf32>
        %slice3A_1605 = vector.extract_strided_slice %get3A_1064 {offsets = [14], sizes = [1], strides = [1]} : vector<16xf32> to vector<1xf32>
        %squeeze3A_1606 = vector.extract %slice3A_1605[0] : f32 from vector<1xf32>
        %get3A_1607 = arith.constant 30 : i32
        %get3A_1608 = arith.index_cast %get3A_1607 : i32 to index
        %get3A_1609 = arith.constant 0 : index
        %get3A_1610 = tpu.vector_load %arg12[%get3A_1608, %get3A_1609] {strides = array<i32>} : memref<32x32xf32, #tpu.memory_space<vmem>>, vector<1x16xf32>,
        %get3A_1611 = vector.shape_cast %get3A_1610 : vector<1x16xf32> to vector<16xf32>
        %mul3A_1612 = vector.broadcast %squeeze3A_1606 : f32 to vector<16xf32>
        %mul3A_1613 = arith.mulf %mul3A_1612, %get3A_1611 : vector<16xf32>
        %add3A_1614 = arith.addf %add3A_1542, %mul3A_1613 : vector<16xf32>
        %get3A_1615 = arith.constant 30 : i32
        %get3A_1616 = arith.index_cast %get3A_1615 : i32 to index
        %get3A_1617 = arith.constant 16 : index
        %get3A_1618 = tpu.vector_load %arg12[%get3A_1616, %get3A_1617] {strides = array<i32>} : memref<32x32xf32, #tpu.memory_space<vmem>>, vector<1x16xf32>,
        %get3A_1619 = vector.shape_cast %get3A_1618 : vector<1x16xf32> to vector<16xf32>
        %mul3A_1620 = vector.broadcast %squeeze3A_1606 : f32 to vector<16xf32>
        %mul3A_1621 = arith.mulf %mul3A_1620, %get3A_1619 : vector<16xf32>
        %add3A_1622 = arith.addf %add3A_1550, %mul3A_1621 : vector<16xf32>
        %slice3A_1623 = vector.extract_strided_slice %get3A_1064 {offsets = [15], sizes = [1], strides = [1]} : vector<16xf32> to vector<1xf32>
        %squeeze3A_1624 = vector.extract %slice3A_1623[0] : f32 from vector<1xf32>
        %get3A_1625 = arith.constant 31 : i32
        %get3A_1626 = arith.index_cast %get3A_1625 : i32 to index
        %get3A_1627 = arith.constant 0 : index
        %get3A_1628 = tpu.vector_load %arg12[%get3A_1626, %get3A_1627] {strides = array<i32>} : memref<32x32xf32, #tpu.memory_space<vmem>>, vector<1x16xf32>,
        %get3A_1629 = vector.shape_cast %get3A_1628 : vector<1x16xf32> to vector<16xf32>
        %mul3A_1630 = vector.broadcast %squeeze3A_1624 : f32 to vector<16xf32>
        %mul3A_1631 = arith.mulf %mul3A_1630, %get3A_1629 : vector<16xf32>
        %add3A_1632 = arith.addf %add3A_1560, %mul3A_1631 : vector<16xf32>
        %get3A_1633 = arith.constant 31 : i32
        %get3A_1634 = arith.index_cast %get3A_1633 : i32 to index
        %get3A_1635 = arith.constant 16 : index
        %get3A_1636 = tpu.vector_load %arg12[%get3A_1634, %get3A_1635] {strides = array<i32>} : memref<32x32xf32, #tpu.memory_space<vmem>>, vector<1x16xf32>,
        %get3A_1637 = vector.shape_cast %get3A_1636 : vector<1x16xf32> to vector<16xf32>
        %mul3A_1638 = vector.broadcast %squeeze3A_1624 : f32 to vector<16xf32>
        %mul3A_1639 = arith.mulf %mul3A_1638, %get3A_1637 : vector<16xf32>
        %add3A_1640 = arith.addf %add3A_1568, %mul3A_1639 : vector<16xf32>
        %add3A_1641 = arith.addf %add3A_1578, %add3A_1596 : vector<16xf32>
        %add3A_1642 = arith.addf %add3A_1614, %add3A_1632 : vector<16xf32>
        %add3A_1643 = arith.addf %add3A_1641, %add3A_1642 : vector<16xf32>
        %add3A_1644 = arith.addf %add3A_1586, %add3A_1604 : vector<16xf32>
        %add3A_1645 = arith.addf %add3A_1622, %add3A_1640 : vector<16xf32>
        %add3A_1646 = arith.addf %add3A_1644, %add3A_1645 : vector<16xf32>
        %get3A_1647 = arith.index_cast %scan3A_423 : i32 to index
        %get3A_1648 = arith.constant 32 : index
        %get3A_1649 = tpu.vector_load %arg8[%get3A_1647, %get3A_1648] {strides = array<i32>} : memref<128x64xf32, #tpu.memory_space<vmem>>, vector<1x16xf32>,
        %get3A_1650 = vector.shape_cast %get3A_1649 : vector<1x16xf32> to vector<16xf32>
        %sub3A_1651 = arith.subf %get3A_1650, %add3A_1643 : vector<16xf32>
        %get3A_1652 = arith.index_cast %scan3A_423 : i32 to index
        %get3A_1653 = arith.constant 48 : index
        %get3A_1654 = tpu.vector_load %arg8[%get3A_1652, %get3A_1653] {strides = array<i32>} : memref<128x64xf32, #tpu.memory_space<vmem>>, vector<1x16xf32>,
        %get3A_1655 = vector.shape_cast %get3A_1654 : vector<1x16xf32> to vector<16xf32>
        %sub3A_1656 = arith.subf %get3A_1655, %add3A_1646 : vector<16xf32>
        %get3A_1657 = arith.index_cast %scan3A_423 : i32 to index
        %get3A_1658 = arith.constant 0 : index
        %get3A_1659 = tpu.vector_load %arg9[%get3A_1657, %get3A_1658] {strides = array<i32>} : memref<128x32xf32, #tpu.memory_space<vmem>>, vector<1x16xf32>,
        %get3A_1660 = vector.shape_cast %get3A_1659 : vector<1x16xf32> to vector<16xf32>
        %get3A_1661 = arith.index_cast %scan3A_423 : i32 to index
        %get3A_1662 = arith.constant 16 : index
        %get3A_1663 = tpu.vector_load %arg9[%get3A_1661, %get3A_1662] {strides = array<i32>} : memref<128x32xf32, #tpu.memory_space<vmem>>, vector<1x16xf32>,
        %get3A_1664 = vector.shape_cast %get3A_1663 : vector<1x16xf32> to vector<16xf32>
        %slice3A_1665 = vector.extract_strided_slice %get3A_1060 {offsets = [0], sizes = [1], strides = [1]} : vector<16xf32> to vector<1xf32>
        %squeeze3A_1666 = vector.extract %slice3A_1665[0] : f32 from vector<1xf32>
        %get3A_1667 = arith.constant 0 : i32
        %get3A_1668 = arith.index_cast %get3A_1667 : i32 to index
        %get3A_1669 = arith.constant 0 : index
        %get3A_1670 = tpu.vector_load %arg12[%get3A_1668, %get3A_1669] {strides = array<i32>} : memref<32x32xf32, #tpu.memory_space<vmem>>, vector<1x16xf32>,
        %get3A_1671 = vector.shape_cast %get3A_1670 : vector<1x16xf32> to vector<16xf32>
        %mul3A_1672 = arith.mulf %get3A_1660, %get3A_1671 : vector<16xf32>
        %mul3A_1673 = vector.broadcast %squeeze3A_1666 : f32 to vector<16xf32>
        %mul3A_1674 = arith.mulf %mul3A_1673, %sub3A_1651 : vector<16xf32>
        %add3A_1675 = arith.addf %mul3A_1672, %mul3A_1674 : vector<16xf32>
        %get3A_1676 = arith.constant 0 : i32
        %get3A_1677 = arith.index_cast %get3A_1676 : i32 to index
        %get3A_1678 = arith.constant 16 : index
        %get3A_1679 = tpu.vector_load %arg12[%get3A_1677, %get3A_1678] {strides = array<i32>} : memref<32x32xf32, #tpu.memory_space<vmem>>, vector<1x16xf32>,
        %get3A_1680 = vector.shape_cast %get3A_1679 : vector<1x16xf32> to vector<16xf32>
        %mul3A_1681 = arith.mulf %get3A_1664, %get3A_1680 : vector<16xf32>
        %mul3A_1682 = vector.broadcast %squeeze3A_1666 : f32 to vector<16xf32>
        %mul3A_1683 = arith.mulf %mul3A_1682, %sub3A_1656 : vector<16xf32>
        %add3A_1684 = arith.addf %mul3A_1681, %mul3A_1683 : vector<16xf32>
        %add3A_1685 = arith.addf %add3A_1675, %add3A_1675 : vector<16xf32>
        %exp3A_1686 = math.exp %add3A_1685 : vector<16xf32>
        %add3A_1687 = arith.addf %add3A_1684, %add3A_1684 : vector<16xf32>
        %exp3A_1688 = math.exp %add3A_1687 : vector<16xf32>
        %add3A_1689 = arith.constant 1.000000e+00 : f32
        %add3A_1690 = vector.broadcast %add3A_1689 : f32 to vector<16xf32>
        %add3A_1691 = arith.addf %exp3A_1686, %add3A_1690 : vector<16xf32>
        %div3A_1692 = arith.constant 2.000000e+00 : f32
        %div3A_1693 = vector.broadcast %div3A_1692 : f32 to vector<16xf32>
        %div3A_1694 = arith.divf %div3A_1693, %add3A_1691 : vector<16xf32>
        %sub3A_1695 = arith.constant 1.000000e+00 : f32
        %sub3A_1696 = vector.broadcast %sub3A_1695 : f32 to vector<16xf32>
        %sub3A_1697 = arith.subf %sub3A_1696, %div3A_1694 : vector<16xf32>
        %swap3A_1698 = arith.constant 0 : i32
        %swap3A_1699 = arith.index_cast %swap3A_1698 : i32 to index
        %swap3A_1700 = arith.constant 0 : index
        %swap3A_1701 = tpu.vector_load %arg12[%swap3A_1699, %swap3A_1700] {strides = array<i32>} : memref<32x32xf32, #tpu.memory_space<vmem>>, vector<1x16xf32>,
        %swap3A_1702 = vector.shape_cast %swap3A_1701 : vector<1x16xf32> to vector<16xf32>
        %swap3A_1703 = vector.shape_cast %sub3A_1697 : vector<16xf32> to vector<1x16xf32>
        tpu.vector_store %arg12[%swap3A_1699, %swap3A_1700], %swap3A_1703 {strides = array<i32>} : memref<32x32xf32, #tpu.memory_space<vmem>>, vector<1x16xf32>,
        %add3A_1704 = arith.constant 1.000000e+00 : f32
        %add3A_1705 = vector.broadcast %add3A_1704 : f32 to vector<16xf32>
        %add3A_1706 = arith.addf %exp3A_1688, %add3A_1705 : vector<16xf32>
        %div3A_1707 = arith.constant 2.000000e+00 : f32
        %div3A_1708 = vector.broadcast %div3A_1707 : f32 to vector<16xf32>
        %div3A_1709 = arith.divf %div3A_1708, %add3A_1706 : vector<16xf32>
        %sub3A_1710 = arith.constant 1.000000e+00 : f32
        %sub3A_1711 = vector.broadcast %sub3A_1710 : f32 to vector<16xf32>
        %sub3A_1712 = arith.subf %sub3A_1711, %div3A_1709 : vector<16xf32>
        %swap3A_1713 = arith.constant 0 : i32
        %swap3A_1714 = arith.index_cast %swap3A_1713 : i32 to index
        %swap3A_1715 = arith.constant 16 : index
        %swap3A_1716 = tpu.vector_load %arg12[%swap3A_1714, %swap3A_1715] {strides = array<i32>} : memref<32x32xf32, #tpu.memory_space<vmem>>, vector<1x16xf32>,
        %swap3A_1717 = vector.shape_cast %swap3A_1716 : vector<1x16xf32> to vector<16xf32>
        %swap3A_1718 = vector.shape_cast %sub3A_1712 : vector<16xf32> to vector<1x16xf32>
        tpu.vector_store %arg12[%swap3A_1714, %swap3A_1715], %swap3A_1718 {strides = array<i32>} : memref<32x32xf32, #tpu.memory_space<vmem>>, vector<1x16xf32>,
        %slice3A_1719 = vector.extract_strided_slice %get3A_1060 {offsets = [1], sizes = [1], strides = [1]} : vector<16xf32> to vector<1xf32>
        %squeeze3A_1720 = vector.extract %slice3A_1719[0] : f32 from vector<1xf32>
        %get3A_1721 = arith.constant 1 : i32
        %get3A_1722 = arith.index_cast %get3A_1721 : i32 to index
        %get3A_1723 = arith.constant 0 : index
        %get3A_1724 = tpu.vector_load %arg12[%get3A_1722, %get3A_1723] {strides = array<i32>} : memref<32x32xf32, #tpu.memory_space<vmem>>, vector<1x16xf32>,
        %get3A_1725 = vector.shape_cast %get3A_1724 : vector<1x16xf32> to vector<16xf32>
        %mul3A_1726 = arith.mulf %get3A_1660, %get3A_1725 : vector<16xf32>
        %mul3A_1727 = vector.broadcast %squeeze3A_1720 : f32 to vector<16xf32>
        %mul3A_1728 = arith.mulf %mul3A_1727, %sub3A_1651 : vector<16xf32>
        %add3A_1729 = arith.addf %mul3A_1726, %mul3A_1728 : vector<16xf32>
        %get3A_1730 = arith.constant 1 : i32
        %get3A_1731 = arith.index_cast %get3A_1730 : i32 to index
        %get3A_1732 = arith.constant 16 : index
        %get3A_1733 = tpu.vector_load %arg12[%get3A_1731, %get3A_1732] {strides = array<i32>} : memref<32x32xf32, #tpu.memory_space<vmem>>, vector<1x16xf32>,
        %get3A_1734 = vector.shape_cast %get3A_1733 : vector<1x16xf32> to vector<16xf32>
        %mul3A_1735 = arith.mulf %get3A_1664, %get3A_1734 : vector<16xf32>
        %mul3A_1736 = vector.broadcast %squeeze3A_1720 : f32 to vector<16xf32>
        %mul3A_1737 = arith.mulf %mul3A_1736, %sub3A_1656 : vector<16xf32>
        %add3A_1738 = arith.addf %mul3A_1735, %mul3A_1737 : vector<16xf32>
        %add3A_1739 = arith.addf %add3A_1729, %add3A_1729 : vector<16xf32>
        %exp3A_1740 = math.exp %add3A_1739 : vector<16xf32>
        %add3A_1741 = arith.addf %add3A_1738, %add3A_1738 : vector<16xf32>
        %exp3A_1742 = math.exp %add3A_1741 : vector<16xf32>
        %add3A_1743 = arith.constant 1.000000e+00 : f32
        %add3A_1744 = vector.broadcast %add3A_1743 : f32 to vector<16xf32>
        %add3A_1745 = arith.addf %exp3A_1740, %add3A_1744 : vector<16xf32>
        %div3A_1746 = arith.constant 2.000000e+00 : f32
        %div3A_1747 = vector.broadcast %div3A_1746 : f32 to vector<16xf32>
        %div3A_1748 = arith.divf %div3A_1747, %add3A_1745 : vector<16xf32>
        %sub3A_1749 = arith.constant 1.000000e+00 : f32
        %sub3A_1750 = vector.broadcast %sub3A_1749 : f32 to vector<16xf32>
        %sub3A_1751 = arith.subf %sub3A_1750, %div3A_1748 : vector<16xf32>
        %swap3A_1752 = arith.constant 1 : i32
        %swap3A_1753 = arith.index_cast %swap3A_1752 : i32 to index
        %swap3A_1754 = arith.constant 0 : index
        %swap3A_1755 = tpu.vector_load %arg12[%swap3A_1753, %swap3A_1754] {strides = array<i32>} : memref<32x32xf32, #tpu.memory_space<vmem>>, vector<1x16xf32>,
        %swap3A_1756 = vector.shape_cast %swap3A_1755 : vector<1x16xf32> to vector<16xf32>
        %swap3A_1757 = vector.shape_cast %sub3A_1751 : vector<16xf32> to vector<1x16xf32>
        tpu.vector_store %arg12[%swap3A_1753, %swap3A_1754], %swap3A_1757 {strides = array<i32>} : memref<32x32xf32, #tpu.memory_space<vmem>>, vector<1x16xf32>,
        %add3A_1758 = arith.constant 1.000000e+00 : f32
        %add3A_1759 = vector.broadcast %add3A_1758 : f32 to vector<16xf32>
        %add3A_1760 = arith.addf %exp3A_1742, %add3A_1759 : vector<16xf32>
        %div3A_1761 = arith.constant 2.000000e+00 : f32
        %div3A_1762 = vector.broadcast %div3A_1761 : f32 to vector<16xf32>
        %div3A_1763 = arith.divf %div3A_1762, %add3A_1760 : vector<16xf32>
        %sub3A_1764 = arith.constant 1.000000e+00 : f32
        %sub3A_1765 = vector.broadcast %sub3A_1764 : f32 to vector<16xf32>
        %sub3A_1766 = arith.subf %sub3A_1765, %div3A_1763 : vector<16xf32>
        %swap3A_1767 = arith.constant 1 : i32
        %swap3A_1768 = arith.index_cast %swap3A_1767 : i32 to index
        %swap3A_1769 = arith.constant 16 : index
        %swap3A_1770 = tpu.vector_load %arg12[%swap3A_1768, %swap3A_1769] {strides = array<i32>} : memref<32x32xf32, #tpu.memory_space<vmem>>, vector<1x16xf32>,
        %swap3A_1771 = vector.shape_cast %swap3A_1770 : vector<1x16xf32> to vector<16xf32>
        %swap3A_1772 = vector.shape_cast %sub3A_1766 : vector<16xf32> to vector<1x16xf32>
        tpu.vector_store %arg12[%swap3A_1768, %swap3A_1769], %swap3A_1772 {strides = array<i32>} : memref<32x32xf32, #tpu.memory_space<vmem>>, vector<1x16xf32>,
        %slice3A_1773 = vector.extract_strided_slice %get3A_1060 {offsets = [2], sizes = [1], strides = [1]} : vector<16xf32> to vector<1xf32>
        %squeeze3A_1774 = vector.extract %slice3A_1773[0] : f32 from vector<1xf32>
        %get3A_1775 = arith.constant 2 : i32
        %get3A_1776 = arith.index_cast %get3A_1775 : i32 to index
        %get3A_1777 = arith.constant 0 : index
        %get3A_1778 = tpu.vector_load %arg12[%get3A_1776, %get3A_1777] {strides = array<i32>} : memref<32x32xf32, #tpu.memory_space<vmem>>, vector<1x16xf32>,
        %get3A_1779 = vector.shape_cast %get3A_1778 : vector<1x16xf32> to vector<16xf32>
        %mul3A_1780 = arith.mulf %get3A_1660, %get3A_1779 : vector<16xf32>
        %mul3A_1781 = vector.broadcast %squeeze3A_1774 : f32 to vector<16xf32>
        %mul3A_1782 = arith.mulf %mul3A_1781, %sub3A_1651 : vector<16xf32>
        %add3A_1783 = arith.addf %mul3A_1780, %mul3A_1782 : vector<16xf32>
        %get3A_1784 = arith.constant 2 : i32
        %get3A_1785 = arith.index_cast %get3A_1784 : i32 to index
        %get3A_1786 = arith.constant 16 : index
        %get3A_1787 = tpu.vector_load %arg12[%get3A_1785, %get3A_1786] {strides = array<i32>} : memref<32x32xf32, #tpu.memory_space<vmem>>, vector<1x16xf32>,
        %get3A_1788 = vector.shape_cast %get3A_1787 : vector<1x16xf32> to vector<16xf32>
        %mul3A_1789 = arith.mulf %get3A_1664, %get3A_1788 : vector<16xf32>
        %mul3A_1790 = vector.broadcast %squeeze3A_1774 : f32 to vector<16xf32>
        %mul3A_1791 = arith.mulf %mul3A_1790, %sub3A_1656 : vector<16xf32>
        %add3A_1792 = arith.addf %mul3A_1789, %mul3A_1791 : vector<16xf32>
        %add3A_1793 = arith.addf %add3A_1783, %add3A_1783 : vector<16xf32>
        %exp3A_1794 = math.exp %add3A_1793 : vector<16xf32>
        %add3A_1795 = arith.addf %add3A_1792, %add3A_1792 : vector<16xf32>
        %exp3A_1796 = math.exp %add3A_1795 : vector<16xf32>
        %add3A_1797 = arith.constant 1.000000e+00 : f32
        %add3A_1798 = vector.broadcast %add3A_1797 : f32 to vector<16xf32>
        %add3A_1799 = arith.addf %exp3A_1794, %add3A_1798 : vector<16xf32>
        %div3A_1800 = arith.constant 2.000000e+00 : f32
        %div3A_1801 = vector.broadcast %div3A_1800 : f32 to vector<16xf32>
        %div3A_1802 = arith.divf %div3A_1801, %add3A_1799 : vector<16xf32>
        %sub3A_1803 = arith.constant 1.000000e+00 : f32
        %sub3A_1804 = vector.broadcast %sub3A_1803 : f32 to vector<16xf32>
        %sub3A_1805 = arith.subf %sub3A_1804, %div3A_1802 : vector<16xf32>
        %swap3A_1806 = arith.constant 2 : i32
        %swap3A_1807 = arith.index_cast %swap3A_1806 : i32 to index
        %swap3A_1808 = arith.constant 0 : index
        %swap3A_1809 = tpu.vector_load %arg12[%swap3A_1807, %swap3A_1808] {strides = array<i32>} : memref<32x32xf32, #tpu.memory_space<vmem>>, vector<1x16xf32>,
        %swap3A_1810 = vector.shape_cast %swap3A_1809 : vector<1x16xf32> to vector<16xf32>
        %swap3A_1811 = vector.shape_cast %sub3A_1805 : vector<16xf32> to vector<1x16xf32>
        tpu.vector_store %arg12[%swap3A_1807, %swap3A_1808], %swap3A_1811 {strides = array<i32>} : memref<32x32xf32, #tpu.memory_space<vmem>>, vector<1x16xf32>,
        %add3A_1812 = arith.constant 1.000000e+00 : f32
        %add3A_1813 = vector.broadcast %add3A_1812 : f32 to vector<16xf32>
        %add3A_1814 = arith.addf %exp3A_1796, %add3A_1813 : vector<16xf32>
        %div3A_1815 = arith.constant 2.000000e+00 : f32
        %div3A_1816 = vector.broadcast %div3A_1815 : f32 to vector<16xf32>
        %div3A_1817 = arith.divf %div3A_1816, %add3A_1814 : vector<16xf32>
        %sub3A_1818 = arith.constant 1.000000e+00 : f32
        %sub3A_1819 = vector.broadcast %sub3A_1818 : f32 to vector<16xf32>
        %sub3A_1820 = arith.subf %sub3A_1819, %div3A_1817 : vector<16xf32>
        %swap3A_1821 = arith.constant 2 : i32
        %swap3A_1822 = arith.index_cast %swap3A_1821 : i32 to index
        %swap3A_1823 = arith.constant 16 : index
        %swap3A_1824 = tpu.vector_load %arg12[%swap3A_1822, %swap3A_1823] {strides = array<i32>} : memref<32x32xf32, #tpu.memory_space<vmem>>, vector<1x16xf32>,
        %swap3A_1825 = vector.shape_cast %swap3A_1824 : vector<1x16xf32> to vector<16xf32>
        %swap3A_1826 = vector.shape_cast %sub3A_1820 : vector<16xf32> to vector<1x16xf32>
        tpu.vector_store %arg12[%swap3A_1822, %swap3A_1823], %swap3A_1826 {strides = array<i32>} : memref<32x32xf32, #tpu.memory_space<vmem>>, vector<1x16xf32>,
        %slice3A_1827 = vector.extract_strided_slice %get3A_1060 {offsets = [3], sizes = [1], strides = [1]} : vector<16xf32> to vector<1xf32>
        %squeeze3A_1828 = vector.extract %slice3A_1827[0] : f32 from vector<1xf32>
        %get3A_1829 = arith.constant 3 : i32
        %get3A_1830 = arith.index_cast %get3A_1829 : i32 to index
        %get3A_1831 = arith.constant 0 : index
        %get3A_1832 = tpu.vector_load %arg12[%get3A_1830, %get3A_1831] {strides = array<i32>} : memref<32x32xf32, #tpu.memory_space<vmem>>, vector<1x16xf32>,
        %get3A_1833 = vector.shape_cast %get3A_1832 : vector<1x16xf32> to vector<16xf32>
        %mul3A_1834 = arith.mulf %get3A_1660, %get3A_1833 : vector<16xf32>
        %mul3A_1835 = vector.broadcast %squeeze3A_1828 : f32 to vector<16xf32>
        %mul3A_1836 = arith.mulf %mul3A_1835, %sub3A_1651 : vector<16xf32>
        %add3A_1837 = arith.addf %mul3A_1834, %mul3A_1836 : vector<16xf32>
        %get3A_1838 = arith.constant 3 : i32
        %get3A_1839 = arith.index_cast %get3A_1838 : i32 to index
        %get3A_1840 = arith.constant 16 : index
        %get3A_1841 = tpu.vector_load %arg12[%get3A_1839, %get3A_1840] {strides = array<i32>} : memref<32x32xf32, #tpu.memory_space<vmem>>, vector<1x16xf32>,
        %get3A_1842 = vector.shape_cast %get3A_1841 : vector<1x16xf32> to vector<16xf32>
        %mul3A_1843 = arith.mulf %get3A_1664, %get3A_1842 : vector<16xf32>
        %mul3A_1844 = vector.broadcast %squeeze3A_1828 : f32 to vector<16xf32>
        %mul3A_1845 = arith.mulf %mul3A_1844, %sub3A_1656 : vector<16xf32>
        %add3A_1846 = arith.addf %mul3A_1843, %mul3A_1845 : vector<16xf32>
        %add3A_1847 = arith.addf %add3A_1837, %add3A_1837 : vector<16xf32>
        %exp3A_1848 = math.exp %add3A_1847 : vector<16xf32>
        %add3A_1849 = arith.addf %add3A_1846, %add3A_1846 : vector<16xf32>
        %exp3A_1850 = math.exp %add3A_1849 : vector<16xf32>
        %add3A_1851 = arith.constant 1.000000e+00 : f32
        %add3A_1852 = vector.broadcast %add3A_1851 : f32 to vector<16xf32>
        %add3A_1853 = arith.addf %exp3A_1848, %add3A_1852 : vector<16xf32>
        %div3A_1854 = arith.constant 2.000000e+00 : f32
        %div3A_1855 = vector.broadcast %div3A_1854 : f32 to vector<16xf32>
        %div3A_1856 = arith.divf %div3A_1855, %add3A_1853 : vector<16xf32>
        %sub3A_1857 = arith.constant 1.000000e+00 : f32
        %sub3A_1858 = vector.broadcast %sub3A_1857 : f32 to vector<16xf32>
        %sub3A_1859 = arith.subf %sub3A_1858, %div3A_1856 : vector<16xf32>
        %swap3A_1860 = arith.constant 3 : i32
        %swap3A_1861 = arith.index_cast %swap3A_1860 : i32 to index
        %swap3A_1862 = arith.constant 0 : index
        %swap3A_1863 = tpu.vector_load %arg12[%swap3A_1861, %swap3A_1862] {strides = array<i32>} : memref<32x32xf32, #tpu.memory_space<vmem>>, vector<1x16xf32>,
        %swap3A_1864 = vector.shape_cast %swap3A_1863 : vector<1x16xf32> to vector<16xf32>
        %swap3A_1865 = vector.shape_cast %sub3A_1859 : vector<16xf32> to vector<1x16xf32>
        tpu.vector_store %arg12[%swap3A_1861, %swap3A_1862], %swap3A_1865 {strides = array<i32>} : memref<32x32xf32, #tpu.memory_space<vmem>>, vector<1x16xf32>,
        %add3A_1866 = arith.constant 1.000000e+00 : f32
        %add3A_1867 = vector.broadcast %add3A_1866 : f32 to vector<16xf32>
        %add3A_1868 = arith.addf %exp3A_1850, %add3A_1867 : vector<16xf32>
        %div3A_1869 = arith.constant 2.000000e+00 : f32
        %div3A_1870 = vector.broadcast %div3A_1869 : f32 to vector<16xf32>
        %div3A_1871 = arith.divf %div3A_1870, %add3A_1868 : vector<16xf32>
        %sub3A_1872 = arith.constant 1.000000e+00 : f32
        %sub3A_1873 = vector.broadcast %sub3A_1872 : f32 to vector<16xf32>
        %sub3A_1874 = arith.subf %sub3A_1873, %div3A_1871 : vector<16xf32>
        %swap3A_1875 = arith.constant 3 : i32
        %swap3A_1876 = arith.index_cast %swap3A_1875 : i32 to index
        %swap3A_1877 = arith.constant 16 : index
        %swap3A_1878 = tpu.vector_load %arg12[%swap3A_1876, %swap3A_1877] {strides = array<i32>} : memref<32x32xf32, #tpu.memory_space<vmem>>, vector<1x16xf32>,
        %swap3A_1879 = vector.shape_cast %swap3A_1878 : vector<1x16xf32> to vector<16xf32>
        %swap3A_1880 = vector.shape_cast %sub3A_1874 : vector<16xf32> to vector<1x16xf32>
        tpu.vector_store %arg12[%swap3A_1876, %swap3A_1877], %swap3A_1880 {strides = array<i32>} : memref<32x32xf32, #tpu.memory_space<vmem>>, vector<1x16xf32>,
        %slice3A_1881 = vector.extract_strided_slice %get3A_1060 {offsets = [4], sizes = [1], strides = [1]} : vector<16xf32> to vector<1xf32>
        %squeeze3A_1882 = vector.extract %slice3A_1881[0] : f32 from vector<1xf32>
        %get3A_1883 = arith.constant 4 : i32
        %get3A_1884 = arith.index_cast %get3A_1883 : i32 to index
        %get3A_1885 = arith.constant 0 : index
        %get3A_1886 = tpu.vector_load %arg12[%get3A_1884, %get3A_1885] {strides = array<i32>} : memref<32x32xf32, #tpu.memory_space<vmem>>, vector<1x16xf32>,
        %get3A_1887 = vector.shape_cast %get3A_1886 : vector<1x16xf32> to vector<16xf32>
        %mul3A_1888 = arith.mulf %get3A_1660, %get3A_1887 : vector<16xf32>
        %mul3A_1889 = vector.broadcast %squeeze3A_1882 : f32 to vector<16xf32>
        %mul3A_1890 = arith.mulf %mul3A_1889, %sub3A_1651 : vector<16xf32>
        %add3A_1891 = arith.addf %mul3A_1888, %mul3A_1890 : vector<16xf32>
        %get3A_1892 = arith.constant 4 : i32
        %get3A_1893 = arith.index_cast %get3A_1892 : i32 to index
        %get3A_1894 = arith.constant 16 : index
        %get3A_1895 = tpu.vector_load %arg12[%get3A_1893, %get3A_1894] {strides = array<i32>} : memref<32x32xf32, #tpu.memory_space<vmem>>, vector<1x16xf32>,
        %get3A_1896 = vector.shape_cast %get3A_1895 : vector<1x16xf32> to vector<16xf32>
        %mul3A_1897 = arith.mulf %get3A_1664, %get3A_1896 : vector<16xf32>
        %mul3A_1898 = vector.broadcast %squeeze3A_1882 : f32 to vector<16xf32>
        %mul3A_1899 = arith.mulf %mul3A_1898, %sub3A_1656 : vector<16xf32>
        %add3A_1900 = arith.addf %mul3A_1897, %mul3A_1899 : vector<16xf32>
        %add3A_1901 = arith.addf %add3A_1891, %add3A_1891 : vector<16xf32>
        %exp3A_1902 = math.exp %add3A_1901 : vector<16xf32>
        %add3A_1903 = arith.addf %add3A_1900, %add3A_1900 : vector<16xf32>
        %exp3A_1904 = math.exp %add3A_1903 : vector<16xf32>
        %add3A_1905 = arith.constant 1.000000e+00 : f32
        %add3A_1906 = vector.broadcast %add3A_1905 : f32 to vector<16xf32>
        %add3A_1907 = arith.addf %exp3A_1902, %add3A_1906 : vector<16xf32>
        %div3A_1908 = arith.constant 2.000000e+00 : f32
        %div3A_1909 = vector.broadcast %div3A_1908 : f32 to vector<16xf32>
        %div3A_1910 = arith.divf %div3A_1909, %add3A_1907 : vector<16xf32>
        %sub3A_1911 = arith.constant 1.000000e+00 : f32
        %sub3A_1912 = vector.broadcast %sub3A_1911 : f32 to vector<16xf32>
        %sub3A_1913 = arith.subf %sub3A_1912, %div3A_1910 : vector<16xf32>
        %swap3A_1914 = arith.constant 4 : i32
        %swap3A_1915 = arith.index_cast %swap3A_1914 : i32 to index
        %swap3A_1916 = arith.constant 0 : index
        %swap3A_1917 = tpu.vector_load %arg12[%swap3A_1915, %swap3A_1916] {strides = array<i32>} : memref<32x32xf32, #tpu.memory_space<vmem>>, vector<1x16xf32>,
        %swap3A_1918 = vector.shape_cast %swap3A_1917 : vector<1x16xf32> to vector<16xf32>
        %swap3A_1919 = vector.shape_cast %sub3A_1913 : vector<16xf32> to vector<1x16xf32>
        tpu.vector_store %arg12[%swap3A_1915, %swap3A_1916], %swap3A_1919 {strides = array<i32>} : memref<32x32xf32, #tpu.memory_space<vmem>>, vector<1x16xf32>,
        %add3A_1920 = arith.constant 1.000000e+00 : f32
        %add3A_1921 = vector.broadcast %add3A_1920 : f32 to vector<16xf32>
        %add3A_1922 = arith.addf %exp3A_1904, %add3A_1921 : vector<16xf32>
        %div3A_1923 = arith.constant 2.000000e+00 : f32
        %div3A_1924 = vector.broadcast %div3A_1923 : f32 to vector<16xf32>
        %div3A_1925 = arith.divf %div3A_1924, %add3A_1922 : vector<16xf32>
        %sub3A_1926 = arith.constant 1.000000e+00 : f32
        %sub3A_1927 = vector.broadcast %sub3A_1926 : f32 to vector<16xf32>
        %sub3A_1928 = arith.subf %sub3A_1927, %div3A_1925 : vector<16xf32>
        %swap3A_1929 = arith.constant 4 : i32
        %swap3A_1930 = arith.index_cast %swap3A_1929 : i32 to index
        %swap3A_1931 = arith.constant 16 : index
        %swap3A_1932 = tpu.vector_load %arg12[%swap3A_1930, %swap3A_1931] {strides = array<i32>} : memref<32x32xf32, #tpu.memory_space<vmem>>, vector<1x16xf32>,
        %swap3A_1933 = vector.shape_cast %swap3A_1932 : vector<1x16xf32> to vector<16xf32>
        %swap3A_1934 = vector.shape_cast %sub3A_1928 : vector<16xf32> to vector<1x16xf32>
        tpu.vector_store %arg12[%swap3A_1930, %swap3A_1931], %swap3A_1934 {strides = array<i32>} : memref<32x32xf32, #tpu.memory_space<vmem>>, vector<1x16xf32>,
        %slice3A_1935 = vector.extract_strided_slice %get3A_1060 {offsets = [5], sizes = [1], strides = [1]} : vector<16xf32> to vector<1xf32>
        %squeeze3A_1936 = vector.extract %slice3A_1935[0] : f32 from vector<1xf32>
        %get3A_1937 = arith.constant 5 : i32
        %get3A_1938 = arith.index_cast %get3A_1937 : i32 to index
        %get3A_1939 = arith.constant 0 : index
        %get3A_1940 = tpu.vector_load %arg12[%get3A_1938, %get3A_1939] {strides = array<i32>} : memref<32x32xf32, #tpu.memory_space<vmem>>, vector<1x16xf32>,
        %get3A_1941 = vector.shape_cast %get3A_1940 : vector<1x16xf32> to vector<16xf32>
        %mul3A_1942 = arith.mulf %get3A_1660, %get3A_1941 : vector<16xf32>
        %mul3A_1943 = vector.broadcast %squeeze3A_1936 : f32 to vector<16xf32>
        %mul3A_1944 = arith.mulf %mul3A_1943, %sub3A_1651 : vector<16xf32>
        %add3A_1945 = arith.addf %mul3A_1942, %mul3A_1944 : vector<16xf32>
        %get3A_1946 = arith.constant 5 : i32
        %get3A_1947 = arith.index_cast %get3A_1946 : i32 to index
        %get3A_1948 = arith.constant 16 : index
        %get3A_1949 = tpu.vector_load %arg12[%get3A_1947, %get3A_1948] {strides = array<i32>} : memref<32x32xf32, #tpu.memory_space<vmem>>, vector<1x16xf32>,
        %get3A_1950 = vector.shape_cast %get3A_1949 : vector<1x16xf32> to vector<16xf32>
        %mul3A_1951 = arith.mulf %get3A_1664, %get3A_1950 : vector<16xf32>
        %mul3A_1952 = vector.broadcast %squeeze3A_1936 : f32 to vector<16xf32>
        %mul3A_1953 = arith.mulf %mul3A_1952, %sub3A_1656 : vector<16xf32>
        %add3A_1954 = arith.addf %mul3A_1951, %mul3A_1953 : vector<16xf32>
        %add3A_1955 = arith.addf %add3A_1945, %add3A_1945 : vector<16xf32>
        %exp3A_1956 = math.exp %add3A_1955 : vector<16xf32>
        %add3A_1957 = arith.addf %add3A_1954, %add3A_1954 : vector<16xf32>
        %exp3A_1958 = math.exp %add3A_1957 : vector<16xf32>
        %add3A_1959 = arith.constant 1.000000e+00 : f32
        %add3A_1960 = vector.broadcast %add3A_1959 : f32 to vector<16xf32>
        %add3A_1961 = arith.addf %exp3A_1956, %add3A_1960 : vector<16xf32>
        %div3A_1962 = arith.constant 2.000000e+00 : f32
        %div3A_1963 = vector.broadcast %div3A_1962 : f32 to vector<16xf32>
        %div3A_1964 = arith.divf %div3A_1963, %add3A_1961 : vector<16xf32>
        %sub3A_1965 = arith.constant 1.000000e+00 : f32
        %sub3A_1966 = vector.broadcast %sub3A_1965 : f32 to vector<16xf32>
        %sub3A_1967 = arith.subf %sub3A_1966, %div3A_1964 : vector<16xf32>
        %swap3A_1968 = arith.constant 5 : i32
        %swap3A_1969 = arith.index_cast %swap3A_1968 : i32 to index
        %swap3A_1970 = arith.constant 0 : index
        %swap3A_1971 = tpu.vector_load %arg12[%swap3A_1969, %swap3A_1970] {strides = array<i32>} : memref<32x32xf32, #tpu.memory_space<vmem>>, vector<1x16xf32>,
        %swap3A_1972 = vector.shape_cast %swap3A_1971 : vector<1x16xf32> to vector<16xf32>
        %swap3A_1973 = vector.shape_cast %sub3A_1967 : vector<16xf32> to vector<1x16xf32>
        tpu.vector_store %arg12[%swap3A_1969, %swap3A_1970], %swap3A_1973 {strides = array<i32>} : memref<32x32xf32, #tpu.memory_space<vmem>>, vector<1x16xf32>,
        %add3A_1974 = arith.constant 1.000000e+00 : f32
        %add3A_1975 = vector.broadcast %add3A_1974 : f32 to vector<16xf32>
        %add3A_1976 = arith.addf %exp3A_1958, %add3A_1975 : vector<16xf32>
        %div3A_1977 = arith.constant 2.000000e+00 : f32
        %div3A_1978 = vector.broadcast %div3A_1977 : f32 to vector<16xf32>
        %div3A_1979 = arith.divf %div3A_1978, %add3A_1976 : vector<16xf32>
        %sub3A_1980 = arith.constant 1.000000e+00 : f32
        %sub3A_1981 = vector.broadcast %sub3A_1980 : f32 to vector<16xf32>
        %sub3A_1982 = arith.subf %sub3A_1981, %div3A_1979 : vector<16xf32>
        %swap3A_1983 = arith.constant 5 : i32
        %swap3A_1984 = arith.index_cast %swap3A_1983 : i32 to index
        %swap3A_1985 = arith.constant 16 : index
        %swap3A_1986 = tpu.vector_load %arg12[%swap3A_1984, %swap3A_1985] {strides = array<i32>} : memref<32x32xf32, #tpu.memory_space<vmem>>, vector<1x16xf32>,
        %swap3A_1987 = vector.shape_cast %swap3A_1986 : vector<1x16xf32> to vector<16xf32>
        %swap3A_1988 = vector.shape_cast %sub3A_1982 : vector<16xf32> to vector<1x16xf32>
        tpu.vector_store %arg12[%swap3A_1984, %swap3A_1985], %swap3A_1988 {strides = array<i32>} : memref<32x32xf32, #tpu.memory_space<vmem>>, vector<1x16xf32>,
        %slice3A_1989 = vector.extract_strided_slice %get3A_1060 {offsets = [6], sizes = [1], strides = [1]} : vector<16xf32> to vector<1xf32>
        %squeeze3A_1990 = vector.extract %slice3A_1989[0] : f32 from vector<1xf32>
        %get3A_1991 = arith.constant 6 : i32
        %get3A_1992 = arith.index_cast %get3A_1991 : i32 to index
        %get3A_1993 = arith.constant 0 : index
        %get3A_1994 = tpu.vector_load %arg12[%get3A_1992, %get3A_1993] {strides = array<i32>} : memref<32x32xf32, #tpu.memory_space<vmem>>, vector<1x16xf32>,
        %get3A_1995 = vector.shape_cast %get3A_1994 : vector<1x16xf32> to vector<16xf32>
        %mul3A_1996 = arith.mulf %get3A_1660, %get3A_1995 : vector<16xf32>
        %mul3A_1997 = vector.broadcast %squeeze3A_1990 : f32 to vector<16xf32>
        %mul3A_1998 = arith.mulf %mul3A_1997, %sub3A_1651 : vector<16xf32>
        %add3A_1999 = arith.addf %mul3A_1996, %mul3A_1998 : vector<16xf32>
        %get3A_2000 = arith.constant 6 : i32
        %get3A_2001 = arith.index_cast %get3A_2000 : i32 to index
        %get3A_2002 = arith.constant 16 : index
        %get3A_2003 = tpu.vector_load %arg12[%get3A_2001, %get3A_2002] {strides = array<i32>} : memref<32x32xf32, #tpu.memory_space<vmem>>, vector<1x16xf32>,
        %get3A_2004 = vector.shape_cast %get3A_2003 : vector<1x16xf32> to vector<16xf32>
        %mul3A_2005 = arith.mulf %get3A_1664, %get3A_2004 : vector<16xf32>
        %mul3A_2006 = vector.broadcast %squeeze3A_1990 : f32 to vector<16xf32>
        %mul3A_2007 = arith.mulf %mul3A_2006, %sub3A_1656 : vector<16xf32>
        %add3A_2008 = arith.addf %mul3A_2005, %mul3A_2007 : vector<16xf32>
        %add3A_2009 = arith.addf %add3A_1999, %add3A_1999 : vector<16xf32>
        %exp3A_2010 = math.exp %add3A_2009 : vector<16xf32>
        %add3A_2011 = arith.addf %add3A_2008, %add3A_2008 : vector<16xf32>
        %exp3A_2012 = math.exp %add3A_2011 : vector<16xf32>
        %add3A_2013 = arith.constant 1.000000e+00 : f32
        %add3A_2014 = vector.broadcast %add3A_2013 : f32 to vector<16xf32>
        %add3A_2015 = arith.addf %exp3A_2010, %add3A_2014 : vector<16xf32>
        %div3A_2016 = arith.constant 2.000000e+00 : f32
        %div3A_2017 = vector.broadcast %div3A_2016 : f32 to vector<16xf32>
        %div3A_2018 = arith.divf %div3A_2017, %add3A_2015 : vector<16xf32>
        %sub3A_2019 = arith.constant 1.000000e+00 : f32
        %sub3A_2020 = vector.broadcast %sub3A_2019 : f32 to vector<16xf32>
        %sub3A_2021 = arith.subf %sub3A_2020, %div3A_2018 : vector<16xf32>
        %swap3A_2022 = arith.constant 6 : i32
        %swap3A_2023 = arith.index_cast %swap3A_2022 : i32 to index
        %swap3A_2024 = arith.constant 0 : index
        %swap3A_2025 = tpu.vector_load %arg12[%swap3A_2023, %swap3A_2024] {strides = array<i32>} : memref<32x32xf32, #tpu.memory_space<vmem>>, vector<1x16xf32>,
        %swap3A_2026 = vector.shape_cast %swap3A_2025 : vector<1x16xf32> to vector<16xf32>
        %swap3A_2027 = vector.shape_cast %sub3A_2021 : vector<16xf32> to vector<1x16xf32>
        tpu.vector_store %arg12[%swap3A_2023, %swap3A_2024], %swap3A_2027 {strides = array<i32>} : memref<32x32xf32, #tpu.memory_space<vmem>>, vector<1x16xf32>,
        %add3A_2028 = arith.constant 1.000000e+00 : f32
        %add3A_2029 = vector.broadcast %add3A_2028 : f32 to vector<16xf32>
        %add3A_2030 = arith.addf %exp3A_2012, %add3A_2029 : vector<16xf32>
        %div3A_2031 = arith.constant 2.000000e+00 : f32
        %div3A_2032 = vector.broadcast %div3A_2031 : f32 to vector<16xf32>
        %div3A_2033 = arith.divf %div3A_2032, %add3A_2030 : vector<16xf32>
        %sub3A_2034 = arith.constant 1.000000e+00 : f32
        %sub3A_2035 = vector.broadcast %sub3A_2034 : f32 to vector<16xf32>
        %sub3A_2036 = arith.subf %sub3A_2035, %div3A_2033 : vector<16xf32>
        %swap3A_2037 = arith.constant 6 : i32
        %swap3A_2038 = arith.index_cast %swap3A_2037 : i32 to index
        %swap3A_2039 = arith.constant 16 : index
        %swap3A_2040 = tpu.vector_load %arg12[%swap3A_2038, %swap3A_2039] {strides = array<i32>} : memref<32x32xf32, #tpu.memory_space<vmem>>, vector<1x16xf32>,
        %swap3A_2041 = vector.shape_cast %swap3A_2040 : vector<1x16xf32> to vector<16xf32>
        %swap3A_2042 = vector.shape_cast %sub3A_2036 : vector<16xf32> to vector<1x16xf32>
        tpu.vector_store %arg12[%swap3A_2038, %swap3A_2039], %swap3A_2042 {strides = array<i32>} : memref<32x32xf32, #tpu.memory_space<vmem>>, vector<1x16xf32>,
        %slice3A_2043 = vector.extract_strided_slice %get3A_1060 {offsets = [7], sizes = [1], strides = [1]} : vector<16xf32> to vector<1xf32>
        %squeeze3A_2044 = vector.extract %slice3A_2043[0] : f32 from vector<1xf32>
        %get3A_2045 = arith.constant 7 : i32
        %get3A_2046 = arith.index_cast %get3A_2045 : i32 to index
        %get3A_2047 = arith.constant 0 : index
        %get3A_2048 = tpu.vector_load %arg12[%get3A_2046, %get3A_2047] {strides = array<i32>} : memref<32x32xf32, #tpu.memory_space<vmem>>, vector<1x16xf32>,
        %get3A_2049 = vector.shape_cast %get3A_2048 : vector<1x16xf32> to vector<16xf32>
        %mul3A_2050 = arith.mulf %get3A_1660, %get3A_2049 : vector<16xf32>
        %mul3A_2051 = vector.broadcast %squeeze3A_2044 : f32 to vector<16xf32>
        %mul3A_2052 = arith.mulf %mul3A_2051, %sub3A_1651 : vector<16xf32>
        %add3A_2053 = arith.addf %mul3A_2050, %mul3A_2052 : vector<16xf32>
        %get3A_2054 = arith.constant 7 : i32
        %get3A_2055 = arith.index_cast %get3A_2054 : i32 to index
        %get3A_2056 = arith.constant 16 : index
        %get3A_2057 = tpu.vector_load %arg12[%get3A_2055, %get3A_2056] {strides = array<i32>} : memref<32x32xf32, #tpu.memory_space<vmem>>, vector<1x16xf32>,
        %get3A_2058 = vector.shape_cast %get3A_2057 : vector<1x16xf32> to vector<16xf32>
        %mul3A_2059 = arith.mulf %get3A_1664, %get3A_2058 : vector<16xf32>
        %mul3A_2060 = vector.broadcast %squeeze3A_2044 : f32 to vector<16xf32>
        %mul3A_2061 = arith.mulf %mul3A_2060, %sub3A_1656 : vector<16xf32>
        %add3A_2062 = arith.addf %mul3A_2059, %mul3A_2061 : vector<16xf32>
        %add3A_2063 = arith.addf %add3A_2053, %add3A_2053 : vector<16xf32>
        %exp3A_2064 = math.exp %add3A_2063 : vector<16xf32>
        %add3A_2065 = arith.addf %add3A_2062, %add3A_2062 : vector<16xf32>
        %exp3A_2066 = math.exp %add3A_2065 : vector<16xf32>
        %add3A_2067 = arith.constant 1.000000e+00 : f32
        %add3A_2068 = vector.broadcast %add3A_2067 : f32 to vector<16xf32>
        %add3A_2069 = arith.addf %exp3A_2064, %add3A_2068 : vector<16xf32>
        %div3A_2070 = arith.constant 2.000000e+00 : f32
        %div3A_2071 = vector.broadcast %div3A_2070 : f32 to vector<16xf32>
        %div3A_2072 = arith.divf %div3A_2071, %add3A_2069 : vector<16xf32>
        %sub3A_2073 = arith.constant 1.000000e+00 : f32
        %sub3A_2074 = vector.broadcast %sub3A_2073 : f32 to vector<16xf32>
        %sub3A_2075 = arith.subf %sub3A_2074, %div3A_2072 : vector<16xf32>
        %swap3A_2076 = arith.constant 7 : i32
        %swap3A_2077 = arith.index_cast %swap3A_2076 : i32 to index
        %swap3A_2078 = arith.constant 0 : index
        %swap3A_2079 = tpu.vector_load %arg12[%swap3A_2077, %swap3A_2078] {strides = array<i32>} : memref<32x32xf32, #tpu.memory_space<vmem>>, vector<1x16xf32>,
        %swap3A_2080 = vector.shape_cast %swap3A_2079 : vector<1x16xf32> to vector<16xf32>
        %swap3A_2081 = vector.shape_cast %sub3A_2075 : vector<16xf32> to vector<1x16xf32>
        tpu.vector_store %arg12[%swap3A_2077, %swap3A_2078], %swap3A_2081 {strides = array<i32>} : memref<32x32xf32, #tpu.memory_space<vmem>>, vector<1x16xf32>,
        %add3A_2082 = arith.constant 1.000000e+00 : f32
        %add3A_2083 = vector.broadcast %add3A_2082 : f32 to vector<16xf32>
        %add3A_2084 = arith.addf %exp3A_2066, %add3A_2083 : vector<16xf32>
        %div3A_2085 = arith.constant 2.000000e+00 : f32
        %div3A_2086 = vector.broadcast %div3A_2085 : f32 to vector<16xf32>
        %div3A_2087 = arith.divf %div3A_2086, %add3A_2084 : vector<16xf32>
        %sub3A_2088 = arith.constant 1.000000e+00 : f32
        %sub3A_2089 = vector.broadcast %sub3A_2088 : f32 to vector<16xf32>
        %sub3A_2090 = arith.subf %sub3A_2089, %div3A_2087 : vector<16xf32>
        %swap3A_2091 = arith.constant 7 : i32
        %swap3A_2092 = arith.index_cast %swap3A_2091 : i32 to index
        %swap3A_2093 = arith.constant 16 : index
        %swap3A_2094 = tpu.vector_load %arg12[%swap3A_2092, %swap3A_2093] {strides = array<i32>} : memref<32x32xf32, #tpu.memory_space<vmem>>, vector<1x16xf32>,
        %swap3A_2095 = vector.shape_cast %swap3A_2094 : vector<1x16xf32> to vector<16xf32>
        %swap3A_2096 = vector.shape_cast %sub3A_2090 : vector<16xf32> to vector<1x16xf32>
        tpu.vector_store %arg12[%swap3A_2092, %swap3A_2093], %swap3A_2096 {strides = array<i32>} : memref<32x32xf32, #tpu.memory_space<vmem>>, vector<1x16xf32>,
        %slice3A_2097 = vector.extract_strided_slice %get3A_1060 {offsets = [8], sizes = [1], strides = [1]} : vector<16xf32> to vector<1xf32>
        %squeeze3A_2098 = vector.extract %slice3A_2097[0] : f32 from vector<1xf32>
        %get3A_2099 = arith.constant 8 : i32
        %get3A_2100 = arith.index_cast %get3A_2099 : i32 to index
        %get3A_2101 = arith.constant 0 : index
        %get3A_2102 = tpu.vector_load %arg12[%get3A_2100, %get3A_2101] {strides = array<i32>} : memref<32x32xf32, #tpu.memory_space<vmem>>, vector<1x16xf32>,
        %get3A_2103 = vector.shape_cast %get3A_2102 : vector<1x16xf32> to vector<16xf32>
        %mul3A_2104 = arith.mulf %get3A_1660, %get3A_2103 : vector<16xf32>
        %mul3A_2105 = vector.broadcast %squeeze3A_2098 : f32 to vector<16xf32>
        %mul3A_2106 = arith.mulf %mul3A_2105, %sub3A_1651 : vector<16xf32>
        %add3A_2107 = arith.addf %mul3A_2104, %mul3A_2106 : vector<16xf32>
        %get3A_2108 = arith.constant 8 : i32
        %get3A_2109 = arith.index_cast %get3A_2108 : i32 to index
        %get3A_2110 = arith.constant 16 : index
        %get3A_2111 = tpu.vector_load %arg12[%get3A_2109, %get3A_2110] {strides = array<i32>} : memref<32x32xf32, #tpu.memory_space<vmem>>, vector<1x16xf32>,
        %get3A_2112 = vector.shape_cast %get3A_2111 : vector<1x16xf32> to vector<16xf32>
        %mul3A_2113 = arith.mulf %get3A_1664, %get3A_2112 : vector<16xf32>
        %mul3A_2114 = vector.broadcast %squeeze3A_2098 : f32 to vector<16xf32>
        %mul3A_2115 = arith.mulf %mul3A_2114, %sub3A_1656 : vector<16xf32>
        %add3A_2116 = arith.addf %mul3A_2113, %mul3A_2115 : vector<16xf32>
        %add3A_2117 = arith.addf %add3A_2107, %add3A_2107 : vector<16xf32>
        %exp3A_2118 = math.exp %add3A_2117 : vector<16xf32>
        %add3A_2119 = arith.addf %add3A_2116, %add3A_2116 : vector<16xf32>
        %exp3A_2120 = math.exp %add3A_2119 : vector<16xf32>
        %add3A_2121 = arith.constant 1.000000e+00 : f32
        %add3A_2122 = vector.broadcast %add3A_2121 : f32 to vector<16xf32>
        %add3A_2123 = arith.addf %exp3A_2118, %add3A_2122 : vector<16xf32>
        %div3A_2124 = arith.constant 2.000000e+00 : f32
        %div3A_2125 = vector.broadcast %div3A_2124 : f32 to vector<16xf32>
        %div3A_2126 = arith.divf %div3A_2125, %add3A_2123 : vector<16xf32>
        %sub3A_2127 = arith.constant 1.000000e+00 : f32
        %sub3A_2128 = vector.broadcast %sub3A_2127 : f32 to vector<16xf32>
        %sub3A_2129 = arith.subf %sub3A_2128, %div3A_2126 : vector<16xf32>
        %swap3A_2130 = arith.constant 8 : i32
        %swap3A_2131 = arith.index_cast %swap3A_2130 : i32 to index
        %swap3A_2132 = arith.constant 0 : index
        %swap3A_2133 = tpu.vector_load %arg12[%swap3A_2131, %swap3A_2132] {strides = array<i32>} : memref<32x32xf32, #tpu.memory_space<vmem>>, vector<1x16xf32>,
        %swap3A_2134 = vector.shape_cast %swap3A_2133 : vector<1x16xf32> to vector<16xf32>
        %swap3A_2135 = vector.shape_cast %sub3A_2129 : vector<16xf32> to vector<1x16xf32>
        tpu.vector_store %arg12[%swap3A_2131, %swap3A_2132], %swap3A_2135 {strides = array<i32>} : memref<32x32xf32, #tpu.memory_space<vmem>>, vector<1x16xf32>,
        %add3A_2136 = arith.constant 1.000000e+00 : f32
        %add3A_2137 = vector.broadcast %add3A_2136 : f32 to vector<16xf32>
        %add3A_2138 = arith.addf %exp3A_2120, %add3A_2137 : vector<16xf32>
        %div3A_2139 = arith.constant 2.000000e+00 : f32
        %div3A_2140 = vector.broadcast %div3A_2139 : f32 to vector<16xf32>
        %div3A_2141 = arith.divf %div3A_2140, %add3A_2138 : vector<16xf32>
        %sub3A_2142 = arith.constant 1.000000e+00 : f32
        %sub3A_2143 = vector.broadcast %sub3A_2142 : f32 to vector<16xf32>
        %sub3A_2144 = arith.subf %sub3A_2143, %div3A_2141 : vector<16xf32>
        %swap3A_2145 = arith.constant 8 : i32
        %swap3A_2146 = arith.index_cast %swap3A_2145 : i32 to index
        %swap3A_2147 = arith.constant 16 : index
        %swap3A_2148 = tpu.vector_load %arg12[%swap3A_2146, %swap3A_2147] {strides = array<i32>} : memref<32x32xf32, #tpu.memory_space<vmem>>, vector<1x16xf32>,
        %swap3A_2149 = vector.shape_cast %swap3A_2148 : vector<1x16xf32> to vector<16xf32>
        %swap3A_2150 = vector.shape_cast %sub3A_2144 : vector<16xf32> to vector<1x16xf32>
        tpu.vector_store %arg12[%swap3A_2146, %swap3A_2147], %swap3A_2150 {strides = array<i32>} : memref<32x32xf32, #tpu.memory_space<vmem>>, vector<1x16xf32>,
        %slice3A_2151 = vector.extract_strided_slice %get3A_1060 {offsets = [9], sizes = [1], strides = [1]} : vector<16xf32> to vector<1xf32>
        %squeeze3A_2152 = vector.extract %slice3A_2151[0] : f32 from vector<1xf32>
        %get3A_2153 = arith.constant 9 : i32
        %get3A_2154 = arith.index_cast %get3A_2153 : i32 to index
        %get3A_2155 = arith.constant 0 : index
        %get3A_2156 = tpu.vector_load %arg12[%get3A_2154, %get3A_2155] {strides = array<i32>} : memref<32x32xf32, #tpu.memory_space<vmem>>, vector<1x16xf32>,
        %get3A_2157 = vector.shape_cast %get3A_2156 : vector<1x16xf32> to vector<16xf32>
        %mul3A_2158 = arith.mulf %get3A_1660, %get3A_2157 : vector<16xf32>
        %mul3A_2159 = vector.broadcast %squeeze3A_2152 : f32 to vector<16xf32>
        %mul3A_2160 = arith.mulf %mul3A_2159, %sub3A_1651 : vector<16xf32>
        %add3A_2161 = arith.addf %mul3A_2158, %mul3A_2160 : vector<16xf32>
        %get3A_2162 = arith.constant 9 : i32
        %get3A_2163 = arith.index_cast %get3A_2162 : i32 to index
        %get3A_2164 = arith.constant 16 : index
        %get3A_2165 = tpu.vector_load %arg12[%get3A_2163, %get3A_2164] {strides = array<i32>} : memref<32x32xf32, #tpu.memory_space<vmem>>, vector<1x16xf32>,
        %get3A_2166 = vector.shape_cast %get3A_2165 : vector<1x16xf32> to vector<16xf32>
        %mul3A_2167 = arith.mulf %get3A_1664, %get3A_2166 : vector<16xf32>
        %mul3A_2168 = vector.broadcast %squeeze3A_2152 : f32 to vector<16xf32>
        %mul3A_2169 = arith.mulf %mul3A_2168, %sub3A_1656 : vector<16xf32>
        %add3A_2170 = arith.addf %mul3A_2167, %mul3A_2169 : vector<16xf32>
        %add3A_2171 = arith.addf %add3A_2161, %add3A_2161 : vector<16xf32>
        %exp3A_2172 = math.exp %add3A_2171 : vector<16xf32>
        %add3A_2173 = arith.addf %add3A_2170, %add3A_2170 : vector<16xf32>
        %exp3A_2174 = math.exp %add3A_2173 : vector<16xf32>
        %add3A_2175 = arith.constant 1.000000e+00 : f32
        %add3A_2176 = vector.broadcast %add3A_2175 : f32 to vector<16xf32>
        %add3A_2177 = arith.addf %exp3A_2172, %add3A_2176 : vector<16xf32>
        %div3A_2178 = arith.constant 2.000000e+00 : f32
        %div3A_2179 = vector.broadcast %div3A_2178 : f32 to vector<16xf32>
        %div3A_2180 = arith.divf %div3A_2179, %add3A_2177 : vector<16xf32>
        %sub3A_2181 = arith.constant 1.000000e+00 : f32
        %sub3A_2182 = vector.broadcast %sub3A_2181 : f32 to vector<16xf32>
        %sub3A_2183 = arith.subf %sub3A_2182, %div3A_2180 : vector<16xf32>
        %swap3A_2184 = arith.constant 9 : i32
        %swap3A_2185 = arith.index_cast %swap3A_2184 : i32 to index
        %swap3A_2186 = arith.constant 0 : index
        %swap3A_2187 = tpu.vector_load %arg12[%swap3A_2185, %swap3A_2186] {strides = array<i32>} : memref<32x32xf32, #tpu.memory_space<vmem>>, vector<1x16xf32>,
        %swap3A_2188 = vector.shape_cast %swap3A_2187 : vector<1x16xf32> to vector<16xf32>
        %swap3A_2189 = vector.shape_cast %sub3A_2183 : vector<16xf32> to vector<1x16xf32>
        tpu.vector_store %arg12[%swap3A_2185, %swap3A_2186], %swap3A_2189 {strides = array<i32>} : memref<32x32xf32, #tpu.memory_space<vmem>>, vector<1x16xf32>,
        %add3A_2190 = arith.constant 1.000000e+00 : f32
        %add3A_2191 = vector.broadcast %add3A_2190 : f32 to vector<16xf32>
        %add3A_2192 = arith.addf %exp3A_2174, %add3A_2191 : vector<16xf32>
        %div3A_2193 = arith.constant 2.000000e+00 : f32
        %div3A_2194 = vector.broadcast %div3A_2193 : f32 to vector<16xf32>
        %div3A_2195 = arith.divf %div3A_2194, %add3A_2192 : vector<16xf32>
        %sub3A_2196 = arith.constant 1.000000e+00 : f32
        %sub3A_2197 = vector.broadcast %sub3A_2196 : f32 to vector<16xf32>
        %sub3A_2198 = arith.subf %sub3A_2197, %div3A_2195 : vector<16xf32>
        %swap3A_2199 = arith.constant 9 : i32
        %swap3A_2200 = arith.index_cast %swap3A_2199 : i32 to index
        %swap3A_2201 = arith.constant 16 : index
        %swap3A_2202 = tpu.vector_load %arg12[%swap3A_2200, %swap3A_2201] {strides = array<i32>} : memref<32x32xf32, #tpu.memory_space<vmem>>, vector<1x16xf32>,
        %swap3A_2203 = vector.shape_cast %swap3A_2202 : vector<1x16xf32> to vector<16xf32>
        %swap3A_2204 = vector.shape_cast %sub3A_2198 : vector<16xf32> to vector<1x16xf32>
        tpu.vector_store %arg12[%swap3A_2200, %swap3A_2201], %swap3A_2204 {strides = array<i32>} : memref<32x32xf32, #tpu.memory_space<vmem>>, vector<1x16xf32>,
        %slice3A_2205 = vector.extract_strided_slice %get3A_1060 {offsets = [10], sizes = [1], strides = [1]} : vector<16xf32> to vector<1xf32>
        %squeeze3A_2206 = vector.extract %slice3A_2205[0] : f32 from vector<1xf32>
        %get3A_2207 = arith.constant 10 : i32
        %get3A_2208 = arith.index_cast %get3A_2207 : i32 to index
        %get3A_2209 = arith.constant 0 : index
        %get3A_2210 = tpu.vector_load %arg12[%get3A_2208, %get3A_2209] {strides = array<i32>} : memref<32x32xf32, #tpu.memory_space<vmem>>, vector<1x16xf32>,
        %get3A_2211 = vector.shape_cast %get3A_2210 : vector<1x16xf32> to vector<16xf32>
        %mul3A_2212 = arith.mulf %get3A_1660, %get3A_2211 : vector<16xf32>
        %mul3A_2213 = vector.broadcast %squeeze3A_2206 : f32 to vector<16xf32>
        %mul3A_2214 = arith.mulf %mul3A_2213, %sub3A_1651 : vector<16xf32>
        %add3A_2215 = arith.addf %mul3A_2212, %mul3A_2214 : vector<16xf32>
        %get3A_2216 = arith.constant 10 : i32
        %get3A_2217 = arith.index_cast %get3A_2216 : i32 to index
        %get3A_2218 = arith.constant 16 : index
        %get3A_2219 = tpu.vector_load %arg12[%get3A_2217, %get3A_2218] {strides = array<i32>} : memref<32x32xf32, #tpu.memory_space<vmem>>, vector<1x16xf32>,
        %get3A_2220 = vector.shape_cast %get3A_2219 : vector<1x16xf32> to vector<16xf32>
        %mul3A_2221 = arith.mulf %get3A_1664, %get3A_2220 : vector<16xf32>
        %mul3A_2222 = vector.broadcast %squeeze3A_2206 : f32 to vector<16xf32>
        %mul3A_2223 = arith.mulf %mul3A_2222, %sub3A_1656 : vector<16xf32>
        %add3A_2224 = arith.addf %mul3A_2221, %mul3A_2223 : vector<16xf32>
        %add3A_2225 = arith.addf %add3A_2215, %add3A_2215 : vector<16xf32>
        %exp3A_2226 = math.exp %add3A_2225 : vector<16xf32>
        %add3A_2227 = arith.addf %add3A_2224, %add3A_2224 : vector<16xf32>
        %exp3A_2228 = math.exp %add3A_2227 : vector<16xf32>
        %add3A_2229 = arith.constant 1.000000e+00 : f32
        %add3A_2230 = vector.broadcast %add3A_2229 : f32 to vector<16xf32>
        %add3A_2231 = arith.addf %exp3A_2226, %add3A_2230 : vector<16xf32>
        %div3A_2232 = arith.constant 2.000000e+00 : f32
        %div3A_2233 = vector.broadcast %div3A_2232 : f32 to vector<16xf32>
        %div3A_2234 = arith.divf %div3A_2233, %add3A_2231 : vector<16xf32>
        %sub3A_2235 = arith.constant 1.000000e+00 : f32
        %sub3A_2236 = vector.broadcast %sub3A_2235 : f32 to vector<16xf32>
        %sub3A_2237 = arith.subf %sub3A_2236, %div3A_2234 : vector<16xf32>
        %swap3A_2238 = arith.constant 10 : i32
        %swap3A_2239 = arith.index_cast %swap3A_2238 : i32 to index
        %swap3A_2240 = arith.constant 0 : index
        %swap3A_2241 = tpu.vector_load %arg12[%swap3A_2239, %swap3A_2240] {strides = array<i32>} : memref<32x32xf32, #tpu.memory_space<vmem>>, vector<1x16xf32>,
        %swap3A_2242 = vector.shape_cast %swap3A_2241 : vector<1x16xf32> to vector<16xf32>
        %swap3A_2243 = vector.shape_cast %sub3A_2237 : vector<16xf32> to vector<1x16xf32>
        tpu.vector_store %arg12[%swap3A_2239, %swap3A_2240], %swap3A_2243 {strides = array<i32>} : memref<32x32xf32, #tpu.memory_space<vmem>>, vector<1x16xf32>,
        %add3A_2244 = arith.constant 1.000000e+00 : f32
        %add3A_2245 = vector.broadcast %add3A_2244 : f32 to vector<16xf32>
        %add3A_2246 = arith.addf %exp3A_2228, %add3A_2245 : vector<16xf32>
        %div3A_2247 = arith.constant 2.000000e+00 : f32
        %div3A_2248 = vector.broadcast %div3A_2247 : f32 to vector<16xf32>
        %div3A_2249 = arith.divf %div3A_2248, %add3A_2246 : vector<16xf32>
        %sub3A_2250 = arith.constant 1.000000e+00 : f32
        %sub3A_2251 = vector.broadcast %sub3A_2250 : f32 to vector<16xf32>
        %sub3A_2252 = arith.subf %sub3A_2251, %div3A_2249 : vector<16xf32>
        %swap3A_2253 = arith.constant 10 : i32
        %swap3A_2254 = arith.index_cast %swap3A_2253 : i32 to index
        %swap3A_2255 = arith.constant 16 : index
        %swap3A_2256 = tpu.vector_load %arg12[%swap3A_2254, %swap3A_2255] {strides = array<i32>} : memref<32x32xf32, #tpu.memory_space<vmem>>, vector<1x16xf32>,
        %swap3A_2257 = vector.shape_cast %swap3A_2256 : vector<1x16xf32> to vector<16xf32>
        %swap3A_2258 = vector.shape_cast %sub3A_2252 : vector<16xf32> to vector<1x16xf32>
        tpu.vector_store %arg12[%swap3A_2254, %swap3A_2255], %swap3A_2258 {strides = array<i32>} : memref<32x32xf32, #tpu.memory_space<vmem>>, vector<1x16xf32>,
        %slice3A_2259 = vector.extract_strided_slice %get3A_1060 {offsets = [11], sizes = [1], strides = [1]} : vector<16xf32> to vector<1xf32>
        %squeeze3A_2260 = vector.extract %slice3A_2259[0] : f32 from vector<1xf32>
        %get3A_2261 = arith.constant 11 : i32
        %get3A_2262 = arith.index_cast %get3A_2261 : i32 to index
        %get3A_2263 = arith.constant 0 : index
        %get3A_2264 = tpu.vector_load %arg12[%get3A_2262, %get3A_2263] {strides = array<i32>} : memref<32x32xf32, #tpu.memory_space<vmem>>, vector<1x16xf32>,
        %get3A_2265 = vector.shape_cast %get3A_2264 : vector<1x16xf32> to vector<16xf32>
        %mul3A_2266 = arith.mulf %get3A_1660, %get3A_2265 : vector<16xf32>
        %mul3A_2267 = vector.broadcast %squeeze3A_2260 : f32 to vector<16xf32>
        %mul3A_2268 = arith.mulf %mul3A_2267, %sub3A_1651 : vector<16xf32>
        %add3A_2269 = arith.addf %mul3A_2266, %mul3A_2268 : vector<16xf32>
        %get3A_2270 = arith.constant 11 : i32
        %get3A_2271 = arith.index_cast %get3A_2270 : i32 to index
        %get3A_2272 = arith.constant 16 : index
        %get3A_2273 = tpu.vector_load %arg12[%get3A_2271, %get3A_2272] {strides = array<i32>} : memref<32x32xf32, #tpu.memory_space<vmem>>, vector<1x16xf32>,
        %get3A_2274 = vector.shape_cast %get3A_2273 : vector<1x16xf32> to vector<16xf32>
        %mul3A_2275 = arith.mulf %get3A_1664, %get3A_2274 : vector<16xf32>
        %mul3A_2276 = vector.broadcast %squeeze3A_2260 : f32 to vector<16xf32>
        %mul3A_2277 = arith.mulf %mul3A_2276, %sub3A_1656 : vector<16xf32>
        %add3A_2278 = arith.addf %mul3A_2275, %mul3A_2277 : vector<16xf32>
        %add3A_2279 = arith.addf %add3A_2269, %add3A_2269 : vector<16xf32>
        %exp3A_2280 = math.exp %add3A_2279 : vector<16xf32>
        %add3A_2281 = arith.addf %add3A_2278, %add3A_2278 : vector<16xf32>
        %exp3A_2282 = math.exp %add3A_2281 : vector<16xf32>
        %add3A_2283 = arith.constant 1.000000e+00 : f32
        %add3A_2284 = vector.broadcast %add3A_2283 : f32 to vector<16xf32>
        %add3A_2285 = arith.addf %exp3A_2280, %add3A_2284 : vector<16xf32>
        %div3A_2286 = arith.constant 2.000000e+00 : f32
        %div3A_2287 = vector.broadcast %div3A_2286 : f32 to vector<16xf32>
        %div3A_2288 = arith.divf %div3A_2287, %add3A_2285 : vector<16xf32>
        %sub3A_2289 = arith.constant 1.000000e+00 : f32
        %sub3A_2290 = vector.broadcast %sub3A_2289 : f32 to vector<16xf32>
        %sub3A_2291 = arith.subf %sub3A_2290, %div3A_2288 : vector<16xf32>
        %swap3A_2292 = arith.constant 11 : i32
        %swap3A_2293 = arith.index_cast %swap3A_2292 : i32 to index
        %swap3A_2294 = arith.constant 0 : index
        %swap3A_2295 = tpu.vector_load %arg12[%swap3A_2293, %swap3A_2294] {strides = array<i32>} : memref<32x32xf32, #tpu.memory_space<vmem>>, vector<1x16xf32>,
        %swap3A_2296 = vector.shape_cast %swap3A_2295 : vector<1x16xf32> to vector<16xf32>
        %swap3A_2297 = vector.shape_cast %sub3A_2291 : vector<16xf32> to vector<1x16xf32>
        tpu.vector_store %arg12[%swap3A_2293, %swap3A_2294], %swap3A_2297 {strides = array<i32>} : memref<32x32xf32, #tpu.memory_space<vmem>>, vector<1x16xf32>,
        %add3A_2298 = arith.constant 1.000000e+00 : f32
        %add3A_2299 = vector.broadcast %add3A_2298 : f32 to vector<16xf32>
        %add3A_2300 = arith.addf %exp3A_2282, %add3A_2299 : vector<16xf32>
        %div3A_2301 = arith.constant 2.000000e+00 : f32
        %div3A_2302 = vector.broadcast %div3A_2301 : f32 to vector<16xf32>
        %div3A_2303 = arith.divf %div3A_2302, %add3A_2300 : vector<16xf32>
        %sub3A_2304 = arith.constant 1.000000e+00 : f32
        %sub3A_2305 = vector.broadcast %sub3A_2304 : f32 to vector<16xf32>
        %sub3A_2306 = arith.subf %sub3A_2305, %div3A_2303 : vector<16xf32>
        %swap3A_2307 = arith.constant 11 : i32
        %swap3A_2308 = arith.index_cast %swap3A_2307 : i32 to index
        %swap3A_2309 = arith.constant 16 : index
        %swap3A_2310 = tpu.vector_load %arg12[%swap3A_2308, %swap3A_2309] {strides = array<i32>} : memref<32x32xf32, #tpu.memory_space<vmem>>, vector<1x16xf32>,
        %swap3A_2311 = vector.shape_cast %swap3A_2310 : vector<1x16xf32> to vector<16xf32>
        %swap3A_2312 = vector.shape_cast %sub3A_2306 : vector<16xf32> to vector<1x16xf32>
        tpu.vector_store %arg12[%swap3A_2308, %swap3A_2309], %swap3A_2312 {strides = array<i32>} : memref<32x32xf32, #tpu.memory_space<vmem>>, vector<1x16xf32>,
        %slice3A_2313 = vector.extract_strided_slice %get3A_1060 {offsets = [12], sizes = [1], strides = [1]} : vector<16xf32> to vector<1xf32>
        %squeeze3A_2314 = vector.extract %slice3A_2313[0] : f32 from vector<1xf32>
        %get3A_2315 = arith.constant 12 : i32
        %get3A_2316 = arith.index_cast %get3A_2315 : i32 to index
        %get3A_2317 = arith.constant 0 : index
        %get3A_2318 = tpu.vector_load %arg12[%get3A_2316, %get3A_2317] {strides = array<i32>} : memref<32x32xf32, #tpu.memory_space<vmem>>, vector<1x16xf32>,
        %get3A_2319 = vector.shape_cast %get3A_2318 : vector<1x16xf32> to vector<16xf32>
        %mul3A_2320 = arith.mulf %get3A_1660, %get3A_2319 : vector<16xf32>
        %mul3A_2321 = vector.broadcast %squeeze3A_2314 : f32 to vector<16xf32>
        %mul3A_2322 = arith.mulf %mul3A_2321, %sub3A_1651 : vector<16xf32>
        %add3A_2323 = arith.addf %mul3A_2320, %mul3A_2322 : vector<16xf32>
        %get3A_2324 = arith.constant 12 : i32
        %get3A_2325 = arith.index_cast %get3A_2324 : i32 to index
        %get3A_2326 = arith.constant 16 : index
        %get3A_2327 = tpu.vector_load %arg12[%get3A_2325, %get3A_2326] {strides = array<i32>} : memref<32x32xf32, #tpu.memory_space<vmem>>, vector<1x16xf32>,
        %get3A_2328 = vector.shape_cast %get3A_2327 : vector<1x16xf32> to vector<16xf32>
        %mul3A_2329 = arith.mulf %get3A_1664, %get3A_2328 : vector<16xf32>
        %mul3A_2330 = vector.broadcast %squeeze3A_2314 : f32 to vector<16xf32>
        %mul3A_2331 = arith.mulf %mul3A_2330, %sub3A_1656 : vector<16xf32>
        %add3A_2332 = arith.addf %mul3A_2329, %mul3A_2331 : vector<16xf32>
        %add3A_2333 = arith.addf %add3A_2323, %add3A_2323 : vector<16xf32>
        %exp3A_2334 = math.exp %add3A_2333 : vector<16xf32>
        %add3A_2335 = arith.addf %add3A_2332, %add3A_2332 : vector<16xf32>
        %exp3A_2336 = math.exp %add3A_2335 : vector<16xf32>
        %add3A_2337 = arith.constant 1.000000e+00 : f32
        %add3A_2338 = vector.broadcast %add3A_2337 : f32 to vector<16xf32>
        %add3A_2339 = arith.addf %exp3A_2334, %add3A_2338 : vector<16xf32>
        %div3A_2340 = arith.constant 2.000000e+00 : f32
        %div3A_2341 = vector.broadcast %div3A_2340 : f32 to vector<16xf32>
        %div3A_2342 = arith.divf %div3A_2341, %add3A_2339 : vector<16xf32>
        %sub3A_2343 = arith.constant 1.000000e+00 : f32
        %sub3A_2344 = vector.broadcast %sub3A_2343 : f32 to vector<16xf32>
        %sub3A_2345 = arith.subf %sub3A_2344, %div3A_2342 : vector<16xf32>
        %swap3A_2346 = arith.constant 12 : i32
        %swap3A_2347 = arith.index_cast %swap3A_2346 : i32 to index
        %swap3A_2348 = arith.constant 0 : index
        %swap3A_2349 = tpu.vector_load %arg12[%swap3A_2347, %swap3A_2348] {strides = array<i32>} : memref<32x32xf32, #tpu.memory_space<vmem>>, vector<1x16xf32>,
        %swap3A_2350 = vector.shape_cast %swap3A_2349 : vector<1x16xf32> to vector<16xf32>
        %swap3A_2351 = vector.shape_cast %sub3A_2345 : vector<16xf32> to vector<1x16xf32>
        tpu.vector_store %arg12[%swap3A_2347, %swap3A_2348], %swap3A_2351 {strides = array<i32>} : memref<32x32xf32, #tpu.memory_space<vmem>>, vector<1x16xf32>,
        %add3A_2352 = arith.constant 1.000000e+00 : f32
        %add3A_2353 = vector.broadcast %add3A_2352 : f32 to vector<16xf32>
        %add3A_2354 = arith.addf %exp3A_2336, %add3A_2353 : vector<16xf32>
        %div3A_2355 = arith.constant 2.000000e+00 : f32
        %div3A_2356 = vector.broadcast %div3A_2355 : f32 to vector<16xf32>
        %div3A_2357 = arith.divf %div3A_2356, %add3A_2354 : vector<16xf32>
        %sub3A_2358 = arith.constant 1.000000e+00 : f32
        %sub3A_2359 = vector.broadcast %sub3A_2358 : f32 to vector<16xf32>
        %sub3A_2360 = arith.subf %sub3A_2359, %div3A_2357 : vector<16xf32>
        %swap3A_2361 = arith.constant 12 : i32
        %swap3A_2362 = arith.index_cast %swap3A_2361 : i32 to index
        %swap3A_2363 = arith.constant 16 : index
        %swap3A_2364 = tpu.vector_load %arg12[%swap3A_2362, %swap3A_2363] {strides = array<i32>} : memref<32x32xf32, #tpu.memory_space<vmem>>, vector<1x16xf32>,
        %swap3A_2365 = vector.shape_cast %swap3A_2364 : vector<1x16xf32> to vector<16xf32>
        %swap3A_2366 = vector.shape_cast %sub3A_2360 : vector<16xf32> to vector<1x16xf32>
        tpu.vector_store %arg12[%swap3A_2362, %swap3A_2363], %swap3A_2366 {strides = array<i32>} : memref<32x32xf32, #tpu.memory_space<vmem>>, vector<1x16xf32>,
        %slice3A_2367 = vector.extract_strided_slice %get3A_1060 {offsets = [13], sizes = [1], strides = [1]} : vector<16xf32> to vector<1xf32>
        %squeeze3A_2368 = vector.extract %slice3A_2367[0] : f32 from vector<1xf32>
        %get3A_2369 = arith.constant 13 : i32
        %get3A_2370 = arith.index_cast %get3A_2369 : i32 to index
        %get3A_2371 = arith.constant 0 : index
        %get3A_2372 = tpu.vector_load %arg12[%get3A_2370, %get3A_2371] {strides = array<i32>} : memref<32x32xf32, #tpu.memory_space<vmem>>, vector<1x16xf32>,
        %get3A_2373 = vector.shape_cast %get3A_2372 : vector<1x16xf32> to vector<16xf32>
        %mul3A_2374 = arith.mulf %get3A_1660, %get3A_2373 : vector<16xf32>
        %mul3A_2375 = vector.broadcast %squeeze3A_2368 : f32 to vector<16xf32>
        %mul3A_2376 = arith.mulf %mul3A_2375, %sub3A_1651 : vector<16xf32>
        %add3A_2377 = arith.addf %mul3A_2374, %mul3A_2376 : vector<16xf32>
        %get3A_2378 = arith.constant 13 : i32
        %get3A_2379 = arith.index_cast %get3A_2378 : i32 to index
        %get3A_2380 = arith.constant 16 : index
        %get3A_2381 = tpu.vector_load %arg12[%get3A_2379, %get3A_2380] {strides = array<i32>} : memref<32x32xf32, #tpu.memory_space<vmem>>, vector<1x16xf32>,
        %get3A_2382 = vector.shape_cast %get3A_2381 : vector<1x16xf32> to vector<16xf32>
        %mul3A_2383 = arith.mulf %get3A_1664, %get3A_2382 : vector<16xf32>
        %mul3A_2384 = vector.broadcast %squeeze3A_2368 : f32 to vector<16xf32>
        %mul3A_2385 = arith.mulf %mul3A_2384, %sub3A_1656 : vector<16xf32>
        %add3A_2386 = arith.addf %mul3A_2383, %mul3A_2385 : vector<16xf32>
        %add3A_2387 = arith.addf %add3A_2377, %add3A_2377 : vector<16xf32>
        %exp3A_2388 = math.exp %add3A_2387 : vector<16xf32>
        %add3A_2389 = arith.addf %add3A_2386, %add3A_2386 : vector<16xf32>
        %exp3A_2390 = math.exp %add3A_2389 : vector<16xf32>
        %add3A_2391 = arith.constant 1.000000e+00 : f32
        %add3A_2392 = vector.broadcast %add3A_2391 : f32 to vector<16xf32>
        %add3A_2393 = arith.addf %exp3A_2388, %add3A_2392 : vector<16xf32>
        %div3A_2394 = arith.constant 2.000000e+00 : f32
        %div3A_2395 = vector.broadcast %div3A_2394 : f32 to vector<16xf32>
        %div3A_2396 = arith.divf %div3A_2395, %add3A_2393 : vector<16xf32>
        %sub3A_2397 = arith.constant 1.000000e+00 : f32
        %sub3A_2398 = vector.broadcast %sub3A_2397 : f32 to vector<16xf32>
        %sub3A_2399 = arith.subf %sub3A_2398, %div3A_2396 : vector<16xf32>
        %swap3A_2400 = arith.constant 13 : i32
        %swap3A_2401 = arith.index_cast %swap3A_2400 : i32 to index
        %swap3A_2402 = arith.constant 0 : index
        %swap3A_2403 = tpu.vector_load %arg12[%swap3A_2401, %swap3A_2402] {strides = array<i32>} : memref<32x32xf32, #tpu.memory_space<vmem>>, vector<1x16xf32>,
        %swap3A_2404 = vector.shape_cast %swap3A_2403 : vector<1x16xf32> to vector<16xf32>
        %swap3A_2405 = vector.shape_cast %sub3A_2399 : vector<16xf32> to vector<1x16xf32>
        tpu.vector_store %arg12[%swap3A_2401, %swap3A_2402], %swap3A_2405 {strides = array<i32>} : memref<32x32xf32, #tpu.memory_space<vmem>>, vector<1x16xf32>,
        %add3A_2406 = arith.constant 1.000000e+00 : f32
        %add3A_2407 = vector.broadcast %add3A_2406 : f32 to vector<16xf32>
        %add3A_2408 = arith.addf %exp3A_2390, %add3A_2407 : vector<16xf32>
        %div3A_2409 = arith.constant 2.000000e+00 : f32
        %div3A_2410 = vector.broadcast %div3A_2409 : f32 to vector<16xf32>
        %div3A_2411 = arith.divf %div3A_2410, %add3A_2408 : vector<16xf32>
        %sub3A_2412 = arith.constant 1.000000e+00 : f32
        %sub3A_2413 = vector.broadcast %sub3A_2412 : f32 to vector<16xf32>
        %sub3A_2414 = arith.subf %sub3A_2413, %div3A_2411 : vector<16xf32>
        %swap3A_2415 = arith.constant 13 : i32
        %swap3A_2416 = arith.index_cast %swap3A_2415 : i32 to index
        %swap3A_2417 = arith.constant 16 : index
        %swap3A_2418 = tpu.vector_load %arg12[%swap3A_2416, %swap3A_2417] {strides = array<i32>} : memref<32x32xf32, #tpu.memory_space<vmem>>, vector<1x16xf32>,
        %swap3A_2419 = vector.shape_cast %swap3A_2418 : vector<1x16xf32> to vector<16xf32>
        %swap3A_2420 = vector.shape_cast %sub3A_2414 : vector<16xf32> to vector<1x16xf32>
        tpu.vector_store %arg12[%swap3A_2416, %swap3A_2417], %swap3A_2420 {strides = array<i32>} : memref<32x32xf32, #tpu.memory_space<vmem>>, vector<1x16xf32>,
        %slice3A_2421 = vector.extract_strided_slice %get3A_1060 {offsets = [14], sizes = [1], strides = [1]} : vector<16xf32> to vector<1xf32>
        %squeeze3A_2422 = vector.extract %slice3A_2421[0] : f32 from vector<1xf32>
        %get3A_2423 = arith.constant 14 : i32
        %get3A_2424 = arith.index_cast %get3A_2423 : i32 to index
        %get3A_2425 = arith.constant 0 : index
        %get3A_2426 = tpu.vector_load %arg12[%get3A_2424, %get3A_2425] {strides = array<i32>} : memref<32x32xf32, #tpu.memory_space<vmem>>, vector<1x16xf32>,
        %get3A_2427 = vector.shape_cast %get3A_2426 : vector<1x16xf32> to vector<16xf32>
        %mul3A_2428 = arith.mulf %get3A_1660, %get3A_2427 : vector<16xf32>
        %mul3A_2429 = vector.broadcast %squeeze3A_2422 : f32 to vector<16xf32>
        %mul3A_2430 = arith.mulf %mul3A_2429, %sub3A_1651 : vector<16xf32>
        %add3A_2431 = arith.addf %mul3A_2428, %mul3A_2430 : vector<16xf32>
        %get3A_2432 = arith.constant 14 : i32
        %get3A_2433 = arith.index_cast %get3A_2432 : i32 to index
        %get3A_2434 = arith.constant 16 : index
        %get3A_2435 = tpu.vector_load %arg12[%get3A_2433, %get3A_2434] {strides = array<i32>} : memref<32x32xf32, #tpu.memory_space<vmem>>, vector<1x16xf32>,
        %get3A_2436 = vector.shape_cast %get3A_2435 : vector<1x16xf32> to vector<16xf32>
        %mul3A_2437 = arith.mulf %get3A_1664, %get3A_2436 : vector<16xf32>
        %mul3A_2438 = vector.broadcast %squeeze3A_2422 : f32 to vector<16xf32>
        %mul3A_2439 = arith.mulf %mul3A_2438, %sub3A_1656 : vector<16xf32>
        %add3A_2440 = arith.addf %mul3A_2437, %mul3A_2439 : vector<16xf32>
        %add3A_2441 = arith.addf %add3A_2431, %add3A_2431 : vector<16xf32>
        %exp3A_2442 = math.exp %add3A_2441 : vector<16xf32>
        %add3A_2443 = arith.addf %add3A_2440, %add3A_2440 : vector<16xf32>
        %exp3A_2444 = math.exp %add3A_2443 : vector<16xf32>
        %add3A_2445 = arith.constant 1.000000e+00 : f32
        %add3A_2446 = vector.broadcast %add3A_2445 : f32 to vector<16xf32>
        %add3A_2447 = arith.addf %exp3A_2442, %add3A_2446 : vector<16xf32>
        %div3A_2448 = arith.constant 2.000000e+00 : f32
        %div3A_2449 = vector.broadcast %div3A_2448 : f32 to vector<16xf32>
        %div3A_2450 = arith.divf %div3A_2449, %add3A_2447 : vector<16xf32>
        %sub3A_2451 = arith.constant 1.000000e+00 : f32
        %sub3A_2452 = vector.broadcast %sub3A_2451 : f32 to vector<16xf32>
        %sub3A_2453 = arith.subf %sub3A_2452, %div3A_2450 : vector<16xf32>
        %swap3A_2454 = arith.constant 14 : i32
        %swap3A_2455 = arith.index_cast %swap3A_2454 : i32 to index
        %swap3A_2456 = arith.constant 0 : index
        %swap3A_2457 = tpu.vector_load %arg12[%swap3A_2455, %swap3A_2456] {strides = array<i32>} : memref<32x32xf32, #tpu.memory_space<vmem>>, vector<1x16xf32>,
        %swap3A_2458 = vector.shape_cast %swap3A_2457 : vector<1x16xf32> to vector<16xf32>
        %swap3A_2459 = vector.shape_cast %sub3A_2453 : vector<16xf32> to vector<1x16xf32>
        tpu.vector_store %arg12[%swap3A_2455, %swap3A_2456], %swap3A_2459 {strides = array<i32>} : memref<32x32xf32, #tpu.memory_space<vmem>>, vector<1x16xf32>,
        %add3A_2460 = arith.constant 1.000000e+00 : f32
        %add3A_2461 = vector.broadcast %add3A_2460 : f32 to vector<16xf32>
        %add3A_2462 = arith.addf %exp3A_2444, %add3A_2461 : vector<16xf32>
        %div3A_2463 = arith.constant 2.000000e+00 : f32
        %div3A_2464 = vector.broadcast %div3A_2463 : f32 to vector<16xf32>
        %div3A_2465 = arith.divf %div3A_2464, %add3A_2462 : vector<16xf32>
        %sub3A_2466 = arith.constant 1.000000e+00 : f32
        %sub3A_2467 = vector.broadcast %sub3A_2466 : f32 to vector<16xf32>
        %sub3A_2468 = arith.subf %sub3A_2467, %div3A_2465 : vector<16xf32>
        %swap3A_2469 = arith.constant 14 : i32
        %swap3A_2470 = arith.index_cast %swap3A_2469 : i32 to index
        %swap3A_2471 = arith.constant 16 : index
        %swap3A_2472 = tpu.vector_load %arg12[%swap3A_2470, %swap3A_2471] {strides = array<i32>} : memref<32x32xf32, #tpu.memory_space<vmem>>, vector<1x16xf32>,
        %swap3A_2473 = vector.shape_cast %swap3A_2472 : vector<1x16xf32> to vector<16xf32>
        %swap3A_2474 = vector.shape_cast %sub3A_2468 : vector<16xf32> to vector<1x16xf32>
        tpu.vector_store %arg12[%swap3A_2470, %swap3A_2471], %swap3A_2474 {strides = array<i32>} : memref<32x32xf32, #tpu.memory_space<vmem>>, vector<1x16xf32>,
        %slice3A_2475 = vector.extract_strided_slice %get3A_1060 {offsets = [15], sizes = [1], strides = [1]} : vector<16xf32> to vector<1xf32>
        %squeeze3A_2476 = vector.extract %slice3A_2475[0] : f32 from vector<1xf32>
        %get3A_2477 = arith.constant 15 : i32
        %get3A_2478 = arith.index_cast %get3A_2477 : i32 to index
        %get3A_2479 = arith.constant 0 : index
        %get3A_2480 = tpu.vector_load %arg12[%get3A_2478, %get3A_2479] {strides = array<i32>} : memref<32x32xf32, #tpu.memory_space<vmem>>, vector<1x16xf32>,
        %get3A_2481 = vector.shape_cast %get3A_2480 : vector<1x16xf32> to vector<16xf32>
        %mul3A_2482 = arith.mulf %get3A_1660, %get3A_2481 : vector<16xf32>
        %mul3A_2483 = vector.broadcast %squeeze3A_2476 : f32 to vector<16xf32>
        %mul3A_2484 = arith.mulf %mul3A_2483, %sub3A_1651 : vector<16xf32>
        %add3A_2485 = arith.addf %mul3A_2482, %mul3A_2484 : vector<16xf32>
        %get3A_2486 = arith.constant 15 : i32
        %get3A_2487 = arith.index_cast %get3A_2486 : i32 to index
        %get3A_2488 = arith.constant 16 : index
        %get3A_2489 = tpu.vector_load %arg12[%get3A_2487, %get3A_2488] {strides = array<i32>} : memref<32x32xf32, #tpu.memory_space<vmem>>, vector<1x16xf32>,
        %get3A_2490 = vector.shape_cast %get3A_2489 : vector<1x16xf32> to vector<16xf32>
        %mul3A_2491 = arith.mulf %get3A_1664, %get3A_2490 : vector<16xf32>
        %mul3A_2492 = vector.broadcast %squeeze3A_2476 : f32 to vector<16xf32>
        %mul3A_2493 = arith.mulf %mul3A_2492, %sub3A_1656 : vector<16xf32>
        %add3A_2494 = arith.addf %mul3A_2491, %mul3A_2493 : vector<16xf32>
        %add3A_2495 = arith.addf %add3A_2485, %add3A_2485 : vector<16xf32>
        %exp3A_2496 = math.exp %add3A_2495 : vector<16xf32>
        %add3A_2497 = arith.addf %add3A_2494, %add3A_2494 : vector<16xf32>
        %exp3A_2498 = math.exp %add3A_2497 : vector<16xf32>
        %add3A_2499 = arith.constant 1.000000e+00 : f32
        %add3A_2500 = vector.broadcast %add3A_2499 : f32 to vector<16xf32>
        %add3A_2501 = arith.addf %exp3A_2496, %add3A_2500 : vector<16xf32>
        %div3A_2502 = arith.constant 2.000000e+00 : f32
        %div3A_2503 = vector.broadcast %div3A_2502 : f32 to vector<16xf32>
        %div3A_2504 = arith.divf %div3A_2503, %add3A_2501 : vector<16xf32>
        %sub3A_2505 = arith.constant 1.000000e+00 : f32
        %sub3A_2506 = vector.broadcast %sub3A_2505 : f32 to vector<16xf32>
        %sub3A_2507 = arith.subf %sub3A_2506, %div3A_2504 : vector<16xf32>
        %swap3A_2508 = arith.constant 15 : i32
        %swap3A_2509 = arith.index_cast %swap3A_2508 : i32 to index
        %swap3A_2510 = arith.constant 0 : index
        %swap3A_2511 = tpu.vector_load %arg12[%swap3A_2509, %swap3A_2510] {strides = array<i32>} : memref<32x32xf32, #tpu.memory_space<vmem>>, vector<1x16xf32>,
        %swap3A_2512 = vector.shape_cast %swap3A_2511 : vector<1x16xf32> to vector<16xf32>
        %swap3A_2513 = vector.shape_cast %sub3A_2507 : vector<16xf32> to vector<1x16xf32>
        tpu.vector_store %arg12[%swap3A_2509, %swap3A_2510], %swap3A_2513 {strides = array<i32>} : memref<32x32xf32, #tpu.memory_space<vmem>>, vector<1x16xf32>,
        %add3A_2514 = arith.constant 1.000000e+00 : f32
        %add3A_2515 = vector.broadcast %add3A_2514 : f32 to vector<16xf32>
        %add3A_2516 = arith.addf %exp3A_2498, %add3A_2515 : vector<16xf32>
        %div3A_2517 = arith.constant 2.000000e+00 : f32
        %div3A_2518 = vector.broadcast %div3A_2517 : f32 to vector<16xf32>
        %div3A_2519 = arith.divf %div3A_2518, %add3A_2516 : vector<16xf32>
        %sub3A_2520 = arith.constant 1.000000e+00 : f32
        %sub3A_2521 = vector.broadcast %sub3A_2520 : f32 to vector<16xf32>
        %sub3A_2522 = arith.subf %sub3A_2521, %div3A_2519 : vector<16xf32>
        %swap3A_2523 = arith.constant 15 : i32
        %swap3A_2524 = arith.index_cast %swap3A_2523 : i32 to index
        %swap3A_2525 = arith.constant 16 : index
        %swap3A_2526 = tpu.vector_load %arg12[%swap3A_2524, %swap3A_2525] {strides = array<i32>} : memref<32x32xf32, #tpu.memory_space<vmem>>, vector<1x16xf32>,
        %swap3A_2527 = vector.shape_cast %swap3A_2526 : vector<1x16xf32> to vector<16xf32>
        %swap3A_2528 = vector.shape_cast %sub3A_2522 : vector<16xf32> to vector<1x16xf32>
        tpu.vector_store %arg12[%swap3A_2524, %swap3A_2525], %swap3A_2528 {strides = array<i32>} : memref<32x32xf32, #tpu.memory_space<vmem>>, vector<1x16xf32>,
        %slice3A_2529 = vector.extract_strided_slice %get3A_1064 {offsets = [0], sizes = [1], strides = [1]} : vector<16xf32> to vector<1xf32>
        %squeeze3A_2530 = vector.extract %slice3A_2529[0] : f32 from vector<1xf32>
        %get3A_2531 = arith.constant 16 : i32
        %get3A_2532 = arith.index_cast %get3A_2531 : i32 to index
        %get3A_2533 = arith.constant 0 : index
        %get3A_2534 = tpu.vector_load %arg12[%get3A_2532, %get3A_2533] {strides = array<i32>} : memref<32x32xf32, #tpu.memory_space<vmem>>, vector<1x16xf32>,
        %get3A_2535 = vector.shape_cast %get3A_2534 : vector<1x16xf32> to vector<16xf32>
        %mul3A_2536 = arith.mulf %get3A_1660, %get3A_2535 : vector<16xf32>
        %mul3A_2537 = vector.broadcast %squeeze3A_2530 : f32 to vector<16xf32>
        %mul3A_2538 = arith.mulf %mul3A_2537, %sub3A_1651 : vector<16xf32>
        %add3A_2539 = arith.addf %mul3A_2536, %mul3A_2538 : vector<16xf32>
        %get3A_2540 = arith.constant 16 : i32
        %get3A_2541 = arith.index_cast %get3A_2540 : i32 to index
        %get3A_2542 = arith.constant 16 : index
        %get3A_2543 = tpu.vector_load %arg12[%get3A_2541, %get3A_2542] {strides = array<i32>} : memref<32x32xf32, #tpu.memory_space<vmem>>, vector<1x16xf32>,
        %get3A_2544 = vector.shape_cast %get3A_2543 : vector<1x16xf32> to vector<16xf32>
        %mul3A_2545 = arith.mulf %get3A_1664, %get3A_2544 : vector<16xf32>
        %mul3A_2546 = vector.broadcast %squeeze3A_2530 : f32 to vector<16xf32>
        %mul3A_2547 = arith.mulf %mul3A_2546, %sub3A_1656 : vector<16xf32>
        %add3A_2548 = arith.addf %mul3A_2545, %mul3A_2547 : vector<16xf32>
        %add3A_2549 = arith.addf %add3A_2539, %add3A_2539 : vector<16xf32>
        %exp3A_2550 = math.exp %add3A_2549 : vector<16xf32>
        %add3A_2551 = arith.addf %add3A_2548, %add3A_2548 : vector<16xf32>
        %exp3A_2552 = math.exp %add3A_2551 : vector<16xf32>
        %add3A_2553 = arith.constant 1.000000e+00 : f32
        %add3A_2554 = vector.broadcast %add3A_2553 : f32 to vector<16xf32>
        %add3A_2555 = arith.addf %exp3A_2550, %add3A_2554 : vector<16xf32>
        %div3A_2556 = arith.constant 2.000000e+00 : f32
        %div3A_2557 = vector.broadcast %div3A_2556 : f32 to vector<16xf32>
        %div3A_2558 = arith.divf %div3A_2557, %add3A_2555 : vector<16xf32>
        %sub3A_2559 = arith.constant 1.000000e+00 : f32
        %sub3A_2560 = vector.broadcast %sub3A_2559 : f32 to vector<16xf32>
        %sub3A_2561 = arith.subf %sub3A_2560, %div3A_2558 : vector<16xf32>
        %swap3A_2562 = arith.constant 16 : i32
        %swap3A_2563 = arith.index_cast %swap3A_2562 : i32 to index
        %swap3A_2564 = arith.constant 0 : index
        %swap3A_2565 = tpu.vector_load %arg12[%swap3A_2563, %swap3A_2564] {strides = array<i32>} : memref<32x32xf32, #tpu.memory_space<vmem>>, vector<1x16xf32>,
        %swap3A_2566 = vector.shape_cast %swap3A_2565 : vector<1x16xf32> to vector<16xf32>
        %swap3A_2567 = vector.shape_cast %sub3A_2561 : vector<16xf32> to vector<1x16xf32>
        tpu.vector_store %arg12[%swap3A_2563, %swap3A_2564], %swap3A_2567 {strides = array<i32>} : memref<32x32xf32, #tpu.memory_space<vmem>>, vector<1x16xf32>,
        %add3A_2568 = arith.constant 1.000000e+00 : f32
        %add3A_2569 = vector.broadcast %add3A_2568 : f32 to vector<16xf32>
        %add3A_2570 = arith.addf %exp3A_2552, %add3A_2569 : vector<16xf32>
        %div3A_2571 = arith.constant 2.000000e+00 : f32
        %div3A_2572 = vector.broadcast %div3A_2571 : f32 to vector<16xf32>
        %div3A_2573 = arith.divf %div3A_2572, %add3A_2570 : vector<16xf32>
        %sub3A_2574 = arith.constant 1.000000e+00 : f32
        %sub3A_2575 = vector.broadcast %sub3A_2574 : f32 to vector<16xf32>
        %sub3A_2576 = arith.subf %sub3A_2575, %div3A_2573 : vector<16xf32>
        %swap3A_2577 = arith.constant 16 : i32
        %swap3A_2578 = arith.index_cast %swap3A_2577 : i32 to index
        %swap3A_2579 = arith.constant 16 : index
        %swap3A_2580 = tpu.vector_load %arg12[%swap3A_2578, %swap3A_2579] {strides = array<i32>} : memref<32x32xf32, #tpu.memory_space<vmem>>, vector<1x16xf32>,
        %swap3A_2581 = vector.shape_cast %swap3A_2580 : vector<1x16xf32> to vector<16xf32>
        %swap3A_2582 = vector.shape_cast %sub3A_2576 : vector<16xf32> to vector<1x16xf32>
        tpu.vector_store %arg12[%swap3A_2578, %swap3A_2579], %swap3A_2582 {strides = array<i32>} : memref<32x32xf32, #tpu.memory_space<vmem>>, vector<1x16xf32>,
        %slice3A_2583 = vector.extract_strided_slice %get3A_1064 {offsets = [1], sizes = [1], strides = [1]} : vector<16xf32> to vector<1xf32>
        %squeeze3A_2584 = vector.extract %slice3A_2583[0] : f32 from vector<1xf32>
        %get3A_2585 = arith.constant 17 : i32
        %get3A_2586 = arith.index_cast %get3A_2585 : i32 to index
        %get3A_2587 = arith.constant 0 : index
        %get3A_2588 = tpu.vector_load %arg12[%get3A_2586, %get3A_2587] {strides = array<i32>} : memref<32x32xf32, #tpu.memory_space<vmem>>, vector<1x16xf32>,
        %get3A_2589 = vector.shape_cast %get3A_2588 : vector<1x16xf32> to vector<16xf32>
        %mul3A_2590 = arith.mulf %get3A_1660, %get3A_2589 : vector<16xf32>
        %mul3A_2591 = vector.broadcast %squeeze3A_2584 : f32 to vector<16xf32>
        %mul3A_2592 = arith.mulf %mul3A_2591, %sub3A_1651 : vector<16xf32>
        %add3A_2593 = arith.addf %mul3A_2590, %mul3A_2592 : vector<16xf32>
        %get3A_2594 = arith.constant 17 : i32
        %get3A_2595 = arith.index_cast %get3A_2594 : i32 to index
        %get3A_2596 = arith.constant 16 : index
        %get3A_2597 = tpu.vector_load %arg12[%get3A_2595, %get3A_2596] {strides = array<i32>} : memref<32x32xf32, #tpu.memory_space<vmem>>, vector<1x16xf32>,
        %get3A_2598 = vector.shape_cast %get3A_2597 : vector<1x16xf32> to vector<16xf32>
        %mul3A_2599 = arith.mulf %get3A_1664, %get3A_2598 : vector<16xf32>
        %mul3A_2600 = vector.broadcast %squeeze3A_2584 : f32 to vector<16xf32>
        %mul3A_2601 = arith.mulf %mul3A_2600, %sub3A_1656 : vector<16xf32>
        %add3A_2602 = arith.addf %mul3A_2599, %mul3A_2601 : vector<16xf32>
        %add3A_2603 = arith.addf %add3A_2593, %add3A_2593 : vector<16xf32>
        %exp3A_2604 = math.exp %add3A_2603 : vector<16xf32>
        %add3A_2605 = arith.addf %add3A_2602, %add3A_2602 : vector<16xf32>
        %exp3A_2606 = math.exp %add3A_2605 : vector<16xf32>
        %add3A_2607 = arith.constant 1.000000e+00 : f32
        %add3A_2608 = vector.broadcast %add3A_2607 : f32 to vector<16xf32>
        %add3A_2609 = arith.addf %exp3A_2604, %add3A_2608 : vector<16xf32>
        %div3A_2610 = arith.constant 2.000000e+00 : f32
        %div3A_2611 = vector.broadcast %div3A_2610 : f32 to vector<16xf32>
        %div3A_2612 = arith.divf %div3A_2611, %add3A_2609 : vector<16xf32>
        %sub3A_2613 = arith.constant 1.000000e+00 : f32
        %sub3A_2614 = vector.broadcast %sub3A_2613 : f32 to vector<16xf32>
        %sub3A_2615 = arith.subf %sub3A_2614, %div3A_2612 : vector<16xf32>
        %swap3A_2616 = arith.constant 17 : i32
        %swap3A_2617 = arith.index_cast %swap3A_2616 : i32 to index
        %swap3A_2618 = arith.constant 0 : index
        %swap3A_2619 = tpu.vector_load %arg12[%swap3A_2617, %swap3A_2618] {strides = array<i32>} : memref<32x32xf32, #tpu.memory_space<vmem>>, vector<1x16xf32>,
        %swap3A_2620 = vector.shape_cast %swap3A_2619 : vector<1x16xf32> to vector<16xf32>
        %swap3A_2621 = vector.shape_cast %sub3A_2615 : vector<16xf32> to vector<1x16xf32>
        tpu.vector_store %arg12[%swap3A_2617, %swap3A_2618], %swap3A_2621 {strides = array<i32>} : memref<32x32xf32, #tpu.memory_space<vmem>>, vector<1x16xf32>,
        %add3A_2622 = arith.constant 1.000000e+00 : f32
        %add3A_2623 = vector.broadcast %add3A_2622 : f32 to vector<16xf32>
        %add3A_2624 = arith.addf %exp3A_2606, %add3A_2623 : vector<16xf32>
        %div3A_2625 = arith.constant 2.000000e+00 : f32
        %div3A_2626 = vector.broadcast %div3A_2625 : f32 to vector<16xf32>
        %div3A_2627 = arith.divf %div3A_2626, %add3A_2624 : vector<16xf32>
        %sub3A_2628 = arith.constant 1.000000e+00 : f32
        %sub3A_2629 = vector.broadcast %sub3A_2628 : f32 to vector<16xf32>
        %sub3A_2630 = arith.subf %sub3A_2629, %div3A_2627 : vector<16xf32>
        %swap3A_2631 = arith.constant 17 : i32
        %swap3A_2632 = arith.index_cast %swap3A_2631 : i32 to index
        %swap3A_2633 = arith.constant 16 : index
        %swap3A_2634 = tpu.vector_load %arg12[%swap3A_2632, %swap3A_2633] {strides = array<i32>} : memref<32x32xf32, #tpu.memory_space<vmem>>, vector<1x16xf32>,
        %swap3A_2635 = vector.shape_cast %swap3A_2634 : vector<1x16xf32> to vector<16xf32>
        %swap3A_2636 = vector.shape_cast %sub3A_2630 : vector<16xf32> to vector<1x16xf32>
        tpu.vector_store %arg12[%swap3A_2632, %swap3A_2633], %swap3A_2636 {strides = array<i32>} : memref<32x32xf32, #tpu.memory_space<vmem>>, vector<1x16xf32>,
        %slice3A_2637 = vector.extract_strided_slice %get3A_1064 {offsets = [2], sizes = [1], strides = [1]} : vector<16xf32> to vector<1xf32>
        %squeeze3A_2638 = vector.extract %slice3A_2637[0] : f32 from vector<1xf32>
        %get3A_2639 = arith.constant 18 : i32
        %get3A_2640 = arith.index_cast %get3A_2639 : i32 to index
        %get3A_2641 = arith.constant 0 : index
        %get3A_2642 = tpu.vector_load %arg12[%get3A_2640, %get3A_2641] {strides = array<i32>} : memref<32x32xf32, #tpu.memory_space<vmem>>, vector<1x16xf32>,
        %get3A_2643 = vector.shape_cast %get3A_2642 : vector<1x16xf32> to vector<16xf32>
        %mul3A_2644 = arith.mulf %get3A_1660, %get3A_2643 : vector<16xf32>
        %mul3A_2645 = vector.broadcast %squeeze3A_2638 : f32 to vector<16xf32>
        %mul3A_2646 = arith.mulf %mul3A_2645, %sub3A_1651 : vector<16xf32>
        %add3A_2647 = arith.addf %mul3A_2644, %mul3A_2646 : vector<16xf32>
        %get3A_2648 = arith.constant 18 : i32
        %get3A_2649 = arith.index_cast %get3A_2648 : i32 to index
        %get3A_2650 = arith.constant 16 : index
        %get3A_2651 = tpu.vector_load %arg12[%get3A_2649, %get3A_2650] {strides = array<i32>} : memref<32x32xf32, #tpu.memory_space<vmem>>, vector<1x16xf32>,
        %get3A_2652 = vector.shape_cast %get3A_2651 : vector<1x16xf32> to vector<16xf32>
        %mul3A_2653 = arith.mulf %get3A_1664, %get3A_2652 : vector<16xf32>
        %mul3A_2654 = vector.broadcast %squeeze3A_2638 : f32 to vector<16xf32>
        %mul3A_2655 = arith.mulf %mul3A_2654, %sub3A_1656 : vector<16xf32>
        %add3A_2656 = arith.addf %mul3A_2653, %mul3A_2655 : vector<16xf32>
        %add3A_2657 = arith.addf %add3A_2647, %add3A_2647 : vector<16xf32>
        %exp3A_2658 = math.exp %add3A_2657 : vector<16xf32>
        %add3A_2659 = arith.addf %add3A_2656, %add3A_2656 : vector<16xf32>
        %exp3A_2660 = math.exp %add3A_2659 : vector<16xf32>
        %add3A_2661 = arith.constant 1.000000e+00 : f32
        %add3A_2662 = vector.broadcast %add3A_2661 : f32 to vector<16xf32>
        %add3A_2663 = arith.addf %exp3A_2658, %add3A_2662 : vector<16xf32>
        %div3A_2664 = arith.constant 2.000000e+00 : f32
        %div3A_2665 = vector.broadcast %div3A_2664 : f32 to vector<16xf32>
        %div3A_2666 = arith.divf %div3A_2665, %add3A_2663 : vector<16xf32>
        %sub3A_2667 = arith.constant 1.000000e+00 : f32
        %sub3A_2668 = vector.broadcast %sub3A_2667 : f32 to vector<16xf32>
        %sub3A_2669 = arith.subf %sub3A_2668, %div3A_2666 : vector<16xf32>
        %swap3A_2670 = arith.constant 18 : i32
        %swap3A_2671 = arith.index_cast %swap3A_2670 : i32 to index
        %swap3A_2672 = arith.constant 0 : index
        %swap3A_2673 = tpu.vector_load %arg12[%swap3A_2671, %swap3A_2672] {strides = array<i32>} : memref<32x32xf32, #tpu.memory_space<vmem>>, vector<1x16xf32>,
        %swap3A_2674 = vector.shape_cast %swap3A_2673 : vector<1x16xf32> to vector<16xf32>
        %swap3A_2675 = vector.shape_cast %sub3A_2669 : vector<16xf32> to vector<1x16xf32>
        tpu.vector_store %arg12[%swap3A_2671, %swap3A_2672], %swap3A_2675 {strides = array<i32>} : memref<32x32xf32, #tpu.memory_space<vmem>>, vector<1x16xf32>,
        %add3A_2676 = arith.constant 1.000000e+00 : f32
        %add3A_2677 = vector.broadcast %add3A_2676 : f32 to vector<16xf32>
        %add3A_2678 = arith.addf %exp3A_2660, %add3A_2677 : vector<16xf32>
        %div3A_2679 = arith.constant 2.000000e+00 : f32
        %div3A_2680 = vector.broadcast %div3A_2679 : f32 to vector<16xf32>
        %div3A_2681 = arith.divf %div3A_2680, %add3A_2678 : vector<16xf32>
        %sub3A_2682 = arith.constant 1.000000e+00 : f32
        %sub3A_2683 = vector.broadcast %sub3A_2682 : f32 to vector<16xf32>
        %sub3A_2684 = arith.subf %sub3A_2683, %div3A_2681 : vector<16xf32>
        %swap3A_2685 = arith.constant 18 : i32
        %swap3A_2686 = arith.index_cast %swap3A_2685 : i32 to index
        %swap3A_2687 = arith.constant 16 : index
        %swap3A_2688 = tpu.vector_load %arg12[%swap3A_2686, %swap3A_2687] {strides = array<i32>} : memref<32x32xf32, #tpu.memory_space<vmem>>, vector<1x16xf32>,
        %swap3A_2689 = vector.shape_cast %swap3A_2688 : vector<1x16xf32> to vector<16xf32>
        %swap3A_2690 = vector.shape_cast %sub3A_2684 : vector<16xf32> to vector<1x16xf32>
        tpu.vector_store %arg12[%swap3A_2686, %swap3A_2687], %swap3A_2690 {strides = array<i32>} : memref<32x32xf32, #tpu.memory_space<vmem>>, vector<1x16xf32>,
        %slice3A_2691 = vector.extract_strided_slice %get3A_1064 {offsets = [3], sizes = [1], strides = [1]} : vector<16xf32> to vector<1xf32>
        %squeeze3A_2692 = vector.extract %slice3A_2691[0] : f32 from vector<1xf32>
        %get3A_2693 = arith.constant 19 : i32
        %get3A_2694 = arith.index_cast %get3A_2693 : i32 to index
        %get3A_2695 = arith.constant 0 : index
        %get3A_2696 = tpu.vector_load %arg12[%get3A_2694, %get3A_2695] {strides = array<i32>} : memref<32x32xf32, #tpu.memory_space<vmem>>, vector<1x16xf32>,
        %get3A_2697 = vector.shape_cast %get3A_2696 : vector<1x16xf32> to vector<16xf32>
        %mul3A_2698 = arith.mulf %get3A_1660, %get3A_2697 : vector<16xf32>
        %mul3A_2699 = vector.broadcast %squeeze3A_2692 : f32 to vector<16xf32>
        %mul3A_2700 = arith.mulf %mul3A_2699, %sub3A_1651 : vector<16xf32>
        %add3A_2701 = arith.addf %mul3A_2698, %mul3A_2700 : vector<16xf32>
        %get3A_2702 = arith.constant 19 : i32
        %get3A_2703 = arith.index_cast %get3A_2702 : i32 to index
        %get3A_2704 = arith.constant 16 : index
        %get3A_2705 = tpu.vector_load %arg12[%get3A_2703, %get3A_2704] {strides = array<i32>} : memref<32x32xf32, #tpu.memory_space<vmem>>, vector<1x16xf32>,
        %get3A_2706 = vector.shape_cast %get3A_2705 : vector<1x16xf32> to vector<16xf32>
        %mul3A_2707 = arith.mulf %get3A_1664, %get3A_2706 : vector<16xf32>
        %mul3A_2708 = vector.broadcast %squeeze3A_2692 : f32 to vector<16xf32>
        %mul3A_2709 = arith.mulf %mul3A_2708, %sub3A_1656 : vector<16xf32>
        %add3A_2710 = arith.addf %mul3A_2707, %mul3A_2709 : vector<16xf32>
        %add3A_2711 = arith.addf %add3A_2701, %add3A_2701 : vector<16xf32>
        %exp3A_2712 = math.exp %add3A_2711 : vector<16xf32>
        %add3A_2713 = arith.addf %add3A_2710, %add3A_2710 : vector<16xf32>
        %exp3A_2714 = math.exp %add3A_2713 : vector<16xf32>
        %add3A_2715 = arith.constant 1.000000e+00 : f32
        %add3A_2716 = vector.broadcast %add3A_2715 : f32 to vector<16xf32>
        %add3A_2717 = arith.addf %exp3A_2712, %add3A_2716 : vector<16xf32>
        %div3A_2718 = arith.constant 2.000000e+00 : f32
        %div3A_2719 = vector.broadcast %div3A_2718 : f32 to vector<16xf32>
        %div3A_2720 = arith.divf %div3A_2719, %add3A_2717 : vector<16xf32>
        %sub3A_2721 = arith.constant 1.000000e+00 : f32
        %sub3A_2722 = vector.broadcast %sub3A_2721 : f32 to vector<16xf32>
        %sub3A_2723 = arith.subf %sub3A_2722, %div3A_2720 : vector<16xf32>
        %swap3A_2724 = arith.constant 19 : i32
        %swap3A_2725 = arith.index_cast %swap3A_2724 : i32 to index
        %swap3A_2726 = arith.constant 0 : index
        %swap3A_2727 = tpu.vector_load %arg12[%swap3A_2725, %swap3A_2726] {strides = array<i32>} : memref<32x32xf32, #tpu.memory_space<vmem>>, vector<1x16xf32>,
        %swap3A_2728 = vector.shape_cast %swap3A_2727 : vector<1x16xf32> to vector<16xf32>
        %swap3A_2729 = vector.shape_cast %sub3A_2723 : vector<16xf32> to vector<1x16xf32>
        tpu.vector_store %arg12[%swap3A_2725, %swap3A_2726], %swap3A_2729 {strides = array<i32>} : memref<32x32xf32, #tpu.memory_space<vmem>>, vector<1x16xf32>,
        %add3A_2730 = arith.constant 1.000000e+00 : f32
        %add3A_2731 = vector.broadcast %add3A_2730 : f32 to vector<16xf32>
        %add3A_2732 = arith.addf %exp3A_2714, %add3A_2731 : vector<16xf32>
        %div3A_2733 = arith.constant 2.000000e+00 : f32
        %div3A_2734 = vector.broadcast %div3A_2733 : f32 to vector<16xf32>
        %div3A_2735 = arith.divf %div3A_2734, %add3A_2732 : vector<16xf32>
        %sub3A_2736 = arith.constant 1.000000e+00 : f32
        %sub3A_2737 = vector.broadcast %sub3A_2736 : f32 to vector<16xf32>
        %sub3A_2738 = arith.subf %sub3A_2737, %div3A_2735 : vector<16xf32>
        %swap3A_2739 = arith.constant 19 : i32
        %swap3A_2740 = arith.index_cast %swap3A_2739 : i32 to index
        %swap3A_2741 = arith.constant 16 : index
        %swap3A_2742 = tpu.vector_load %arg12[%swap3A_2740, %swap3A_2741] {strides = array<i32>} : memref<32x32xf32, #tpu.memory_space<vmem>>, vector<1x16xf32>,
        %swap3A_2743 = vector.shape_cast %swap3A_2742 : vector<1x16xf32> to vector<16xf32>
        %swap3A_2744 = vector.shape_cast %sub3A_2738 : vector<16xf32> to vector<1x16xf32>
        tpu.vector_store %arg12[%swap3A_2740, %swap3A_2741], %swap3A_2744 {strides = array<i32>} : memref<32x32xf32, #tpu.memory_space<vmem>>, vector<1x16xf32>,
        %slice3A_2745 = vector.extract_strided_slice %get3A_1064 {offsets = [4], sizes = [1], strides = [1]} : vector<16xf32> to vector<1xf32>
        %squeeze3A_2746 = vector.extract %slice3A_2745[0] : f32 from vector<1xf32>
        %get3A_2747 = arith.constant 20 : i32
        %get3A_2748 = arith.index_cast %get3A_2747 : i32 to index
        %get3A_2749 = arith.constant 0 : index
        %get3A_2750 = tpu.vector_load %arg12[%get3A_2748, %get3A_2749] {strides = array<i32>} : memref<32x32xf32, #tpu.memory_space<vmem>>, vector<1x16xf32>,
        %get3A_2751 = vector.shape_cast %get3A_2750 : vector<1x16xf32> to vector<16xf32>
        %mul3A_2752 = arith.mulf %get3A_1660, %get3A_2751 : vector<16xf32>
        %mul3A_2753 = vector.broadcast %squeeze3A_2746 : f32 to vector<16xf32>
        %mul3A_2754 = arith.mulf %mul3A_2753, %sub3A_1651 : vector<16xf32>
        %add3A_2755 = arith.addf %mul3A_2752, %mul3A_2754 : vector<16xf32>
        %get3A_2756 = arith.constant 20 : i32
        %get3A_2757 = arith.index_cast %get3A_2756 : i32 to index
        %get3A_2758 = arith.constant 16 : index
        %get3A_2759 = tpu.vector_load %arg12[%get3A_2757, %get3A_2758] {strides = array<i32>} : memref<32x32xf32, #tpu.memory_space<vmem>>, vector<1x16xf32>,
        %get3A_2760 = vector.shape_cast %get3A_2759 : vector<1x16xf32> to vector<16xf32>
        %mul3A_2761 = arith.mulf %get3A_1664, %get3A_2760 : vector<16xf32>
        %mul3A_2762 = vector.broadcast %squeeze3A_2746 : f32 to vector<16xf32>
        %mul3A_2763 = arith.mulf %mul3A_2762, %sub3A_1656 : vector<16xf32>
        %add3A_2764 = arith.addf %mul3A_2761, %mul3A_2763 : vector<16xf32>
        %add3A_2765 = arith.addf %add3A_2755, %add3A_2755 : vector<16xf32>
        %exp3A_2766 = math.exp %add3A_2765 : vector<16xf32>
        %add3A_2767 = arith.addf %add3A_2764, %add3A_2764 : vector<16xf32>
        %exp3A_2768 = math.exp %add3A_2767 : vector<16xf32>
        %add3A_2769 = arith.constant 1.000000e+00 : f32
        %add3A_2770 = vector.broadcast %add3A_2769 : f32 to vector<16xf32>
        %add3A_2771 = arith.addf %exp3A_2766, %add3A_2770 : vector<16xf32>
        %div3A_2772 = arith.constant 2.000000e+00 : f32
        %div3A_2773 = vector.broadcast %div3A_2772 : f32 to vector<16xf32>
        %div3A_2774 = arith.divf %div3A_2773, %add3A_2771 : vector<16xf32>
        %sub3A_2775 = arith.constant 1.000000e+00 : f32
        %sub3A_2776 = vector.broadcast %sub3A_2775 : f32 to vector<16xf32>
        %sub3A_2777 = arith.subf %sub3A_2776, %div3A_2774 : vector<16xf32>
        %swap3A_2778 = arith.constant 20 : i32
        %swap3A_2779 = arith.index_cast %swap3A_2778 : i32 to index
        %swap3A_2780 = arith.constant 0 : index
        %swap3A_2781 = tpu.vector_load %arg12[%swap3A_2779, %swap3A_2780] {strides = array<i32>} : memref<32x32xf32, #tpu.memory_space<vmem>>, vector<1x16xf32>,
        %swap3A_2782 = vector.shape_cast %swap3A_2781 : vector<1x16xf32> to vector<16xf32>
        %swap3A_2783 = vector.shape_cast %sub3A_2777 : vector<16xf32> to vector<1x16xf32>
        tpu.vector_store %arg12[%swap3A_2779, %swap3A_2780], %swap3A_2783 {strides = array<i32>} : memref<32x32xf32, #tpu.memory_space<vmem>>, vector<1x16xf32>,
        %add3A_2784 = arith.constant 1.000000e+00 : f32
        %add3A_2785 = vector.broadcast %add3A_2784 : f32 to vector<16xf32>
        %add3A_2786 = arith.addf %exp3A_2768, %add3A_2785 : vector<16xf32>
        %div3A_2787 = arith.constant 2.000000e+00 : f32
        %div3A_2788 = vector.broadcast %div3A_2787 : f32 to vector<16xf32>
        %div3A_2789 = arith.divf %div3A_2788, %add3A_2786 : vector<16xf32>
        %sub3A_2790 = arith.constant 1.000000e+00 : f32
        %sub3A_2791 = vector.broadcast %sub3A_2790 : f32 to vector<16xf32>
        %sub3A_2792 = arith.subf %sub3A_2791, %div3A_2789 : vector<16xf32>
        %swap3A_2793 = arith.constant 20 : i32
        %swap3A_2794 = arith.index_cast %swap3A_2793 : i32 to index
        %swap3A_2795 = arith.constant 16 : index
        %swap3A_2796 = tpu.vector_load %arg12[%swap3A_2794, %swap3A_2795] {strides = array<i32>} : memref<32x32xf32, #tpu.memory_space<vmem>>, vector<1x16xf32>,
        %swap3A_2797 = vector.shape_cast %swap3A_2796 : vector<1x16xf32> to vector<16xf32>
        %swap3A_2798 = vector.shape_cast %sub3A_2792 : vector<16xf32> to vector<1x16xf32>
        tpu.vector_store %arg12[%swap3A_2794, %swap3A_2795], %swap3A_2798 {strides = array<i32>} : memref<32x32xf32, #tpu.memory_space<vmem>>, vector<1x16xf32>,
        %slice3A_2799 = vector.extract_strided_slice %get3A_1064 {offsets = [5], sizes = [1], strides = [1]} : vector<16xf32> to vector<1xf32>
        %squeeze3A_2800 = vector.extract %slice3A_2799[0] : f32 from vector<1xf32>
        %get3A_2801 = arith.constant 21 : i32
        %get3A_2802 = arith.index_cast %get3A_2801 : i32 to index
        %get3A_2803 = arith.constant 0 : index
        %get3A_2804 = tpu.vector_load %arg12[%get3A_2802, %get3A_2803] {strides = array<i32>} : memref<32x32xf32, #tpu.memory_space<vmem>>, vector<1x16xf32>,
        %get3A_2805 = vector.shape_cast %get3A_2804 : vector<1x16xf32> to vector<16xf32>
        %mul3A_2806 = arith.mulf %get3A_1660, %get3A_2805 : vector<16xf32>
        %mul3A_2807 = vector.broadcast %squeeze3A_2800 : f32 to vector<16xf32>
        %mul3A_2808 = arith.mulf %mul3A_2807, %sub3A_1651 : vector<16xf32>
        %add3A_2809 = arith.addf %mul3A_2806, %mul3A_2808 : vector<16xf32>
        %get3A_2810 = arith.constant 21 : i32
        %get3A_2811 = arith.index_cast %get3A_2810 : i32 to index
        %get3A_2812 = arith.constant 16 : index
        %get3A_2813 = tpu.vector_load %arg12[%get3A_2811, %get3A_2812] {strides = array<i32>} : memref<32x32xf32, #tpu.memory_space<vmem>>, vector<1x16xf32>,
        %get3A_2814 = vector.shape_cast %get3A_2813 : vector<1x16xf32> to vector<16xf32>
        %mul3A_2815 = arith.mulf %get3A_1664, %get3A_2814 : vector<16xf32>
        %mul3A_2816 = vector.broadcast %squeeze3A_2800 : f32 to vector<16xf32>
        %mul3A_2817 = arith.mulf %mul3A_2816, %sub3A_1656 : vector<16xf32>
        %add3A_2818 = arith.addf %mul3A_2815, %mul3A_2817 : vector<16xf32>
        %add3A_2819 = arith.addf %add3A_2809, %add3A_2809 : vector<16xf32>
        %exp3A_2820 = math.exp %add3A_2819 : vector<16xf32>
        %add3A_2821 = arith.addf %add3A_2818, %add3A_2818 : vector<16xf32>
        %exp3A_2822 = math.exp %add3A_2821 : vector<16xf32>
        %add3A_2823 = arith.constant 1.000000e+00 : f32
        %add3A_2824 = vector.broadcast %add3A_2823 : f32 to vector<16xf32>
        %add3A_2825 = arith.addf %exp3A_2820, %add3A_2824 : vector<16xf32>
        %div3A_2826 = arith.constant 2.000000e+00 : f32
        %div3A_2827 = vector.broadcast %div3A_2826 : f32 to vector<16xf32>
        %div3A_2828 = arith.divf %div3A_2827, %add3A_2825 : vector<16xf32>
        %sub3A_2829 = arith.constant 1.000000e+00 : f32
        %sub3A_2830 = vector.broadcast %sub3A_2829 : f32 to vector<16xf32>
        %sub3A_2831 = arith.subf %sub3A_2830, %div3A_2828 : vector<16xf32>
        %swap3A_2832 = arith.constant 21 : i32
        %swap3A_2833 = arith.index_cast %swap3A_2832 : i32 to index
        %swap3A_2834 = arith.constant 0 : index
        %swap3A_2835 = tpu.vector_load %arg12[%swap3A_2833, %swap3A_2834] {strides = array<i32>} : memref<32x32xf32, #tpu.memory_space<vmem>>, vector<1x16xf32>,
        %swap3A_2836 = vector.shape_cast %swap3A_2835 : vector<1x16xf32> to vector<16xf32>
        %swap3A_2837 = vector.shape_cast %sub3A_2831 : vector<16xf32> to vector<1x16xf32>
        tpu.vector_store %arg12[%swap3A_2833, %swap3A_2834], %swap3A_2837 {strides = array<i32>} : memref<32x32xf32, #tpu.memory_space<vmem>>, vector<1x16xf32>,
        %add3A_2838 = arith.constant 1.000000e+00 : f32
        %add3A_2839 = vector.broadcast %add3A_2838 : f32 to vector<16xf32>
        %add3A_2840 = arith.addf %exp3A_2822, %add3A_2839 : vector<16xf32>
        %div3A_2841 = arith.constant 2.000000e+00 : f32
        %div3A_2842 = vector.broadcast %div3A_2841 : f32 to vector<16xf32>
        %div3A_2843 = arith.divf %div3A_2842, %add3A_2840 : vector<16xf32>
        %sub3A_2844 = arith.constant 1.000000e+00 : f32
        %sub3A_2845 = vector.broadcast %sub3A_2844 : f32 to vector<16xf32>
        %sub3A_2846 = arith.subf %sub3A_2845, %div3A_2843 : vector<16xf32>
        %swap3A_2847 = arith.constant 21 : i32
        %swap3A_2848 = arith.index_cast %swap3A_2847 : i32 to index
        %swap3A_2849 = arith.constant 16 : index
        %swap3A_2850 = tpu.vector_load %arg12[%swap3A_2848, %swap3A_2849] {strides = array<i32>} : memref<32x32xf32, #tpu.memory_space<vmem>>, vector<1x16xf32>,
        %swap3A_2851 = vector.shape_cast %swap3A_2850 : vector<1x16xf32> to vector<16xf32>
        %swap3A_2852 = vector.shape_cast %sub3A_2846 : vector<16xf32> to vector<1x16xf32>
        tpu.vector_store %arg12[%swap3A_2848, %swap3A_2849], %swap3A_2852 {strides = array<i32>} : memref<32x32xf32, #tpu.memory_space<vmem>>, vector<1x16xf32>,
        %slice3A_2853 = vector.extract_strided_slice %get3A_1064 {offsets = [6], sizes = [1], strides = [1]} : vector<16xf32> to vector<1xf32>
        %squeeze3A_2854 = vector.extract %slice3A_2853[0] : f32 from vector<1xf32>
        %get3A_2855 = arith.constant 22 : i32
        %get3A_2856 = arith.index_cast %get3A_2855 : i32 to index
        %get3A_2857 = arith.constant 0 : index
        %get3A_2858 = tpu.vector_load %arg12[%get3A_2856, %get3A_2857] {strides = array<i32>} : memref<32x32xf32, #tpu.memory_space<vmem>>, vector<1x16xf32>,
        %get3A_2859 = vector.shape_cast %get3A_2858 : vector<1x16xf32> to vector<16xf32>
        %mul3A_2860 = arith.mulf %get3A_1660, %get3A_2859 : vector<16xf32>
        %mul3A_2861 = vector.broadcast %squeeze3A_2854 : f32 to vector<16xf32>
        %mul3A_2862 = arith.mulf %mul3A_2861, %sub3A_1651 : vector<16xf32>
        %add3A_2863 = arith.addf %mul3A_2860, %mul3A_2862 : vector<16xf32>
        %get3A_2864 = arith.constant 22 : i32
        %get3A_2865 = arith.index_cast %get3A_2864 : i32 to index
        %get3A_2866 = arith.constant 16 : index
        %get3A_2867 = tpu.vector_load %arg12[%get3A_2865, %get3A_2866] {strides = array<i32>} : memref<32x32xf32, #tpu.memory_space<vmem>>, vector<1x16xf32>,
        %get3A_2868 = vector.shape_cast %get3A_2867 : vector<1x16xf32> to vector<16xf32>
        %mul3A_2869 = arith.mulf %get3A_1664, %get3A_2868 : vector<16xf32>
        %mul3A_2870 = vector.broadcast %squeeze3A_2854 : f32 to vector<16xf32>
        %mul3A_2871 = arith.mulf %mul3A_2870, %sub3A_1656 : vector<16xf32>
        %add3A_2872 = arith.addf %mul3A_2869, %mul3A_2871 : vector<16xf32>
        %add3A_2873 = arith.addf %add3A_2863, %add3A_2863 : vector<16xf32>
        %exp3A_2874 = math.exp %add3A_2873 : vector<16xf32>
        %add3A_2875 = arith.addf %add3A_2872, %add3A_2872 : vector<16xf32>
        %exp3A_2876 = math.exp %add3A_2875 : vector<16xf32>
        %add3A_2877 = arith.constant 1.000000e+00 : f32
        %add3A_2878 = vector.broadcast %add3A_2877 : f32 to vector<16xf32>
        %add3A_2879 = arith.addf %exp3A_2874, %add3A_2878 : vector<16xf32>
        %div3A_2880 = arith.constant 2.000000e+00 : f32
        %div3A_2881 = vector.broadcast %div3A_2880 : f32 to vector<16xf32>
        %div3A_2882 = arith.divf %div3A_2881, %add3A_2879 : vector<16xf32>
        %sub3A_2883 = arith.constant 1.000000e+00 : f32
        %sub3A_2884 = vector.broadcast %sub3A_2883 : f32 to vector<16xf32>
        %sub3A_2885 = arith.subf %sub3A_2884, %div3A_2882 : vector<16xf32>
        %swap3A_2886 = arith.constant 22 : i32
        %swap3A_2887 = arith.index_cast %swap3A_2886 : i32 to index
        %swap3A_2888 = arith.constant 0 : index
        %swap3A_2889 = tpu.vector_load %arg12[%swap3A_2887, %swap3A_2888] {strides = array<i32>} : memref<32x32xf32, #tpu.memory_space<vmem>>, vector<1x16xf32>,
        %swap3A_2890 = vector.shape_cast %swap3A_2889 : vector<1x16xf32> to vector<16xf32>
        %swap3A_2891 = vector.shape_cast %sub3A_2885 : vector<16xf32> to vector<1x16xf32>
        tpu.vector_store %arg12[%swap3A_2887, %swap3A_2888], %swap3A_2891 {strides = array<i32>} : memref<32x32xf32, #tpu.memory_space<vmem>>, vector<1x16xf32>,
        %add3A_2892 = arith.constant 1.000000e+00 : f32
        %add3A_2893 = vector.broadcast %add3A_2892 : f32 to vector<16xf32>
        %add3A_2894 = arith.addf %exp3A_2876, %add3A_2893 : vector<16xf32>
        %div3A_2895 = arith.constant 2.000000e+00 : f32
        %div3A_2896 = vector.broadcast %div3A_2895 : f32 to vector<16xf32>
        %div3A_2897 = arith.divf %div3A_2896, %add3A_2894 : vector<16xf32>
        %sub3A_2898 = arith.constant 1.000000e+00 : f32
        %sub3A_2899 = vector.broadcast %sub3A_2898 : f32 to vector<16xf32>
        %sub3A_2900 = arith.subf %sub3A_2899, %div3A_2897 : vector<16xf32>
        %swap3A_2901 = arith.constant 22 : i32
        %swap3A_2902 = arith.index_cast %swap3A_2901 : i32 to index
        %swap3A_2903 = arith.constant 16 : index
        %swap3A_2904 = tpu.vector_load %arg12[%swap3A_2902, %swap3A_2903] {strides = array<i32>} : memref<32x32xf32, #tpu.memory_space<vmem>>, vector<1x16xf32>,
        %swap3A_2905 = vector.shape_cast %swap3A_2904 : vector<1x16xf32> to vector<16xf32>
        %swap3A_2906 = vector.shape_cast %sub3A_2900 : vector<16xf32> to vector<1x16xf32>
        tpu.vector_store %arg12[%swap3A_2902, %swap3A_2903], %swap3A_2906 {strides = array<i32>} : memref<32x32xf32, #tpu.memory_space<vmem>>, vector<1x16xf32>,
        %slice3A_2907 = vector.extract_strided_slice %get3A_1064 {offsets = [7], sizes = [1], strides = [1]} : vector<16xf32> to vector<1xf32>
        %squeeze3A_2908 = vector.extract %slice3A_2907[0] : f32 from vector<1xf32>
        %get3A_2909 = arith.constant 23 : i32
        %get3A_2910 = arith.index_cast %get3A_2909 : i32 to index
        %get3A_2911 = arith.constant 0 : index
        %get3A_2912 = tpu.vector_load %arg12[%get3A_2910, %get3A_2911] {strides = array<i32>} : memref<32x32xf32, #tpu.memory_space<vmem>>, vector<1x16xf32>,
        %get3A_2913 = vector.shape_cast %get3A_2912 : vector<1x16xf32> to vector<16xf32>
        %mul3A_2914 = arith.mulf %get3A_1660, %get3A_2913 : vector<16xf32>
        %mul3A_2915 = vector.broadcast %squeeze3A_2908 : f32 to vector<16xf32>
        %mul3A_2916 = arith.mulf %mul3A_2915, %sub3A_1651 : vector<16xf32>
        %add3A_2917 = arith.addf %mul3A_2914, %mul3A_2916 : vector<16xf32>
        %get3A_2918 = arith.constant 23 : i32
        %get3A_2919 = arith.index_cast %get3A_2918 : i32 to index
        %get3A_2920 = arith.constant 16 : index
        %get3A_2921 = tpu.vector_load %arg12[%get3A_2919, %get3A_2920] {strides = array<i32>} : memref<32x32xf32, #tpu.memory_space<vmem>>, vector<1x16xf32>,
        %get3A_2922 = vector.shape_cast %get3A_2921 : vector<1x16xf32> to vector<16xf32>
        %mul3A_2923 = arith.mulf %get3A_1664, %get3A_2922 : vector<16xf32>
        %mul3A_2924 = vector.broadcast %squeeze3A_2908 : f32 to vector<16xf32>
        %mul3A_2925 = arith.mulf %mul3A_2924, %sub3A_1656 : vector<16xf32>
        %add3A_2926 = arith.addf %mul3A_2923, %mul3A_2925 : vector<16xf32>
        %add3A_2927 = arith.addf %add3A_2917, %add3A_2917 : vector<16xf32>
        %exp3A_2928 = math.exp %add3A_2927 : vector<16xf32>
        %add3A_2929 = arith.addf %add3A_2926, %add3A_2926 : vector<16xf32>
        %exp3A_2930 = math.exp %add3A_2929 : vector<16xf32>
        %add3A_2931 = arith.constant 1.000000e+00 : f32
        %add3A_2932 = vector.broadcast %add3A_2931 : f32 to vector<16xf32>
        %add3A_2933 = arith.addf %exp3A_2928, %add3A_2932 : vector<16xf32>
        %div3A_2934 = arith.constant 2.000000e+00 : f32
        %div3A_2935 = vector.broadcast %div3A_2934 : f32 to vector<16xf32>
        %div3A_2936 = arith.divf %div3A_2935, %add3A_2933 : vector<16xf32>
        %sub3A_2937 = arith.constant 1.000000e+00 : f32
        %sub3A_2938 = vector.broadcast %sub3A_2937 : f32 to vector<16xf32>
        %sub3A_2939 = arith.subf %sub3A_2938, %div3A_2936 : vector<16xf32>
        %swap3A_2940 = arith.constant 23 : i32
        %swap3A_2941 = arith.index_cast %swap3A_2940 : i32 to index
        %swap3A_2942 = arith.constant 0 : index
        %swap3A_2943 = tpu.vector_load %arg12[%swap3A_2941, %swap3A_2942] {strides = array<i32>} : memref<32x32xf32, #tpu.memory_space<vmem>>, vector<1x16xf32>,
        %swap3A_2944 = vector.shape_cast %swap3A_2943 : vector<1x16xf32> to vector<16xf32>
        %swap3A_2945 = vector.shape_cast %sub3A_2939 : vector<16xf32> to vector<1x16xf32>
        tpu.vector_store %arg12[%swap3A_2941, %swap3A_2942], %swap3A_2945 {strides = array<i32>} : memref<32x32xf32, #tpu.memory_space<vmem>>, vector<1x16xf32>,
        %add3A_2946 = arith.constant 1.000000e+00 : f32
        %add3A_2947 = vector.broadcast %add3A_2946 : f32 to vector<16xf32>
        %add3A_2948 = arith.addf %exp3A_2930, %add3A_2947 : vector<16xf32>
        %div3A_2949 = arith.constant 2.000000e+00 : f32
        %div3A_2950 = vector.broadcast %div3A_2949 : f32 to vector<16xf32>
        %div3A_2951 = arith.divf %div3A_2950, %add3A_2948 : vector<16xf32>
        %sub3A_2952 = arith.constant 1.000000e+00 : f32
        %sub3A_2953 = vector.broadcast %sub3A_2952 : f32 to vector<16xf32>
        %sub3A_2954 = arith.subf %sub3A_2953, %div3A_2951 : vector<16xf32>
        %swap3A_2955 = arith.constant 23 : i32
        %swap3A_2956 = arith.index_cast %swap3A_2955 : i32 to index
        %swap3A_2957 = arith.constant 16 : index
        %swap3A_2958 = tpu.vector_load %arg12[%swap3A_2956, %swap3A_2957] {strides = array<i32>} : memref<32x32xf32, #tpu.memory_space<vmem>>, vector<1x16xf32>,
        %swap3A_2959 = vector.shape_cast %swap3A_2958 : vector<1x16xf32> to vector<16xf32>
        %swap3A_2960 = vector.shape_cast %sub3A_2954 : vector<16xf32> to vector<1x16xf32>
        tpu.vector_store %arg12[%swap3A_2956, %swap3A_2957], %swap3A_2960 {strides = array<i32>} : memref<32x32xf32, #tpu.memory_space<vmem>>, vector<1x16xf32>,
        %slice3A_2961 = vector.extract_strided_slice %get3A_1064 {offsets = [8], sizes = [1], strides = [1]} : vector<16xf32> to vector<1xf32>
        %squeeze3A_2962 = vector.extract %slice3A_2961[0] : f32 from vector<1xf32>
        %get3A_2963 = arith.constant 24 : i32
        %get3A_2964 = arith.index_cast %get3A_2963 : i32 to index
        %get3A_2965 = arith.constant 0 : index
        %get3A_2966 = tpu.vector_load %arg12[%get3A_2964, %get3A_2965] {strides = array<i32>} : memref<32x32xf32, #tpu.memory_space<vmem>>, vector<1x16xf32>,
        %get3A_2967 = vector.shape_cast %get3A_2966 : vector<1x16xf32> to vector<16xf32>
        %mul3A_2968 = arith.mulf %get3A_1660, %get3A_2967 : vector<16xf32>
        %mul3A_2969 = vector.broadcast %squeeze3A_2962 : f32 to vector<16xf32>
        %mul3A_2970 = arith.mulf %mul3A_2969, %sub3A_1651 : vector<16xf32>
        %add3A_2971 = arith.addf %mul3A_2968, %mul3A_2970 : vector<16xf32>
        %get3A_2972 = arith.constant 24 : i32
        %get3A_2973 = arith.index_cast %get3A_2972 : i32 to index
        %get3A_2974 = arith.constant 16 : index
        %get3A_2975 = tpu.vector_load %arg12[%get3A_2973, %get3A_2974] {strides = array<i32>} : memref<32x32xf32, #tpu.memory_space<vmem>>, vector<1x16xf32>,
        %get3A_2976 = vector.shape_cast %get3A_2975 : vector<1x16xf32> to vector<16xf32>
        %mul3A_2977 = arith.mulf %get3A_1664, %get3A_2976 : vector<16xf32>
        %mul3A_2978 = vector.broadcast %squeeze3A_2962 : f32 to vector<16xf32>
        %mul3A_2979 = arith.mulf %mul3A_2978, %sub3A_1656 : vector<16xf32>
        %add3A_2980 = arith.addf %mul3A_2977, %mul3A_2979 : vector<16xf32>
        %add3A_2981 = arith.addf %add3A_2971, %add3A_2971 : vector<16xf32>
        %exp3A_2982 = math.exp %add3A_2981 : vector<16xf32>
        %add3A_2983 = arith.addf %add3A_2980, %add3A_2980 : vector<16xf32>
        %exp3A_2984 = math.exp %add3A_2983 : vector<16xf32>
        %add3A_2985 = arith.constant 1.000000e+00 : f32
        %add3A_2986 = vector.broadcast %add3A_2985 : f32 to vector<16xf32>
        %add3A_2987 = arith.addf %exp3A_2982, %add3A_2986 : vector<16xf32>
        %div3A_2988 = arith.constant 2.000000e+00 : f32
        %div3A_2989 = vector.broadcast %div3A_2988 : f32 to vector<16xf32>
        %div3A_2990 = arith.divf %div3A_2989, %add3A_2987 : vector<16xf32>
        %sub3A_2991 = arith.constant 1.000000e+00 : f32
        %sub3A_2992 = vector.broadcast %sub3A_2991 : f32 to vector<16xf32>
        %sub3A_2993 = arith.subf %sub3A_2992, %div3A_2990 : vector<16xf32>
        %swap3A_2994 = arith.constant 24 : i32
        %swap3A_2995 = arith.index_cast %swap3A_2994 : i32 to index
        %swap3A_2996 = arith.constant 0 : index
        %swap3A_2997 = tpu.vector_load %arg12[%swap3A_2995, %swap3A_2996] {strides = array<i32>} : memref<32x32xf32, #tpu.memory_space<vmem>>, vector<1x16xf32>,
        %swap3A_2998 = vector.shape_cast %swap3A_2997 : vector<1x16xf32> to vector<16xf32>
        %swap3A_2999 = vector.shape_cast %sub3A_2993 : vector<16xf32> to vector<1x16xf32>
        tpu.vector_store %arg12[%swap3A_2995, %swap3A_2996], %swap3A_2999 {strides = array<i32>} : memref<32x32xf32, #tpu.memory_space<vmem>>, vector<1x16xf32>,
        %add3A_3000 = arith.constant 1.000000e+00 : f32
        %add3A_3001 = vector.broadcast %add3A_3000 : f32 to vector<16xf32>
        %add3A_3002 = arith.addf %exp3A_2984, %add3A_3001 : vector<16xf32>
        %div3A_3003 = arith.constant 2.000000e+00 : f32
        %div3A_3004 = vector.broadcast %div3A_3003 : f32 to vector<16xf32>
        %div3A_3005 = arith.divf %div3A_3004, %add3A_3002 : vector<16xf32>
        %sub3A_3006 = arith.constant 1.000000e+00 : f32
        %sub3A_3007 = vector.broadcast %sub3A_3006 : f32 to vector<16xf32>
        %sub3A_3008 = arith.subf %sub3A_3007, %div3A_3005 : vector<16xf32>
        %swap3A_3009 = arith.constant 24 : i32
        %swap3A_3010 = arith.index_cast %swap3A_3009 : i32 to index
        %swap3A_3011 = arith.constant 16 : index
        %swap3A_3012 = tpu.vector_load %arg12[%swap3A_3010, %swap3A_3011] {strides = array<i32>} : memref<32x32xf32, #tpu.memory_space<vmem>>, vector<1x16xf32>,
        %swap3A_3013 = vector.shape_cast %swap3A_3012 : vector<1x16xf32> to vector<16xf32>
        %swap3A_3014 = vector.shape_cast %sub3A_3008 : vector<16xf32> to vector<1x16xf32>
        tpu.vector_store %arg12[%swap3A_3010, %swap3A_3011], %swap3A_3014 {strides = array<i32>} : memref<32x32xf32, #tpu.memory_space<vmem>>, vector<1x16xf32>,
        %slice3A_3015 = vector.extract_strided_slice %get3A_1064 {offsets = [9], sizes = [1], strides = [1]} : vector<16xf32> to vector<1xf32>
        %squeeze3A_3016 = vector.extract %slice3A_3015[0] : f32 from vector<1xf32>
        %get3A_3017 = arith.constant 25 : i32
        %get3A_3018 = arith.index_cast %get3A_3017 : i32 to index
        %get3A_3019 = arith.constant 0 : index
        %get3A_3020 = tpu.vector_load %arg12[%get3A_3018, %get3A_3019] {strides = array<i32>} : memref<32x32xf32, #tpu.memory_space<vmem>>, vector<1x16xf32>,
        %get3A_3021 = vector.shape_cast %get3A_3020 : vector<1x16xf32> to vector<16xf32>
        %mul3A_3022 = arith.mulf %get3A_1660, %get3A_3021 : vector<16xf32>
        %mul3A_3023 = vector.broadcast %squeeze3A_3016 : f32 to vector<16xf32>
        %mul3A_3024 = arith.mulf %mul3A_3023, %sub3A_1651 : vector<16xf32>
        %add3A_3025 = arith.addf %mul3A_3022, %mul3A_3024 : vector<16xf32>
        %get3A_3026 = arith.constant 25 : i32
        %get3A_3027 = arith.index_cast %get3A_3026 : i32 to index
        %get3A_3028 = arith.constant 16 : index
        %get3A_3029 = tpu.vector_load %arg12[%get3A_3027, %get3A_3028] {strides = array<i32>} : memref<32x32xf32, #tpu.memory_space<vmem>>, vector<1x16xf32>,
        %get3A_3030 = vector.shape_cast %get3A_3029 : vector<1x16xf32> to vector<16xf32>
        %mul3A_3031 = arith.mulf %get3A_1664, %get3A_3030 : vector<16xf32>
        %mul3A_3032 = vector.broadcast %squeeze3A_3016 : f32 to vector<16xf32>
        %mul3A_3033 = arith.mulf %mul3A_3032, %sub3A_1656 : vector<16xf32>
        %add3A_3034 = arith.addf %mul3A_3031, %mul3A_3033 : vector<16xf32>
        %add3A_3035 = arith.addf %add3A_3025, %add3A_3025 : vector<16xf32>
        %exp3A_3036 = math.exp %add3A_3035 : vector<16xf32>
        %add3A_3037 = arith.addf %add3A_3034, %add3A_3034 : vector<16xf32>
        %exp3A_3038 = math.exp %add3A_3037 : vector<16xf32>
        %add3A_3039 = arith.constant 1.000000e+00 : f32
        %add3A_3040 = vector.broadcast %add3A_3039 : f32 to vector<16xf32>
        %add3A_3041 = arith.addf %exp3A_3036, %add3A_3040 : vector<16xf32>
        %div3A_3042 = arith.constant 2.000000e+00 : f32
        %div3A_3043 = vector.broadcast %div3A_3042 : f32 to vector<16xf32>
        %div3A_3044 = arith.divf %div3A_3043, %add3A_3041 : vector<16xf32>
        %sub3A_3045 = arith.constant 1.000000e+00 : f32
        %sub3A_3046 = vector.broadcast %sub3A_3045 : f32 to vector<16xf32>
        %sub3A_3047 = arith.subf %sub3A_3046, %div3A_3044 : vector<16xf32>
        %swap3A_3048 = arith.constant 25 : i32
        %swap3A_3049 = arith.index_cast %swap3A_3048 : i32 to index
        %swap3A_3050 = arith.constant 0 : index
        %swap3A_3051 = tpu.vector_load %arg12[%swap3A_3049, %swap3A_3050] {strides = array<i32>} : memref<32x32xf32, #tpu.memory_space<vmem>>, vector<1x16xf32>,
        %swap3A_3052 = vector.shape_cast %swap3A_3051 : vector<1x16xf32> to vector<16xf32>
        %swap3A_3053 = vector.shape_cast %sub3A_3047 : vector<16xf32> to vector<1x16xf32>
        tpu.vector_store %arg12[%swap3A_3049, %swap3A_3050], %swap3A_3053 {strides = array<i32>} : memref<32x32xf32, #tpu.memory_space<vmem>>, vector<1x16xf32>,
        %add3A_3054 = arith.constant 1.000000e+00 : f32
        %add3A_3055 = vector.broadcast %add3A_3054 : f32 to vector<16xf32>
        %add3A_3056 = arith.addf %exp3A_3038, %add3A_3055 : vector<16xf32>
        %div3A_3057 = arith.constant 2.000000e+00 : f32
        %div3A_3058 = vector.broadcast %div3A_3057 : f32 to vector<16xf32>
        %div3A_3059 = arith.divf %div3A_3058, %add3A_3056 : vector<16xf32>
        %sub3A_3060 = arith.constant 1.000000e+00 : f32
        %sub3A_3061 = vector.broadcast %sub3A_3060 : f32 to vector<16xf32>
        %sub3A_3062 = arith.subf %sub3A_3061, %div3A_3059 : vector<16xf32>
        %swap3A_3063 = arith.constant 25 : i32
        %swap3A_3064 = arith.index_cast %swap3A_3063 : i32 to index
        %swap3A_3065 = arith.constant 16 : index
        %swap3A_3066 = tpu.vector_load %arg12[%swap3A_3064, %swap3A_3065] {strides = array<i32>} : memref<32x32xf32, #tpu.memory_space<vmem>>, vector<1x16xf32>,
        %swap3A_3067 = vector.shape_cast %swap3A_3066 : vector<1x16xf32> to vector<16xf32>
        %swap3A_3068 = vector.shape_cast %sub3A_3062 : vector<16xf32> to vector<1x16xf32>
        tpu.vector_store %arg12[%swap3A_3064, %swap3A_3065], %swap3A_3068 {strides = array<i32>} : memref<32x32xf32, #tpu.memory_space<vmem>>, vector<1x16xf32>,
        %slice3A_3069 = vector.extract_strided_slice %get3A_1064 {offsets = [10], sizes = [1], strides = [1]} : vector<16xf32> to vector<1xf32>
        %squeeze3A_3070 = vector.extract %slice3A_3069[0] : f32 from vector<1xf32>
        %get3A_3071 = arith.constant 26 : i32
        %get3A_3072 = arith.index_cast %get3A_3071 : i32 to index
        %get3A_3073 = arith.constant 0 : index
        %get3A_3074 = tpu.vector_load %arg12[%get3A_3072, %get3A_3073] {strides = array<i32>} : memref<32x32xf32, #tpu.memory_space<vmem>>, vector<1x16xf32>,
        %get3A_3075 = vector.shape_cast %get3A_3074 : vector<1x16xf32> to vector<16xf32>
        %mul3A_3076 = arith.mulf %get3A_1660, %get3A_3075 : vector<16xf32>
        %mul3A_3077 = vector.broadcast %squeeze3A_3070 : f32 to vector<16xf32>
        %mul3A_3078 = arith.mulf %mul3A_3077, %sub3A_1651 : vector<16xf32>
        %add3A_3079 = arith.addf %mul3A_3076, %mul3A_3078 : vector<16xf32>
        %get3A_3080 = arith.constant 26 : i32
        %get3A_3081 = arith.index_cast %get3A_3080 : i32 to index
        %get3A_3082 = arith.constant 16 : index
        %get3A_3083 = tpu.vector_load %arg12[%get3A_3081, %get3A_3082] {strides = array<i32>} : memref<32x32xf32, #tpu.memory_space<vmem>>, vector<1x16xf32>,
        %get3A_3084 = vector.shape_cast %get3A_3083 : vector<1x16xf32> to vector<16xf32>
        %mul3A_3085 = arith.mulf %get3A_1664, %get3A_3084 : vector<16xf32>
        %mul3A_3086 = vector.broadcast %squeeze3A_3070 : f32 to vector<16xf32>
        %mul3A_3087 = arith.mulf %mul3A_3086, %sub3A_1656 : vector<16xf32>
        %add3A_3088 = arith.addf %mul3A_3085, %mul3A_3087 : vector<16xf32>
        %add3A_3089 = arith.addf %add3A_3079, %add3A_3079 : vector<16xf32>
        %exp3A_3090 = math.exp %add3A_3089 : vector<16xf32>
        %add3A_3091 = arith.addf %add3A_3088, %add3A_3088 : vector<16xf32>
        %exp3A_3092 = math.exp %add3A_3091 : vector<16xf32>
        %add3A_3093 = arith.constant 1.000000e+00 : f32
        %add3A_3094 = vector.broadcast %add3A_3093 : f32 to vector<16xf32>
        %add3A_3095 = arith.addf %exp3A_3090, %add3A_3094 : vector<16xf32>
        %div3A_3096 = arith.constant 2.000000e+00 : f32
        %div3A_3097 = vector.broadcast %div3A_3096 : f32 to vector<16xf32>
        %div3A_3098 = arith.divf %div3A_3097, %add3A_3095 : vector<16xf32>
        %sub3A_3099 = arith.constant 1.000000e+00 : f32
        %sub3A_3100 = vector.broadcast %sub3A_3099 : f32 to vector<16xf32>
        %sub3A_3101 = arith.subf %sub3A_3100, %div3A_3098 : vector<16xf32>
        %swap3A_3102 = arith.constant 26 : i32
        %swap3A_3103 = arith.index_cast %swap3A_3102 : i32 to index
        %swap3A_3104 = arith.constant 0 : index
        %swap3A_3105 = tpu.vector_load %arg12[%swap3A_3103, %swap3A_3104] {strides = array<i32>} : memref<32x32xf32, #tpu.memory_space<vmem>>, vector<1x16xf32>,
        %swap3A_3106 = vector.shape_cast %swap3A_3105 : vector<1x16xf32> to vector<16xf32>
        %swap3A_3107 = vector.shape_cast %sub3A_3101 : vector<16xf32> to vector<1x16xf32>
        tpu.vector_store %arg12[%swap3A_3103, %swap3A_3104], %swap3A_3107 {strides = array<i32>} : memref<32x32xf32, #tpu.memory_space<vmem>>, vector<1x16xf32>,
        %add3A_3108 = arith.constant 1.000000e+00 : f32
        %add3A_3109 = vector.broadcast %add3A_3108 : f32 to vector<16xf32>
        %add3A_3110 = arith.addf %exp3A_3092, %add3A_3109 : vector<16xf32>
        %div3A_3111 = arith.constant 2.000000e+00 : f32
        %div3A_3112 = vector.broadcast %div3A_3111 : f32 to vector<16xf32>
        %div3A_3113 = arith.divf %div3A_3112, %add3A_3110 : vector<16xf32>
        %sub3A_3114 = arith.constant 1.000000e+00 : f32
        %sub3A_3115 = vector.broadcast %sub3A_3114 : f32 to vector<16xf32>
        %sub3A_3116 = arith.subf %sub3A_3115, %div3A_3113 : vector<16xf32>
        %swap3A_3117 = arith.constant 26 : i32
        %swap3A_3118 = arith.index_cast %swap3A_3117 : i32 to index
        %swap3A_3119 = arith.constant 16 : index
        %swap3A_3120 = tpu.vector_load %arg12[%swap3A_3118, %swap3A_3119] {strides = array<i32>} : memref<32x32xf32, #tpu.memory_space<vmem>>, vector<1x16xf32>,
        %swap3A_3121 = vector.shape_cast %swap3A_3120 : vector<1x16xf32> to vector<16xf32>
        %swap3A_3122 = vector.shape_cast %sub3A_3116 : vector<16xf32> to vector<1x16xf32>
        tpu.vector_store %arg12[%swap3A_3118, %swap3A_3119], %swap3A_3122 {strides = array<i32>} : memref<32x32xf32, #tpu.memory_space<vmem>>, vector<1x16xf32>,
        %slice3A_3123 = vector.extract_strided_slice %get3A_1064 {offsets = [11], sizes = [1], strides = [1]} : vector<16xf32> to vector<1xf32>
        %squeeze3A_3124 = vector.extract %slice3A_3123[0] : f32 from vector<1xf32>
        %get3A_3125 = arith.constant 27 : i32
        %get3A_3126 = arith.index_cast %get3A_3125 : i32 to index
        %get3A_3127 = arith.constant 0 : index
        %get3A_3128 = tpu.vector_load %arg12[%get3A_3126, %get3A_3127] {strides = array<i32>} : memref<32x32xf32, #tpu.memory_space<vmem>>, vector<1x16xf32>,
        %get3A_3129 = vector.shape_cast %get3A_3128 : vector<1x16xf32> to vector<16xf32>
        %mul3A_3130 = arith.mulf %get3A_1660, %get3A_3129 : vector<16xf32>
        %mul3A_3131 = vector.broadcast %squeeze3A_3124 : f32 to vector<16xf32>
        %mul3A_3132 = arith.mulf %mul3A_3131, %sub3A_1651 : vector<16xf32>
        %add3A_3133 = arith.addf %mul3A_3130, %mul3A_3132 : vector<16xf32>
        %get3A_3134 = arith.constant 27 : i32
        %get3A_3135 = arith.index_cast %get3A_3134 : i32 to index
        %get3A_3136 = arith.constant 16 : index
        %get3A_3137 = tpu.vector_load %arg12[%get3A_3135, %get3A_3136] {strides = array<i32>} : memref<32x32xf32, #tpu.memory_space<vmem>>, vector<1x16xf32>,
        %get3A_3138 = vector.shape_cast %get3A_3137 : vector<1x16xf32> to vector<16xf32>
        %mul3A_3139 = arith.mulf %get3A_1664, %get3A_3138 : vector<16xf32>
        %mul3A_3140 = vector.broadcast %squeeze3A_3124 : f32 to vector<16xf32>
        %mul3A_3141 = arith.mulf %mul3A_3140, %sub3A_1656 : vector<16xf32>
        %add3A_3142 = arith.addf %mul3A_3139, %mul3A_3141 : vector<16xf32>
        %add3A_3143 = arith.addf %add3A_3133, %add3A_3133 : vector<16xf32>
        %exp3A_3144 = math.exp %add3A_3143 : vector<16xf32>
        %add3A_3145 = arith.addf %add3A_3142, %add3A_3142 : vector<16xf32>
        %exp3A_3146 = math.exp %add3A_3145 : vector<16xf32>
        %add3A_3147 = arith.constant 1.000000e+00 : f32
        %add3A_3148 = vector.broadcast %add3A_3147 : f32 to vector<16xf32>
        %add3A_3149 = arith.addf %exp3A_3144, %add3A_3148 : vector<16xf32>
        %div3A_3150 = arith.constant 2.000000e+00 : f32
        %div3A_3151 = vector.broadcast %div3A_3150 : f32 to vector<16xf32>
        %div3A_3152 = arith.divf %div3A_3151, %add3A_3149 : vector<16xf32>
        %sub3A_3153 = arith.constant 1.000000e+00 : f32
        %sub3A_3154 = vector.broadcast %sub3A_3153 : f32 to vector<16xf32>
        %sub3A_3155 = arith.subf %sub3A_3154, %div3A_3152 : vector<16xf32>
        %swap3A_3156 = arith.constant 27 : i32
        %swap3A_3157 = arith.index_cast %swap3A_3156 : i32 to index
        %swap3A_3158 = arith.constant 0 : index
        %swap3A_3159 = tpu.vector_load %arg12[%swap3A_3157, %swap3A_3158] {strides = array<i32>} : memref<32x32xf32, #tpu.memory_space<vmem>>, vector<1x16xf32>,
        %swap3A_3160 = vector.shape_cast %swap3A_3159 : vector<1x16xf32> to vector<16xf32>
        %swap3A_3161 = vector.shape_cast %sub3A_3155 : vector<16xf32> to vector<1x16xf32>
        tpu.vector_store %arg12[%swap3A_3157, %swap3A_3158], %swap3A_3161 {strides = array<i32>} : memref<32x32xf32, #tpu.memory_space<vmem>>, vector<1x16xf32>,
        %add3A_3162 = arith.constant 1.000000e+00 : f32
        %add3A_3163 = vector.broadcast %add3A_3162 : f32 to vector<16xf32>
        %add3A_3164 = arith.addf %exp3A_3146, %add3A_3163 : vector<16xf32>
        %div3A_3165 = arith.constant 2.000000e+00 : f32
        %div3A_3166 = vector.broadcast %div3A_3165 : f32 to vector<16xf32>
        %div3A_3167 = arith.divf %div3A_3166, %add3A_3164 : vector<16xf32>
        %sub3A_3168 = arith.constant 1.000000e+00 : f32
        %sub3A_3169 = vector.broadcast %sub3A_3168 : f32 to vector<16xf32>
        %sub3A_3170 = arith.subf %sub3A_3169, %div3A_3167 : vector<16xf32>
        %swap3A_3171 = arith.constant 27 : i32
        %swap3A_3172 = arith.index_cast %swap3A_3171 : i32 to index
        %swap3A_3173 = arith.constant 16 : index
        %swap3A_3174 = tpu.vector_load %arg12[%swap3A_3172, %swap3A_3173] {strides = array<i32>} : memref<32x32xf32, #tpu.memory_space<vmem>>, vector<1x16xf32>,
        %swap3A_3175 = vector.shape_cast %swap3A_3174 : vector<1x16xf32> to vector<16xf32>
        %swap3A_3176 = vector.shape_cast %sub3A_3170 : vector<16xf32> to vector<1x16xf32>
        tpu.vector_store %arg12[%swap3A_3172, %swap3A_3173], %swap3A_3176 {strides = array<i32>} : memref<32x32xf32, #tpu.memory_space<vmem>>, vector<1x16xf32>,
        %slice3A_3177 = vector.extract_strided_slice %get3A_1064 {offsets = [12], sizes = [1], strides = [1]} : vector<16xf32> to vector<1xf32>
        %squeeze3A_3178 = vector.extract %slice3A_3177[0] : f32 from vector<1xf32>
        %get3A_3179 = arith.constant 28 : i32
        %get3A_3180 = arith.index_cast %get3A_3179 : i32 to index
        %get3A_3181 = arith.constant 0 : index
        %get3A_3182 = tpu.vector_load %arg12[%get3A_3180, %get3A_3181] {strides = array<i32>} : memref<32x32xf32, #tpu.memory_space<vmem>>, vector<1x16xf32>,
        %get3A_3183 = vector.shape_cast %get3A_3182 : vector<1x16xf32> to vector<16xf32>
        %mul3A_3184 = arith.mulf %get3A_1660, %get3A_3183 : vector<16xf32>
        %mul3A_3185 = vector.broadcast %squeeze3A_3178 : f32 to vector<16xf32>
        %mul3A_3186 = arith.mulf %mul3A_3185, %sub3A_1651 : vector<16xf32>
        %add3A_3187 = arith.addf %mul3A_3184, %mul3A_3186 : vector<16xf32>
        %get3A_3188 = arith.constant 28 : i32
        %get3A_3189 = arith.index_cast %get3A_3188 : i32 to index
        %get3A_3190 = arith.constant 16 : index
        %get3A_3191 = tpu.vector_load %arg12[%get3A_3189, %get3A_3190] {strides = array<i32>} : memref<32x32xf32, #tpu.memory_space<vmem>>, vector<1x16xf32>,
        %get3A_3192 = vector.shape_cast %get3A_3191 : vector<1x16xf32> to vector<16xf32>
        %mul3A_3193 = arith.mulf %get3A_1664, %get3A_3192 : vector<16xf32>
        %mul3A_3194 = vector.broadcast %squeeze3A_3178 : f32 to vector<16xf32>
        %mul3A_3195 = arith.mulf %mul3A_3194, %sub3A_1656 : vector<16xf32>
        %add3A_3196 = arith.addf %mul3A_3193, %mul3A_3195 : vector<16xf32>
        %add3A_3197 = arith.addf %add3A_3187, %add3A_3187 : vector<16xf32>
        %exp3A_3198 = math.exp %add3A_3197 : vector<16xf32>
        %add3A_3199 = arith.addf %add3A_3196, %add3A_3196 : vector<16xf32>
        %exp3A_3200 = math.exp %add3A_3199 : vector<16xf32>
        %add3A_3201 = arith.constant 1.000000e+00 : f32
        %add3A_3202 = vector.broadcast %add3A_3201 : f32 to vector<16xf32>
        %add3A_3203 = arith.addf %exp3A_3198, %add3A_3202 : vector<16xf32>
        %div3A_3204 = arith.constant 2.000000e+00 : f32
        %div3A_3205 = vector.broadcast %div3A_3204 : f32 to vector<16xf32>
        %div3A_3206 = arith.divf %div3A_3205, %add3A_3203 : vector<16xf32>
        %sub3A_3207 = arith.constant 1.000000e+00 : f32
        %sub3A_3208 = vector.broadcast %sub3A_3207 : f32 to vector<16xf32>
        %sub3A_3209 = arith.subf %sub3A_3208, %div3A_3206 : vector<16xf32>
        %swap3A_3210 = arith.constant 28 : i32
        %swap3A_3211 = arith.index_cast %swap3A_3210 : i32 to index
        %swap3A_3212 = arith.constant 0 : index
        %swap3A_3213 = tpu.vector_load %arg12[%swap3A_3211, %swap3A_3212] {strides = array<i32>} : memref<32x32xf32, #tpu.memory_space<vmem>>, vector<1x16xf32>,
        %swap3A_3214 = vector.shape_cast %swap3A_3213 : vector<1x16xf32> to vector<16xf32>
        %swap3A_3215 = vector.shape_cast %sub3A_3209 : vector<16xf32> to vector<1x16xf32>
        tpu.vector_store %arg12[%swap3A_3211, %swap3A_3212], %swap3A_3215 {strides = array<i32>} : memref<32x32xf32, #tpu.memory_space<vmem>>, vector<1x16xf32>,
        %add3A_3216 = arith.constant 1.000000e+00 : f32
        %add3A_3217 = vector.broadcast %add3A_3216 : f32 to vector<16xf32>
        %add3A_3218 = arith.addf %exp3A_3200, %add3A_3217 : vector<16xf32>
        %div3A_3219 = arith.constant 2.000000e+00 : f32
        %div3A_3220 = vector.broadcast %div3A_3219 : f32 to vector<16xf32>
        %div3A_3221 = arith.divf %div3A_3220, %add3A_3218 : vector<16xf32>
        %sub3A_3222 = arith.constant 1.000000e+00 : f32
        %sub3A_3223 = vector.broadcast %sub3A_3222 : f32 to vector<16xf32>
        %sub3A_3224 = arith.subf %sub3A_3223, %div3A_3221 : vector<16xf32>
        %swap3A_3225 = arith.constant 28 : i32
        %swap3A_3226 = arith.index_cast %swap3A_3225 : i32 to index
        %swap3A_3227 = arith.constant 16 : index
        %swap3A_3228 = tpu.vector_load %arg12[%swap3A_3226, %swap3A_3227] {strides = array<i32>} : memref<32x32xf32, #tpu.memory_space<vmem>>, vector<1x16xf32>,
        %swap3A_3229 = vector.shape_cast %swap3A_3228 : vector<1x16xf32> to vector<16xf32>
        %swap3A_3230 = vector.shape_cast %sub3A_3224 : vector<16xf32> to vector<1x16xf32>
        tpu.vector_store %arg12[%swap3A_3226, %swap3A_3227], %swap3A_3230 {strides = array<i32>} : memref<32x32xf32, #tpu.memory_space<vmem>>, vector<1x16xf32>,
        %slice3A_3231 = vector.extract_strided_slice %get3A_1064 {offsets = [13], sizes = [1], strides = [1]} : vector<16xf32> to vector<1xf32>
        %squeeze3A_3232 = vector.extract %slice3A_3231[0] : f32 from vector<1xf32>
        %get3A_3233 = arith.constant 29 : i32
        %get3A_3234 = arith.index_cast %get3A_3233 : i32 to index
        %get3A_3235 = arith.constant 0 : index
        %get3A_3236 = tpu.vector_load %arg12[%get3A_3234, %get3A_3235] {strides = array<i32>} : memref<32x32xf32, #tpu.memory_space<vmem>>, vector<1x16xf32>,
        %get3A_3237 = vector.shape_cast %get3A_3236 : vector<1x16xf32> to vector<16xf32>
        %mul3A_3238 = arith.mulf %get3A_1660, %get3A_3237 : vector<16xf32>
        %mul3A_3239 = vector.broadcast %squeeze3A_3232 : f32 to vector<16xf32>
        %mul3A_3240 = arith.mulf %mul3A_3239, %sub3A_1651 : vector<16xf32>
        %add3A_3241 = arith.addf %mul3A_3238, %mul3A_3240 : vector<16xf32>
        %get3A_3242 = arith.constant 29 : i32
        %get3A_3243 = arith.index_cast %get3A_3242 : i32 to index
        %get3A_3244 = arith.constant 16 : index
        %get3A_3245 = tpu.vector_load %arg12[%get3A_3243, %get3A_3244] {strides = array<i32>} : memref<32x32xf32, #tpu.memory_space<vmem>>, vector<1x16xf32>,
        %get3A_3246 = vector.shape_cast %get3A_3245 : vector<1x16xf32> to vector<16xf32>
        %mul3A_3247 = arith.mulf %get3A_1664, %get3A_3246 : vector<16xf32>
        %mul3A_3248 = vector.broadcast %squeeze3A_3232 : f32 to vector<16xf32>
        %mul3A_3249 = arith.mulf %mul3A_3248, %sub3A_1656 : vector<16xf32>
        %add3A_3250 = arith.addf %mul3A_3247, %mul3A_3249 : vector<16xf32>
        %add3A_3251 = arith.addf %add3A_3241, %add3A_3241 : vector<16xf32>
        %exp3A_3252 = math.exp %add3A_3251 : vector<16xf32>
        %add3A_3253 = arith.addf %add3A_3250, %add3A_3250 : vector<16xf32>
        %exp3A_3254 = math.exp %add3A_3253 : vector<16xf32>
        %add3A_3255 = arith.constant 1.000000e+00 : f32
        %add3A_3256 = vector.broadcast %add3A_3255 : f32 to vector<16xf32>
        %add3A_3257 = arith.addf %exp3A_3252, %add3A_3256 : vector<16xf32>
        %div3A_3258 = arith.constant 2.000000e+00 : f32
        %div3A_3259 = vector.broadcast %div3A_3258 : f32 to vector<16xf32>
        %div3A_3260 = arith.divf %div3A_3259, %add3A_3257 : vector<16xf32>
        %sub3A_3261 = arith.constant 1.000000e+00 : f32
        %sub3A_3262 = vector.broadcast %sub3A_3261 : f32 to vector<16xf32>
        %sub3A_3263 = arith.subf %sub3A_3262, %div3A_3260 : vector<16xf32>
        %swap3A_3264 = arith.constant 29 : i32
        %swap3A_3265 = arith.index_cast %swap3A_3264 : i32 to index
        %swap3A_3266 = arith.constant 0 : index
        %swap3A_3267 = tpu.vector_load %arg12[%swap3A_3265, %swap3A_3266] {strides = array<i32>} : memref<32x32xf32, #tpu.memory_space<vmem>>, vector<1x16xf32>,
        %swap3A_3268 = vector.shape_cast %swap3A_3267 : vector<1x16xf32> to vector<16xf32>
        %swap3A_3269 = vector.shape_cast %sub3A_3263 : vector<16xf32> to vector<1x16xf32>
        tpu.vector_store %arg12[%swap3A_3265, %swap3A_3266], %swap3A_3269 {strides = array<i32>} : memref<32x32xf32, #tpu.memory_space<vmem>>, vector<1x16xf32>,
        %add3A_3270 = arith.constant 1.000000e+00 : f32
        %add3A_3271 = vector.broadcast %add3A_3270 : f32 to vector<16xf32>
        %add3A_3272 = arith.addf %exp3A_3254, %add3A_3271 : vector<16xf32>
        %div3A_3273 = arith.constant 2.000000e+00 : f32
        %div3A_3274 = vector.broadcast %div3A_3273 : f32 to vector<16xf32>
        %div3A_3275 = arith.divf %div3A_3274, %add3A_3272 : vector<16xf32>
        %sub3A_3276 = arith.constant 1.000000e+00 : f32
        %sub3A_3277 = vector.broadcast %sub3A_3276 : f32 to vector<16xf32>
        %sub3A_3278 = arith.subf %sub3A_3277, %div3A_3275 : vector<16xf32>
        %swap3A_3279 = arith.constant 29 : i32
        %swap3A_3280 = arith.index_cast %swap3A_3279 : i32 to index
        %swap3A_3281 = arith.constant 16 : index
        %swap3A_3282 = tpu.vector_load %arg12[%swap3A_3280, %swap3A_3281] {strides = array<i32>} : memref<32x32xf32, #tpu.memory_space<vmem>>, vector<1x16xf32>,
        %swap3A_3283 = vector.shape_cast %swap3A_3282 : vector<1x16xf32> to vector<16xf32>
        %swap3A_3284 = vector.shape_cast %sub3A_3278 : vector<16xf32> to vector<1x16xf32>
        tpu.vector_store %arg12[%swap3A_3280, %swap3A_3281], %swap3A_3284 {strides = array<i32>} : memref<32x32xf32, #tpu.memory_space<vmem>>, vector<1x16xf32>,
        %slice3A_3285 = vector.extract_strided_slice %get3A_1064 {offsets = [14], sizes = [1], strides = [1]} : vector<16xf32> to vector<1xf32>
        %squeeze3A_3286 = vector.extract %slice3A_3285[0] : f32 from vector<1xf32>
        %get3A_3287 = arith.constant 30 : i32
        %get3A_3288 = arith.index_cast %get3A_3287 : i32 to index
        %get3A_3289 = arith.constant 0 : index
        %get3A_3290 = tpu.vector_load %arg12[%get3A_3288, %get3A_3289] {strides = array<i32>} : memref<32x32xf32, #tpu.memory_space<vmem>>, vector<1x16xf32>,
        %get3A_3291 = vector.shape_cast %get3A_3290 : vector<1x16xf32> to vector<16xf32>
        %mul3A_3292 = arith.mulf %get3A_1660, %get3A_3291 : vector<16xf32>
        %mul3A_3293 = vector.broadcast %squeeze3A_3286 : f32 to vector<16xf32>
        %mul3A_3294 = arith.mulf %mul3A_3293, %sub3A_1651 : vector<16xf32>
        %add3A_3295 = arith.addf %mul3A_3292, %mul3A_3294 : vector<16xf32>
        %get3A_3296 = arith.constant 30 : i32
        %get3A_3297 = arith.index_cast %get3A_3296 : i32 to index
        %get3A_3298 = arith.constant 16 : index
        %get3A_3299 = tpu.vector_load %arg12[%get3A_3297, %get3A_3298] {strides = array<i32>} : memref<32x32xf32, #tpu.memory_space<vmem>>, vector<1x16xf32>,
        %get3A_3300 = vector.shape_cast %get3A_3299 : vector<1x16xf32> to vector<16xf32>
        %mul3A_3301 = arith.mulf %get3A_1664, %get3A_3300 : vector<16xf32>
        %mul3A_3302 = vector.broadcast %squeeze3A_3286 : f32 to vector<16xf32>
        %mul3A_3303 = arith.mulf %mul3A_3302, %sub3A_1656 : vector<16xf32>
        %add3A_3304 = arith.addf %mul3A_3301, %mul3A_3303 : vector<16xf32>
        %add3A_3305 = arith.addf %add3A_3295, %add3A_3295 : vector<16xf32>
        %exp3A_3306 = math.exp %add3A_3305 : vector<16xf32>
        %add3A_3307 = arith.addf %add3A_3304, %add3A_3304 : vector<16xf32>
        %exp3A_3308 = math.exp %add3A_3307 : vector<16xf32>
        %add3A_3309 = arith.constant 1.000000e+00 : f32
        %add3A_3310 = vector.broadcast %add3A_3309 : f32 to vector<16xf32>
        %add3A_3311 = arith.addf %exp3A_3306, %add3A_3310 : vector<16xf32>
        %div3A_3312 = arith.constant 2.000000e+00 : f32
        %div3A_3313 = vector.broadcast %div3A_3312 : f32 to vector<16xf32>
        %div3A_3314 = arith.divf %div3A_3313, %add3A_3311 : vector<16xf32>
        %sub3A_3315 = arith.constant 1.000000e+00 : f32
        %sub3A_3316 = vector.broadcast %sub3A_3315 : f32 to vector<16xf32>
        %sub3A_3317 = arith.subf %sub3A_3316, %div3A_3314 : vector<16xf32>
        %swap3A_3318 = arith.constant 30 : i32
        %swap3A_3319 = arith.index_cast %swap3A_3318 : i32 to index
        %swap3A_3320 = arith.constant 0 : index
        %swap3A_3321 = tpu.vector_load %arg12[%swap3A_3319, %swap3A_3320] {strides = array<i32>} : memref<32x32xf32, #tpu.memory_space<vmem>>, vector<1x16xf32>,
        %swap3A_3322 = vector.shape_cast %swap3A_3321 : vector<1x16xf32> to vector<16xf32>
        %swap3A_3323 = vector.shape_cast %sub3A_3317 : vector<16xf32> to vector<1x16xf32>
        tpu.vector_store %arg12[%swap3A_3319, %swap3A_3320], %swap3A_3323 {strides = array<i32>} : memref<32x32xf32, #tpu.memory_space<vmem>>, vector<1x16xf32>,
        %add3A_3324 = arith.constant 1.000000e+00 : f32
        %add3A_3325 = vector.broadcast %add3A_3324 : f32 to vector<16xf32>
        %add3A_3326 = arith.addf %exp3A_3308, %add3A_3325 : vector<16xf32>
        %div3A_3327 = arith.constant 2.000000e+00 : f32
        %div3A_3328 = vector.broadcast %div3A_3327 : f32 to vector<16xf32>
        %div3A_3329 = arith.divf %div3A_3328, %add3A_3326 : vector<16xf32>
        %sub3A_3330 = arith.constant 1.000000e+00 : f32
        %sub3A_3331 = vector.broadcast %sub3A_3330 : f32 to vector<16xf32>
        %sub3A_3332 = arith.subf %sub3A_3331, %div3A_3329 : vector<16xf32>
        %swap3A_3333 = arith.constant 30 : i32
        %swap3A_3334 = arith.index_cast %swap3A_3333 : i32 to index
        %swap3A_3335 = arith.constant 16 : index
        %swap3A_3336 = tpu.vector_load %arg12[%swap3A_3334, %swap3A_3335] {strides = array<i32>} : memref<32x32xf32, #tpu.memory_space<vmem>>, vector<1x16xf32>,
        %swap3A_3337 = vector.shape_cast %swap3A_3336 : vector<1x16xf32> to vector<16xf32>
        %swap3A_3338 = vector.shape_cast %sub3A_3332 : vector<16xf32> to vector<1x16xf32>
        tpu.vector_store %arg12[%swap3A_3334, %swap3A_3335], %swap3A_3338 {strides = array<i32>} : memref<32x32xf32, #tpu.memory_space<vmem>>, vector<1x16xf32>,
        %slice3A_3339 = vector.extract_strided_slice %get3A_1064 {offsets = [15], sizes = [1], strides = [1]} : vector<16xf32> to vector<1xf32>
        %squeeze3A_3340 = vector.extract %slice3A_3339[0] : f32 from vector<1xf32>
        %get3A_3341 = arith.constant 31 : i32
        %get3A_3342 = arith.index_cast %get3A_3341 : i32 to index
        %get3A_3343 = arith.constant 0 : index
        %get3A_3344 = tpu.vector_load %arg12[%get3A_3342, %get3A_3343] {strides = array<i32>} : memref<32x32xf32, #tpu.memory_space<vmem>>, vector<1x16xf32>,
        %get3A_3345 = vector.shape_cast %get3A_3344 : vector<1x16xf32> to vector<16xf32>
        %mul3A_3346 = arith.mulf %get3A_1660, %get3A_3345 : vector<16xf32>
        %mul3A_3347 = vector.broadcast %squeeze3A_3340 : f32 to vector<16xf32>
        %mul3A_3348 = arith.mulf %mul3A_3347, %sub3A_1651 : vector<16xf32>
        %add3A_3349 = arith.addf %mul3A_3346, %mul3A_3348 : vector<16xf32>
        %get3A_3350 = arith.constant 31 : i32
        %get3A_3351 = arith.index_cast %get3A_3350 : i32 to index
        %get3A_3352 = arith.constant 16 : index
        %get3A_3353 = tpu.vector_load %arg12[%get3A_3351, %get3A_3352] {strides = array<i32>} : memref<32x32xf32, #tpu.memory_space<vmem>>, vector<1x16xf32>,
        %get3A_3354 = vector.shape_cast %get3A_3353 : vector<1x16xf32> to vector<16xf32>
        %mul3A_3355 = arith.mulf %get3A_1664, %get3A_3354 : vector<16xf32>
        %mul3A_3356 = vector.broadcast %squeeze3A_3340 : f32 to vector<16xf32>
        %mul3A_3357 = arith.mulf %mul3A_3356, %sub3A_1656 : vector<16xf32>
        %add3A_3358 = arith.addf %mul3A_3355, %mul3A_3357 : vector<16xf32>
        %add3A_3359 = arith.addf %add3A_3349, %add3A_3349 : vector<16xf32>
        %exp3A_3360 = math.exp %add3A_3359 : vector<16xf32>
        %add3A_3361 = arith.addf %add3A_3358, %add3A_3358 : vector<16xf32>
        %exp3A_3362 = math.exp %add3A_3361 : vector<16xf32>
        %add3A_3363 = arith.constant 1.000000e+00 : f32
        %add3A_3364 = vector.broadcast %add3A_3363 : f32 to vector<16xf32>
        %add3A_3365 = arith.addf %exp3A_3360, %add3A_3364 : vector<16xf32>
        %div3A_3366 = arith.constant 2.000000e+00 : f32
        %div3A_3367 = vector.broadcast %div3A_3366 : f32 to vector<16xf32>
        %div3A_3368 = arith.divf %div3A_3367, %add3A_3365 : vector<16xf32>
        %sub3A_3369 = arith.constant 1.000000e+00 : f32
        %sub3A_3370 = vector.broadcast %sub3A_3369 : f32 to vector<16xf32>
        %sub3A_3371 = arith.subf %sub3A_3370, %div3A_3368 : vector<16xf32>
        %swap3A_3372 = arith.constant 31 : i32
        %swap3A_3373 = arith.index_cast %swap3A_3372 : i32 to index
        %swap3A_3374 = arith.constant 0 : index
        %swap3A_3375 = tpu.vector_load %arg12[%swap3A_3373, %swap3A_3374] {strides = array<i32>} : memref<32x32xf32, #tpu.memory_space<vmem>>, vector<1x16xf32>,
        %swap3A_3376 = vector.shape_cast %swap3A_3375 : vector<1x16xf32> to vector<16xf32>
        %swap3A_3377 = vector.shape_cast %sub3A_3371 : vector<16xf32> to vector<1x16xf32>
        tpu.vector_store %arg12[%swap3A_3373, %swap3A_3374], %swap3A_3377 {strides = array<i32>} : memref<32x32xf32, #tpu.memory_space<vmem>>, vector<1x16xf32>,
        %add3A_3378 = arith.constant 1.000000e+00 : f32
        %add3A_3379 = vector.broadcast %add3A_3378 : f32 to vector<16xf32>
        %add3A_3380 = arith.addf %exp3A_3362, %add3A_3379 : vector<16xf32>
        %div3A_3381 = arith.constant 2.000000e+00 : f32
        %div3A_3382 = vector.broadcast %div3A_3381 : f32 to vector<16xf32>
        %div3A_3383 = arith.divf %div3A_3382, %add3A_3380 : vector<16xf32>
        %sub3A_3384 = arith.constant 1.000000e+00 : f32
        %sub3A_3385 = vector.broadcast %sub3A_3384 : f32 to vector<16xf32>
        %sub3A_3386 = arith.subf %sub3A_3385, %div3A_3383 : vector<16xf32>
        %swap3A_3387 = arith.constant 31 : i32
        %swap3A_3388 = arith.index_cast %swap3A_3387 : i32 to index
        %swap3A_3389 = arith.constant 16 : index
        %swap3A_3390 = tpu.vector_load %arg12[%swap3A_3388, %swap3A_3389] {strides = array<i32>} : memref<32x32xf32, #tpu.memory_space<vmem>>, vector<1x16xf32>,
        %swap3A_3391 = vector.shape_cast %swap3A_3390 : vector<1x16xf32> to vector<16xf32>
        %swap3A_3392 = vector.shape_cast %sub3A_3386 : vector<16xf32> to vector<1x16xf32>
        tpu.vector_store %arg12[%swap3A_3388, %swap3A_3389], %swap3A_3392 {strides = array<i32>} : memref<32x32xf32, #tpu.memory_space<vmem>>, vector<1x16xf32>,
      } else {
      }
      %get3A_429 = arith.index_cast %scan3A_423 : i32 to index
      %get3A_430 = arith.constant 0 : index
      %get3A_431 = tpu.vector_load %arg10[%get3A_429, %get3A_430] {strides = array<i32>} : memref<128x32xf32, #tpu.memory_space<vmem>>, vector<1x16xf32>,
      %get3A_432 = vector.shape_cast %get3A_431 : vector<1x16xf32> to vector<16xf32>
      %get3A_433 = arith.index_cast %scan3A_423 : i32 to index
      %get3A_434 = arith.constant 16 : index
      %get3A_435 = tpu.vector_load %arg10[%get3A_433, %get3A_434] {strides = array<i32>} : memref<128x32xf32, #tpu.memory_space<vmem>>, vector<1x16xf32>,
      %get3A_436 = vector.shape_cast %get3A_435 : vector<1x16xf32> to vector<16xf32>
      %slice3A_437 = vector.extract_strided_slice %get3A_432 {offsets = [0], sizes = [1], strides = [1]} : vector<16xf32> to vector<1xf32>
      %squeeze3A_438 = vector.extract %slice3A_437[0] : f32 from vector<1xf32>
      %get3A_439 = arith.constant 0 : i32
      %get3A_440 = arith.index_cast %get3A_439 : i32 to index
      %get3A_441 = arith.constant 0 : index
      %get3A_442 = tpu.vector_load %arg12[%get3A_440, %get3A_441] {strides = array<i32>} : memref<32x32xf32, #tpu.memory_space<vmem>>, vector<1x16xf32>,
      %get3A_443 = vector.shape_cast %get3A_442 : vector<1x16xf32> to vector<16xf32>
      %mul3A_444 = vector.broadcast %squeeze3A_438 : f32 to vector<16xf32>
      %mul3A_445 = arith.mulf %mul3A_444, %get3A_443 : vector<16xf32>
      %add3A_446 = arith.addf %broadcast_in_dim3A_34, %mul3A_445 : vector<16xf32>
      %get3A_447 = arith.constant 0 : i32
      %get3A_448 = arith.index_cast %get3A_447 : i32 to index
      %get3A_449 = arith.constant 16 : index
      %get3A_450 = tpu.vector_load %arg12[%get3A_448, %get3A_449] {strides = array<i32>} : memref<32x32xf32, #tpu.memory_space<vmem>>, vector<1x16xf32>,
      %get3A_451 = vector.shape_cast %get3A_450 : vector<1x16xf32> to vector<16xf32>
      %mul3A_452 = vector.broadcast %squeeze3A_438 : f32 to vector<16xf32>
      %mul3A_453 = arith.mulf %mul3A_452, %get3A_451 : vector<16xf32>
      %add3A_454 = arith.addf %broadcast_in_dim3A_34, %mul3A_453 : vector<16xf32>
      %slice3A_455 = vector.extract_strided_slice %get3A_432 {offsets = [1], sizes = [1], strides = [1]} : vector<16xf32> to vector<1xf32>
      %squeeze3A_456 = vector.extract %slice3A_455[0] : f32 from vector<1xf32>
      %get3A_457 = arith.constant 1 : i32
      %get3A_458 = arith.index_cast %get3A_457 : i32 to index
      %get3A_459 = arith.constant 0 : index
      %get3A_460 = tpu.vector_load %arg12[%get3A_458, %get3A_459] {strides = array<i32>} : memref<32x32xf32, #tpu.memory_space<vmem>>, vector<1x16xf32>,
      %get3A_461 = vector.shape_cast %get3A_460 : vector<1x16xf32> to vector<16xf32>
      %mul3A_462 = vector.broadcast %squeeze3A_456 : f32 to vector<16xf32>
      %mul3A_463 = arith.mulf %mul3A_462, %get3A_461 : vector<16xf32>
      %add3A_464 = arith.addf %broadcast_in_dim3A_34, %mul3A_463 : vector<16xf32>
      %get3A_465 = arith.constant 1 : i32
      %get3A_466 = arith.index_cast %get3A_465 : i32 to index
      %get3A_467 = arith.constant 16 : index
      %get3A_468 = tpu.vector_load %arg12[%get3A_466, %get3A_467] {strides = array<i32>} : memref<32x32xf32, #tpu.memory_space<vmem>>, vector<1x16xf32>,
      %get3A_469 = vector.shape_cast %get3A_468 : vector<1x16xf32> to vector<16xf32>
      %mul3A_470 = vector.broadcast %squeeze3A_456 : f32 to vector<16xf32>
      %mul3A_471 = arith.mulf %mul3A_470, %get3A_469 : vector<16xf32>
      %add3A_472 = arith.addf %broadcast_in_dim3A_34, %mul3A_471 : vector<16xf32>
      %slice3A_473 = vector.extract_strided_slice %get3A_432 {offsets = [2], sizes = [1], strides = [1]} : vector<16xf32> to vector<1xf32>
      %squeeze3A_474 = vector.extract %slice3A_473[0] : f32 from vector<1xf32>
      %get3A_475 = arith.constant 2 : i32
      %get3A_476 = arith.index_cast %get3A_475 : i32 to index
      %get3A_477 = arith.constant 0 : index
      %get3A_478 = tpu.vector_load %arg12[%get3A_476, %get3A_477] {strides = array<i32>} : memref<32x32xf32, #tpu.memory_space<vmem>>, vector<1x16xf32>,
      %get3A_479 = vector.shape_cast %get3A_478 : vector<1x16xf32> to vector<16xf32>
      %mul3A_480 = vector.broadcast %squeeze3A_474 : f32 to vector<16xf32>
      %mul3A_481 = arith.mulf %mul3A_480, %get3A_479 : vector<16xf32>
      %add3A_482 = arith.addf %broadcast_in_dim3A_34, %mul3A_481 : vector<16xf32>
      %get3A_483 = arith.constant 2 : i32
      %get3A_484 = arith.index_cast %get3A_483 : i32 to index
      %get3A_485 = arith.constant 16 : index
      %get3A_486 = tpu.vector_load %arg12[%get3A_484, %get3A_485] {strides = array<i32>} : memref<32x32xf32, #tpu.memory_space<vmem>>, vector<1x16xf32>,
      %get3A_487 = vector.shape_cast %get3A_486 : vector<1x16xf32> to vector<16xf32>
      %mul3A_488 = vector.broadcast %squeeze3A_474 : f32 to vector<16xf32>
      %mul3A_489 = arith.mulf %mul3A_488, %get3A_487 : vector<16xf32>
      %add3A_490 = arith.addf %broadcast_in_dim3A_34, %mul3A_489 : vector<16xf32>
      %slice3A_491 = vector.extract_strided_slice %get3A_432 {offsets = [3], sizes = [1], strides = [1]} : vector<16xf32> to vector<1xf32>
      %squeeze3A_492 = vector.extract %slice3A_491[0] : f32 from vector<1xf32>
      %get3A_493 = arith.constant 3 : i32
      %get3A_494 = arith.index_cast %get3A_493 : i32 to index
      %get3A_495 = arith.constant 0 : index
      %get3A_496 = tpu.vector_load %arg12[%get3A_494, %get3A_495] {strides = array<i32>} : memref<32x32xf32, #tpu.memory_space<vmem>>, vector<1x16xf32>,
      %get3A_497 = vector.shape_cast %get3A_496 : vector<1x16xf32> to vector<16xf32>
      %mul3A_498 = vector.broadcast %squeeze3A_492 : f32 to vector<16xf32>
      %mul3A_499 = arith.mulf %mul3A_498, %get3A_497 : vector<16xf32>
      %add3A_500 = arith.addf %broadcast_in_dim3A_34, %mul3A_499 : vector<16xf32>
      %get3A_501 = arith.constant 3 : i32
      %get3A_502 = arith.index_cast %get3A_501 : i32 to index
      %get3A_503 = arith.constant 16 : index
      %get3A_504 = tpu.vector_load %arg12[%get3A_502, %get3A_503] {strides = array<i32>} : memref<32x32xf32, #tpu.memory_space<vmem>>, vector<1x16xf32>,
      %get3A_505 = vector.shape_cast %get3A_504 : vector<1x16xf32> to vector<16xf32>
      %mul3A_506 = vector.broadcast %squeeze3A_492 : f32 to vector<16xf32>
      %mul3A_507 = arith.mulf %mul3A_506, %get3A_505 : vector<16xf32>
      %add3A_508 = arith.addf %broadcast_in_dim3A_34, %mul3A_507 : vector<16xf32>
      %slice3A_509 = vector.extract_strided_slice %get3A_432 {offsets = [4], sizes = [1], strides = [1]} : vector<16xf32> to vector<1xf32>
      %squeeze3A_510 = vector.extract %slice3A_509[0] : f32 from vector<1xf32>
      %get3A_511 = arith.constant 4 : i32
      %get3A_512 = arith.index_cast %get3A_511 : i32 to index
      %get3A_513 = arith.constant 0 : index
      %get3A_514 = tpu.vector_load %arg12[%get3A_512, %get3A_513] {strides = array<i32>} : memref<32x32xf32, #tpu.memory_space<vmem>>, vector<1x16xf32>,
      %get3A_515 = vector.shape_cast %get3A_514 : vector<1x16xf32> to vector<16xf32>
      %mul3A_516 = vector.broadcast %squeeze3A_510 : f32 to vector<16xf32>
      %mul3A_517 = arith.mulf %mul3A_516, %get3A_515 : vector<16xf32>
      %add3A_518 = arith.addf %add3A_446, %mul3A_517 : vector<16xf32>
      %get3A_519 = arith.constant 4 : i32
      %get3A_520 = arith.index_cast %get3A_519 : i32 to index
      %get3A_521 = arith.constant 16 : index
      %get3A_522 = tpu.vector_load %arg12[%get3A_520, %get3A_521] {strides = array<i32>} : memref<32x32xf32, #tpu.memory_space<vmem>>, vector<1x16xf32>,
      %get3A_523 = vector.shape_cast %get3A_522 : vector<1x16xf32> to vector<16xf32>
      %mul3A_524 = vector.broadcast %squeeze3A_510 : f32 to vector<16xf32>
      %mul3A_525 = arith.mulf %mul3A_524, %get3A_523 : vector<16xf32>
      %add3A_526 = arith.addf %add3A_454, %mul3A_525 : vector<16xf32>
      %slice3A_527 = vector.extract_strided_slice %get3A_432 {offsets = [5], sizes = [1], strides = [1]} : vector<16xf32> to vector<1xf32>
      %squeeze3A_528 = vector.extract %slice3A_527[0] : f32 from vector<1xf32>
      %get3A_529 = arith.constant 5 : i32
      %get3A_530 = arith.index_cast %get3A_529 : i32 to index
      %get3A_531 = arith.constant 0 : index
      %get3A_532 = tpu.vector_load %arg12[%get3A_530, %get3A_531] {strides = array<i32>} : memref<32x32xf32, #tpu.memory_space<vmem>>, vector<1x16xf32>,
      %get3A_533 = vector.shape_cast %get3A_532 : vector<1x16xf32> to vector<16xf32>
      %mul3A_534 = vector.broadcast %squeeze3A_528 : f32 to vector<16xf32>
      %mul3A_535 = arith.mulf %mul3A_534, %get3A_533 : vector<16xf32>
      %add3A_536 = arith.addf %add3A_464, %mul3A_535 : vector<16xf32>
      %get3A_537 = arith.constant 5 : i32
      %get3A_538 = arith.index_cast %get3A_537 : i32 to index
      %get3A_539 = arith.constant 16 : index
      %get3A_540 = tpu.vector_load %arg12[%get3A_538, %get3A_539] {strides = array<i32>} : memref<32x32xf32, #tpu.memory_space<vmem>>, vector<1x16xf32>,
      %get3A_541 = vector.shape_cast %get3A_540 : vector<1x16xf32> to vector<16xf32>
      %mul3A_542 = vector.broadcast %squeeze3A_528 : f32 to vector<16xf32>
      %mul3A_543 = arith.mulf %mul3A_542, %get3A_541 : vector<16xf32>
      %add3A_544 = arith.addf %add3A_472, %mul3A_543 : vector<16xf32>
      %slice3A_545 = vector.extract_strided_slice %get3A_432 {offsets = [6], sizes = [1], strides = [1]} : vector<16xf32> to vector<1xf32>
      %squeeze3A_546 = vector.extract %slice3A_545[0] : f32 from vector<1xf32>
      %get3A_547 = arith.constant 6 : i32
      %get3A_548 = arith.index_cast %get3A_547 : i32 to index
      %get3A_549 = arith.constant 0 : index
      %get3A_550 = tpu.vector_load %arg12[%get3A_548, %get3A_549] {strides = array<i32>} : memref<32x32xf32, #tpu.memory_space<vmem>>, vector<1x16xf32>,
      %get3A_551 = vector.shape_cast %get3A_550 : vector<1x16xf32> to vector<16xf32>
      %mul3A_552 = vector.broadcast %squeeze3A_546 : f32 to vector<16xf32>
      %mul3A_553 = arith.mulf %mul3A_552, %get3A_551 : vector<16xf32>
      %add3A_554 = arith.addf %add3A_482, %mul3A_553 : vector<16xf32>
      %get3A_555 = arith.constant 6 : i32
      %get3A_556 = arith.index_cast %get3A_555 : i32 to index
      %get3A_557 = arith.constant 16 : index
      %get3A_558 = tpu.vector_load %arg12[%get3A_556, %get3A_557] {strides = array<i32>} : memref<32x32xf32, #tpu.memory_space<vmem>>, vector<1x16xf32>,
      %get3A_559 = vector.shape_cast %get3A_558 : vector<1x16xf32> to vector<16xf32>
      %mul3A_560 = vector.broadcast %squeeze3A_546 : f32 to vector<16xf32>
      %mul3A_561 = arith.mulf %mul3A_560, %get3A_559 : vector<16xf32>
      %add3A_562 = arith.addf %add3A_490, %mul3A_561 : vector<16xf32>
      %slice3A_563 = vector.extract_strided_slice %get3A_432 {offsets = [7], sizes = [1], strides = [1]} : vector<16xf32> to vector<1xf32>
      %squeeze3A_564 = vector.extract %slice3A_563[0] : f32 from vector<1xf32>
      %get3A_565 = arith.constant 7 : i32
      %get3A_566 = arith.index_cast %get3A_565 : i32 to index
      %get3A_567 = arith.constant 0 : index
      %get3A_568 = tpu.vector_load %arg12[%get3A_566, %get3A_567] {strides = array<i32>} : memref<32x32xf32, #tpu.memory_space<vmem>>, vector<1x16xf32>,
      %get3A_569 = vector.shape_cast %get3A_568 : vector<1x16xf32> to vector<16xf32>
      %mul3A_570 = vector.broadcast %squeeze3A_564 : f32 to vector<16xf32>
      %mul3A_571 = arith.mulf %mul3A_570, %get3A_569 : vector<16xf32>
      %add3A_572 = arith.addf %add3A_500, %mul3A_571 : vector<16xf32>
      %get3A_573 = arith.constant 7 : i32
      %get3A_574 = arith.index_cast %get3A_573 : i32 to index
      %get3A_575 = arith.constant 16 : index
      %get3A_576 = tpu.vector_load %arg12[%get3A_574, %get3A_575] {strides = array<i32>} : memref<32x32xf32, #tpu.memory_space<vmem>>, vector<1x16xf32>,
      %get3A_577 = vector.shape_cast %get3A_576 : vector<1x16xf32> to vector<16xf32>
      %mul3A_578 = vector.broadcast %squeeze3A_564 : f32 to vector<16xf32>
      %mul3A_579 = arith.mulf %mul3A_578, %get3A_577 : vector<16xf32>
      %add3A_580 = arith.addf %add3A_508, %mul3A_579 : vector<16xf32>
      %slice3A_581 = vector.extract_strided_slice %get3A_432 {offsets = [8], sizes = [1], strides = [1]} : vector<16xf32> to vector<1xf32>
      %squeeze3A_582 = vector.extract %slice3A_581[0] : f32 from vector<1xf32>
      %get3A_583 = arith.constant 8 : i32
      %get3A_584 = arith.index_cast %get3A_583 : i32 to index
      %get3A_585 = arith.constant 0 : index
      %get3A_586 = tpu.vector_load %arg12[%get3A_584, %get3A_585] {strides = array<i32>} : memref<32x32xf32, #tpu.memory_space<vmem>>, vector<1x16xf32>,
      %get3A_587 = vector.shape_cast %get3A_586 : vector<1x16xf32> to vector<16xf32>
      %mul3A_588 = vector.broadcast %squeeze3A_582 : f32 to vector<16xf32>
      %mul3A_589 = arith.mulf %mul3A_588, %get3A_587 : vector<16xf32>
      %add3A_590 = arith.addf %add3A_518, %mul3A_589 : vector<16xf32>
      %get3A_591 = arith.constant 8 : i32
      %get3A_592 = arith.index_cast %get3A_591 : i32 to index
      %get3A_593 = arith.constant 16 : index
      %get3A_594 = tpu.vector_load %arg12[%get3A_592, %get3A_593] {strides = array<i32>} : memref<32x32xf32, #tpu.memory_space<vmem>>, vector<1x16xf32>,
      %get3A_595 = vector.shape_cast %get3A_594 : vector<1x16xf32> to vector<16xf32>
      %mul3A_596 = vector.broadcast %squeeze3A_582 : f32 to vector<16xf32>
      %mul3A_597 = arith.mulf %mul3A_596, %get3A_595 : vector<16xf32>
      %add3A_598 = arith.addf %add3A_526, %mul3A_597 : vector<16xf32>
      %slice3A_599 = vector.extract_strided_slice %get3A_432 {offsets = [9], sizes = [1], strides = [1]} : vector<16xf32> to vector<1xf32>
      %squeeze3A_600 = vector.extract %slice3A_599[0] : f32 from vector<1xf32>
      %get3A_601 = arith.constant 9 : i32
      %get3A_602 = arith.index_cast %get3A_601 : i32 to index
      %get3A_603 = arith.constant 0 : index
      %get3A_604 = tpu.vector_load %arg12[%get3A_602, %get3A_603] {strides = array<i32>} : memref<32x32xf32, #tpu.memory_space<vmem>>, vector<1x16xf32>,
      %get3A_605 = vector.shape_cast %get3A_604 : vector<1x16xf32> to vector<16xf32>
      %mul3A_606 = vector.broadcast %squeeze3A_600 : f32 to vector<16xf32>
      %mul3A_607 = arith.mulf %mul3A_606, %get3A_605 : vector<16xf32>
      %add3A_608 = arith.addf %add3A_536, %mul3A_607 : vector<16xf32>
      %get3A_609 = arith.constant 9 : i32
      %get3A_610 = arith.index_cast %get3A_609 : i32 to index
      %get3A_611 = arith.constant 16 : index
      %get3A_612 = tpu.vector_load %arg12[%get3A_610, %get3A_611] {strides = array<i32>} : memref<32x32xf32, #tpu.memory_space<vmem>>, vector<1x16xf32>,
      %get3A_613 = vector.shape_cast %get3A_612 : vector<1x16xf32> to vector<16xf32>
      %mul3A_614 = vector.broadcast %squeeze3A_600 : f32 to vector<16xf32>
      %mul3A_615 = arith.mulf %mul3A_614, %get3A_613 : vector<16xf32>
      %add3A_616 = arith.addf %add3A_544, %mul3A_615 : vector<16xf32>
      %slice3A_617 = vector.extract_strided_slice %get3A_432 {offsets = [10], sizes = [1], strides = [1]} : vector<16xf32> to vector<1xf32>
      %squeeze3A_618 = vector.extract %slice3A_617[0] : f32 from vector<1xf32>
      %get3A_619 = arith.constant 10 : i32
      %get3A_620 = arith.index_cast %get3A_619 : i32 to index
      %get3A_621 = arith.constant 0 : index
      %get3A_622 = tpu.vector_load %arg12[%get3A_620, %get3A_621] {strides = array<i32>} : memref<32x32xf32, #tpu.memory_space<vmem>>, vector<1x16xf32>,
      %get3A_623 = vector.shape_cast %get3A_622 : vector<1x16xf32> to vector<16xf32>
      %mul3A_624 = vector.broadcast %squeeze3A_618 : f32 to vector<16xf32>
      %mul3A_625 = arith.mulf %mul3A_624, %get3A_623 : vector<16xf32>
      %add3A_626 = arith.addf %add3A_554, %mul3A_625 : vector<16xf32>
      %get3A_627 = arith.constant 10 : i32
      %get3A_628 = arith.index_cast %get3A_627 : i32 to index
      %get3A_629 = arith.constant 16 : index
      %get3A_630 = tpu.vector_load %arg12[%get3A_628, %get3A_629] {strides = array<i32>} : memref<32x32xf32, #tpu.memory_space<vmem>>, vector<1x16xf32>,
      %get3A_631 = vector.shape_cast %get3A_630 : vector<1x16xf32> to vector<16xf32>
      %mul3A_632 = vector.broadcast %squeeze3A_618 : f32 to vector<16xf32>
      %mul3A_633 = arith.mulf %mul3A_632, %get3A_631 : vector<16xf32>
      %add3A_634 = arith.addf %add3A_562, %mul3A_633 : vector<16xf32>
      %slice3A_635 = vector.extract_strided_slice %get3A_432 {offsets = [11], sizes = [1], strides = [1]} : vector<16xf32> to vector<1xf32>
      %squeeze3A_636 = vector.extract %slice3A_635[0] : f32 from vector<1xf32>
      %get3A_637 = arith.constant 11 : i32
      %get3A_638 = arith.index_cast %get3A_637 : i32 to index
      %get3A_639 = arith.constant 0 : index
      %get3A_640 = tpu.vector_load %arg12[%get3A_638, %get3A_639] {strides = array<i32>} : memref<32x32xf32, #tpu.memory_space<vmem>>, vector<1x16xf32>,
      %get3A_641 = vector.shape_cast %get3A_640 : vector<1x16xf32> to vector<16xf32>
      %mul3A_642 = vector.broadcast %squeeze3A_636 : f32 to vector<16xf32>
      %mul3A_643 = arith.mulf %mul3A_642, %get3A_641 : vector<16xf32>
      %add3A_644 = arith.addf %add3A_572, %mul3A_643 : vector<16xf32>
      %get3A_645 = arith.constant 11 : i32
      %get3A_646 = arith.index_cast %get3A_645 : i32 to index
      %get3A_647 = arith.constant 16 : index
      %get3A_648 = tpu.vector_load %arg12[%get3A_646, %get3A_647] {strides = array<i32>} : memref<32x32xf32, #tpu.memory_space<vmem>>, vector<1x16xf32>,
      %get3A_649 = vector.shape_cast %get3A_648 : vector<1x16xf32> to vector<16xf32>
      %mul3A_650 = vector.broadcast %squeeze3A_636 : f32 to vector<16xf32>
      %mul3A_651 = arith.mulf %mul3A_650, %get3A_649 : vector<16xf32>
      %add3A_652 = arith.addf %add3A_580, %mul3A_651 : vector<16xf32>
      %slice3A_653 = vector.extract_strided_slice %get3A_432 {offsets = [12], sizes = [1], strides = [1]} : vector<16xf32> to vector<1xf32>
      %squeeze3A_654 = vector.extract %slice3A_653[0] : f32 from vector<1xf32>
      %get3A_655 = arith.constant 12 : i32
      %get3A_656 = arith.index_cast %get3A_655 : i32 to index
      %get3A_657 = arith.constant 0 : index
      %get3A_658 = tpu.vector_load %arg12[%get3A_656, %get3A_657] {strides = array<i32>} : memref<32x32xf32, #tpu.memory_space<vmem>>, vector<1x16xf32>,
      %get3A_659 = vector.shape_cast %get3A_658 : vector<1x16xf32> to vector<16xf32>
      %mul3A_660 = vector.broadcast %squeeze3A_654 : f32 to vector<16xf32>
      %mul3A_661 = arith.mulf %mul3A_660, %get3A_659 : vector<16xf32>
      %add3A_662 = arith.addf %add3A_590, %mul3A_661 : vector<16xf32>
      %get3A_663 = arith.constant 12 : i32
      %get3A_664 = arith.index_cast %get3A_663 : i32 to index
      %get3A_665 = arith.constant 16 : index
      %get3A_666 = tpu.vector_load %arg12[%get3A_664, %get3A_665] {strides = array<i32>} : memref<32x32xf32, #tpu.memory_space<vmem>>, vector<1x16xf32>,
      %get3A_667 = vector.shape_cast %get3A_666 : vector<1x16xf32> to vector<16xf32>
      %mul3A_668 = vector.broadcast %squeeze3A_654 : f32 to vector<16xf32>
      %mul3A_669 = arith.mulf %mul3A_668, %get3A_667 : vector<16xf32>
      %add3A_670 = arith.addf %add3A_598, %mul3A_669 : vector<16xf32>
      %slice3A_671 = vector.extract_strided_slice %get3A_432 {offsets = [13], sizes = [1], strides = [1]} : vector<16xf32> to vector<1xf32>
      %squeeze3A_672 = vector.extract %slice3A_671[0] : f32 from vector<1xf32>
      %get3A_673 = arith.constant 13 : i32
      %get3A_674 = arith.index_cast %get3A_673 : i32 to index
      %get3A_675 = arith.constant 0 : index
      %get3A_676 = tpu.vector_load %arg12[%get3A_674, %get3A_675] {strides = array<i32>} : memref<32x32xf32, #tpu.memory_space<vmem>>, vector<1x16xf32>,
      %get3A_677 = vector.shape_cast %get3A_676 : vector<1x16xf32> to vector<16xf32>
      %mul3A_678 = vector.broadcast %squeeze3A_672 : f32 to vector<16xf32>
      %mul3A_679 = arith.mulf %mul3A_678, %get3A_677 : vector<16xf32>
      %add3A_680 = arith.addf %add3A_608, %mul3A_679 : vector<16xf32>
      %get3A_681 = arith.constant 13 : i32
      %get3A_682 = arith.index_cast %get3A_681 : i32 to index
      %get3A_683 = arith.constant 16 : index
      %get3A_684 = tpu.vector_load %arg12[%get3A_682, %get3A_683] {strides = array<i32>} : memref<32x32xf32, #tpu.memory_space<vmem>>, vector<1x16xf32>,
      %get3A_685 = vector.shape_cast %get3A_684 : vector<1x16xf32> to vector<16xf32>
      %mul3A_686 = vector.broadcast %squeeze3A_672 : f32 to vector<16xf32>
      %mul3A_687 = arith.mulf %mul3A_686, %get3A_685 : vector<16xf32>
      %add3A_688 = arith.addf %add3A_616, %mul3A_687 : vector<16xf32>
      %slice3A_689 = vector.extract_strided_slice %get3A_432 {offsets = [14], sizes = [1], strides = [1]} : vector<16xf32> to vector<1xf32>
      %squeeze3A_690 = vector.extract %slice3A_689[0] : f32 from vector<1xf32>
      %get3A_691 = arith.constant 14 : i32
      %get3A_692 = arith.index_cast %get3A_691 : i32 to index
      %get3A_693 = arith.constant 0 : index
      %get3A_694 = tpu.vector_load %arg12[%get3A_692, %get3A_693] {strides = array<i32>} : memref<32x32xf32, #tpu.memory_space<vmem>>, vector<1x16xf32>,
      %get3A_695 = vector.shape_cast %get3A_694 : vector<1x16xf32> to vector<16xf32>
      %mul3A_696 = vector.broadcast %squeeze3A_690 : f32 to vector<16xf32>
      %mul3A_697 = arith.mulf %mul3A_696, %get3A_695 : vector<16xf32>
      %add3A_698 = arith.addf %add3A_626, %mul3A_697 : vector<16xf32>
      %get3A_699 = arith.constant 14 : i32
      %get3A_700 = arith.index_cast %get3A_699 : i32 to index
      %get3A_701 = arith.constant 16 : index
      %get3A_702 = tpu.vector_load %arg12[%get3A_700, %get3A_701] {strides = array<i32>} : memref<32x32xf32, #tpu.memory_space<vmem>>, vector<1x16xf32>,
      %get3A_703 = vector.shape_cast %get3A_702 : vector<1x16xf32> to vector<16xf32>
      %mul3A_704 = vector.broadcast %squeeze3A_690 : f32 to vector<16xf32>
      %mul3A_705 = arith.mulf %mul3A_704, %get3A_703 : vector<16xf32>
      %add3A_706 = arith.addf %add3A_634, %mul3A_705 : vector<16xf32>
      %slice3A_707 = vector.extract_strided_slice %get3A_432 {offsets = [15], sizes = [1], strides = [1]} : vector<16xf32> to vector<1xf32>
      %squeeze3A_708 = vector.extract %slice3A_707[0] : f32 from vector<1xf32>
      %get3A_709 = arith.constant 15 : i32
      %get3A_710 = arith.index_cast %get3A_709 : i32 to index
      %get3A_711 = arith.constant 0 : index
      %get3A_712 = tpu.vector_load %arg12[%get3A_710, %get3A_711] {strides = array<i32>} : memref<32x32xf32, #tpu.memory_space<vmem>>, vector<1x16xf32>,
      %get3A_713 = vector.shape_cast %get3A_712 : vector<1x16xf32> to vector<16xf32>
      %mul3A_714 = vector.broadcast %squeeze3A_708 : f32 to vector<16xf32>
      %mul3A_715 = arith.mulf %mul3A_714, %get3A_713 : vector<16xf32>
      %add3A_716 = arith.addf %add3A_644, %mul3A_715 : vector<16xf32>
      %get3A_717 = arith.constant 15 : i32
      %get3A_718 = arith.index_cast %get3A_717 : i32 to index
      %get3A_719 = arith.constant 16 : index
      %get3A_720 = tpu.vector_load %arg12[%get3A_718, %get3A_719] {strides = array<i32>} : memref<32x32xf32, #tpu.memory_space<vmem>>, vector<1x16xf32>,
      %get3A_721 = vector.shape_cast %get3A_720 : vector<1x16xf32> to vector<16xf32>
      %mul3A_722 = vector.broadcast %squeeze3A_708 : f32 to vector<16xf32>
      %mul3A_723 = arith.mulf %mul3A_722, %get3A_721 : vector<16xf32>
      %add3A_724 = arith.addf %add3A_652, %mul3A_723 : vector<16xf32>
      %slice3A_725 = vector.extract_strided_slice %get3A_436 {offsets = [0], sizes = [1], strides = [1]} : vector<16xf32> to vector<1xf32>
      %squeeze3A_726 = vector.extract %slice3A_725[0] : f32 from vector<1xf32>
      %get3A_727 = arith.constant 16 : i32
      %get3A_728 = arith.index_cast %get3A_727 : i32 to index
      %get3A_729 = arith.constant 0 : index
      %get3A_730 = tpu.vector_load %arg12[%get3A_728, %get3A_729] {strides = array<i32>} : memref<32x32xf32, #tpu.memory_space<vmem>>, vector<1x16xf32>,
      %get3A_731 = vector.shape_cast %get3A_730 : vector<1x16xf32> to vector<16xf32>
      %mul3A_732 = vector.broadcast %squeeze3A_726 : f32 to vector<16xf32>
      %mul3A_733 = arith.mulf %mul3A_732, %get3A_731 : vector<16xf32>
      %add3A_734 = arith.addf %add3A_662, %mul3A_733 : vector<16xf32>
      %get3A_735 = arith.constant 16 : i32
      %get3A_736 = arith.index_cast %get3A_735 : i32 to index
      %get3A_737 = arith.constant 16 : index
      %get3A_738 = tpu.vector_load %arg12[%get3A_736, %get3A_737] {strides = array<i32>} : memref<32x32xf32, #tpu.memory_space<vmem>>, vector<1x16xf32>,
      %get3A_739 = vector.shape_cast %get3A_738 : vector<1x16xf32> to vector<16xf32>
      %mul3A_740 = vector.broadcast %squeeze3A_726 : f32 to vector<16xf32>
      %mul3A_741 = arith.mulf %mul3A_740, %get3A_739 : vector<16xf32>
      %add3A_742 = arith.addf %add3A_670, %mul3A_741 : vector<16xf32>
      %slice3A_743 = vector.extract_strided_slice %get3A_436 {offsets = [1], sizes = [1], strides = [1]} : vector<16xf32> to vector<1xf32>
      %squeeze3A_744 = vector.extract %slice3A_743[0] : f32 from vector<1xf32>
      %get3A_745 = arith.constant 17 : i32
      %get3A_746 = arith.index_cast %get3A_745 : i32 to index
      %get3A_747 = arith.constant 0 : index
      %get3A_748 = tpu.vector_load %arg12[%get3A_746, %get3A_747] {strides = array<i32>} : memref<32x32xf32, #tpu.memory_space<vmem>>, vector<1x16xf32>,
      %get3A_749 = vector.shape_cast %get3A_748 : vector<1x16xf32> to vector<16xf32>
      %mul3A_750 = vector.broadcast %squeeze3A_744 : f32 to vector<16xf32>
      %mul3A_751 = arith.mulf %mul3A_750, %get3A_749 : vector<16xf32>
      %add3A_752 = arith.addf %add3A_680, %mul3A_751 : vector<16xf32>
      %get3A_753 = arith.constant 17 : i32
      %get3A_754 = arith.index_cast %get3A_753 : i32 to index
      %get3A_755 = arith.constant 16 : index
      %get3A_756 = tpu.vector_load %arg12[%get3A_754, %get3A_755] {strides = array<i32>} : memref<32x32xf32, #tpu.memory_space<vmem>>, vector<1x16xf32>,
      %get3A_757 = vector.shape_cast %get3A_756 : vector<1x16xf32> to vector<16xf32>
      %mul3A_758 = vector.broadcast %squeeze3A_744 : f32 to vector<16xf32>
      %mul3A_759 = arith.mulf %mul3A_758, %get3A_757 : vector<16xf32>
      %add3A_760 = arith.addf %add3A_688, %mul3A_759 : vector<16xf32>
      %slice3A_761 = vector.extract_strided_slice %get3A_436 {offsets = [2], sizes = [1], strides = [1]} : vector<16xf32> to vector<1xf32>
      %squeeze3A_762 = vector.extract %slice3A_761[0] : f32 from vector<1xf32>
      %get3A_763 = arith.constant 18 : i32
      %get3A_764 = arith.index_cast %get3A_763 : i32 to index
      %get3A_765 = arith.constant 0 : index
      %get3A_766 = tpu.vector_load %arg12[%get3A_764, %get3A_765] {strides = array<i32>} : memref<32x32xf32, #tpu.memory_space<vmem>>, vector<1x16xf32>,
      %get3A_767 = vector.shape_cast %get3A_766 : vector<1x16xf32> to vector<16xf32>
      %mul3A_768 = vector.broadcast %squeeze3A_762 : f32 to vector<16xf32>
      %mul3A_769 = arith.mulf %mul3A_768, %get3A_767 : vector<16xf32>
      %add3A_770 = arith.addf %add3A_698, %mul3A_769 : vector<16xf32>
      %get3A_771 = arith.constant 18 : i32
      %get3A_772 = arith.index_cast %get3A_771 : i32 to index
      %get3A_773 = arith.constant 16 : index
      %get3A_774 = tpu.vector_load %arg12[%get3A_772, %get3A_773] {strides = array<i32>} : memref<32x32xf32, #tpu.memory_space<vmem>>, vector<1x16xf32>,
      %get3A_775 = vector.shape_cast %get3A_774 : vector<1x16xf32> to vector<16xf32>
      %mul3A_776 = vector.broadcast %squeeze3A_762 : f32 to vector<16xf32>
      %mul3A_777 = arith.mulf %mul3A_776, %get3A_775 : vector<16xf32>
      %add3A_778 = arith.addf %add3A_706, %mul3A_777 : vector<16xf32>
      %slice3A_779 = vector.extract_strided_slice %get3A_436 {offsets = [3], sizes = [1], strides = [1]} : vector<16xf32> to vector<1xf32>
      %squeeze3A_780 = vector.extract %slice3A_779[0] : f32 from vector<1xf32>
      %get3A_781 = arith.constant 19 : i32
      %get3A_782 = arith.index_cast %get3A_781 : i32 to index
      %get3A_783 = arith.constant 0 : index
      %get3A_784 = tpu.vector_load %arg12[%get3A_782, %get3A_783] {strides = array<i32>} : memref<32x32xf32, #tpu.memory_space<vmem>>, vector<1x16xf32>,
      %get3A_785 = vector.shape_cast %get3A_784 : vector<1x16xf32> to vector<16xf32>
      %mul3A_786 = vector.broadcast %squeeze3A_780 : f32 to vector<16xf32>
      %mul3A_787 = arith.mulf %mul3A_786, %get3A_785 : vector<16xf32>
      %add3A_788 = arith.addf %add3A_716, %mul3A_787 : vector<16xf32>
      %get3A_789 = arith.constant 19 : i32
      %get3A_790 = arith.index_cast %get3A_789 : i32 to index
      %get3A_791 = arith.constant 16 : index
      %get3A_792 = tpu.vector_load %arg12[%get3A_790, %get3A_791] {strides = array<i32>} : memref<32x32xf32, #tpu.memory_space<vmem>>, vector<1x16xf32>,
      %get3A_793 = vector.shape_cast %get3A_792 : vector<1x16xf32> to vector<16xf32>
      %mul3A_794 = vector.broadcast %squeeze3A_780 : f32 to vector<16xf32>
      %mul3A_795 = arith.mulf %mul3A_794, %get3A_793 : vector<16xf32>
      %add3A_796 = arith.addf %add3A_724, %mul3A_795 : vector<16xf32>
      %slice3A_797 = vector.extract_strided_slice %get3A_436 {offsets = [4], sizes = [1], strides = [1]} : vector<16xf32> to vector<1xf32>
      %squeeze3A_798 = vector.extract %slice3A_797[0] : f32 from vector<1xf32>
      %get3A_799 = arith.constant 20 : i32
      %get3A_800 = arith.index_cast %get3A_799 : i32 to index
      %get3A_801 = arith.constant 0 : index
      %get3A_802 = tpu.vector_load %arg12[%get3A_800, %get3A_801] {strides = array<i32>} : memref<32x32xf32, #tpu.memory_space<vmem>>, vector<1x16xf32>,
      %get3A_803 = vector.shape_cast %get3A_802 : vector<1x16xf32> to vector<16xf32>
      %mul3A_804 = vector.broadcast %squeeze3A_798 : f32 to vector<16xf32>
      %mul3A_805 = arith.mulf %mul3A_804, %get3A_803 : vector<16xf32>
      %add3A_806 = arith.addf %add3A_734, %mul3A_805 : vector<16xf32>
      %get3A_807 = arith.constant 20 : i32
      %get3A_808 = arith.index_cast %get3A_807 : i32 to index
      %get3A_809 = arith.constant 16 : index
      %get3A_810 = tpu.vector_load %arg12[%get3A_808, %get3A_809] {strides = array<i32>} : memref<32x32xf32, #tpu.memory_space<vmem>>, vector<1x16xf32>,
      %get3A_811 = vector.shape_cast %get3A_810 : vector<1x16xf32> to vector<16xf32>
      %mul3A_812 = vector.broadcast %squeeze3A_798 : f32 to vector<16xf32>
      %mul3A_813 = arith.mulf %mul3A_812, %get3A_811 : vector<16xf32>
      %add3A_814 = arith.addf %add3A_742, %mul3A_813 : vector<16xf32>
      %slice3A_815 = vector.extract_strided_slice %get3A_436 {offsets = [5], sizes = [1], strides = [1]} : vector<16xf32> to vector<1xf32>
      %squeeze3A_816 = vector.extract %slice3A_815[0] : f32 from vector<1xf32>
      %get3A_817 = arith.constant 21 : i32
      %get3A_818 = arith.index_cast %get3A_817 : i32 to index
      %get3A_819 = arith.constant 0 : index
      %get3A_820 = tpu.vector_load %arg12[%get3A_818, %get3A_819] {strides = array<i32>} : memref<32x32xf32, #tpu.memory_space<vmem>>, vector<1x16xf32>,
      %get3A_821 = vector.shape_cast %get3A_820 : vector<1x16xf32> to vector<16xf32>
      %mul3A_822 = vector.broadcast %squeeze3A_816 : f32 to vector<16xf32>
      %mul3A_823 = arith.mulf %mul3A_822, %get3A_821 : vector<16xf32>
      %add3A_824 = arith.addf %add3A_752, %mul3A_823 : vector<16xf32>
      %get3A_825 = arith.constant 21 : i32
      %get3A_826 = arith.index_cast %get3A_825 : i32 to index
      %get3A_827 = arith.constant 16 : index
      %get3A_828 = tpu.vector_load %arg12[%get3A_826, %get3A_827] {strides = array<i32>} : memref<32x32xf32, #tpu.memory_space<vmem>>, vector<1x16xf32>,
      %get3A_829 = vector.shape_cast %get3A_828 : vector<1x16xf32> to vector<16xf32>
      %mul3A_830 = vector.broadcast %squeeze3A_816 : f32 to vector<16xf32>
      %mul3A_831 = arith.mulf %mul3A_830, %get3A_829 : vector<16xf32>
      %add3A_832 = arith.addf %add3A_760, %mul3A_831 : vector<16xf32>
      %slice3A_833 = vector.extract_strided_slice %get3A_436 {offsets = [6], sizes = [1], strides = [1]} : vector<16xf32> to vector<1xf32>
      %squeeze3A_834 = vector.extract %slice3A_833[0] : f32 from vector<1xf32>
      %get3A_835 = arith.constant 22 : i32
      %get3A_836 = arith.index_cast %get3A_835 : i32 to index
      %get3A_837 = arith.constant 0 : index
      %get3A_838 = tpu.vector_load %arg12[%get3A_836, %get3A_837] {strides = array<i32>} : memref<32x32xf32, #tpu.memory_space<vmem>>, vector<1x16xf32>,
      %get3A_839 = vector.shape_cast %get3A_838 : vector<1x16xf32> to vector<16xf32>
      %mul3A_840 = vector.broadcast %squeeze3A_834 : f32 to vector<16xf32>
      %mul3A_841 = arith.mulf %mul3A_840, %get3A_839 : vector<16xf32>
      %add3A_842 = arith.addf %add3A_770, %mul3A_841 : vector<16xf32>
      %get3A_843 = arith.constant 22 : i32
      %get3A_844 = arith.index_cast %get3A_843 : i32 to index
      %get3A_845 = arith.constant 16 : index
      %get3A_846 = tpu.vector_load %arg12[%get3A_844, %get3A_845] {strides = array<i32>} : memref<32x32xf32, #tpu.memory_space<vmem>>, vector<1x16xf32>,
      %get3A_847 = vector.shape_cast %get3A_846 : vector<1x16xf32> to vector<16xf32>
      %mul3A_848 = vector.broadcast %squeeze3A_834 : f32 to vector<16xf32>
      %mul3A_849 = arith.mulf %mul3A_848, %get3A_847 : vector<16xf32>
      %add3A_850 = arith.addf %add3A_778, %mul3A_849 : vector<16xf32>
      %slice3A_851 = vector.extract_strided_slice %get3A_436 {offsets = [7], sizes = [1], strides = [1]} : vector<16xf32> to vector<1xf32>
      %squeeze3A_852 = vector.extract %slice3A_851[0] : f32 from vector<1xf32>
      %get3A_853 = arith.constant 23 : i32
      %get3A_854 = arith.index_cast %get3A_853 : i32 to index
      %get3A_855 = arith.constant 0 : index
      %get3A_856 = tpu.vector_load %arg12[%get3A_854, %get3A_855] {strides = array<i32>} : memref<32x32xf32, #tpu.memory_space<vmem>>, vector<1x16xf32>,
      %get3A_857 = vector.shape_cast %get3A_856 : vector<1x16xf32> to vector<16xf32>
      %mul3A_858 = vector.broadcast %squeeze3A_852 : f32 to vector<16xf32>
      %mul3A_859 = arith.mulf %mul3A_858, %get3A_857 : vector<16xf32>
      %add3A_860 = arith.addf %add3A_788, %mul3A_859 : vector<16xf32>
      %get3A_861 = arith.constant 23 : i32
      %get3A_862 = arith.index_cast %get3A_861 : i32 to index
      %get3A_863 = arith.constant 16 : index
      %get3A_864 = tpu.vector_load %arg12[%get3A_862, %get3A_863] {strides = array<i32>} : memref<32x32xf32, #tpu.memory_space<vmem>>, vector<1x16xf32>,
      %get3A_865 = vector.shape_cast %get3A_864 : vector<1x16xf32> to vector<16xf32>
      %mul3A_866 = vector.broadcast %squeeze3A_852 : f32 to vector<16xf32>
      %mul3A_867 = arith.mulf %mul3A_866, %get3A_865 : vector<16xf32>
      %add3A_868 = arith.addf %add3A_796, %mul3A_867 : vector<16xf32>
      %slice3A_869 = vector.extract_strided_slice %get3A_436 {offsets = [8], sizes = [1], strides = [1]} : vector<16xf32> to vector<1xf32>
      %squeeze3A_870 = vector.extract %slice3A_869[0] : f32 from vector<1xf32>
      %get3A_871 = arith.constant 24 : i32
      %get3A_872 = arith.index_cast %get3A_871 : i32 to index
      %get3A_873 = arith.constant 0 : index
      %get3A_874 = tpu.vector_load %arg12[%get3A_872, %get3A_873] {strides = array<i32>} : memref<32x32xf32, #tpu.memory_space<vmem>>, vector<1x16xf32>,
      %get3A_875 = vector.shape_cast %get3A_874 : vector<1x16xf32> to vector<16xf32>
      %mul3A_876 = vector.broadcast %squeeze3A_870 : f32 to vector<16xf32>
      %mul3A_877 = arith.mulf %mul3A_876, %get3A_875 : vector<16xf32>
      %add3A_878 = arith.addf %add3A_806, %mul3A_877 : vector<16xf32>
      %get3A_879 = arith.constant 24 : i32
      %get3A_880 = arith.index_cast %get3A_879 : i32 to index
      %get3A_881 = arith.constant 16 : index
      %get3A_882 = tpu.vector_load %arg12[%get3A_880, %get3A_881] {strides = array<i32>} : memref<32x32xf32, #tpu.memory_space<vmem>>, vector<1x16xf32>,
      %get3A_883 = vector.shape_cast %get3A_882 : vector<1x16xf32> to vector<16xf32>
      %mul3A_884 = vector.broadcast %squeeze3A_870 : f32 to vector<16xf32>
      %mul3A_885 = arith.mulf %mul3A_884, %get3A_883 : vector<16xf32>
      %add3A_886 = arith.addf %add3A_814, %mul3A_885 : vector<16xf32>
      %slice3A_887 = vector.extract_strided_slice %get3A_436 {offsets = [9], sizes = [1], strides = [1]} : vector<16xf32> to vector<1xf32>
      %squeeze3A_888 = vector.extract %slice3A_887[0] : f32 from vector<1xf32>
      %get3A_889 = arith.constant 25 : i32
      %get3A_890 = arith.index_cast %get3A_889 : i32 to index
      %get3A_891 = arith.constant 0 : index
      %get3A_892 = tpu.vector_load %arg12[%get3A_890, %get3A_891] {strides = array<i32>} : memref<32x32xf32, #tpu.memory_space<vmem>>, vector<1x16xf32>,
      %get3A_893 = vector.shape_cast %get3A_892 : vector<1x16xf32> to vector<16xf32>
      %mul3A_894 = vector.broadcast %squeeze3A_888 : f32 to vector<16xf32>
      %mul3A_895 = arith.mulf %mul3A_894, %get3A_893 : vector<16xf32>
      %add3A_896 = arith.addf %add3A_824, %mul3A_895 : vector<16xf32>
      %get3A_897 = arith.constant 25 : i32
      %get3A_898 = arith.index_cast %get3A_897 : i32 to index
      %get3A_899 = arith.constant 16 : index
      %get3A_900 = tpu.vector_load %arg12[%get3A_898, %get3A_899] {strides = array<i32>} : memref<32x32xf32, #tpu.memory_space<vmem>>, vector<1x16xf32>,
      %get3A_901 = vector.shape_cast %get3A_900 : vector<1x16xf32> to vector<16xf32>
      %mul3A_902 = vector.broadcast %squeeze3A_888 : f32 to vector<16xf32>
      %mul3A_903 = arith.mulf %mul3A_902, %get3A_901 : vector<16xf32>
      %add3A_904 = arith.addf %add3A_832, %mul3A_903 : vector<16xf32>
      %slice3A_905 = vector.extract_strided_slice %get3A_436 {offsets = [10], sizes = [1], strides = [1]} : vector<16xf32> to vector<1xf32>
      %squeeze3A_906 = vector.extract %slice3A_905[0] : f32 from vector<1xf32>
      %get3A_907 = arith.constant 26 : i32
      %get3A_908 = arith.index_cast %get3A_907 : i32 to index
      %get3A_909 = arith.constant 0 : index
      %get3A_910 = tpu.vector_load %arg12[%get3A_908, %get3A_909] {strides = array<i32>} : memref<32x32xf32, #tpu.memory_space<vmem>>, vector<1x16xf32>,
      %get3A_911 = vector.shape_cast %get3A_910 : vector<1x16xf32> to vector<16xf32>
      %mul3A_912 = vector.broadcast %squeeze3A_906 : f32 to vector<16xf32>
      %mul3A_913 = arith.mulf %mul3A_912, %get3A_911 : vector<16xf32>
      %add3A_914 = arith.addf %add3A_842, %mul3A_913 : vector<16xf32>
      %get3A_915 = arith.constant 26 : i32
      %get3A_916 = arith.index_cast %get3A_915 : i32 to index
      %get3A_917 = arith.constant 16 : index
      %get3A_918 = tpu.vector_load %arg12[%get3A_916, %get3A_917] {strides = array<i32>} : memref<32x32xf32, #tpu.memory_space<vmem>>, vector<1x16xf32>,
      %get3A_919 = vector.shape_cast %get3A_918 : vector<1x16xf32> to vector<16xf32>
      %mul3A_920 = vector.broadcast %squeeze3A_906 : f32 to vector<16xf32>
      %mul3A_921 = arith.mulf %mul3A_920, %get3A_919 : vector<16xf32>
      %add3A_922 = arith.addf %add3A_850, %mul3A_921 : vector<16xf32>
      %slice3A_923 = vector.extract_strided_slice %get3A_436 {offsets = [11], sizes = [1], strides = [1]} : vector<16xf32> to vector<1xf32>
      %squeeze3A_924 = vector.extract %slice3A_923[0] : f32 from vector<1xf32>
      %get3A_925 = arith.constant 27 : i32
      %get3A_926 = arith.index_cast %get3A_925 : i32 to index
      %get3A_927 = arith.constant 0 : index
      %get3A_928 = tpu.vector_load %arg12[%get3A_926, %get3A_927] {strides = array<i32>} : memref<32x32xf32, #tpu.memory_space<vmem>>, vector<1x16xf32>,
      %get3A_929 = vector.shape_cast %get3A_928 : vector<1x16xf32> to vector<16xf32>
      %mul3A_930 = vector.broadcast %squeeze3A_924 : f32 to vector<16xf32>
      %mul3A_931 = arith.mulf %mul3A_930, %get3A_929 : vector<16xf32>
      %add3A_932 = arith.addf %add3A_860, %mul3A_931 : vector<16xf32>
      %get3A_933 = arith.constant 27 : i32
      %get3A_934 = arith.index_cast %get3A_933 : i32 to index
      %get3A_935 = arith.constant 16 : index
      %get3A_936 = tpu.vector_load %arg12[%get3A_934, %get3A_935] {strides = array<i32>} : memref<32x32xf32, #tpu.memory_space<vmem>>, vector<1x16xf32>,
      %get3A_937 = vector.shape_cast %get3A_936 : vector<1x16xf32> to vector<16xf32>
      %mul3A_938 = vector.broadcast %squeeze3A_924 : f32 to vector<16xf32>
      %mul3A_939 = arith.mulf %mul3A_938, %get3A_937 : vector<16xf32>
      %add3A_940 = arith.addf %add3A_868, %mul3A_939 : vector<16xf32>
      %slice3A_941 = vector.extract_strided_slice %get3A_436 {offsets = [12], sizes = [1], strides = [1]} : vector<16xf32> to vector<1xf32>
      %squeeze3A_942 = vector.extract %slice3A_941[0] : f32 from vector<1xf32>
      %get3A_943 = arith.constant 28 : i32
      %get3A_944 = arith.index_cast %get3A_943 : i32 to index
      %get3A_945 = arith.constant 0 : index
      %get3A_946 = tpu.vector_load %arg12[%get3A_944, %get3A_945] {strides = array<i32>} : memref<32x32xf32, #tpu.memory_space<vmem>>, vector<1x16xf32>,
      %get3A_947 = vector.shape_cast %get3A_946 : vector<1x16xf32> to vector<16xf32>
      %mul3A_948 = vector.broadcast %squeeze3A_942 : f32 to vector<16xf32>
      %mul3A_949 = arith.mulf %mul3A_948, %get3A_947 : vector<16xf32>
      %add3A_950 = arith.addf %add3A_878, %mul3A_949 : vector<16xf32>
      %get3A_951 = arith.constant 28 : i32
      %get3A_952 = arith.index_cast %get3A_951 : i32 to index
      %get3A_953 = arith.constant 16 : index
      %get3A_954 = tpu.vector_load %arg12[%get3A_952, %get3A_953] {strides = array<i32>} : memref<32x32xf32, #tpu.memory_space<vmem>>, vector<1x16xf32>,
      %get3A_955 = vector.shape_cast %get3A_954 : vector<1x16xf32> to vector<16xf32>
      %mul3A_956 = vector.broadcast %squeeze3A_942 : f32 to vector<16xf32>
      %mul3A_957 = arith.mulf %mul3A_956, %get3A_955 : vector<16xf32>
      %add3A_958 = arith.addf %add3A_886, %mul3A_957 : vector<16xf32>
      %slice3A_959 = vector.extract_strided_slice %get3A_436 {offsets = [13], sizes = [1], strides = [1]} : vector<16xf32> to vector<1xf32>
      %squeeze3A_960 = vector.extract %slice3A_959[0] : f32 from vector<1xf32>
      %get3A_961 = arith.constant 29 : i32
      %get3A_962 = arith.index_cast %get3A_961 : i32 to index
      %get3A_963 = arith.constant 0 : index
      %get3A_964 = tpu.vector_load %arg12[%get3A_962, %get3A_963] {strides = array<i32>} : memref<32x32xf32, #tpu.memory_space<vmem>>, vector<1x16xf32>,
      %get3A_965 = vector.shape_cast %get3A_964 : vector<1x16xf32> to vector<16xf32>
      %mul3A_966 = vector.broadcast %squeeze3A_960 : f32 to vector<16xf32>
      %mul3A_967 = arith.mulf %mul3A_966, %get3A_965 : vector<16xf32>
      %add3A_968 = arith.addf %add3A_896, %mul3A_967 : vector<16xf32>
      %get3A_969 = arith.constant 29 : i32
      %get3A_970 = arith.index_cast %get3A_969 : i32 to index
      %get3A_971 = arith.constant 16 : index
      %get3A_972 = tpu.vector_load %arg12[%get3A_970, %get3A_971] {strides = array<i32>} : memref<32x32xf32, #tpu.memory_space<vmem>>, vector<1x16xf32>,
      %get3A_973 = vector.shape_cast %get3A_972 : vector<1x16xf32> to vector<16xf32>
      %mul3A_974 = vector.broadcast %squeeze3A_960 : f32 to vector<16xf32>
      %mul3A_975 = arith.mulf %mul3A_974, %get3A_973 : vector<16xf32>
      %add3A_976 = arith.addf %add3A_904, %mul3A_975 : vector<16xf32>
      %slice3A_977 = vector.extract_strided_slice %get3A_436 {offsets = [14], sizes = [1], strides = [1]} : vector<16xf32> to vector<1xf32>
      %squeeze3A_978 = vector.extract %slice3A_977[0] : f32 from vector<1xf32>
      %get3A_979 = arith.constant 30 : i32
      %get3A_980 = arith.index_cast %get3A_979 : i32 to index
      %get3A_981 = arith.constant 0 : index
      %get3A_982 = tpu.vector_load %arg12[%get3A_980, %get3A_981] {strides = array<i32>} : memref<32x32xf32, #tpu.memory_space<vmem>>, vector<1x16xf32>,
      %get3A_983 = vector.shape_cast %get3A_982 : vector<1x16xf32> to vector<16xf32>
      %mul3A_984 = vector.broadcast %squeeze3A_978 : f32 to vector<16xf32>
      %mul3A_985 = arith.mulf %mul3A_984, %get3A_983 : vector<16xf32>
      %add3A_986 = arith.addf %add3A_914, %mul3A_985 : vector<16xf32>
      %get3A_987 = arith.constant 30 : i32
      %get3A_988 = arith.index_cast %get3A_987 : i32 to index
      %get3A_989 = arith.constant 16 : index
      %get3A_990 = tpu.vector_load %arg12[%get3A_988, %get3A_989] {strides = array<i32>} : memref<32x32xf32, #tpu.memory_space<vmem>>, vector<1x16xf32>,
      %get3A_991 = vector.shape_cast %get3A_990 : vector<1x16xf32> to vector<16xf32>
      %mul3A_992 = vector.broadcast %squeeze3A_978 : f32 to vector<16xf32>
      %mul3A_993 = arith.mulf %mul3A_992, %get3A_991 : vector<16xf32>
      %add3A_994 = arith.addf %add3A_922, %mul3A_993 : vector<16xf32>
      %slice3A_995 = vector.extract_strided_slice %get3A_436 {offsets = [15], sizes = [1], strides = [1]} : vector<16xf32> to vector<1xf32>
      %squeeze3A_996 = vector.extract %slice3A_995[0] : f32 from vector<1xf32>
      %get3A_997 = arith.constant 31 : i32
      %get3A_998 = arith.index_cast %get3A_997 : i32 to index
      %get3A_999 = arith.constant 0 : index
      %get3A_1000 = tpu.vector_load %arg12[%get3A_998, %get3A_999] {strides = array<i32>} : memref<32x32xf32, #tpu.memory_space<vmem>>, vector<1x16xf32>,
      %get3A_1001 = vector.shape_cast %get3A_1000 : vector<1x16xf32> to vector<16xf32>
      %mul3A_1002 = vector.broadcast %squeeze3A_996 : f32 to vector<16xf32>
      %mul3A_1003 = arith.mulf %mul3A_1002, %get3A_1001 : vector<16xf32>
      %add3A_1004 = arith.addf %add3A_932, %mul3A_1003 : vector<16xf32>
      %get3A_1005 = arith.constant 31 : i32
      %get3A_1006 = arith.index_cast %get3A_1005 : i32 to index
      %get3A_1007 = arith.constant 16 : index
      %get3A_1008 = tpu.vector_load %arg12[%get3A_1006, %get3A_1007] {strides = array<i32>} : memref<32x32xf32, #tpu.memory_space<vmem>>, vector<1x16xf32>,
      %get3A_1009 = vector.shape_cast %get3A_1008 : vector<1x16xf32> to vector<16xf32>
      %mul3A_1010 = vector.broadcast %squeeze3A_996 : f32 to vector<16xf32>
      %mul3A_1011 = arith.mulf %mul3A_1010, %get3A_1009 : vector<16xf32>
      %add3A_1012 = arith.addf %add3A_940, %mul3A_1011 : vector<16xf32>
      %add3A_1013 = arith.addf %add3A_950, %add3A_968 : vector<16xf32>
      %add3A_1014 = arith.addf %add3A_986, %add3A_1004 : vector<16xf32>
      %add3A_1015 = arith.addf %add3A_1013, %add3A_1014 : vector<16xf32>
      %add3A_1016 = arith.addf %add3A_958, %add3A_976 : vector<16xf32>
      %add3A_1017 = arith.addf %add3A_994, %add3A_1012 : vector<16xf32>
      %add3A_1018 = arith.addf %add3A_1016, %add3A_1017 : vector<16xf32>
      %slice3A_1019 = vector.extract_strided_slice %get3A_426 {offsets = [0], sizes = [1], strides = [1]} : vector<16xf32> to vector<1xf32>
      %squeeze3A_1020 = vector.extract %slice3A_1019[0] : f32 from vector<1xf32>
      %neg3A = arith.constant 0.000000e+00 : f32
      %neg3A_1021 = vector.broadcast %neg3A : f32 to vector<16xf32>
      %neg3A_1022 = arith.subf %neg3A_1021, %add3A_1015 : vector<16xf32>
      %exp3A = math.exp %neg3A_1022 : vector<16xf32>
      %add3A_1023 = arith.constant 1.000000e+00 : f32
      %add3A_1024 = vector.broadcast %add3A_1023 : f32 to vector<16xf32>
      %add3A_1025 = arith.addf %add3A_1024, %exp3A : vector<16xf32>
      %div3A_1026 = arith.constant 1.000000e+00 : f32
      %div3A_1027 = vector.broadcast %div3A_1026 : f32 to vector<16xf32>
      %div3A_1028 = arith.divf %div3A_1027, %add3A_1025 : vector<16xf32>
      %neg3A_1029 = arith.constant 0.000000e+00 : f32
      %neg3A_1030 = vector.broadcast %neg3A_1029 : f32 to vector<16xf32>
      %neg3A_1031 = arith.subf %neg3A_1030, %add3A_1018 : vector<16xf32>
      %exp3A_1032 = math.exp %neg3A_1031 : vector<16xf32>
      %add3A_1033 = arith.constant 1.000000e+00 : f32
      %add3A_1034 = vector.broadcast %add3A_1033 : f32 to vector<16xf32>
      %add3A_1035 = arith.addf %add3A_1034, %exp3A_1032 : vector<16xf32>
      %div3A_1036 = arith.constant 1.000000e+00 : f32
      %div3A_1037 = vector.broadcast %div3A_1036 : f32 to vector<16xf32>
      %div3A_1038 = arith.divf %div3A_1037, %add3A_1035 : vector<16xf32>
      %mul3A_1039 = arith.mulf %add3A_1015, %add3A_1015 : vector<16xf32>
      %mul3A_1040 = arith.mulf %mul3A_1039, %div3A_1028 : vector<16xf32>
      %mul3A_1041 = vector.broadcast %squeeze3A_1020 : f32 to vector<16xf32>
      %mul3A_1042 = arith.mulf %mul3A_1040, %mul3A_1041 : vector<16xf32>
      %swap3A_1043 = arith.index_cast %scan3A_423 : i32 to index
      %swap3A_1044 = arith.constant 0 : index
      %swap3A_1045 = tpu.vector_load %arg13[%swap3A_1043, %swap3A_1044] {strides = array<i32>} : memref<128x32xf32, #tpu.memory_space<vmem>>, vector<1x16xf32>,
      %swap3A_1046 = vector.shape_cast %swap3A_1045 : vector<1x16xf32> to vector<16xf32>
      %swap3A_1047 = vector.shape_cast %mul3A_1042 : vector<16xf32> to vector<1x16xf32>
      tpu.vector_store %arg13[%swap3A_1043, %swap3A_1044], %swap3A_1047 {strides = array<i32>} : memref<128x32xf32, #tpu.memory_space<vmem>>, vector<1x16xf32>,
      %mul3A_1048 = arith.mulf %add3A_1018, %add3A_1018 : vector<16xf32>
      %mul3A_1049 = arith.mulf %mul3A_1048, %div3A_1038 : vector<16xf32>
      %mul3A_1050 = vector.broadcast %squeeze3A_1020 : f32 to vector<16xf32>
      %mul3A_1051 = arith.mulf %mul3A_1049, %mul3A_1050 : vector<16xf32>
      %swap3A_1052 = arith.index_cast %scan3A_423 : i32 to index
      %swap3A_1053 = arith.constant 16 : index
      %swap3A_1054 = tpu.vector_load %arg13[%swap3A_1052, %swap3A_1053] {strides = array<i32>} : memref<128x32xf32, #tpu.memory_space<vmem>>, vector<1x16xf32>,
      %swap3A_1055 = vector.shape_cast %swap3A_1054 : vector<1x16xf32> to vector<16xf32>
      %swap3A_1056 = vector.shape_cast %mul3A_1051 : vector<16xf32> to vector<1x16xf32>
      tpu.vector_store %arg13[%swap3A_1052, %swap3A_1053], %swap3A_1056 {strides = array<i32>} : memref<128x32xf32, #tpu.memory_space<vmem>>, vector<1x16xf32>,
    }
    %scan3A_422 = arith.constant 128 : i32
    "tpu.region"() ({
      %run_scoped3A = tpu.sem_alloc : memref<!tpu.dma_semaphore, #tpu.memory_space<semaphore_mem>>
      %dma_start3A = arith.constant 0 : i32
      %dma_start3A_423 = arith.constant 0 : i32
      %dma_start3A_424 = tpu.memref_slice %arg7[%add3A_33, %dma_start3A, %dma_start3A_423] : memref<32x32x32xf32, #tpu.memory_space<hbm>> -> memref<1x32x32xf32, #tpu.memory_space<hbm>>
      %dma_start3A_425 = tpu.memref_squeeze %dma_start3A_424 : memref<1x32x32xf32, #tpu.memory_space<hbm>> -> memref<32x32xf32, #tpu.memory_space<hbm>>
      %dma_start3A_426 = arith.constant 0 : i32
      %dma_start3A_427 = arith.constant 0 : i32
      %dma_start3A_428 = tpu.memref_slice %arg7[%add3A_33, %dma_start3A_426, %dma_start3A_427] : memref<32x32x32xf32, #tpu.memory_space<hbm>> -> memref<1x32x32xf32, #tpu.memory_space<hbm>>
      %dma_start3A_429 = tpu.memref_squeeze %dma_start3A_428 : memref<1x32x32xf32, #tpu.memory_space<hbm>> -> memref<32x32xf32, #tpu.memory_space<hbm>>
      tpu.enqueue_dma source(%arg12 : memref<32x32xf32, #tpu.memory_space<vmem>>) target(%dma_start3A_429 : memref<32x32xf32, #tpu.memory_space<hbm>>) target_semaphore(%run_scoped3A : memref<!tpu.dma_semaphore, #tpu.memory_space<semaphore_mem>>)
      %dma_wait3A = arith.constant 0 : i32
      %dma_wait3A_430 = arith.constant 0 : i32
      %dma_wait3A_431 = tpu.memref_slice %arg7[%add3A_33, %dma_wait3A, %dma_wait3A_430] : memref<32x32x32xf32, #tpu.memory_space<hbm>> -> memref<1x32x32xf32, #tpu.memory_space<hbm>>
      %dma_wait3A_432 = tpu.memref_squeeze %dma_wait3A_431 : memref<1x32x32xf32, #tpu.memory_space<hbm>> -> memref<32x32xf32, #tpu.memory_space<hbm>>
      %dma_wait3A_433 = arith.constant 0 : i32
      %dma_wait3A_434 = arith.constant 0 : i32
      %dma_wait3A_435 = tpu.memref_slice %arg7[%add3A_33, %dma_wait3A_433, %dma_wait3A_434] : memref<32x32x32xf32, #tpu.memory_space<hbm>> -> memref<1x32x32xf32, #tpu.memory_space<hbm>>
      %dma_wait3A_436 = tpu.memref_squeeze %dma_wait3A_435 : memref<1x32x32xf32, #tpu.memory_space<hbm>> -> memref<32x32xf32, #tpu.memory_space<hbm>>
      tpu.wait_dma2 semaphore(%run_scoped3A : memref<!tpu.dma_semaphore, #tpu.memory_space<semaphore_mem>>) src(%arg12 : memref<32x32xf32, #tpu.memory_space<vmem>>) dst(%dma_wait3A_436 : memref<32x32xf32, #tpu.memory_space<hbm>>)
      tpu.yield
    }) : () -> ()
    "tpu.region"() ({
      %run_scoped3A = tpu.sem_alloc : memref<!tpu.dma_semaphore, #tpu.memory_space<semaphore_mem>>
      %dma_start3A = arith.constant 0 : i32
      %dma_start3A_423 = arith.constant 0 : i32
      %dma_start3A_424 = tpu.memref_slice %arg6[%add3A_33, %dma_start3A, %dma_start3A_423] : memref<32x128x32xf32, #tpu.memory_space<hbm>> -> memref<1x128x32xf32, #tpu.memory_space<hbm>>
      %dma_start3A_425 = tpu.memref_squeeze %dma_start3A_424 : memref<1x128x32xf32, #tpu.memory_space<hbm>> -> memref<128x32xf32, #tpu.memory_space<hbm>>
      %dma_start3A_426 = arith.constant 0 : i32
      %dma_start3A_427 = arith.constant 0 : i32
      %dma_start3A_428 = tpu.memref_slice %arg6[%add3A_33, %dma_start3A_426, %dma_start3A_427] : memref<32x128x32xf32, #tpu.memory_space<hbm>> -> memref<1x128x32xf32, #tpu.memory_space<hbm>>
      %dma_start3A_429 = tpu.memref_squeeze %dma_start3A_428 : memref<1x128x32xf32, #tpu.memory_space<hbm>> -> memref<128x32xf32, #tpu.memory_space<hbm>>
      tpu.enqueue_dma source(%arg13 : memref<128x32xf32, #tpu.memory_space<vmem>>) target(%dma_start3A_429 : memref<128x32xf32, #tpu.memory_space<hbm>>) target_semaphore(%run_scoped3A : memref<!tpu.dma_semaphore, #tpu.memory_space<semaphore_mem>>)
      %dma_wait3A = arith.constant 0 : i32
      %dma_wait3A_430 = arith.constant 0 : i32
      %dma_wait3A_431 = tpu.memref_slice %arg6[%add3A_33, %dma_wait3A, %dma_wait3A_430] : memref<32x128x32xf32, #tpu.memory_space<hbm>> -> memref<1x128x32xf32, #tpu.memory_space<hbm>>
      %dma_wait3A_432 = tpu.memref_squeeze %dma_wait3A_431 : memref<1x128x32xf32, #tpu.memory_space<hbm>> -> memref<128x32xf32, #tpu.memory_space<hbm>>
      %dma_wait3A_433 = arith.constant 0 : i32
      %dma_wait3A_434 = arith.constant 0 : i32
      %dma_wait3A_435 = tpu.memref_slice %arg6[%add3A_33, %dma_wait3A_433, %dma_wait3A_434] : memref<32x128x32xf32, #tpu.memory_space<hbm>> -> memref<1x128x32xf32, #tpu.memory_space<hbm>>
      %dma_wait3A_436 = tpu.memref_squeeze %dma_wait3A_435 : memref<1x128x32xf32, #tpu.memory_space<hbm>> -> memref<128x32xf32, #tpu.memory_space<hbm>>
      tpu.wait_dma2 semaphore(%run_scoped3A : memref<!tpu.dma_semaphore, #tpu.memory_space<semaphore_mem>>) src(%arg13 : memref<128x32xf32, #tpu.memory_space<vmem>>) dst(%dma_wait3A_436 : memref<128x32xf32, #tpu.memory_space<hbm>>)
      tpu.yield
    }) : () -> ()
    return
  }
}

module attributes {stable_mosaic.version = 14 : i64} {
  func.func @_proj_body(%arg0: memref<512x2048xf32, #tpu.memory_space<vmem>>, %arg1: memref<2048x1024xf32, #tpu.memory_space<vmem>>, %arg2: memref<1x256xf32, #tpu.memory_space<vmem>>, %arg3: memref<256x8xf32, #tpu.memory_space<vmem>>, %arg4: memref<8x256xf32, #tpu.memory_space<vmem>>, %arg5: memref<512x8xf32, #tpu.memory_space<vmem>>, %arg6: memref<512x256xf32, #tpu.memory_space<vmem>>, %arg7: memref<512x256xf32, #tpu.memory_space<vmem>>, %arg8: memref<512x256xf32, #tpu.memory_space<vmem>>, %arg9: memref<512x32xf32, #tpu.memory_space<vmem>>, %arg10: memref<512x8xf32, #tpu.memory_space<vmem>>, %arg11: memref<512x8xf32, #tpu.memory_space<vmem>>) attributes {dimension_semantics = [], scalar_prefetch = 0 : i64, scratch_operands = 0 : i64, tpu.core_type = #tpu.core_type<tc>} {
    %get3A = arith.constant 0 : index
    %get3A_0 = arith.constant 0 : index
    %get3A_1 = vector.load %arg0[%get3A, %get3A_0] : memref<512x2048xf32, #tpu.memory_space<vmem>>, vector<512x2048xf32>
    %get3A_2 = arith.constant 0 : index
    %get3A_3 = arith.constant 0 : index
    %get3A_4 = vector.load %arg1[%get3A_2, %get3A_3] : memref<2048x1024xf32, #tpu.memory_space<vmem>>, vector<2048x1024xf32>
    %dot_general3A = arith.constant dense<0.000000e+00> : vector<512x1024xf32>
    %dot_general3A_5 = tpu.matmul %get3A_1, %get3A_4, %dot_general3A {dimension_numbers = #tpu.dot_dimension_numbers<[1], [0], [0], [1], [0, 0, 1, 1], [], []>, precision = #tpu.contract_precision<fp32>, transpose_lhs_hint = false} : vector<512x2048xf32>, vector<2048x1024xf32>, vector<512x1024xf32> -> vector<512x1024xf32>
    %slice3A = vector.extract_strided_slice %dot_general3A_5 {offsets = [0, 0], sizes = [512, 256], strides = [1, 1]} : vector<512x1024xf32> to vector<512x256xf32>
    %get3A_6 = arith.constant 0 : index
    %get3A_7 = arith.constant 0 : index
    %get3A_8 = vector.load %arg5[%get3A_6, %get3A_7] : memref<512x8xf32, #tpu.memory_space<vmem>>, vector<512x8xf32>
    %reduce_max3A = arith.constant dense<0xFF800000> : vector<512xf32>
    %reduce_max3A_9 = vector.multi_reduction <maximumf>, %get3A_8, %reduce_max3A [1] : vector<512x8xf32> to vector<512xf32>
    %broadcast_in_dim3A = vector.shape_cast %reduce_max3A_9 : vector<512xf32> to vector<512x1xf32>
    %sub3A = vector.broadcast %broadcast_in_dim3A : vector<512x1xf32> to vector<512x8xf32>
    %sub3A_10 = arith.subf %get3A_8, %sub3A : vector<512x8xf32>
    %exp3A = math.exp %sub3A_10 : vector<512x8xf32>
    %reduce_sum3A = arith.constant dense<0.000000e+00> : vector<512xf32>
    %reduce_sum3A_11 = vector.multi_reduction <add>, %exp3A, %reduce_sum3A [1] : vector<512x8xf32> to vector<512xf32>
    %broadcast_in_dim3A_12 = vector.shape_cast %reduce_sum3A_11 : vector<512xf32> to vector<512x1xf32>
    %div3A = vector.broadcast %broadcast_in_dim3A_12 : vector<512x1xf32> to vector<512x8xf32>
    %div3A_13 = arith.divf %exp3A, %div3A : vector<512x8xf32>
    %swap3A = arith.constant 0 : index
    %swap3A_14 = arith.constant 0 : index
    %swap3A_15 = vector.load %arg10[%swap3A, %swap3A_14] : memref<512x8xf32, #tpu.memory_space<vmem>>, vector<512x8xf32>
    tpu.vector_store %arg10[%swap3A, %swap3A_14], %div3A_13 {strides = array<i32>} : memref<512x8xf32, #tpu.memory_space<vmem>>, vector<512x8xf32>,
    %iota3A = tpu.iota {dimensions = array<i32: 1>} : vector<512x8xi32>
    %reduce_max3A_16 = arith.constant dense<0xFF800000> : vector<512xf32>
    %reduce_max3A_17 = vector.multi_reduction <maximumf>, %get3A_8, %reduce_max3A_16 [1] : vector<512x8xf32> to vector<512xf32>
    %broadcast_in_dim3A_18 = vector.shape_cast %reduce_max3A_17 : vector<512xf32> to vector<512x1xf32>
    %eq3A = vector.broadcast %broadcast_in_dim3A_18 : vector<512x1xf32> to vector<512x8xf32>
    %eq3A_19 = arith.cmpf oeq, %get3A_8, %eq3A : vector<512x8xf32>
    %jit3A = arith.constant 8 : i32
    %broadcast_in_dim3A_20 = vector.broadcast %jit3A : i32 to vector<512x8xi32>
    %select_n3A = arith.select %eq3A_19, %iota3A, %broadcast_in_dim3A_20 : vector<512x8xi1>, vector<512x8xi32>
    %reduce_min3A = arith.constant dense<2147483647> : vector<512xi32>
    %reduce_min3A_21 = vector.multi_reduction <minsi>, %select_n3A, %reduce_min3A [1] : vector<512x8xi32> to vector<512xi32>
    %broadcast_in_dim3A_22 = vector.shape_cast %reduce_min3A_21 : vector<512xi32> to vector<512x1xi32>
    %eq3A_23 = vector.broadcast %broadcast_in_dim3A_22 : vector<512x1xi32> to vector<512x8xi32>
    %eq3A_24 = arith.cmpi eq, %iota3A, %eq3A_23 : vector<512x8xi32>
    %jit3A_25 = arith.constant -1.000000e+30 : f32
    %broadcast_in_dim3A_26 = vector.broadcast %jit3A_25 : f32 to vector<512x8xf32>
    %select_n3A_27 = arith.select %eq3A_24, %broadcast_in_dim3A_26, %get3A_8 : vector<512x8xi1>, vector<512x8xf32>
    %reduce_max3A_28 = arith.constant dense<0xFF800000> : vector<512xf32>
    %reduce_max3A_29 = vector.multi_reduction <maximumf>, %select_n3A_27, %reduce_max3A_28 [1] : vector<512x8xf32> to vector<512xf32>
    %broadcast_in_dim3A_30 = vector.shape_cast %reduce_max3A_29 : vector<512xf32> to vector<512x1xf32>
    %eq3A_31 = vector.broadcast %broadcast_in_dim3A_30 : vector<512x1xf32> to vector<512x8xf32>
    %eq3A_32 = arith.cmpf oeq, %select_n3A_27, %eq3A_31 : vector<512x8xf32>
    %jit3A_33 = arith.constant 8 : i32
    %broadcast_in_dim3A_34 = vector.broadcast %jit3A_33 : i32 to vector<512x8xi32>
    %select_n3A_35 = arith.select %eq3A_32, %iota3A, %broadcast_in_dim3A_34 : vector<512x8xi1>, vector<512x8xi32>
    %reduce_min3A_36 = arith.constant dense<2147483647> : vector<512xi32>
    %reduce_min3A_37 = vector.multi_reduction <minsi>, %select_n3A_35, %reduce_min3A_36 [1] : vector<512x8xi32> to vector<512xi32>
    %broadcast_in_dim3A_38 = vector.shape_cast %reduce_min3A_37 : vector<512xi32> to vector<512x1xi32>
    %eq3A_39 = vector.broadcast %broadcast_in_dim3A_38 : vector<512x1xi32> to vector<512x8xi32>
    %eq3A_40 = arith.cmpi eq, %iota3A, %eq3A_39 : vector<512x8xi32>
    %or3A = arith.ori %eq3A_24, %eq3A_40 : vector<512x8xi1>
    %jit3A_41 = arith.constant 1.000000e+00 : f32
    %jit3A_42 = arith.constant 0.000000e+00 : f32
    %broadcast_in_dim3A_43 = vector.broadcast %jit3A_41 : f32 to vector<512x8xf32>
    %broadcast_in_dim3A_44 = vector.broadcast %jit3A_42 : f32 to vector<512x8xf32>
    %select_n3A_45 = arith.select %or3A, %broadcast_in_dim3A_43, %broadcast_in_dim3A_44 : vector<512x8xi1>, vector<512x8xf32>
    %swap3A_46 = arith.constant 0 : index
    %swap3A_47 = arith.constant 0 : index
    %swap3A_48 = vector.load %arg11[%swap3A_46, %swap3A_47] : memref<512x8xf32, #tpu.memory_space<vmem>>, vector<512x8xf32>
    tpu.vector_store %arg11[%swap3A_46, %swap3A_47], %select_n3A_45 {strides = array<i32>} : memref<512x8xf32, #tpu.memory_space<vmem>>, vector<512x8xf32>,
    %mul3A = arith.mulf %slice3A, %slice3A : vector<512x256xf32>
    %get3A_49 = arith.constant 0 : index
    %get3A_50 = arith.constant 0 : index
    %get3A_51 = vector.load %arg3[%get3A_49, %get3A_50] : memref<256x8xf32, #tpu.memory_space<vmem>>, vector<256x8xf32>
    %dot_general3A_52 = arith.constant dense<0.000000e+00> : vector<512x8xf32>
    %dot_general3A_53 = tpu.matmul %mul3A, %get3A_51, %dot_general3A_52 {dimension_numbers = #tpu.dot_dimension_numbers<[1], [0], [0], [1], [0, 0, 1, 1], [], []>, transpose_lhs_hint = false} : vector<512x256xf32>, vector<256x8xf32>, vector<512x8xf32> -> vector<512x8xf32>
    %sqrt3A = math.sqrt %dot_general3A_53 : vector<512x8xf32>
    %add3A = arith.constant 9.99999997E-7 : f32
    %add3A_54 = vector.broadcast %add3A : f32 to vector<512x8xf32>
    %add3A_55 = arith.addf %sqrt3A, %add3A_54 : vector<512x8xf32>
    %div3A_56 = arith.constant 1.000000e+00 : f32
    %div3A_57 = vector.broadcast %div3A_56 : f32 to vector<512x8xf32>
    %div3A_58 = arith.divf %div3A_57, %add3A_55 : vector<512x8xf32>
    %get3A_59 = arith.constant 0 : index
    %get3A_60 = arith.constant 0 : index
    %get3A_61 = vector.load %arg4[%get3A_59, %get3A_60] : memref<8x256xf32, #tpu.memory_space<vmem>>, vector<8x256xf32>
    %dot_general3A_62 = arith.constant dense<0.000000e+00> : vector<512x256xf32>
    %dot_general3A_63 = tpu.matmul %div3A_58, %get3A_61, %dot_general3A_62 {dimension_numbers = #tpu.dot_dimension_numbers<[1], [0], [0], [1], [0, 0, 1, 1], [], []>, transpose_lhs_hint = false} : vector<512x8xf32>, vector<8x256xf32>, vector<512x256xf32> -> vector<512x256xf32>
    %mul3A_64 = arith.mulf %slice3A, %dot_general3A_63 : vector<512x256xf32>
    %swap3A_65 = arith.constant 0 : index
    %swap3A_66 = arith.constant 0 : index
    %swap3A_67 = vector.load %arg6[%swap3A_65, %swap3A_66] : memref<512x256xf32, #tpu.memory_space<vmem>>, vector<512x256xf32>
    tpu.vector_store %arg6[%swap3A_65, %swap3A_66], %mul3A_64 {strides = array<i32>} : memref<512x256xf32, #tpu.memory_space<vmem>>, vector<512x256xf32>,
    %slice3A_68 = vector.extract_strided_slice %dot_general3A_5 {offsets = [0, 256], sizes = [512, 256], strides = [1, 1]} : vector<512x1024xf32> to vector<512x256xf32>
    %swap3A_69 = arith.constant 0 : index
    %swap3A_70 = arith.constant 0 : index
    %swap3A_71 = vector.load %arg7[%swap3A_69, %swap3A_70] : memref<512x256xf32, #tpu.memory_space<vmem>>, vector<512x256xf32>
    tpu.vector_store %arg7[%swap3A_69, %swap3A_70], %slice3A_68 {strides = array<i32>} : memref<512x256xf32, #tpu.memory_space<vmem>>, vector<512x256xf32>,
    %slice3A_72 = vector.extract_strided_slice %dot_general3A_5 {offsets = [0, 512], sizes = [512, 256], strides = [1, 1]} : vector<512x1024xf32> to vector<512x256xf32>
    %get3A_73 = arith.constant 0 : index
    %get3A_74 = arith.constant 0 : index
    %get3A_75 = vector.load %arg2[%get3A_73, %get3A_74] : memref<1x256xf32, #tpu.memory_space<vmem>>, vector<1x256xf32>
    %add3A_76 = vector.broadcast %get3A_75 : vector<1x256xf32> to vector<512x256xf32>
    %add3A_77 = arith.addf %slice3A_72, %add3A_76 : vector<512x256xf32>
    %neg3A = arith.constant 0.000000e+00 : f32
    %neg3A_78 = vector.broadcast %neg3A : f32 to vector<512x256xf32>
    %neg3A_79 = arith.subf %neg3A_78, %add3A_77 : vector<512x256xf32>
    %exp3A_80 = math.exp %neg3A_79 : vector<512x256xf32>
    %add3A_81 = arith.constant 1.000000e+00 : f32
    %add3A_82 = vector.broadcast %add3A_81 : f32 to vector<512x256xf32>
    %add3A_83 = arith.addf %add3A_82, %exp3A_80 : vector<512x256xf32>
    %div3A_84 = arith.constant 1.000000e+00 : f32
    %div3A_85 = vector.broadcast %div3A_84 : f32 to vector<512x256xf32>
    %div3A_86 = arith.divf %div3A_85, %add3A_83 : vector<512x256xf32>
    %swap3A_87 = arith.constant 0 : index
    %swap3A_88 = arith.constant 0 : index
    %swap3A_89 = vector.load %arg8[%swap3A_87, %swap3A_88] : memref<512x256xf32, #tpu.memory_space<vmem>>, vector<512x256xf32>
    tpu.vector_store %arg8[%swap3A_87, %swap3A_88], %div3A_86 {strides = array<i32>} : memref<512x256xf32, #tpu.memory_space<vmem>>, vector<512x256xf32>,
    %slice3A_90 = vector.extract_strided_slice %dot_general3A_5 {offsets = [0, 768], sizes = [512, 32], strides = [1, 1]} : vector<512x1024xf32> to vector<512x32xf32>
    %swap3A_91 = arith.constant 0 : index
    %swap3A_92 = arith.constant 0 : index
    %swap3A_93 = vector.load %arg9[%swap3A_91, %swap3A_92] : memref<512x32xf32, #tpu.memory_space<vmem>>, vector<512x32xf32>
    tpu.vector_store %arg9[%swap3A_91, %swap3A_92], %slice3A_90 {strides = array<i32>} : memref<512x32xf32, #tpu.memory_space<vmem>>, vector<512x32xf32>,
    return
  }
}

module attributes {stable_mosaic.version = 14 : i64} {
  func.func @_combine_body(%arg0: memref<8x128x128xf32, #tpu.memory_space<vmem>>, %arg1: memref<128x128xf32, #tpu.memory_space<vmem>>) attributes {dimension_semantics = [], scalar_prefetch = 0 : i64, scratch_operands = 0 : i64, tpu.core_type = #tpu.core_type<tc>} {
    %get3A = arith.constant 0 : index
    %get3A_0 = arith.constant 0 : index
    %get3A_1 = arith.constant 0 : index
    %get3A_2 = vector.load %arg0[%get3A, %get3A_0, %get3A_1] : memref<8x128x128xf32, #tpu.memory_space<vmem>>, vector<1x128x128xf32>
    %get3A_3 = vector.shape_cast %get3A_2 : vector<1x128x128xf32> to vector<128x128xf32>
    %get3A_4 = arith.constant 1 : index
    %get3A_5 = arith.constant 0 : index
    %get3A_6 = arith.constant 0 : index
    %get3A_7 = vector.load %arg0[%get3A_4, %get3A_5, %get3A_6] : memref<8x128x128xf32, #tpu.memory_space<vmem>>, vector<1x128x128xf32>
    %get3A_8 = vector.shape_cast %get3A_7 : vector<1x128x128xf32> to vector<128x128xf32>
    %add3A = arith.addf %get3A_3, %get3A_8 : vector<128x128xf32>
    %get3A_9 = arith.constant 2 : index
    %get3A_10 = arith.constant 0 : index
    %get3A_11 = arith.constant 0 : index
    %get3A_12 = vector.load %arg0[%get3A_9, %get3A_10, %get3A_11] : memref<8x128x128xf32, #tpu.memory_space<vmem>>, vector<1x128x128xf32>
    %get3A_13 = vector.shape_cast %get3A_12 : vector<1x128x128xf32> to vector<128x128xf32>
    %add3A_14 = arith.addf %add3A, %get3A_13 : vector<128x128xf32>
    %get3A_15 = arith.constant 3 : index
    %get3A_16 = arith.constant 0 : index
    %get3A_17 = arith.constant 0 : index
    %get3A_18 = vector.load %arg0[%get3A_15, %get3A_16, %get3A_17] : memref<8x128x128xf32, #tpu.memory_space<vmem>>, vector<1x128x128xf32>
    %get3A_19 = vector.shape_cast %get3A_18 : vector<1x128x128xf32> to vector<128x128xf32>
    %add3A_20 = arith.addf %add3A_14, %get3A_19 : vector<128x128xf32>
    %get3A_21 = arith.constant 4 : index
    %get3A_22 = arith.constant 0 : index
    %get3A_23 = arith.constant 0 : index
    %get3A_24 = vector.load %arg0[%get3A_21, %get3A_22, %get3A_23] : memref<8x128x128xf32, #tpu.memory_space<vmem>>, vector<1x128x128xf32>
    %get3A_25 = vector.shape_cast %get3A_24 : vector<1x128x128xf32> to vector<128x128xf32>
    %add3A_26 = arith.addf %add3A_20, %get3A_25 : vector<128x128xf32>
    %get3A_27 = arith.constant 5 : index
    %get3A_28 = arith.constant 0 : index
    %get3A_29 = arith.constant 0 : index
    %get3A_30 = vector.load %arg0[%get3A_27, %get3A_28, %get3A_29] : memref<8x128x128xf32, #tpu.memory_space<vmem>>, vector<1x128x128xf32>
    %get3A_31 = vector.shape_cast %get3A_30 : vector<1x128x128xf32> to vector<128x128xf32>
    %add3A_32 = arith.addf %add3A_26, %get3A_31 : vector<128x128xf32>
    %get3A_33 = arith.constant 6 : index
    %get3A_34 = arith.constant 0 : index
    %get3A_35 = arith.constant 0 : index
    %get3A_36 = vector.load %arg0[%get3A_33, %get3A_34, %get3A_35] : memref<8x128x128xf32, #tpu.memory_space<vmem>>, vector<1x128x128xf32>
    %get3A_37 = vector.shape_cast %get3A_36 : vector<1x128x128xf32> to vector<128x128xf32>
    %add3A_38 = arith.addf %add3A_32, %get3A_37 : vector<128x128xf32>
    %get3A_39 = arith.constant 7 : index
    %get3A_40 = arith.constant 0 : index
    %get3A_41 = arith.constant 0 : index
    %get3A_42 = vector.load %arg0[%get3A_39, %get3A_40, %get3A_41] : memref<8x128x128xf32, #tpu.memory_space<vmem>>, vector<1x128x128xf32>
    %get3A_43 = vector.shape_cast %get3A_42 : vector<1x128x128xf32> to vector<128x128xf32>
    %add3A_44 = arith.addf %add3A_38, %get3A_43 : vector<128x128xf32>
    %swap3A = arith.constant 0 : index
    %swap3A_45 = arith.constant 0 : index
    %swap3A_46 = vector.load %arg1[%swap3A, %swap3A_45] : memref<128x128xf32, #tpu.memory_space<vmem>>, vector<128x128xf32>
    tpu.vector_store %arg1[%swap3A, %swap3A_45], %add3A_44 {strides = array<i32>} : memref<128x128xf32, #tpu.memory_space<vmem>>, vector<128x128xf32>,
    return
  }
}

</mosaic_0001>

<sc_bundles>
// kernel: kernel.5.cloned.1.call-start
scs
__scs_entry_jumppad:
0x0: {  	(pc) =	sbr.rel $0x88, $3  }
0x1: {  	(tag) =	ssettag $0x0;
	lr =	simm.s32 $0x1  }
0x2: {  	[smem:$0x3F9B] =	sst lr;
	_ =	strace $0xD0000000  }
0x3: {  	_ = 	snop  }
0x4: {  	_ = 	snop  }
0x5: {  	_ = 	snop  }
0x6: {  	_ = 	snop  }
0x7: {  	_ = 	snop  }
__scs_overlays_trampoline_lowered:
0x8: {  	[smem:$0x3FAA] =	sst s0  }
0x9: {  	[smem:$0x3FAB] =	sst s1  }
0xa: {  	[smem:$0x3FAC] =	sst s2  }
0xb: {  	[smem:$0x3FAD] =	sst s3  }
0xc: {  	[smem:$0x3FAE] =	sst s4  }
0xd: {  	[smem:$0x3FAF] =	sst s5  }
0xe: {  	[smem:$0x3FB0] =	sst s6  }
0xf: {  	[smem:$0x3FB1] =	sst s7  }
0x10: {  	[smem:$0x3FB2] =	sst s8  }
0x11: {  	[smem:$0x3FB3] =	sst s9;
	s0 =	simm.s32 @!p0 $0x0  }
0x12: {  	s1 =	sld [smem:$0x3F99];
	s0 =	simm.s32 @p0 $0x1  }
0x13: {  	[smem:$0x3FB4] =	sst s0;
	s0 =	simm.s32 @!p1 $0x0  }
0x14: {  	s2 =	sld [smem:$0x3F98];
	s0 =	simm.s32 @p1 $0x1  }
0x15: {  	[smem:$0x3FB5] =	sst s0;
	s0 =	simm.s32 @!p2 $0x0  }
0x16: {  	s3 =	sld [smem:$0x3FDB];
	s0 =	simm.s32 @p2 $0x1  }
0x17: {  	s4 =	simm.s32 $0x1BF5;
	[smem:$0x3FB7] =	sst s0  }
0x18: {  	s0 =	sld [smem:$0x3F9A];
	_ =	swait.ge [sflag:s4], $0x0  }
0x19: {  	s7 =	sld [smem:$0x3F9B]  }
0x1a: {  	s8 =	sadd.s32 $0xFFFFE003, lr  }
0x1b: {  	s9 =	sadd.s32 $0xFFFFFEF7, lr;
	s5 =	simm.s32 $0xFFFFFFFF;
	p2 =	slt.u32 s8, $0xFFFFF086  }
0x1c: {  	p1 =	slt.u32 s9, $0xF7A;
	s5 =	simm.s32 @!p2 $0x0  }
0x1d: {  	s5 =	simm.s32 @p1 $0x1;
	p0 =	seq.s32 s7, s2  }
0x1e: {  	s7 =	smul.u32 @!p0 $0xF7A, s2;
	p2 =	seq.s32 @!p0 s5, $0x0  }
0x1f: {  	s9 =	smul.u32 $0xF7A, s1;
	s8 =	simm.s32 @!p0 $0x1BF5;
	p2 =	por !p2, p0  }
0x20: {  	[sflag:s8] =	ssyncset.s32 @!p0 $0xFFFFF086;
	s6 =	sadd.s32 @!p0 s3, s7;
	s7 =	simm.s32 @!p0 $0x108  }
0x21: {  	s3 =	sadd.s32 s3, s9;
	s6 =	sadd.s32 @!p0 $0x88, s6;
	s7 =	simm.s32 @p2 $0x1082  }
0x22: {  	[simem:s7], [sflag:s8] =	dma.local @!p0 [hbm:s6], $0xF7A  }
0x23: {  	s9 =	sor.u32 $0xD0000000, s2;
	s6 =	simm.s32 $0x108;
	_ =	swait.ge @!p0 [sflag:s8], $0x0  }
0x24: {  	s3 =	sadd.s32 $0x88, s3;
	s6 =	simm.s32 @!p1 $0x1082;
	[sflag:s4] =	ssyncset.s32 $0xFFFFF086  }
0x25: {  	[simem:s6], [sflag:s4] =	dma.local [hbm:s3], $0xF7A  }
0x26: {  	[smem:$0x3F9B] =	sst s1;
	(tag) =	ssettag s2;
	_ =	strace s9  }
0x27: {  	s1 =	sld [smem:$0x3FAB]  }
0x28: {  	s2 =	sld [smem:$0x3FAC]  }
0x29: {  	s4 =	sld [smem:$0x3FAE]  }
0x2a: {  	p0 =	seq.s32 s5, $0x0;
	s5 =	sld [smem:$0x3FAF]  }
0x2b: {  	s6 =	sld [smem:$0x3FB0]  }
0x2c: {  	s7 =	sld [smem:$0x3FB1]  }
0x2d: {  	s3 =	simm.s32 $0x108;
	s8 =	sld [smem:$0x3FB2]  }
0x2e: {  	s3 =	simm.s32 @!p0 $0x1082;
	s9 =	sld [smem:$0x3FB3]  }
0x2f: {  	lr =	sadd.s32 s0, s3;
	s0 =	sld [smem:$0x3FAA]  }
0x30: {  	s3 =	sld [smem:$0x3FAD]  }
0x31: {  	[smem:$0x3FB6] =	sst s10  }
0x32: {  	s10 =	sld [smem:$0x3FB4];
	_ =	sdelay $0x3  }
0x33: {  	p0 =	seq.s32 s10, $0x1;
	s10 =	sld [smem:$0x3FB6];
	_ =	sdelay $0x3  }
0x34: {  	[smem:$0x3FB6] =	sst s10  }
0x35: {  	s10 =	sld [smem:$0x3FB5];
	_ =	sdelay $0x3  }
0x36: {  	p1 =	seq.s32 s10, $0x1;
	s10 =	sld [smem:$0x3FB6];
	_ =	sdelay $0x3  }
0x37: {  	[smem:$0x3FB6] =	sst s10  }
0x38: {  	s10 =	sld [smem:$0x3FB7]  }
0x39: {  	_ = 	snop;
	(pc) =	sbr.ind lr, $3  }
0x3a: {  	_ = 	snop  }
0x3b: {  	_ = 	snop  }
0x3c: {  	p2 =	seq.s32 s10, $0x1;
	s10 =	sld [smem:$0x3FB6]  }
0x3d: {  	_ =	shalt  }
0x3e: {  	_ =	shalt  }
0x3f: {  	_ =	shalt  }
0x40: {  	_ =	shalt  }
0x41: {  	_ =	shalt  }
0x42: {  	_ =	shalt  }
0x43: {  	_ =	shalt  }
0x44: {  	_ =	shalt  }
0x45: {  	_ =	shalt  }
0x46: {  	_ =	shalt  }
0x47: {  	_ =	shalt  }
0x48: {  	_ =	shalt  }
0x49: {  	_ =	shalt  }
0x4a: {  	_ =	shalt  }
0x4b: {  	_ =	shalt  }
0x4c: {  	_ =	shalt  }
0x4d: {  	_ =	shalt  }
0x4e: {  	_ =	shalt  }
0x4f: {  	_ =	shalt  }
0x50: {  	_ =	shalt  }
0x51: {  	_ =	shalt  }
0x52: {  	_ =	shalt  }
0x53: {  	_ =	shalt  }
0x54: {  	_ =	shalt  }
0x55: {  	_ =	shalt  }
0x56: {  	_ =	shalt  }
0x57: {  	_ =	shalt  }
0x58: {  	_ =	shalt  }
0x59: {  	_ =	shalt  }
0x5a: {  	_ =	shalt  }
0x5b: {  	_ =	shalt  }
0x5c: {  	_ =	shalt  }
0x5d: {  	_ =	shalt  }
0x5e: {  	_ =	shalt  }
0x5f: {  	_ =	shalt  }
0x60: {  	_ =	shalt  }
0x61: {  	_ =	shalt  }
0x62: {  	_ =	shalt  }
0x63: {  	_ =	shalt  }
0x64: {  	_ =	shalt  }
0x65: {  	_ =	shalt  }
0x66: {  	_ =	shalt  }
0x67: {  	_ =	shalt  }
0x68: {  	_ =	shalt  }
0x69: {  	_ =	shalt  }
0x6a: {  	_ =	shalt  }
0x6b: {  	_ =	shalt  }
0x6c: {  	_ =	shalt  }
0x6d: {  	_ =	shalt  }
0x6e: {  	_ =	shalt  }
0x6f: {  	_ =	shalt  }
0x70: {  	_ =	shalt  }
0x71: {  	_ =	shalt  }
0x72: {  	_ =	shalt  }
0x73: {  	_ =	shalt  }
0x74: {  	_ =	shalt  }
0x75: {  	_ =	shalt  }
0x76: {  	_ =	shalt  }
0x77: {  	_ =	shalt  }
0x78: {  	_ =	shalt  }
0x79: {  	_ =	shalt  }
0x7a: {  	_ =	shalt  }
0x7b: {  	_ =	shalt  }
0x7c: {  	_ =	shalt  }
0x7d: {  	_ =	shalt  }
0x7e: {  	_ =	shalt  }
0x7f: {  	_ =	shalt  }
0x80: {  	_ =	shalt  }
0x81: {  	_ =	shalt  }
0x82: {  	_ =	shalt  }
0x83: {  	_ =	shalt  }
0x84: {  	_ =	shalt  }
0x85: {  	_ =	shalt  }
0x86: {  	_ =	shalt  }
0x87: {  	_ =	shalt  }
.Lfunc_end0:
.L_simem_size_0:
called_computation_lowered:
.L_overlay_start_0:
0x88: {  	s2 =	sld [smem:$0x3FD9]  }
0x89: {  	s3 =	sld [smem:$0x3FFE];
	_ =	sdelay $0x1  }
0x8a: {  	s1 =	srdreg.scid  }
0x8b: {  	s0 =	sand.u32 $0x1, s1  }
0x8c: {  	s14 =	sshll.u32 s0, $0xA;
	s2 =	sadd.s32 s3, s2  }
0x8d: {  	s2 =	sadd.s32 s2, s14  }
0x8e: {  	[smem:$0x3FC2] =	sst s2  }
0x8f: {  	_ = 	snop  }
0x90: {  	s2 =	sld [smem:$0x3FD0];
	_ =	sdelay $0x2  }
0x91: {  	s15 =	simm.s32 $0xA;
	s4 =	simm.s32 $0x10  }
0x92: {  	[smem:s4], [sflag:s15] =	dma.local [hbm:s2], $0x1  }
0x93: {  	_ =	swait.eq [sflag:s15], $0x1  }
0x94: {  	[sflag:s15] =	ssyncset.done $0x0  }
0x95: {  	[sflag:s15] =	ssyncadd.s32 $0xFFFFFFFF  }
0x96: {  	s16 =	sld [smem:$0x11];
	(tm) =	ssettm $0x1  }
0x97: {  	s17 =	sld [smem:$0x3FFB];
	_ =	sdelay $0x3  }
0x98: {  	_ =	strace s17  }
0x99: {  	s3 =	sld [smem:$0x3FFC];
	_ =	sdelay $0x3  }
0x9a: {  	_ =	strace s3  }
0x9b: {  	s3 =	sld [smem:$0x3FFD];
	_ =	sdelay $0x3  }
0x9c: {  	_ =	strace s3  }
0x9d: {  	_ =	strace $0x8FFFFFFF  }
0x9e: {  	s18 =	sld [smem:$0x3FDB];
	_ =	sdelay $0x1  }
0x9f: {  	s19 =	simm.s32 $_scs_section_size  }
0xa0: {  	s5 =	simm.s32 $_size__tile_overlayer_lowered;
	s6 =	simm.s32 $_tile_overlayer_lowered  }
0xa1: {  	s22 =	simm.s32 $0x1BFF;
	s21 =	sshll.u32 s6, $0x1;
	s3 =	sadd.s32 s19, s18  }
0xa2: {  	s7 =	simm.s32 $0x0;
	s20 =	sshll.u32 s5, $0x1;
	s5 =	sadd.s32 s21, s3  }
0xa3: {  	[timem:s7], [sflag:s22] =	dma.local [hbm:s5], s20  }
0xa4: {  	_ =	swait.ge [sflag:s22], s20  }
0xa5: {  	s4 =	ssub.s32 $0x0, s20;
	[sflag:s22] =	ssyncset.done $0x0  }
0xa6: {  	[sflag:s22] =	ssyncadd.s32 s4;
	_ =	sdelay $0x1  }
0xa7: {  	s23 =	simm.s32 $0x1B8B  }
0xa8: {  	_ =	swait.ge [sflag:s23], $0x1  }
0xa9: {  	[sflag:s23] =	ssyncset.done $0x0  }
0xaa: {  	s25 =	simm.s32 $0x1B8E;
	s24 =	sld [smem:$0x3FFE];
	[sflag:s23] =	ssyncadd.s32 $0xFFFFFFFF  }
0xab: {  	s26 =	simm.s32 $execute0_lowered;
	[smem:$0x3FD2] =	sst s25  }
0xac: {  	s5 =	sshll.u32 s26, $0x1;
	_ =	strace $0x80000046;
	[dreg:$0x1] =	wrdreg $0xFFFFFFFF  }
0xad: {  	s28 =	simm.s32 $_size_execute0_lowered;
	s3 =	sadd.s32 s3, s5;
	[dreg:$0x0] =	wrdreg $0x0  }
0xae: {  	s5 =	sshll.u32 s28, $0x1;
	[dreg:$0x2] =	wrdreg s3  }
0xaf: {  	[dreg:$0x3] =	wrdreg s5  }
0xb0: {  	[dreg:$0x4] =	wrdreg $0xC0  }
0xb1: {  	_ =	task [dreg:s7], $0x5FFFF  }
0xb2: {  	[dreg:$0x1] =	wrdreg $0xFFFFFFFF  }
0xb3: {  	[dreg:$0x0] =	wrdreg $0x60  }
0xb4: {  	[dreg:$0x2] =	wrdreg s24  }
0xb5: {  	[dreg:$0x3] =	wrdreg s16  }
0xb6: {  	[dreg:$0x4] =	wrdreg $0x9  }
0xb7: {  	_ =	task.clear_ibuf [dreg:s7], $0x5FFFF;
	_ =	strace $0x90000046  }
0xb8: {  	s29 =	simm.s32 $0x9;
	_ =	strace $0x80000048  }
0xb9: {  	_ =	swait.ge [sflag:s29], $0x1  }
0xba: {  	[sflag:s29] =	ssyncadd.s32 $0xFFFFFFFF  }
0xbb: {  	_ =	strace $0x90000048  }
0xbc: {  	_ =	sfence  }
0xbd: {  	s30 =	sld [smem:$0x0];
	_ =	sdelay $0x2  }
0xbe: {  	s31 =	sshll.u32 s1, $0xD;
	s1 =	sshrl.u32 s1, $0x2  }
0xbf: {  	s3 =	sand.u32 $0x4000, s31;
	s1 =	sadd.s32 s1, s30  }
0xc0: {  	s0 =	sor.u32 s3, s0;
	s1 =	sshll.u32 s1, $0x11  }
0xc1: {  	s0 =	sor.u32 s1, s0  }
0xc2: {  	s0 =	sadd.s32 $0x8F2B, s0  }
0xc3: {  	[sflag:s0] =	ssyncadd.remote.s32 $0x1  }
0xc4: {  	_ =	sfence.sel $0xFFFF  }
0xc5: {  	[dreg:$0x0] =	wrdreg $0xFFFFFFFF;
	(pc) =	sbr.abs _section_cstart, $3  }
0xc6: {  	[dreg:$0x1] =	wrdreg $0xFFFFFFFF  }
0xc7: {  	_ =	task.clear_ibuf [dreg:s7], $0x2FFFF;
	_ =	strace $0x9FFFFFFF  }
0xc8: {  	(tm) =	ssettm $0x7FFFFFFF  }
0xc9: {  	_ =	shalt  }
tec
execute0_lowered:
.L_overlay_start_1:
0x0: {  	(tag) =	ssettag $0x1  }
0x1: {  	s3 =	rddreg [dreg:$0x0]  }
0x2: {  	s7 =	rddreg [dreg:$0x1]  }
0x3: {  	s0 =	rddreg [dreg:$0x2];
	s4 =	srdreg.scid;
	s2 =	simm.s32 $0x0  }
0x4: {  	s1 =	stileid.u32;
	s11 =	simm.s32 $0x4000;
	s12 =	simm.s32 $0x8000  }
0x5: {  	s13 =	simm.s32 $0xC000;
	s14 =	simm.s32 $0x10000;
	s15 =	simm.s32 $0x11000  }
0x6: {  	s16 =	simm.s32 $0x0;
	s4 =	sand.u32 $0x1, s4;
	s5 =	sand.u32 $0x1, s1  }
0x7: {  	s8 =	sshll.u32 s1, $0x1;
	[smem:$0x7FF] =	sst s2;
	s6 =	sshll.u32 s4, $0x1  }
0x8: {  	s30 =	sand.u32 $0x1C, s8;
	s4 =	ssub.s32 $0x2, s4;
	s5 =	sor.u32 s5, s6  }
0x9: {  	_ =	strace $0x80000047;
	s9 =	sshrl.u32 s4, $0x1;
	s6 =	sor.u32 s5, s30  }
.Ltmp0:
0xa: {  	s5 =	sshll.u32 s5, $0xB;
	s9 =	ssub.s32 s4, s9;
	(pc) =	sbr.rel .LBB2_1-.Ltmp0, $4  }
0xb: {  	s31 =	sshll.u32 s6, $0xB;
	s5 =	sadd.s32 s5, s3;
	s10 =	sshll.u32 s6, $0x9  }
0xc: {  	s9 =	smax.u32 s9, $0x1;
	s8 =	sadd.s32 s31, s3;
	s5 =	sadd.s32 $0x21A00, s5  }
0xd: {  	s7 =	sadd.s32 s7, s10;
	s10 =	simm.s32 $0x1;
	s3 =	sadd.s32 $0x1A00, s8  }
0xe: {  	s4 =	sadd.s32 $0x11A00, s8;
	s6 =	sadd.s32 $0x23A00, s8;
	s8 =	sadd.s32 $0x33A00, s8  }
.LBB2_5:
0xf: {  	[hbm4b:s7+s2] =	stream.linear.scatter [tilespmem:s14], [sflag:$0x1], $0x1000, $0x38;
	[tilespmem:$0x15000] =	vst v63  }
0x10: {  	s16 =	sadd.s32 $0x1, s16;
	_ =	swait.ge [sflag:s10], $0x1000  }
0x11: {  	p0 =	sne.s32 s16, s9;
	[sflag:s10] =	ssyncset.done $0x0  }
.Ltmp1:
0x12: {  	[sflag:s10] =	ssyncadd.s32 $0xFFFFF000;
	(pc) =	sbr.rel @!p0 .LBB2_6-.Ltmp1, $4  }
0x13: {  	[hbm4b:s8+s2] =	stream.linear.scatter [tilespmem:s15], [sflag:$0x1], $0x4000, $0x38;
	[tilespmem:$0x15000] =	vst v63  }
0x14: {  	_ =	swait.ge [sflag:s10], $0x4000  }
0x15: {  	[sflag:s10] =	ssyncset.done $0x0  }
0x16: {  	[sflag:s10] =	ssyncadd.s32 $0xFFFFC000  }
.LBB2_1:
0x17: {  	[tilespmem:s2], [sflag:$0x1] =	stream.linear.gather [hbm4b:s3+s2], $0x4000, $0x38;
	[tilespmem:$0x15000] =	vst v63  }
0x18: {  	_ =	swait.ge [sflag:s10], $0x4000  }
0x19: {  	[sflag:s10] =	ssyncset.done $0x0  }
0x1a: {  	[sflag:s10] =	ssyncadd.s32 $0xFFFFC000  }
0x1b: {  	[tilespmem:s11], [sflag:$0x1] =	stream.linear.gather [hbm4b:s4+s2], $0x4000, $0x38;
	[tilespmem:$0x15000] =	vst v63  }
0x1c: {  	_ =	swait.ge [sflag:s10], $0x4000  }
0x1d: {  	[sflag:s10] =	ssyncset.done $0x0  }
0x1e: {  	[sflag:s10] =	ssyncadd.s32 $0xFFFFC000  }
0x1f: {  	[tilespmem:s12], [sflag:$0x1] =	stream.linear.gather [hbm4b:s5+s2], $0x4000, $0x38;
	[tilespmem:$0x15000] =	vst v63  }
0x20: {  	_ =	swait.ge [sflag:s10], $0x4000  }
0x21: {  	[sflag:s10] =	ssyncset.done $0x0  }
0x22: {  	[sflag:s10] =	ssyncadd.s32 $0xFFFFC000  }
0x23: {  	[tilespmem:s13], [sflag:$0x1] =	stream.linear.gather [hbm4b:s6+s2], $0x4000, $0x38;
	[tilespmem:$0x15000] =	vst v63  }
0x24: {  	_ =	swait.ge [sflag:s10], $0x4000  }
0x25: {  	[sflag:s10] =	ssyncset.done $0x0  }
0x26: {  	v0 =	vimm.f32 $0.0e+00;
	[sflag:s10] =	ssyncadd.s32 $0xFFFFC000  }
0x27: {  	[tilespmem:$0x10000] =	vst v0  }
0x28: {  	[tilespmem:$0x10010] =	vst v0  }
0x29: {  	[tilespmem:$0x10080] =	vst v0  }
0x2a: {  	[tilespmem:$0x10090] =	vst v0  }
0x2b: {  	[tilespmem:$0x10100] =	vst v0  }
0x2c: {  	[tilespmem:$0x10110] =	vst v0  }
0x2d: {  	[tilespmem:$0x10180] =	vst v0  }
0x2e: {  	[tilespmem:$0x10190] =	vst v0  }
0x2f: {  	[tilespmem:$0x10200] =	vst v0  }
0x30: {  	[tilespmem:$0x10210] =	vst v0  }
0x31: {  	[tilespmem:$0x10280] =	vst v0  }
0x32: {  	[tilespmem:$0x10290] =	vst v0  }
0x33: {  	[tilespmem:$0x10300] =	vst v0  }
0x34: {  	[tilespmem:$0x10310] =	vst v0  }
0x35: {  	[tilespmem:$0x10380] =	vst v0  }
0x36: {  	[tilespmem:$0x10390] =	vst v0  }
0x37: {  	[tilespmem:$0x10400] =	vst v0  }
0x38: {  	[tilespmem:$0x10410] =	vst v0  }
0x39: {  	[tilespmem:$0x10480] =	vst v0  }
0x3a: {  	[tilespmem:$0x10490] =	vst v0  }
0x3b: {  	[tilespmem:$0x10500] =	vst v0  }
0x3c: {  	[tilespmem:$0x10510] =	vst v0  }
0x3d: {  	[tilespmem:$0x10580] =	vst v0  }
0x3e: {  	[tilespmem:$0x10590] =	vst v0  }
0x3f: {  	[tilespmem:$0x10600] =	vst v0  }
0x40: {  	[tilespmem:$0x10610] =	vst v0  }
0x41: {  	[tilespmem:$0x10680] =	vst v0  }
0x42: {  	[tilespmem:$0x10690] =	vst v0  }
0x43: {  	[tilespmem:$0x10700] =	vst v0  }
0x44: {  	[tilespmem:$0x10710] =	vst v0  }
0x45: {  	[tilespmem:$0x10780] =	vst v0  }
0x46: {  	[tilespmem:$0x10790] =	vst v0  }
0x47: {  	[tilespmem:$0x10800] =	vst v0  }
0x48: {  	[tilespmem:$0x10810] =	vst v0  }
0x49: {  	[tilespmem:$0x10880] =	vst v0  }
0x4a: {  	[tilespmem:$0x10890] =	vst v0  }
0x4b: {  	[tilespmem:$0x10900] =	vst v0  }
0x4c: {  	[tilespmem:$0x10910] =	vst v0  }
0x4d: {  	[tilespmem:$0x10980] =	vst v0  }
0x4e: {  	[tilespmem:$0x10990] =	vst v0  }
0x4f: {  	[tilespmem:$0x10A00] =	vst v0  }
0x50: {  	[tilespmem:$0x10A10] =	vst v0  }
0x51: {  	[tilespmem:$0x10A80] =	vst v0  }
0x52: {  	[tilespmem:$0x10A90] =	vst v0  }
0x53: {  	[tilespmem:$0x10B00] =	vst v0  }
0x54: {  	[tilespmem:$0x10B10] =	vst v0  }
0x55: {  	[tilespmem:$0x10B80] =	vst v0  }
0x56: {  	[tilespmem:$0x10B90] =	vst v0  }
0x57: {  	[tilespmem:$0x10C00] =	vst v0  }
0x58: {  	[tilespmem:$0x10C10] =	vst v0  }
0x59: {  	[tilespmem:$0x10C80] =	vst v0  }
0x5a: {  	[tilespmem:$0x10C90] =	vst v0  }
0x5b: {  	[tilespmem:$0x10D00] =	vst v0  }
0x5c: {  	[tilespmem:$0x10D10] =	vst v0  }
0x5d: {  	[tilespmem:$0x10D80] =	vst v0  }
0x5e: {  	[tilespmem:$0x10D90] =	vst v0  }
0x5f: {  	[tilespmem:$0x10E00] =	vst v0  }
0x60: {  	[tilespmem:$0x10E10] =	vst v0  }
0x61: {  	[tilespmem:$0x10E80] =	vst v0  }
.Ltmp2:
0x62: {  	[tilespmem:$0x10E90] =	vst v0;
	(pc) =	sbr.rel .LBB2_2-.Ltmp2, $4  }
0x63: {  	[tilespmem:$0x10F00] =	vst v0  }
0x64: {  	[tilespmem:$0x10F10] =	vst v0  }
0x65: {  	[tilespmem:$0x10F80] =	vst v0  }
0x66: {  	s17 =	simm.s32 $0x0;
	[tilespmem:$0x10F90] =	vst v0  }
.LBB2_4:
0x67: {  	v1 =	vld [tilespmem:s18+$0x8000]  }
0x68: {  	v2 =	vld [tilespmem:$0x10000]  }
0x69: {  	v3 =	vld [tilespmem:$0x10010]  }
0x6a: {  	v4 =	vld [tilespmem:$0x10080]  }
0x6b: {  	v5 =	vld [tilespmem:$0x10090]  }
0x6c: {  	v6 =	vld [tilespmem:$0x10100]  }
0x6d: {  	v7 =	vld [tilespmem:$0x10110]  }
0x6e: {  	v8 =	vld [tilespmem:$0x10180]  }
0x6f: {  	v9 =	vld [tilespmem:$0x10190]  }
0x70: {  	v10 =	vld [tilespmem:$0x10200]  }
0x71: {  	v11 =	vld [tilespmem:$0x10210]  }
0x72: {  	v12 =	vld [tilespmem:$0x10280]  }
0x73: {  	v13 =	vld [tilespmem:$0x10290];
	v14 =	vbroadcast v1, $0x0  }
0x74: {  	v15 =	vld [tilespmem:$0x10300];
	v17 =	vbroadcast v1, $0x1;
	v19 =	vbroadcast v1, $0x2  }
0x75: {  	v16 =	vld [tilespmem:$0x10310];
	v28 =	vbroadcast v1, $0x3;
	v22 =	vbroadcast v1, $0x4  }
0x76: {  	v18 =	vld [tilespmem:$0x10380];
	v24 =	vbroadcast v1, $0x5;
	v31 =	vbroadcast v1, $0x6  }
0x77: {  	v63 =	vld [tilespmem:$0x10390];
	v37 =	vbroadcast v1, $0x7;
	v42 =	vbroadcast v1, $0x8  }
0x78: {  	v20 =	vld [tilespmem:$0x10400];
	v45 =	vbroadcast v1, $0x9;
	v50 =	vbroadcast v1, $0xA  }
0x79: {  	v21 =	vld [tilespmem:$0x10410];
	v55 =	vbroadcast v1, $0xB;
	v58 =	vbroadcast v1, $0xC  }
0x7a: {  	v29 =	vld [tilespmem:$0x10480];
	v62 =	vbroadcast v1, $0xD;
	v2 =	vmul.f32 v2, v14  }
0x7b: {  	v23 =	vld [tilespmem:$0x10490];
	v3 =	vmul.f32 v3, v14;
	v4 =	vmul.f32 v4, v17  }
0x7c: {  	v30 =	vld [tilespmem:$0x10500];
	v5 =	vmul.f32 v5, v17;
	v6 =	vmul.f32 v6, v19  }
0x7d: {  	v25 =	vld [tilespmem:$0x10510];
	v7 =	vmul.f32 v7, v19;
	v8 =	vmul.f32 v8, v28  }
0x7e: {  	v26 =	vld [tilespmem:$0x10580];
	v9 =	vmul.f32 v9, v28;
	v10 =	vmul.f32 v10, v22  }
0x7f: {  	v34 =	vld [tilespmem:$0x10590];
	v11 =	vmul.f32 v11, v22;
	v32 =	vmul.f32 v12, v24  }
0x80: {  	v38 =	vld [tilespmem:$0x10600];
	v33 =	vmul.f32 v13, v24;
	v35 =	vmul.f32 v15, v31  }
0x81: {  	v40 =	vld [tilespmem:$0x10610];
	v39 =	vmul.f32 v16, v31;
	v41 =	vmul.f32 v18, v37  }
0x82: {  	v43 =	vld [tilespmem:$0x10680];
	v44 =	vmul.f32 v63, v37;
	v47 =	vmul.f32 v20, v42  }
0x83: {  	v46 =	vld [tilespmem:$0x10690];
	v16 =	vmul.f32 v21, v42;
	v49 =	vmul.f32 v29, v45  }
0x84: {  	v0 =	vld [tilespmem:s18+$0x8010];
	v52 =	vmul.f32 v23, v45;
	v54 =	vmul.f32 v30, v50  }
0x85: {  	v57 =	vmul.f32 v25, v50;
	v60 =	vmul.f32 v26, v55  }
0x86: {  	v13 =	vmul.f32 v34, v55;
	v61 =	vmul.f32 v38, v58  }
0x87: {  	v27 =	vmul.f32 v40, v58;
	v28 =	vmul.f32 v43, v62  }
0x88: {  	v48 =	vld [tilespmem:$0x10700];
	v29 =	vbroadcast v1, $0xE;
	v31 =	vmul.f32 v46, v62  }
0x89: {  	v51 =	vld [tilespmem:$0x10710];
	v1 =	vbroadcast v1, $0xF;
	v37 =	vbroadcast v0, $0x0  }
0x8a: {  	v53 =	vld [tilespmem:$0x10780];
	v17 =	vbroadcast v0, $0x1;
	v2 =	vadd.f32 $0.0e+00, v2;
	v3 =	vadd.f32 $0.0e+00, v3  }
0x8b: {  	v56 =	vld [tilespmem:$0x10790];
	v21 =	vbroadcast v0, $0x3;
	v4 =	vadd.f32 $0.0e+00, v4;
	v5 =	vadd.f32 $0.0e+00, v5  }
0x8c: {  	v59 =	vld [tilespmem:$0x10800];
	v46 =	vbroadcast v0, $0x4;
	v6 =	vadd.f32 $0.0e+00, v6;
	v7 =	vadd.f32 $0.0e+00, v7  }
0x8d: {  	v63 =	vld [tilespmem:$0x10880];
	v25 =	vbroadcast v0, $0x5;
	v8 =	vadd.f32 $0.0e+00, v8;
	v9 =	vadd.f32 $0.0e+00, v9  }
0x8e: {  	v12 =	vld [tilespmem:$0x10890];
	v22 =	vbroadcast v0, $0x6;
	v2 =	vadd.f32 v10, v2;
	v3 =	vadd.f32 v11, v3  }
0x8f: {  	v30 =	vld [tilespmem:$0x10900];
	v14 =	vbroadcast v0, $0xA;
	v4 =	vadd.f32 v32, v4;
	v5 =	vadd.f32 v33, v5  }
0x90: {  	v38 =	vld [tilespmem:$0x10A80];
	v34 =	vmul.f32 v53, v1;
	v6 =	vadd.f32 v35, v6;
	v7 =	vadd.f32 v39, v7  }
0x91: {  	v15 =	vld [tilespmem:$0x10910];
	v1 =	vmul.f32 v56, v1;
	v8 =	vadd.f32 v41, v8;
	v9 =	vadd.f32 v44, v9  }
0x92: {  	v42 =	vld [tilespmem:$0x10B80];
	v40 =	vmul.f32 v59, v37;
	v2 =	vadd.f32 v47, v2;
	v3 =	vadd.f32 v16, v3  }
0x93: {  	v45 =	vld [tilespmem:$0x10C00];
	v32 =	vmul.f32 v48, v29;
	v4 =	vadd.f32 v49, v4;
	v5 =	vadd.f32 v52, v5  }
0x94: {  	v50 =	vld [tilespmem:$0x10D80];
	v41 =	vmul.f32 v63, v17;
	v6 =	vadd.f32 v54, v6;
	v7 =	vadd.f32 v57, v7  }
0x95: {  	v53 =	vld [tilespmem:$0x10E00];
	v9 =	vadd.f32 v13, v9;
	v13 =	vmul.f32 v51, v29;
	v49 =	vmul.f32 v38, v25  }
0x96: {  	v33 =	vld [tilespmem:$0x10980];
	v8 =	vadd.f32 v60, v8;
	v54 =	vbroadcast v0, $0x8;
	v29 =	vbroadcast v0, $0x9  }
0x97: {  	v35 =	vld [tilespmem:$0x10A00];
	v60 =	vbroadcast v0, $0xC;
	v2 =	vadd.f32 v61, v2;
	v3 =	vadd.f32 v27, v3  }
0x98: {  	v39 =	vld [tilespmem:$0x10B00];
	v7 =	vadd.f32 v13, v7;
	v13 =	vbroadcast v0, $0x2;
	v27 =	vbroadcast v0, $0x7  }
0x99: {  	v62 =	vld [tilespmem:$0x10B10];
	v5 =	vadd.f32 v31, v5;
	v31 =	vbroadcast v0, $0xB;
	v55 =	vmul.f32 v45, v54  }
0x9a: {  	v47 =	vld [tilespmem:$0x10C80];
	v8 =	vadd.f32 v34, v8;
	v34 =	vbroadcast v0, $0xD;
	v61 =	vbroadcast v0, $0xE  }
0x9b: {  	v57 =	vld [tilespmem:$0x10F80];
	v4 =	vadd.f32 v28, v4;
	v0 =	vbroadcast v0, $0xF;
	v24 =	vmul.f32 v53, v60  }
0x9c: {  	v6 =	vadd.f32 v32, v6;
	v28 =	vld [tilespmem:$0x10D00];
	v44 =	vmul.f32 v33, v21;
	v48 =	vmul.f32 v35, v46  }
0x9d: {  	v51 =	vmul.f32 v39, v22;
	v43 =	vmul.f32 v30, v13;
	v2 =	vadd.f32 v40, v2;
	v30 =	vld [tilespmem:$0x10E80]  }
0x9e: {  	v32 =	vld [tilespmem:$0x10F00];
	v4 =	vadd.f32 v41, v4;
	v52 =	vmul.f32 v42, v27;
	v20 =	vmul.f32 v50, v31  }
0x9f: {  	v59 =	vld [tilespmem:$0x10A10];
	v8 =	vadd.f32 v44, v8;
	v56 =	vmul.f32 v47, v29;
	v6 =	vadd.f32 v43, v6  }
0xa0: {  	v63 =	vld [tilespmem:$0x10B90];
	v26 =	vmul.f32 v57, v0;
	v2 =	vadd.f32 v48, v2;
	v4 =	vadd.f32 v49, v4  }
0xa1: {  	v16 =	vld [tilespmem:$0x10810];
	v8 =	vadd.f32 v52, v8;
	v58 =	vmul.f32 v28, v14;
	v6 =	vadd.f32 v51, v6  }
0xa2: {  	v38 =	vld [tilespmem:$0x10C90];
	v2 =	vadd.f32 v55, v2;
	v4 =	vadd.f32 v56, v4;
	v30 =	vmul.f32 v30, v34  }
0xa3: {  	v33 =	vld [tilespmem:$0x10990];
	v32 =	vmul.f32 v32, v61;
	v8 =	vadd.f32 v20, v8;
	v6 =	vadd.f32 v58, v6  }
0xa4: {  	v45 =	vmul.f32 v59, v46;
	v35 =	vld [tilespmem:$0x10A90];
	v2 =	vadd.f32 v24, v2;
	v4 =	vadd.f32 v30, v4  }
0xa5: {  	v39 =	vmul.f32 v12, v17;
	v46 =	vld [tilespmem:$0x10E10];
	v8 =	vadd.f32 v26, v8;
	v6 =	vadd.f32 v32, v6  }
0xa6: {  	v1 =	vadd.f32 v1, v9;
	v40 =	vmul.f32 v15, v13;
	v41 =	vld [tilespmem:$0x10D10];
	v50 =	vmul.f32 v63, v27  }
0xa7: {  	v11 =	vmul.f32 v16, v37;
	v37 =	vld [tilespmem:$0x10C10];
	v2 =	vadd.f32 v4, v2;
	v43 =	vadd.f32 v8, v6  }
0xa8: {  	v44 =	vld [tilespmem:$0x10D90];
	v5 =	vadd.f32 v39, v5;
	v7 =	vadd.f32 v40, v7;
	v49 =	vmul.f32 v62, v22  }
0xa9: {  	v48 =	vld [tilespmem:$0x10E90];
	v3 =	vadd.f32 v11, v3;
	v42 =	vmul.f32 v33, v21;
	v2 =	vadd.f32 v43, v2  }
0xaa: {  	v52 =	vld [tilespmem:$0x10F90];
	v47 =	vmul.f32 v35, v25;
	v7 =	vadd.f32 v49, v7;
	v57 =	vmul.f32 v46, v60  }
0xab: {  	v51 =	vld [tilespmem:$0x10F10];
	v3 =	vadd.f32 v45, v3;
	v55 =	vmul.f32 v41, v14;
	v53 =	vsub.f32 $0.0e+00, v2  }
0xac: {  	v1 =	vadd.f32 v42, v1;
	v5 =	vadd.f32 v47, v5;
	v9 =	vmul.f32 v37, v54  }
0xad: {  	v54 =	vmul.f32 v38, v29;
	v7 =	vadd.f32 v55, v7;
	v56 =	vmul.f32 $1.442695020e+00, v53  }
0xae: {  	v1 =	vadd.f32 v50, v1;
	v3 =	vadd.f32 v9, v3;
	v6 =	vmul.f32 v44, v31  }
0xaf: {  	v5 =	vadd.f32 v54, v5;
	v4 =	vmul.f32 v48, v34;
	(erf) = vpow2.f32 v56  }
0xb0: {  	v0 =	vmul.f32 v52, v0;
	v58 =	vmul.f32 v51, v61;
	v1 =	vadd.f32 v6, v1  }
0xb1: {  	v3 =	vadd.f32 v57, v3;
	v4 =	vadd.f32 v4, v5  }
0xb2: {  	v59 =	vadd.f32 v58, v7;
	v0 =	vadd.f32 v0, v1;
	_ =	sdelay $0x1  }
0xb3: {  	v60 =	vadd.f32 v4, v3;
	v0 =	vadd.f32 v0, v59;
	_ =	sdelay $0x1  }
0xb4: {  	v0 =	vadd.f32 v0, v60;
	_ =	sdelay $0x1  }
0xb5: {  	v62 =	vsub.f32 $0.0e+00, v0;
	v61 =	vpop (erf)  }
0xb6: {  	v1 =	vadd.f32 $1.000000000e+00, v61  }
0xb7: {  	v3 =	vmul.f32 $1.442695020e+00, v62  }
0xb8: {  	(erf) = vrcp.f32 v1  }
0xb9: {  	(erf) = vpow2.f32 v3;
	_ =	sdelay $0x7  }
0xba: {  	v1 =	vpop (erf)  }
0xbb: {  	v3 =	vpop (erf)  }
0xbc: {  	v3 =	vadd.f32 $1.000000000e+00, v3;
	_ =	sdelay $0x1  }
0xbd: {  	(erf) = vrcp.f32 v3;
	_ =	sdelay $0x6  }
0xbe: {  	v2 =	vmul.f32 v2, v2  }
0xbf: {  	s17 =	sadd.s32 $0x200, s17;
	v0 =	vmul.f32 v0, v0  }
0xc0: {  	p0 =	sne.s32 s17, $0x10000;
	v63 =	vbroadcast v36, $0x0;
	v1 =	vmul.f32 v1, v2;
	v3 =	vpop (erf)  }
.Ltmp3:
0xc1: {  	v0 =	vmul.f32 v3, v0;
	(pc) =	sbr.rel @!p0 .LBB2_5-.Ltmp3, $4  }
0xc2: {  	v1 =	vmul.f32 v1, v63  }
0xc3: {  	v0 =	vmul.f32 v0, v63  }
0xc4: {  	[tilespmem:s18+$0x11000] =	vst v1  }
0xc5: {  	[tilespmem:s18+$0x11010] =	vst v0  }
.LBB2_2:
0xc6: {  	s18 =	sshra.s32 s17, $0x2  }
0xc7: {  	v36 =	vld [tilespmem:s18+$0xC000];
	_ =	sdelay $0x4  }
0xc8: {  	(v2sf) =	vpush v36, $0x1;
	_ =	sdelay $0xe  }
0xc9: {  	s19 =	spop (v2sf)  }
0xca: {  	p0 =	sgt.f32 s19, $5.000000000e-01  }
.Ltmp4:
0xcb: {  	_ = 	snop;
	(pc) =	sbr.rel @!p0 .LBB2_4-.Ltmp4, $1  }
0xcc: {  	_ =	sdelay $0x3  }
0xcd: {  	v6 =	vld [tilespmem:s18+$0x0]  }
0xce: {  	v5 =	vld [tilespmem:s18+$0x10]  }
0xcf: {  	v41 =	vld [tilespmem:$0x10000]  }
0xd0: {  	v43 =	vld [tilespmem:$0x10010]  }
0xd1: {  	v44 =	vld [tilespmem:$0x10080]  }
0xd2: {  	v45 =	vld [tilespmem:$0x10090]  }
0xd3: {  	v46 =	vld [tilespmem:$0x10100]  }
0xd4: {  	v47 =	vld [tilespmem:$0x10110]  }
0xd5: {  	v50 =	vld [tilespmem:$0x10180]  }
0xd6: {  	v51 =	vld [tilespmem:$0x10190]  }
0xd7: {  	v54 =	vld [tilespmem:$0x10200]  }
0xd8: {  	v55 =	vld [tilespmem:$0x10210]  }
0xd9: {  	v57 =	vld [tilespmem:$0x10280]  }
0xda: {  	v59 =	vld [tilespmem:$0x10290]  }
0xdb: {  	v62 =	vld [tilespmem:$0x10300]  }
0xdc: {  	v33 =	vld [tilespmem:$0x10310];
	v19 =	vbroadcast v6, $0x0;
	v20 =	vbroadcast v6, $0x1  }
0xdd: {  	v27 =	vld [tilespmem:$0x10380];
	v21 =	vbroadcast v6, $0x2;
	v22 =	vbroadcast v6, $0x3  }
0xde: {  	v28 =	vld [tilespmem:$0x10390];
	v23 =	vbroadcast v6, $0x4;
	v24 =	vbroadcast v6, $0x5  }
0xdf: {  	v2 =	vld [tilespmem:$0x10400];
	v25 =	vbroadcast v6, $0x6;
	v26 =	vbroadcast v6, $0x7  }
0xe0: {  	v31 =	vld [tilespmem:$0x10410];
	v48 =	vbroadcast v6, $0xB;
	v49 =	vbroadcast v5, $0x0  }
0xe1: {  	v0 =	vld [tilespmem:$0x10480];
	v3 =	vmul.f32 v41, v19;
	v4 =	vmul.f32 v43, v19  }
0xe2: {  	v38 =	vld [tilespmem:$0x10490];
	v7 =	vmul.f32 v44, v20;
	v52 =	vmul.f32 v45, v20  }
0xe3: {  	v39 =	vld [tilespmem:$0x10500];
	[tilespmem:$0x1FFF0] =	vst v36;
	v9 =	vmul.f32 v46, v21;
	v10 =	vmul.f32 v47, v21  }
0xe4: {  	v42 =	vld [tilespmem:$0x10510];
	[tilespmem:$0x1FC20] =	vst v33;
	v14 =	vmul.f32 v50, v22;
	v15 =	vmul.f32 v51, v22  }
0xe5: {  	v35 =	vld [tilespmem:$0x10580];
	[tilespmem:$0x1FC30] =	vst v27;
	v53 =	vmul.f32 v54, v23;
	v29 =	vmul.f32 v55, v23  }
0xe6: {  	v40 =	vld [tilespmem:$0x10590];
	[tilespmem:$0x1FC40] =	vst v28;
	v30 =	vmul.f32 v57, v24;
	v32 =	vmul.f32 v59, v24  }
0xe7: {  	v17 =	vld [tilespmem:$0x10600];
	[tilespmem:$0x1FC50] =	vst v2;
	v56 =	vmul.f32 v62, v25;
	v33 =	vmul.f32 v33, v25  }
0xe8: {  	v18 =	vld [tilespmem:$0x10610];
	[tilespmem:$0x1FC60] =	vst v31;
	v34 =	vmul.f32 v27, v26;
	v8 =	vadd.f32 $0.0e+00, v3;
	v11 =	vadd.f32 $0.0e+00, v4  }
0xe9: {  	v1 =	vld [tilespmem:$0x10680];
	[tilespmem:$0x1FC70] =	vst v0;
	v27 =	vbroadcast v6, $0x8;
	v7 =	vadd.f32 $0.0e+00, v7;
	v12 =	vadd.f32 $0.0e+00, v52  }
0xea: {  	[tilespmem:$0x1FC80] =	vst v38;
	v58 =	vmul.f32 v28, v26;
	v13 =	vadd.f32 $0.0e+00, v9;
	v16 =	vadd.f32 $0.0e+00, v10;
	v9 =	vld [tilespmem:$0x10690]  }
0xeb: {  	[tilespmem:$0x1FC90] =	vst v39;
	v28 =	vbroadcast v6, $0x9;
	v14 =	vadd.f32 $0.0e+00, v14;
	v15 =	vadd.f32 $0.0e+00, v15;
	v4 =	vld [tilespmem:$0x10700]  }
0xec: {  	[tilespmem:$0x1FCA0] =	vst v42;
	v10 =	vld [tilespmem:$0x10710];
	v60 =	vmul.f32 v2, v27;
	v61 =	vmul.f32 v31, v27;
	v8 =	vadd.f32 v53, v8  }
0xed: {  	[tilespmem:$0x1FCB0] =	vst v35;
	v2 =	vld [tilespmem:$0x10780];
	v31 =	vbroadcast v6, $0xA;
	v29 =	vadd.f32 v29, v11;
	v7 =	vadd.f32 v30, v7  }
0xee: {  	[tilespmem:$0x1FCC0] =	vst v40;
	v3 =	vld [tilespmem:$0x10790];
	v63 =	vmul.f32 v0, v28;
	v32 =	vadd.f32 v32, v12;
	v30 =	vadd.f32 v56, v13  }
0xef: {  	[tilespmem:$0x1FCD0] =	vst v17;
	v0 =	vld [tilespmem:$0x10800];
	v33 =	vadd.f32 v33, v16;
	v11 =	vmul.f32 v38, v28;
	v52 =	vmul.f32 v39, v31  }
0xf0: {  	[tilespmem:$0x1FCE0] =	vst v18;
	v34 =	vadd.f32 v34, v14;
	v12 =	vld [tilespmem:$0x10810];
	v53 =	vmul.f32 v42, v31;
	v56 =	vmul.f32 v35, v48  }
0xf1: {  	[tilespmem:$0x1FCF0] =	vst v1;
	v37 =	vadd.f32 v58, v15;
	v35 =	vbroadcast v6, $0xC;
	v15 =	vld [tilespmem:$0x10890];
	v58 =	vmul.f32 v40, v48  }
0xf2: {  	v13 =	vld [tilespmem:$0x10900];
	v39 =	vbroadcast v6, $0xE;
	v8 =	vadd.f32 v60, v8;
	v29 =	vadd.f32 v61, v29;
	[tilespmem:$0x1FD00] =	vst v9  }
0xf3: {  	v14 =	vld [tilespmem:$0x10910];
	v42 =	vbroadcast v5, $0x5;
	v7 =	vadd.f32 v63, v7;
	v32 =	vadd.f32 v11, v32;
	[tilespmem:$0x1FD10] =	vst v4  }
0xf4: {  	v40 =	vld [tilespmem:$0x10C90];
	v36 =	vadd.f32 v53, v33;
	v33 =	vbroadcast v6, $0xD;
	v60 =	vmul.f32 v17, v35;
	[tilespmem:$0x1FD20] =	vst v10  }
0xf5: {  	v11 =	vld [tilespmem:$0x10880];
	v38 =	vadd.f32 v56, v34;
	v61 =	vmul.f32 v18, v35;
	v34 =	vbroadcast v5, $0x1;
	[tilespmem:$0x1FD30] =	vst v2  }
0xf6: {  	v30 =	vadd.f32 v52, v30;
	[tilespmem:$0x1FD40] =	vst v3;
	v17 =	vmul.f32 v4, v39;
	v4 =	vld [tilespmem:$0x10A00];
	v18 =	vmul.f32 v10, v39  }
0xf7: {  	v37 =	vadd.f32 v58, v37;
	[tilespmem:$0x1FD50] =	vst v0;
	v10 =	vld [tilespmem:$0x10A10];
	v56 =	vmul.f32 v0, v49;
	v63 =	vmul.f32 v1, v33  }
0xf8: {  	v0 =	vld [tilespmem:$0x10B00];
	v8 =	vadd.f32 v60, v8;
	v29 =	vadd.f32 v61, v29;
	v16 =	vmul.f32 v9, v33;
	[tilespmem:$0x1FD60] =	vst v12  }
0xf9: {  	v1 =	vld [tilespmem:$0x10980];
	v61 =	vbroadcast v6, $0xF;
	[tilespmem:$0x1FD80] =	vst v15;
	v6 =	vadd.f32 v17, v30;
	v36 =	vadd.f32 v18, v36  }
0xfa: {  	v9 =	vld [tilespmem:$0x10990];
	[tilespmem:$0x1FD90] =	vst v13;
	v58 =	vmul.f32 v12, v49;
	v17 =	vmul.f32 v15, v34;
	v7 =	vadd.f32 v63, v7  }
0xfb: {  	[tilespmem:$0x1FDA0] =	vst v14;
	v12 =	vld [tilespmem:$0x10B10];
	v32 =	vadd.f32 v16, v32;
	v52 =	vmul.f32 v2, v61;
	v53 =	vmul.f32 v3, v61  }
0xfc: {  	[tilespmem:$0x1FE80] =	vst v40;
	v2 =	vld [tilespmem:$0x10A80];
	v8 =	vadd.f32 v56, v8;
	v63 =	vbroadcast v5, $0x2;
	v16 =	vmul.f32 v11, v34  }
0xfd: {  	v3 =	vld [tilespmem:$0x10A90];
	[tilespmem:$0x1FD70] =	vst v11;
	v29 =	vadd.f32 v58, v29;
	v58 =	vbroadcast v5, $0x3;
	v30 =	vadd.f32 v52, v38  }
0xfe: {  	v11 =	vld [tilespmem:$0x10B80];
	[tilespmem:$0x1FDD0] =	vst v4;
	v37 =	vadd.f32 v53, v37;
	v18 =	vmul.f32 v13, v63;
	v56 =	vmul.f32 v14, v63  }
0xff: {  	[tilespmem:$0x1FDE0] =	vst v10;
	v13 =	vld [tilespmem:$0x10B90];
	v32 =	vadd.f32 v17, v32;
	v53 =	vbroadcast v5, $0x4;
	v7 =	vadd.f32 v16, v7  }
0x100: {  	v17 =	vld [tilespmem:$0x10C10];
	[tilespmem:$0x1FDC0] =	vst v9;
	v60 =	vmul.f32 v1, v58;
	v9 =	vmul.f32 v9, v58;
	v6 =	vadd.f32 v18, v6  }
0x101: {  	[tilespmem:$0x1FDB0] =	vst v1;
	v1 =	vld [tilespmem:$0x10C00];
	v36 =	vadd.f32 v56, v36;
	v14 =	vmul.f32 v4, v53;
	v15 =	vmul.f32 v10, v53  }
0x102: {  	[tilespmem:$0x1FE10] =	vst v0;
	v4 =	vld [tilespmem:$0x10C80];
	v56 =	vbroadcast v5, $0x6;
	v30 =	vadd.f32 v60, v30;
	v16 =	vmul.f32 v2, v42  }
0x103: {  	[tilespmem:$0x1FE00] =	vst v3;
	v9 =	vadd.f32 v9, v37;
	v52 =	vmul.f32 v3, v42;
	v3 =	vld [tilespmem:$0x10D00];
	v37 =	vbroadcast v5, $0x7  }
0x104: {  	[tilespmem:$0x1FDF0] =	vst v2;
	v2 =	vld [tilespmem:$0x10D10];
	v8 =	vadd.f32 v14, v8;
	v60 =	vadd.f32 v15, v29;
	v18 =	vmul.f32 v0, v56  }
0x105: {  	[tilespmem:$0x1FE20] =	vst v12;
	v15 =	vld [tilespmem:$0x10D90];
	v29 =	vbroadcast v5, $0x9;
	v38 =	vadd.f32 v52, v32;
	v32 =	vbroadcast v5, $0x8  }
0x106: {  	[tilespmem:$0x1FE30] =	vst v11;
	v10 =	vadd.f32 v16, v7;
	v7 =	vmul.f32 v12, v56;
	v12 =	vld [tilespmem:$0x10D80];
	v11 =	vmul.f32 v11, v37  }
0x107: {  	[tilespmem:$0x1FE40] =	vst v13;
	v16 =	vadd.f32 v18, v6;
	v18 =	vmul.f32 v13, v37;
	v13 =	vld [tilespmem:$0x10E00];
	v0 =	vmul.f32 v1, v32  }
0x108: {  	[tilespmem:$0x1FE50] =	vst v1;
	v6 =	vld [tilespmem:$0x10E80];
	v14 =	vadd.f32 v7, v36;
	v1 =	vmul.f32 v17, v32;
	v52 =	vmul.f32 v4, v29  }
0x109: {  	[tilespmem:$0x1FE60] =	vst v17;
	v11 =	vadd.f32 v11, v30;
	v7 =	vld [tilespmem:$0x10E10];
	v30 =	vbroadcast v5, $0xA;
	v36 =	vbroadcast v5, $0xB  }
0x10a: {  	[tilespmem:$0x1FE70] =	vst v4;
	v4 =	vld [tilespmem:$0x10E90];
	v18 =	vadd.f32 v18, v9;
	v9 =	vadd.f32 v1, v60;
	v60 =	vmul.f32 v40, v29  }
0x10b: {  	[tilespmem:$0x1FE90] =	vst v3;
	v17 =	vadd.f32 v0, v8;
	v10 =	vadd.f32 v52, v10;
	v52 =	vmul.f32 v3, v30;
	v3 =	vld [tilespmem:$0x10F00]  }
0x10c: {  	[tilespmem:$0x1FEA0] =	vst v2;
	v1 =	vld [tilespmem:$0x10F80];
	v8 =	vadd.f32 v60, v38;
	v60 =	vmul.f32 v2, v30;
	v38 =	vbroadcast v5, $0xC  }
0x10d: {  	[tilespmem:$0x1FEC0] =	vst v15;
	v40 =	vbroadcast v5, $0xD;
	v0 =	vld [tilespmem:$0x10F90];
	v16 =	vadd.f32 v52, v16;
	v52 =	vmul.f32 v12, v36  }
0x10e: {  	[tilespmem:$0x1FEB0] =	vst v12;
	v2 =	vld [tilespmem:$0x10F10];
	v12 =	vmul.f32 v15, v36;
	v14 =	vadd.f32 v60, v14;
	v15 =	vmul.f32 v13, v38  }
0x10f: {  	[tilespmem:$0x1FED0] =	vst v13;
	v13 =	vadd.f32 v52, v11;
	v11 =	vmul.f32 v7, v38;
	v52 =	vbroadcast v5, $0xE  }
0x110: {  	v12 =	vadd.f32 v12, v18;
	v60 =	vbroadcast v5, $0xF;
	v5 =	vmul.f32 v6, v40  }
0x111: {  	[tilespmem:$0x1FEE0] =	vst v7;
	v18 =	vmul.f32 v4, v40;
	v17 =	vadd.f32 v15, v17;
	v15 =	vadd.f32 v11, v9  }
0x112: {  	[tilespmem:$0x1FFB0] =	vst v3;
	v5 =	vadd.f32 v5, v10;
	v7 =	vmul.f32 v3, v52;
	v3 =	vmul.f32 v1, v60  }
0x113: {  	v8 =	vadd.f32 v18, v8;
	v18 =	vmul.f32 v0, v60;
	v9 =	vmul.f32 v2, v52  }
0x114: {  	[tilespmem:$0x1FEF0] =	vst v6;
	v6 =	vadd.f32 v7, v16;
	v16 =	vadd.f32 v3, v13  }
0x115: {  	v18 =	vadd.f32 v18, v12;
	v12 =	vld [tilespmem:s18+$0x20];
	v3 =	vadd.f32 v9, v14  }
0x116: {  	[tilespmem:$0x1FFE0] =	vst v0;
	v13 =	vadd.f32 v5, v17;
	v14 =	vld [tilespmem:s18+$0x30];
	v0 =	vadd.f32 v16, v6  }
0x117: {  	[tilespmem:$0x1FFD0] =	vst v1;
	v16 =	vadd.f32 v8, v15;
	v8 =	vld [tilespmem:s18+$0x4000];
	v1 =	vadd.f32 v18, v3  }
0x118: {  	v7 =	vld [tilespmem:s18+$0x4010];
	v0 =	vadd.f32 v0, v13  }
0x119: {  	v1 =	vadd.f32 v1, v16  }
0x11a: {  	v6 =	vsub.f32 v12, v0  }
0x11b: {  	v5 =	vsub.f32 v14, v1  }
0x11c: {  	v17 =	vmul.f32 v8, v41;
	v18 =	vmul.f32 v6, v19  }
0x11d: {  	v41 =	vmul.f32 v7, v43;
	v43 =	vmul.f32 v5, v19  }
0x11e: {  	v0 =	vadd.f32 v18, v17  }
0x11f: {  	v9 =	vadd.f32 v43, v41  }
0x120: {  	v0 =	vadd.f32 v0, v0  }
0x121: {  	v1 =	vadd.f32 v9, v9  }
0x122: {  	v0 =	vmul.f32 $1.442695020e+00, v0  }
0x123: {  	v1 =	vmul.f32 $1.442695020e+00, v1  }
0x124: {  	(erf) = vpow2.f32 v0  }
0x125: {  	(erf) = vpow2.f32 v1;
	_ =	sdelay $0x4  }
0x126: {  	v10 =	vmul.f32 v8, v44;
	v11 =	vmul.f32 v6, v20  }
0x127: {  	v12 =	vmul.f32 v7, v45;
	v13 =	vmul.f32 v5, v20  }
0x128: {  	v0 =	vadd.f32 v11, v10  }
0x129: {  	v14 =	vadd.f32 v13, v12;
	v15 =	vpop (erf)  }
0x12a: {  	[tilespmem:$0x1FFC0] =	vst v2;
	v0 =	vadd.f32 v0, v0;
	v2 =	vadd.f32 $1.000000000e+00, v15;
	v16 =	vpop (erf)  }
0x12b: {  	v1 =	vadd.f32 v14, v14;
	v3 =	vadd.f32 $1.000000000e+00, v16  }
0x12c: {  	v0 =	vmul.f32 $1.442695020e+00, v0;
	(erf) = vrcp.f32 v2  }
0x12d: {  	v1 =	vmul.f32 $1.442695020e+00, v1;
	(erf) = vrcp.f32 v3  }
0x12e: {  	(erf) = vpow2.f32 v0  }
0x12f: {  	(erf) = vpow2.f32 v1;
	_ =	sdelay $0x4  }
0x130: {  	v17 =	vmul.f32 v8, v46;
	v18 =	vmul.f32 v6, v21  }
0x131: {  	v19 =	vmul.f32 v7, v47;
	v20 =	vmul.f32 v5, v21;
	v46 =	vpop (erf)  }
0x132: {  	v0 =	vadd.f32 v18, v17;
	v47 =	vpop (erf)  }
0x133: {  	v21 =	vadd.f32 v20, v19;
	v41 =	vpop (erf)  }
0x134: {  	v0 =	vadd.f32 v0, v0;
	v2 =	vadd.f32 $1.000000000e+00, v41;
	v43 =	vpop (erf)  }
0x135: {  	v1 =	vadd.f32 v21, v21;
	v3 =	vadd.f32 $1.000000000e+00, v43  }
0x136: {  	v0 =	vmul.f32 $1.442695020e+00, v0;
	(erf) = vrcp.f32 v2  }
0x137: {  	v1 =	vmul.f32 $1.442695020e+00, v1;
	(erf) = vrcp.f32 v3  }
0x138: {  	(erf) = vpow2.f32 v0  }
0x139: {  	(erf) = vpow2.f32 v1;
	_ =	sdelay $0x4  }
0x13a: {  	v44 =	vmul.f32 v8, v50;
	v45 =	vmul.f32 v6, v22  }
0x13b: {  	v9 =	vmul.f32 v7, v51;
	v10 =	vmul.f32 v5, v22;
	v51 =	vpop (erf)  }
0x13c: {  	v0 =	vadd.f32 v45, v44;
	v50 =	vpop (erf)  }
0x13d: {  	v11 =	vadd.f32 v10, v9;
	v12 =	vpop (erf)  }
0x13e: {  	v0 =	vadd.f32 v0, v0;
	v2 =	vadd.f32 $1.000000000e+00, v12;
	v13 =	vpop (erf)  }
0x13f: {  	v1 =	vadd.f32 v11, v11;
	v3 =	vadd.f32 $1.000000000e+00, v13  }
0x140: {  	v0 =	vmul.f32 $1.442695020e+00, v0;
	(erf) = vrcp.f32 v2  }
0x141: {  	v1 =	vmul.f32 $1.442695020e+00, v1;
	(erf) = vrcp.f32 v3  }
0x142: {  	(erf) = vpow2.f32 v0  }
0x143: {  	(erf) = vpow2.f32 v1;
	_ =	sdelay $0x4  }
0x144: {  	v14 =	vmul.f32 v8, v54;
	v15 =	vmul.f32 v6, v23  }
0x145: {  	v16 =	vmul.f32 v7, v55;
	v17 =	vmul.f32 v5, v23;
	v54 =	vpop (erf)  }
0x146: {  	v0 =	vadd.f32 v15, v14;
	v55 =	vpop (erf)  }
0x147: {  	v18 =	vadd.f32 v17, v16;
	v19 =	vpop (erf)  }
0x148: {  	v0 =	vadd.f32 v0, v0;
	v2 =	vadd.f32 $1.000000000e+00, v19;
	v20 =	vpop (erf)  }
0x149: {  	v1 =	vadd.f32 v18, v18;
	v3 =	vadd.f32 $1.000000000e+00, v20  }
0x14a: {  	v0 =	vmul.f32 $1.442695020e+00, v0;
	(erf) = vrcp.f32 v2  }
0x14b: {  	v1 =	vmul.f32 $1.442695020e+00, v1;
	(erf) = vrcp.f32 v3  }
0x14c: {  	(erf) = vpow2.f32 v0  }
0x14d: {  	(erf) = vpow2.f32 v1;
	_ =	sdelay $0x4  }
0x14e: {  	v22 =	vmul.f32 v6, v24;
	v21 =	vmul.f32 v8, v57  }
0x14f: {  	v23 =	vmul.f32 v7, v59;
	v41 =	vmul.f32 v5, v24;
	v57 =	vpop (erf)  }
0x150: {  	v0 =	vadd.f32 v22, v21;
	v59 =	vpop (erf)  }
0x151: {  	v43 =	vadd.f32 v41, v23;
	v44 =	vpop (erf)  }
0x152: {  	v0 =	vadd.f32 v0, v0;
	v2 =	vadd.f32 $1.000000000e+00, v44;
	v45 =	vpop (erf)  }
0x153: {  	v1 =	vadd.f32 v43, v43;
	v3 =	vadd.f32 $1.000000000e+00, v45  }
0x154: {  	v0 =	vmul.f32 $1.442695020e+00, v0;
	(erf) = vrcp.f32 v2  }
0x155: {  	v1 =	vmul.f32 $1.442695020e+00, v1;
	(erf) = vrcp.f32 v3  }
0x156: {  	(erf) = vpow2.f32 v0  }
0x157: {  	(erf) = vpow2.f32 v1  }
0x158: {  	v11 =	vld [tilespmem:$0x1FC20];
	_ =	sdelay $0x3  }
0x159: {  	v9 =	vmul.f32 v8, v62;
	v10 =	vmul.f32 v6, v25  }
0x15a: {  	v12 =	vmul.f32 v5, v25;
	v2 =	vmul.f32 v7, v11;
	v13 =	vpop (erf)  }
0x15b: {  	v0 =	vadd.f32 v10, v9;
	v14 =	vpop (erf)  }
0x15c: {  	v15 =	vadd.f32 v12, v2;
	v16 =	vpop (erf)  }
0x15d: {  	v0 =	vadd.f32 v0, v0;
	v2 =	vadd.f32 $1.000000000e+00, v16;
	v17 =	vpop (erf)  }
0x15e: {  	v1 =	vadd.f32 v15, v15;
	v3 =	vadd.f32 $1.000000000e+00, v17  }
0x15f: {  	v0 =	vmul.f32 $1.442695020e+00, v0;
	(erf) = vrcp.f32 v2  }
0x160: {  	v1 =	vmul.f32 $1.442695020e+00, v1;
	(erf) = vrcp.f32 v3  }
0x161: {  	(erf) = vpow2.f32 v0  }
0x162: {  	v18 =	vld [tilespmem:$0x1FC30];
	(erf) = vpow2.f32 v1  }
0x163: {  	v20 =	vld [tilespmem:$0x1FC40];
	_ =	sdelay $0x3  }
0x164: {  	v19 =	vmul.f32 v6, v26;
	v0 =	vmul.f32 v8, v18  }
0x165: {  	v21 =	vmul.f32 v5, v26;
	v2 =	vmul.f32 v7, v20;
	v22 =	vpop (erf)  }
0x166: {  	v0 =	vadd.f32 v19, v0;
	v23 =	vpop (erf)  }
0x167: {  	v24 =	vadd.f32 v21, v2;
	v25 =	vpop (erf)  }
0x168: {  	v0 =	vadd.f32 v0, v0;
	v2 =	vadd.f32 $1.000000000e+00, v25;
	v26 =	vpop (erf)  }
0x169: {  	v1 =	vadd.f32 v24, v24;
	v3 =	vadd.f32 $1.000000000e+00, v26  }
0x16a: {  	v0 =	vmul.f32 $1.442695020e+00, v0;
	(erf) = vrcp.f32 v2  }
0x16b: {  	v1 =	vmul.f32 $1.442695020e+00, v1;
	(erf) = vrcp.f32 v3  }
0x16c: {  	(erf) = vpow2.f32 v0  }
0x16d: {  	v41 =	vld [tilespmem:$0x1FC50];
	(erf) = vpow2.f32 v1  }
0x16e: {  	v44 =	vld [tilespmem:$0x1FC60];
	_ =	sdelay $0x3  }
0x16f: {  	v43 =	vmul.f32 v6, v27;
	v0 =	vmul.f32 v8, v41  }
0x170: {  	v45 =	vmul.f32 v5, v27;
	v2 =	vmul.f32 v7, v44;
	v62 =	vpop (erf)  }
0x171: {  	v0 =	vadd.f32 v43, v0;
	v9 =	vpop (erf)  }
0x172: {  	v10 =	vadd.f32 v45, v2;
	v11 =	vpop (erf)  }
0x173: {  	v0 =	vadd.f32 v0, v0;
	v2 =	vadd.f32 $1.000000000e+00, v11;
	v12 =	vpop (erf)  }
0x174: {  	v1 =	vadd.f32 v10, v10;
	v3 =	vadd.f32 $1.000000000e+00, v12  }
0x175: {  	v0 =	vmul.f32 $1.442695020e+00, v0;
	(erf) = vrcp.f32 v2  }
0x176: {  	v1 =	vmul.f32 $1.442695020e+00, v1;
	(erf) = vrcp.f32 v3  }
0x177: {  	(erf) = vpow2.f32 v0  }
0x178: {  	[tilespmem:$0x1FF10] =	vst v13;
	v13 =	vld [tilespmem:$0x1FC70];
	(erf) = vpow2.f32 v1  }
0x179: {  	v15 =	vld [tilespmem:$0x1FC80];
	_ =	sdelay $0x3  }
0x17a: {  	[tilespmem:$0x1FF20] =	vst v14;
	v14 =	vmul.f32 v6, v28;
	v0 =	vmul.f32 v8, v13  }
0x17b: {  	v16 =	vmul.f32 v5, v28;
	v2 =	vmul.f32 v7, v15;
	v17 =	vpop (erf)  }
0x17c: {  	v0 =	vadd.f32 v14, v0;
	v18 =	vpop (erf)  }
0x17d: {  	v19 =	vadd.f32 v16, v2;
	v20 =	vpop (erf)  }
0x17e: {  	v0 =	vadd.f32 v0, v0;
	v2 =	vadd.f32 $1.000000000e+00, v20;
	v21 =	vpop (erf)  }
0x17f: {  	v1 =	vadd.f32 v19, v19;
	v3 =	vadd.f32 $1.000000000e+00, v21  }
0x180: {  	v0 =	vmul.f32 $1.442695020e+00, v0;
	(erf) = vrcp.f32 v2  }
0x181: {  	v1 =	vmul.f32 $1.442695020e+00, v1;
	(erf) = vrcp.f32 v3  }
0x182: {  	(erf) = vpow2.f32 v0  }
0x183: {  	[tilespmem:$0x1FF30] =	vst v22;
	v22 =	vld [tilespmem:$0x1FC90];
	(erf) = vpow2.f32 v1  }
0x184: {  	v24 =	vld [tilespmem:$0x1FCA0];
	_ =	sdelay $0x3  }
0x185: {  	[tilespmem:$0x1FF40] =	vst v23;
	v23 =	vmul.f32 v6, v31;
	v0 =	vmul.f32 v8, v22  }
0x186: {  	v25 =	vmul.f32 v5, v31;
	v2 =	vmul.f32 v7, v24;
	v26 =	vpop (erf)  }
0x187: {  	v0 =	vadd.f32 v23, v0;
	v20 =	vpop (erf)  }
0x188: {  	v27 =	vadd.f32 v25, v2;
	v28 =	vpop (erf)  }
0x189: {  	v0 =	vadd.f32 v0, v0;
	v2 =	vadd.f32 $1.000000000e+00, v28;
	v31 =	vpop (erf)  }
0x18a: {  	v1 =	vadd.f32 v27, v27;
	v3 =	vadd.f32 $1.000000000e+00, v31  }
0x18b: {  	v0 =	vmul.f32 $1.442695020e+00, v0;
	(erf) = vrcp.f32 v2  }
0x18c: {  	v1 =	vmul.f32 $1.442695020e+00, v1;
	(erf) = vrcp.f32 v3  }
0x18d: {  	(erf) = vpow2.f32 v0  }
0x18e: {  	v41 =	vld [tilespmem:$0x1FCB0];
	(erf) = vpow2.f32 v1  }
0x18f: {  	v44 =	vld [tilespmem:$0x1FCC0];
	_ =	sdelay $0x3  }
0x190: {  	v43 =	vmul.f32 v6, v48;
	v0 =	vmul.f32 v8, v41  }
0x191: {  	v45 =	vmul.f32 v5, v48;
	v2 =	vmul.f32 v7, v44;
	v24 =	vpop (erf)  }
0x192: {  	[tilespmem:$0x1FF00] =	vst v4;
	v0 =	vadd.f32 v43, v0;
	v48 =	vpop (erf)  }
0x193: {  	[tilespmem:$0x1FF50] =	vst v62;
	v62 =	vadd.f32 v45, v2;
	v4 =	vpop (erf)  }
0x194: {  	[tilespmem:$0x1FF60] =	vst v9;
	v0 =	vadd.f32 v0, v0;
	v2 =	vadd.f32 $1.000000000e+00, v4;
	v9 =	vpop (erf)  }
0x195: {  	v1 =	vadd.f32 v62, v62;
	v3 =	vadd.f32 $1.000000000e+00, v9  }
0x196: {  	v0 =	vmul.f32 $1.442695020e+00, v0;
	(erf) = vrcp.f32 v2  }
0x197: {  	v1 =	vmul.f32 $1.442695020e+00, v1;
	(erf) = vrcp.f32 v3  }
0x198: {  	(erf) = vpow2.f32 v0  }
0x199: {  	v10 =	vld [tilespmem:$0x1FCD0];
	(erf) = vpow2.f32 v1  }
0x19a: {  	v12 =	vld [tilespmem:$0x1FCE0];
	_ =	sdelay $0x3  }
0x19b: {  	v11 =	vmul.f32 v6, v35;
	v0 =	vmul.f32 v8, v10  }
0x19c: {  	v13 =	vmul.f32 v5, v35;
	v2 =	vmul.f32 v7, v12;
	v43 =	vpop (erf)  }
0x19d: {  	v0 =	vadd.f32 v11, v0;
	v62 =	vpop (erf)  }
0x19e: {  	v14 =	vadd.f32 v13, v2;
	v15 =	vpop (erf)  }
0x19f: {  	v0 =	vadd.f32 v0, v0;
	v2 =	vadd.f32 $1.000000000e+00, v15;
	v16 =	vpop (erf)  }
0x1a0: {  	v1 =	vadd.f32 v14, v14;
	v3 =	vadd.f32 $1.000000000e+00, v16  }
0x1a1: {  	v0 =	vmul.f32 $1.442695020e+00, v0;
	(erf) = vrcp.f32 v2  }
0x1a2: {  	v1 =	vmul.f32 $1.442695020e+00, v1;
	(erf) = vrcp.f32 v3  }
0x1a3: {  	(erf) = vpow2.f32 v0  }
0x1a4: {  	[tilespmem:$0x1FF70] =	vst v17;
	v17 =	vld [tilespmem:$0x1FCF0];
	(erf) = vpow2.f32 v1  }
0x1a5: {  	v19 =	vld [tilespmem:$0x1FD00];
	_ =	sdelay $0x3  }
0x1a6: {  	[tilespmem:$0x1FF80] =	vst v18;
	v18 =	vmul.f32 v6, v33;
	v0 =	vmul.f32 v8, v17  }
0x1a7: {  	v21 =	vmul.f32 v5, v33;
	v2 =	vmul.f32 v7, v19;
	v33 =	vpop (erf)  }
0x1a8: {  	v0 =	vadd.f32 v18, v0;
	v16 =	vpop (erf)  }
0x1a9: {  	v22 =	vadd.f32 v21, v2;
	v23 =	vpop (erf)  }
0x1aa: {  	v0 =	vadd.f32 v0, v0;
	v2 =	vadd.f32 $1.000000000e+00, v23;
	v25 =	vpop (erf)  }
0x1ab: {  	v1 =	vadd.f32 v22, v22;
	v3 =	vadd.f32 $1.000000000e+00, v25  }
0x1ac: {  	v0 =	vmul.f32 $1.442695020e+00, v0;
	(erf) = vrcp.f32 v2  }
0x1ad: {  	v1 =	vmul.f32 $1.442695020e+00, v1;
	(erf) = vrcp.f32 v3  }
0x1ae: {  	(erf) = vpow2.f32 v0  }
0x1af: {  	[tilespmem:$0x1FF90] =	vst v26;
	v26 =	vld [tilespmem:$0x1FD10];
	(erf) = vpow2.f32 v1  }
0x1b0: {  	v28 =	vld [tilespmem:$0x1FD20];
	_ =	sdelay $0x3  }
0x1b1: {  	v27 =	vmul.f32 v6, v39;
	v0 =	vmul.f32 v8, v26  }
0x1b2: {  	v31 =	vmul.f32 v5, v39;
	v2 =	vmul.f32 v7, v28;
	v19 =	vpop (erf)  }
0x1b3: {  	v0 =	vadd.f32 v27, v0;
	v39 =	vpop (erf)  }
0x1b4: {  	v35 =	vadd.f32 v31, v2;
	v41 =	vpop (erf)  }
0x1b5: {  	v0 =	vadd.f32 v0, v0;
	v2 =	vadd.f32 $1.000000000e+00, v41;
	v44 =	vpop (erf)  }
0x1b6: {  	v1 =	vadd.f32 v35, v35;
	v3 =	vadd.f32 $1.000000000e+00, v44  }
0x1b7: {  	v0 =	vmul.f32 $1.442695020e+00, v0;
	(erf) = vrcp.f32 v2  }
0x1b8: {  	v1 =	vmul.f32 $1.442695020e+00, v1;
	(erf) = vrcp.f32 v3  }
0x1b9: {  	(erf) = vpow2.f32 v0  }
0x1ba: {  	v45 =	vld [tilespmem:$0x1FD30];
	(erf) = vpow2.f32 v1  }
0x1bb: {  	v10 =	vld [tilespmem:$0x1FD40];
	_ =	sdelay $0x3  }
0x1bc: {  	[tilespmem:$0x1FFA0] =	vst v48;
	v48 =	vmul.f32 v8, v45;
	v9 =	vmul.f32 v6, v61  }
0x1bd: {  	v12 =	vmul.f32 v5, v61;
	v11 =	vmul.f32 v7, v10;
	v0 =	vpop (erf)  }
0x1be: {  	v2 =	vadd.f32 v9, v48;
	v1 =	vpop (erf)  }
0x1bf: {  	v3 =	vadd.f32 v12, v11;
	v13 =	vpop (erf)  }
0x1c0: {  	v2 =	vadd.f32 v2, v2;
	v4 =	vadd.f32 $1.000000000e+00, v13;
	v14 =	vpop (erf)  }
0x1c1: {  	v3 =	vadd.f32 v3, v3;
	v9 =	vadd.f32 $1.000000000e+00, v14  }
0x1c2: {  	v2 =	vmul.f32 $1.442695020e+00, v2;
	(erf) = vrcp.f32 v4  }
0x1c3: {  	v3 =	vmul.f32 $1.442695020e+00, v3;
	(erf) = vrcp.f32 v9  }
0x1c4: {  	(erf) = vpow2.f32 v2  }
0x1c5: {  	v15 =	vld [tilespmem:$0x1FD50];
	(erf) = vpow2.f32 v3  }
0x1c6: {  	v21 =	vld [tilespmem:$0x1FD60];
	_ =	sdelay $0x3  }
0x1c7: {  	v17 =	vmul.f32 v8, v15;
	v18 =	vmul.f32 v6, v49  }
0x1c8: {  	v22 =	vmul.f32 v7, v21;
	v23 =	vmul.f32 v5, v49;
	v2 =	vpop (erf)  }
0x1c9: {  	v3 =	vadd.f32 v18, v17;
	v10 =	vpop (erf)  }
0x1ca: {  	v25 =	vadd.f32 v23, v22;
	v26 =	vpop (erf)  }
0x1cb: {  	v3 =	vadd.f32 v3, v3;
	v9 =	vadd.f32 $1.000000000e+00, v26;
	v27 =	vpop (erf)  }
0x1cc: {  	v4 =	vadd.f32 v25, v25;
	v11 =	vadd.f32 $1.000000000e+00, v27  }
0x1cd: {  	v3 =	vmul.f32 $1.442695020e+00, v3;
	(erf) = vrcp.f32 v9  }
0x1ce: {  	v4 =	vmul.f32 $1.442695020e+00, v4;
	(erf) = vrcp.f32 v11  }
0x1cf: {  	(erf) = vpow2.f32 v3  }
0x1d0: {  	v28 =	vld [tilespmem:$0x1FD70];
	(erf) = vpow2.f32 v4  }
0x1d1: {  	v35 =	vld [tilespmem:$0x1FD80];
	_ =	sdelay $0x3  }
0x1d2: {  	v31 =	vmul.f32 v6, v34;
	v3 =	vmul.f32 v8, v28  }
0x1d3: {  	v41 =	vmul.f32 v5, v34;
	v9 =	vmul.f32 v7, v35;
	v11 =	vpop (erf)  }
0x1d4: {  	v3 =	vadd.f32 v31, v3;
	v12 =	vpop (erf)  }
0x1d5: {  	v44 =	vadd.f32 v41, v9;
	v45 =	vpop (erf)  }
0x1d6: {  	v3 =	vadd.f32 v3, v3;
	v9 =	vadd.f32 $1.000000000e+00, v45;
	v48 =	vpop (erf)  }
0x1d7: {  	v4 =	vadd.f32 v44, v44;
	v13 =	vadd.f32 $1.000000000e+00, v48  }
0x1d8: {  	v3 =	vmul.f32 $1.442695020e+00, v3;
	(erf) = vrcp.f32 v9  }
0x1d9: {  	v4 =	vmul.f32 $1.442695020e+00, v4;
	(erf) = vrcp.f32 v13  }
0x1da: {  	(erf) = vpow2.f32 v3  }
0x1db: {  	v49 =	vld [tilespmem:$0x1FD90];
	(erf) = vpow2.f32 v4  }
0x1dc: {  	v17 =	vld [tilespmem:$0x1FDA0];
	_ =	sdelay $0x3  }
0x1dd: {  	v61 =	vmul.f32 v6, v63;
	v3 =	vmul.f32 v8, v49  }
0x1de: {  	v18 =	vmul.f32 v5, v63;
	v9 =	vmul.f32 v7, v17;
	v14 =	vpop (erf)  }
0x1df: {  	v3 =	vadd.f32 v61, v3;
	v13 =	vpop (erf)  }
0x1e0: {  	v21 =	vadd.f32 v18, v9;
	v22 =	vpop (erf)  }
0x1e1: {  	v3 =	vadd.f32 v3, v3;
	v9 =	vadd.f32 $1.000000000e+00, v22;
	v23 =	vpop (erf)  }
0x1e2: {  	v4 =	vadd.f32 v21, v21;
	v15 =	vadd.f32 $1.000000000e+00, v23  }
0x1e3: {  	v3 =	vmul.f32 $1.442695020e+00, v3;
	(erf) = vrcp.f32 v9  }
0x1e4: {  	v4 =	vmul.f32 $1.442695020e+00, v4;
	(erf) = vrcp.f32 v15  }
0x1e5: {  	(erf) = vpow2.f32 v3  }
0x1e6: {  	v25 =	vld [tilespmem:$0x1FDB0];
	(erf) = vpow2.f32 v4  }
0x1e7: {  	v28 =	vld [tilespmem:$0x1FDC0];
	_ =	sdelay $0x3  }
0x1e8: {  	v26 =	vmul.f32 v8, v25;
	v27 =	vmul.f32 v6, v58  }
0x1e9: {  	v34 =	vmul.f32 v5, v58;
	v31 =	vmul.f32 v7, v28;
	v3 =	vpop (erf)  }
0x1ea: {  	v4 =	vadd.f32 v27, v26;
	v15 =	vpop (erf)  }
0x1eb: {  	v35 =	vadd.f32 v34, v31;
	v41 =	vpop (erf)  }
0x1ec: {  	v4 =	vadd.f32 v4, v4;
	v17 =	vadd.f32 $1.000000000e+00, v41;
	v44 =	vpop (erf)  }
0x1ed: {  	v9 =	vadd.f32 v35, v35;
	v18 =	vadd.f32 $1.000000000e+00, v44  }
0x1ee: {  	v4 =	vmul.f32 $1.442695020e+00, v4;
	(erf) = vrcp.f32 v17  }
0x1ef: {  	v9 =	vmul.f32 $1.442695020e+00, v9;
	(erf) = vrcp.f32 v18  }
0x1f0: {  	(erf) = vpow2.f32 v4  }
0x1f1: {  	v45 =	vld [tilespmem:$0x1FDD0];
	(erf) = vpow2.f32 v9  }
0x1f2: {  	v58 =	vld [tilespmem:$0x1FDE0];
	_ =	sdelay $0x3  }
0x1f3: {  	v49 =	vmul.f32 v6, v53;
	v48 =	vmul.f32 v8, v45  }
0x1f4: {  	v63 =	vmul.f32 v5, v53;
	v61 =	vmul.f32 v7, v58;
	v4 =	vpop (erf)  }
0x1f5: {  	v9 =	vadd.f32 v49, v48;
	v17 =	vpop (erf)  }
0x1f6: {  	v18 =	vadd.f32 v63, v61;
	v25 =	vpop (erf)  }
0x1f7: {  	v9 =	vadd.f32 v9, v9;
	v21 =	vadd.f32 $1.000000000e+00, v25;
	v26 =	vpop (erf)  }
0x1f8: {  	v18 =	vadd.f32 v18, v18;
	v22 =	vadd.f32 $1.000000000e+00, v26  }
0x1f9: {  	v9 =	vmul.f32 $1.442695020e+00, v9;
	(erf) = vrcp.f32 v21  }
0x1fa: {  	v18 =	vmul.f32 $1.442695020e+00, v18;
	(erf) = vrcp.f32 v22  }
0x1fb: {  	(erf) = vpow2.f32 v9  }
0x1fc: {  	v27 =	vld [tilespmem:$0x1FDF0];
	(erf) = vpow2.f32 v18  }
0x1fd: {  	v31 =	vld [tilespmem:$0x1FE00];
	_ =	sdelay $0x3  }
0x1fe: {  	v28 =	vmul.f32 v6, v42;
	v9 =	vmul.f32 v8, v27  }
0x1ff: {  	v34 =	vmul.f32 v7, v31;
	v35 =	vmul.f32 v5, v42;
	v18 =	vpop (erf)  }
0x200: {  	v9 =	vadd.f32 v28, v9;
	v41 =	vpop (erf)  }
0x201: {  	v42 =	vadd.f32 v35, v34;
	v44 =	vpop (erf)  }
0x202: {  	v9 =	vadd.f32 v9, v9;
	v22 =	vadd.f32 $1.000000000e+00, v44;
	v45 =	vpop (erf)  }
0x203: {  	v21 =	vadd.f32 v42, v42;
	v23 =	vadd.f32 $1.000000000e+00, v45  }
0x204: {  	v9 =	vmul.f32 $1.442695020e+00, v9;
	(erf) = vrcp.f32 v22  }
0x205: {  	v21 =	vmul.f32 $1.442695020e+00, v21;
	(erf) = vrcp.f32 v23  }
0x206: {  	(erf) = vpow2.f32 v9  }
0x207: {  	v48 =	vld [tilespmem:$0x1FE10];
	(erf) = vpow2.f32 v21  }
0x208: {  	v58 =	vld [tilespmem:$0x1FE20];
	_ =	sdelay $0x3  }
0x209: {  	v53 =	vmul.f32 v6, v56;
	v49 =	vmul.f32 v8, v48  }
0x20a: {  	v61 =	vmul.f32 v7, v58;
	v63 =	vmul.f32 v5, v56;
	v9 =	vpop (erf)  }
0x20b: {  	v22 =	vadd.f32 v53, v49;
	v21 =	vpop (erf)  }
0x20c: {  	v23 =	vadd.f32 v63, v61;
	v28 =	vpop (erf)  }
0x20d: {  	v22 =	vadd.f32 v22, v22;
	v25 =	vadd.f32 $1.000000000e+00, v28;
	v31 =	vpop (erf)  }
0x20e: {  	v23 =	vadd.f32 v23, v23;
	v26 =	vadd.f32 $1.000000000e+00, v31  }
0x20f: {  	v22 =	vmul.f32 $1.442695020e+00, v22;
	(erf) = vrcp.f32 v25  }
0x210: {  	v23 =	vmul.f32 $1.442695020e+00, v23;
	(erf) = vrcp.f32 v26  }
0x211: {  	(erf) = vpow2.f32 v22  }
0x212: {  	v34 =	vld [tilespmem:$0x1FE30];
	(erf) = vpow2.f32 v23  }
0x213: {  	v44 =	vld [tilespmem:$0x1FE40];
	_ =	sdelay $0x3  }
0x214: {  	v35 =	vmul.f32 v8, v34;
	v42 =	vmul.f32 v6, v37  }
0x215: {  	v48 =	vmul.f32 v5, v37;
	v45 =	vmul.f32 v7, v44;
	v22 =	vpop (erf)  }
0x216: {  	v25 =	vadd.f32 v42, v35;
	v23 =	vpop (erf)  }
0x217: {  	v26 =	vadd.f32 v48, v45;
	v49 =	vpop (erf)  }
0x218: {  	v25 =	vadd.f32 v25, v25;
	v27 =	vadd.f32 $1.000000000e+00, v49;
	v53 =	vpop (erf)  }
0x219: {  	v26 =	vadd.f32 v26, v26;
	v28 =	vadd.f32 $1.000000000e+00, v53  }
0x21a: {  	v25 =	vmul.f32 $1.442695020e+00, v25;
	(erf) = vrcp.f32 v27  }
0x21b: {  	v26 =	vmul.f32 $1.442695020e+00, v26;
	(erf) = vrcp.f32 v28  }
0x21c: {  	(erf) = vpow2.f32 v25  }
0x21d: {  	v56 =	vld [tilespmem:$0x1FE50];
	(erf) = vpow2.f32 v26  }
0x21e: {  	v61 =	vld [tilespmem:$0x1FE60];
	_ =	sdelay $0x3  }
0x21f: {  	v58 =	vmul.f32 v6, v32;
	v25 =	vmul.f32 v8, v56  }
0x220: {  	v63 =	vmul.f32 v5, v32;
	v27 =	vmul.f32 v7, v61;
	v37 =	vpop (erf)  }
0x221: {  	v25 =	vadd.f32 v58, v25;
	v35 =	vpop (erf)  }
0x222: {  	v32 =	vadd.f32 v63, v27;
	v34 =	vpop (erf)  }
0x223: {  	v25 =	vadd.f32 v25, v25;
	v27 =	vadd.f32 $1.000000000e+00, v34;
	v42 =	vpop (erf)  }
0x224: {  	v26 =	vadd.f32 v32, v32;
	v28 =	vadd.f32 $1.000000000e+00, v42  }
0x225: {  	v25 =	vmul.f32 $1.442695020e+00, v25;
	(erf) = vrcp.f32 v27  }
0x226: {  	v26 =	vmul.f32 $1.442695020e+00, v26;
	(erf) = vrcp.f32 v28  }
0x227: {  	(erf) = vpow2.f32 v25  }
0x228: {  	v44 =	vld [tilespmem:$0x1FE70];
	(erf) = vpow2.f32 v26  }
0x229: {  	v48 =	vld [tilespmem:$0x1FE80];
	_ =	sdelay $0x3  }
0x22a: {  	v45 =	vmul.f32 v6, v29;
	v25 =	vmul.f32 v8, v44  }
0x22b: {  	v29 =	vmul.f32 v5, v29;
	v27 =	vmul.f32 v7, v48;
	v28 =	vpop (erf)  }
0x22c: {  	v25 =	vadd.f32 v45, v25;
	v32 =	vpop (erf)  }
0x22d: {  	v49 =	vadd.f32 v29, v27;
	v53 =	vpop (erf)  }
0x22e: {  	v25 =	vadd.f32 v25, v25;
	v27 =	vadd.f32 $1.000000000e+00, v53;
	v56 =	vpop (erf)  }
0x22f: {  	v26 =	vadd.f32 v49, v49;
	v29 =	vadd.f32 $1.000000000e+00, v56  }
0x230: {  	v25 =	vmul.f32 $1.442695020e+00, v25;
	(erf) = vrcp.f32 v27  }
0x231: {  	v26 =	vmul.f32 $1.442695020e+00, v26;
	(erf) = vrcp.f32 v29  }
0x232: {  	(erf) = vpow2.f32 v25  }
0x233: {  	v58 =	vld [tilespmem:$0x1FE90];
	(erf) = vpow2.f32 v26  }
0x234: {  	v34 =	vld [tilespmem:$0x1FEA0];
	_ =	sdelay $0x3  }
0x235: {  	v63 =	vmul.f32 v6, v30;
	v61 =	vmul.f32 v8, v58  }
0x236: {  	v30 =	vmul.f32 v5, v30;
	v42 =	vmul.f32 v7, v34;
	v25 =	vpop (erf)  }
0x237: {  	v26 =	vadd.f32 v63, v61;
	v34 =	vpop (erf)  }
0x238: {  	v44 =	vadd.f32 v30, v42;
	v45 =	vpop (erf)  }
0x239: {  	v26 =	vadd.f32 v26, v26;
	v29 =	vadd.f32 $1.000000000e+00, v45;
	v48 =	vpop (erf)  }
0x23a: {  	v27 =	vadd.f32 v44, v44;
	v30 =	vadd.f32 $1.000000000e+00, v48  }
0x23b: {  	v26 =	vmul.f32 $1.442695020e+00, v26;
	(erf) = vrcp.f32 v29  }
0x23c: {  	v49 =	vld [tilespmem:$0x1FEB0];
	v27 =	vmul.f32 $1.442695020e+00, v27;
	(erf) = vrcp.f32 v30  }
0x23d: {  	(erf) = vpow2.f32 v26  }
0x23e: {  	(erf) = vpow2.f32 v27;
	_ =	sdelay $0x2  }
0x23f: {  	v26 =	vmul.f32 v8, v49;
	_ =	sdelay $0x1  }
0x240: {  	v53 =	vmul.f32 v6, v36;
	v56 =	vld [tilespmem:$0x1FEC0]  }
0x241: {  	v27 =	vpop (erf)  }
0x242: {  	v29 =	vadd.f32 v53, v26;
	v26 =	vpop (erf)  }
0x243: {  	v61 =	vpop (erf)  }
0x244: {  	v58 =	vmul.f32 v5, v36;
	v29 =	vadd.f32 v29, v29;
	v36 =	vadd.f32 $1.000000000e+00, v61;
	v63 =	vpop (erf)  }
0x245: {  	v30 =	vmul.f32 v7, v56;
	v42 =	vadd.f32 $1.000000000e+00, v63  }
0x246: {  	v29 =	vmul.f32 $1.442695020e+00, v29;
	(erf) = vrcp.f32 v36  }
0x247: {  	(erf) = vrcp.f32 v42  }
0x248: {  	v30 =	vadd.f32 v58, v30;
	(erf) = vpow2.f32 v29;
	_ =	sdelay $0x1  }
0x249: {  	v30 =	vadd.f32 v30, v30;
	_ =	sdelay $0x1  }
0x24a: {  	v44 =	vmul.f32 $1.442695020e+00, v30  }
0x24b: {  	v51 =	vadd.f32 v51, v51;
	v45 =	vld [tilespmem:$0x1FED0]  }
0x24c: {  	v54 =	vadd.f32 v54, v54;
	v24 =	vadd.f32 v24, v24;
	(erf) = vpow2.f32 v44  }
0x24d: {  	v55 =	vadd.f32 v55, v55;
	v19 =	vadd.f32 v19, v19;
	v58 =	vld [tilespmem:$0x1FEF0];
	v31 =	vpop (erf)  }
0x24e: {  	v20 =	vadd.f32 v20, v20;
	v24 =	vsub.f32 $1.000000000e+00, v24;
	v48 =	vld [tilespmem:$0x1FEE0];
	v29 =	vpop (erf)  }
0x24f: {  	v43 =	vadd.f32 v43, v43;
	v19 =	vsub.f32 $1.000000000e+00, v19;
	v49 =	vpop (erf)  }
0x250: {  	v53 =	vmul.f32 v6, v38;
	v30 =	vmul.f32 v8, v45;
	v42 =	vadd.f32 $1.000000000e+00, v49  }
0x251: {  	v0 =	vadd.f32 v0, v0;
	v1 =	vadd.f32 v1, v1  }
0x252: {  	v30 =	vadd.f32 v53, v30;
	(erf) = vrcp.f32 v42;
	v42 =	vmul.f32 v8, v58;
	v58 =	vld [tilespmem:$0x1FF10]  }
0x253: {  	v0 =	vsub.f32 $1.000000000e+00, v0;
	v38 =	vmul.f32 v5, v38;
	v36 =	vmul.f32 v7, v48  }
0x254: {  	v2 =	vadd.f32 v2, v2;
	v30 =	vadd.f32 v30, v30  }
0x255: {  	v48 =	vadd.f32 v46, v46;
	v36 =	vadd.f32 v38, v36;
	v56 =	vpop (erf)  }
0x256: {  	v61 =	vmul.f32 v6, v40;
	v38 =	vadd.f32 $1.000000000e+00, v56;
	v56 =	vadd.f32 v57, v57  }
0x257: {  	v63 =	vld [tilespmem:$0x1FF00];
	v30 =	vmul.f32 $1.442695020e+00, v30;
	v57 =	vadd.f32 v59, v59;
	v59 =	vadd.f32 v58, v58  }
0x258: {  	(erf) = vrcp.f32 v38;
	v38 =	vadd.f32 v61, v42;
	v42 =	vsub.f32 $1.000000000e+00, v48;
	v61 =	vld [tilespmem:$0x1FF20]  }
0x259: {  	(erf) = vpow2.f32 v30;
	v48 =	vsub.f32 $1.000000000e+00, v54;
	v54 =	vsub.f32 $1.000000000e+00, v59;
	v59 =	vld [tilespmem:$0x1FF40]  }
0x25a: {  	v1 =	vsub.f32 $1.000000000e+00, v1;
	v10 =	vadd.f32 v10, v10  }
0x25b: {  	v2 =	vsub.f32 $1.000000000e+00, v2;
	v36 =	vadd.f32 v36, v36  }
0x25c: {  	v10 =	vsub.f32 $1.000000000e+00, v10;
	v53 =	vadd.f32 v50, v50  }
0x25d: {  	v36 =	vmul.f32 $1.442695020e+00, v36;
	v49 =	vadd.f32 v47, v47;
	v50 =	vsub.f32 $1.000000000e+00, v57  }
0x25e: {  	v45 =	vmul.f32 v7, v63;
	v57 =	vld [tilespmem:$0x1FF30];
	v63 =	vadd.f32 v61, v61;
	v61 =	vadd.f32 v59, v59  }
0x25f: {  	v40 =	vmul.f32 v5, v40;
	v44 =	vsub.f32 $1.000000000e+00, v49;
	(erf) = vpow2.f32 v36  }
0x260: {  	v49 =	vsub.f32 $1.000000000e+00, v55;
	v30 =	vpop (erf);
	v55 =	vsub.f32 $1.000000000e+00, v61;
	v61 =	vld [tilespmem:$0x1FF50]  }
0x261: {  	v11 =	vadd.f32 v11, v11;
	v40 =	vadd.f32 v40, v45;
	v36 =	vpop (erf)  }
0x262: {  	v45 =	vsub.f32 $1.000000000e+00, v51;
	v51 =	vsub.f32 $1.000000000e+00, v63;
	v63 =	vpop (erf)  }
0x263: {  	v58 =	vadd.f32 v57, v57;
	v57 =	vadd.f32 $1.000000000e+00, v63  }
0x264: {  	[tilespmem:$0x10480] =	vst v24;
	v12 =	vadd.f32 v12, v12;
	v14 =	vadd.f32 v14, v14  }
0x265: {  	[tilespmem:$0x10600] =	vst v19;
	v11 =	vsub.f32 $1.000000000e+00, v11;
	(erf) = vrcp.f32 v57;
	v57 =	vld [tilespmem:$0x1FF60];
	v63 =	vadd.f32 v61, v61  }
0x266: {  	[tilespmem:$0x10680] =	vst v0;
	v12 =	vsub.f32 $1.000000000e+00, v12;
	v14 =	vsub.f32 $1.000000000e+00, v14  }
0x267: {  	v46 =	vsub.f32 $1.000000000e+00, v53;
	[tilespmem:$0x10080] =	vst v45;
	v45 =	vsub.f32 $1.000000000e+00, v63;
	v63 =	vld [tilespmem:$0x1FF80]  }
0x268: {  	[tilespmem:$0x10690] =	vst v1;
	v38 =	vadd.f32 v38, v38;
	v53 =	vsub.f32 $1.000000000e+00, v58;
	v58 =	vpop (erf);
	v61 =	vld [tilespmem:$0x1FF70]  }
0x269: {  	[tilespmem:$0x10700] =	vst v2;
	v40 =	vadd.f32 v40, v40;
	v58 =	vadd.f32 $1.000000000e+00, v58  }
0x26a: {  	v4 =	vadd.f32 v4, v4;
	[tilespmem:$0x10000] =	vst v42;
	v38 =	vmul.f32 $1.442695020e+00, v38;
	v42 =	vadd.f32 v57, v57;
	v57 =	vld [tilespmem:$0x1FFA0]  }
0x26b: {  	[tilespmem:$0x10090] =	vst v46;
	v40 =	vmul.f32 $1.442695020e+00, v40;
	v47 =	vsub.f32 $1.000000000e+00, v56;
	v56 =	vld [tilespmem:$0x1FF90];
	(erf) = vrcp.f32 v58  }
0x26c: {  	v4 =	vsub.f32 $1.000000000e+00, v4;
	[tilespmem:$0x10200] =	vst v54;
	v54 =	vld [tilespmem:$0x1FFC0];
	(erf) = vpow2.f32 v38;
	v46 =	vadd.f32 v63, v63  }
0x26d: {  	v19 =	vadd.f32 v35, v35;
	[tilespmem:$0x10010] =	vst v44;
	(erf) = vpow2.f32 v40;
	v44 =	vadd.f32 v61, v61;
	v61 =	vld [tilespmem:$0x1FFB0]  }
0x26e: {  	[tilespmem:$0x10710] =	vst v10;
	v59 =	vadd.f32 v33, v33;
	v40 =	vsub.f32 $1.000000000e+00, v46  }
0x26f: {  	[tilespmem:$0x10780] =	vst v11;
	v46 =	vsub.f32 $1.000000000e+00, v20;
	v20 =	vadd.f32 v57, v57  }
0x270: {  	v24 =	vadd.f32 v32, v32;
	[tilespmem:$0x10180] =	vst v47;
	v33 =	vsub.f32 $1.000000000e+00, v43  }
0x271: {  	[tilespmem:$0x10210] =	vst v51;
	v47 =	vsub.f32 $1.000000000e+00, v59;
	v51 =	vmul.f32 v7, v54;
	v58 =	vadd.f32 v62, v62  }
0x272: {  	[tilespmem:$0x10110] =	vst v49;
	v62 =	vmul.f32 v6, v52;
	v38 =	vadd.f32 v56, v56;
	v49 =	vmul.f32 v8, v61  }
0x273: {  	[tilespmem:$0x10100] =	vst v48;
	v52 =	vmul.f32 v5, v52;
	v63 =	vadd.f32 v16, v16;
	v48 =	vsub.f32 $1.000000000e+00, v20;
	v20 =	vpop (erf)  }
0x274: {  	[tilespmem:$0x10290] =	vst v55;
	v43 =	vsub.f32 $1.000000000e+00, v58;
	v55 =	vadd.f32 v62, v49;
	v16 =	vpop (erf)  }
0x275: {  	[tilespmem:$0x10790] =	vst v12;
	v57 =	vadd.f32 v52, v51;
	v59 =	vsub.f32 $1.000000000e+00, v63;
	v56 =	vpop (erf)  }
0x276: {  	[tilespmem:$0x10800] =	vst v14;
	v62 =	vadd.f32 v55, v55;
	v58 =	vpop (erf);
	v49 =	vadd.f32 $1.000000000e+00, v56  }
0x277: {  	[tilespmem:$0x10900] =	vst v4;
	v63 =	vadd.f32 v57, v57;
	v61 =	vadd.f32 $1.000000000e+00, v58  }
0x278: {  	v32 =	vadd.f32 v25, v25;
	[tilespmem:$0x10300] =	vst v45;
	v45 =	vmul.f32 $1.442695020e+00, v62;
	(erf) = vrcp.f32 v49  }
0x279: {  	v4 =	vsub.f32 $1.000000000e+00, v24;
	[tilespmem:$0x10490] =	vst v48;
	v48 =	vmul.f32 $1.442695020e+00, v63;
	(erf) = vrcp.f32 v61  }
0x27a: {  	v35 =	vsub.f32 $1.000000000e+00, v32;
	[tilespmem:$0x10190] =	vst v50;
	v50 =	vadd.f32 v15, v15;
	(erf) = vpow2.f32 v45  }
0x27b: {  	[tilespmem:$0x10B90] =	vst v4;
	v15 =	vadd.f32 v22, v22;
	v22 =	vsub.f32 $1.000000000e+00, v19;
	v49 =	vld [tilespmem:$0x1FFD0];
	(erf) = vpow2.f32 v48  }
0x27c: {  	[tilespmem:$0x10C00] =	vst v35;
	v52 =	vld [tilespmem:$0x1FFE0]  }
0x27d: {  	v3 =	vadd.f32 v3, v3;
	[tilespmem:$0x10B10] =	vst v22  }
0x27e: {  	v39 =	vadd.f32 v39, v39;
	[tilespmem:$0x10280] =	vst v53  }
0x27f: {  	v13 =	vadd.f32 v13, v13;
	[tilespmem:$0x10500] =	vst v33;
	v54 =	vsub.f32 $1.000000000e+00, v3;
	v6 =	vmul.f32 v6, v60  }
0x280: {  	v33 =	vadd.f32 v34, v34;
	v5 =	vmul.f32 v5, v60;
	[tilespmem:$0x10580] =	vst v47;
	v0 =	vmul.f32 v8, v49  }
0x281: {  	v38 =	vsub.f32 $1.000000000e+00, v38;
	[tilespmem:$0x10510] =	vst v43;
	v43 =	vadd.f32 v29, v29;
	v7 =	vmul.f32 v7, v52;
	v53 =	vpop (erf)  }
0x282: {  	[tilespmem:$0x10880] =	vst v54;
	v42 =	vsub.f32 $1.000000000e+00, v42;
	v0 =	vadd.f32 v6, v0;
	v56 =	vpop (erf)  }
0x283: {  	[tilespmem:$0x10400] =	vst v38;
	v44 =	vsub.f32 $1.000000000e+00, v44;
	v5 =	vadd.f32 v5, v7;
	v57 =	vpop (erf)  }
0x284: {  	[tilespmem:$0x10310] =	vst v42;
	v0 =	vadd.f32 v0, v0;
	v58 =	vpop (erf);
	v6 =	vadd.f32 $1.000000000e+00, v57  }
0x285: {  	[tilespmem:$0x10380] =	vst v44;
	v5 =	vadd.f32 v5, v5;
	v7 =	vadd.f32 $1.000000000e+00, v58  }
0x286: {  	v42 =	vadd.f32 v31, v31;
	[tilespmem:$0x10390] =	vst v40;
	v0 =	vmul.f32 $1.442695020e+00, v0;
	(erf) = vrcp.f32 v6  }
0x287: {  	v51 =	vsub.f32 $1.000000000e+00, v13;
	[tilespmem:$0x10410] =	vst v46;
	v5 =	vmul.f32 $1.442695020e+00, v5;
	(erf) = vrcp.f32 v7  }
0x288: {  	v44 =	vsub.f32 $1.000000000e+00, v42;
	[tilespmem:$0x10590] =	vst v59;
	v59 =	vadd.f32 v17, v17;
	(erf) = vpow2.f32 v0  }
0x289: {  	v46 =	vsub.f32 $1.000000000e+00, v39;
	[tilespmem:$0x10810] =	vst v51;
	v17 =	vadd.f32 v23, v23;
	(erf) = vpow2.f32 v5  }
0x28a: {  	[tilespmem:$0x10D00] =	vst v44;
	v60 =	vsub.f32 $1.000000000e+00, v59;
	v63 =	vadd.f32 v9, v9  }
0x28b: {  	[tilespmem:$0x10610] =	vst v46;
	v9 =	vadd.f32 v21, v21;
	v21 =	vsub.f32 $1.000000000e+00, v17  }
0x28c: {  	v47 =	vadd.f32 v36, v36;
	v46 =	vsub.f32 $1.000000000e+00, v43;
	[tilespmem:$0x10910] =	vst v60  }
0x28d: {  	v23 =	vadd.f32 v28, v28;
	v55 =	vsub.f32 $1.000000000e+00, v50;
	[tilespmem:$0x10A90] =	vst v21  }
0x28e: {  	v50 =	vsub.f32 $1.000000000e+00, v47;
	v12 =	vsub.f32 $1.000000000e+00, v63;
	[tilespmem:$0x10D10] =	vst v46  }
0x28f: {  	v51 =	vadd.f32 v16, v16;
	v62 =	vadd.f32 v41, v41;
	[tilespmem:$0x10890] =	vst v55;
	v28 =	vpop (erf)  }
0x290: {  	v14 =	vsub.f32 $1.000000000e+00, v9;
	v41 =	vadd.f32 v26, v26;
	[tilespmem:$0x10D90] =	vst v50;
	v34 =	vpop (erf)  }
0x291: {  	[tilespmem:$0x10A00] =	vst v12;
	v54 =	vsub.f32 $1.000000000e+00, v51;
	v11 =	vsub.f32 $1.000000000e+00, v62;
	v38 =	vpop (erf)  }
0x292: {  	[tilespmem:$0x10A10] =	vst v14;
	v4 =	vsub.f32 $1.000000000e+00, v41;
	v40 =	vpop (erf);
	v6 =	vadd.f32 $1.000000000e+00, v38  }
0x293: {  	v61 =	vadd.f32 v18, v18;
	[tilespmem:$0x10E10] =	vst v54;
	v7 =	vadd.f32 $1.000000000e+00, v40  }
0x294: {  	v18 =	vadd.f32 v37, v37;
	v37 =	vsub.f32 $1.000000000e+00, v33;
	[tilespmem:$0x10990] =	vst v11;
	(erf) = vrcp.f32 v6  }
0x295: {  	v45 =	vadd.f32 v30, v30;
	[tilespmem:$0x10C90] =	vst v4;
	v10 =	vsub.f32 $1.000000000e+00, v61;
	(erf) = vrcp.f32 v7  }
0x296: {  	v2 =	vsub.f32 $1.000000000e+00, v18;
	[tilespmem:$0x10C10] =	vst v37;
	v49 =	vadd.f32 v20, v20  }
0x297: {  	v48 =	vsub.f32 $1.000000000e+00, v45;
	[tilespmem:$0x10980] =	vst v10  }
0x298: {  	[tilespmem:$0x10B00] =	vst v2;
	v52 =	vsub.f32 $1.000000000e+00, v49;
	v53 =	vadd.f32 v53, v53  }
0x299: {  	[tilespmem:$0x10D80] =	vst v48;
	v0 =	vsub.f32 $1.000000000e+00, v15  }
0x29a: {  	[tilespmem:$0x10E00] =	vst v52;
	v55 =	vadd.f32 v56, v56;
	v56 =	vsub.f32 $1.000000000e+00, v53  }
0x29b: {  	v39 =	vadd.f32 v27, v27;
	[tilespmem:$0x10A80] =	vst v0;
	v0 =	vsub.f32 $1.000000000e+00, v23  }
0x29c: {  	v58 =	vsub.f32 $1.000000000e+00, v55;
	[tilespmem:$0x10E80] =	vst v56;
	v1 =	vadd.f32 v28, v28  }
0x29d: {  	[tilespmem:$0x10B80] =	vst v0;
	v0 =	vsub.f32 $1.000000000e+00, v39;
	v2 =	vadd.f32 v34, v34;
	v57 =	vpop (erf)  }
0x29e: {  	[tilespmem:$0x10E90] =	vst v58;
	v59 =	vsub.f32 $1.000000000e+00, v1;
	v60 =	vadd.f32 v57, v57;
	v61 =	vpop (erf)  }
.Ltmp5:
0x29f: {  	[tilespmem:$0x10C80] =	vst v0;
	v2 =	vsub.f32 $1.000000000e+00, v2;
	v3 =	vadd.f32 v61, v61;
	(pc) =	sbr.rel .LBB2_4-.Ltmp5, $4  }
0x2a0: {  	[tilespmem:$0x10F00] =	vst v59;
	v62 =	vsub.f32 $1.000000000e+00, v60  }
0x2a1: {  	[tilespmem:$0x10F10] =	vst v2;
	v63 =	vsub.f32 $1.000000000e+00, v3  }
0x2a2: {  	[tilespmem:$0x10F80] =	vst v62  }
0x2a3: {  	v36 =	vld [tilespmem:$0x1FFF0];
	[tilespmem:$0x10F90] =	vst v63  }
.LBB2_6:
0x2a4: {  	_ =	sfence.sel $0x180000  }
0x2a5: {  	[bflag:$0x0] =	sbarrier.arrive $0xFFFF  }
0x2a6: {  	p0 =	sne.s32 s1, $0x0;
	_ =	strace $0x90000047  }
0x2a7: {  	s0 =	sadd.s32 @!p0 $0x100000, s0;
	[bflag:$0x2] =	sbarrier.arrive $0xFFFF  }
0x2a8: {  	[sflag:s0] =	ssyncadd.tile.s32 @!p0 $0x1;
	_ =	shalt  }
.Lfunc_end2:
_tile_overlayer_lowered:
.L_overlay_start_2:
0x2a9: {  	(tag) =	ssettag $0x2  }
0x2aa: {  	s0 =	rddreg [dreg:$0x0];
	s2 =	stileid.u32  }
0x2ab: {  	s1 =	rddreg [dreg:$0x1];
	p0 =	sne.s32 s2, $0x0  }
0x2ac: {  	s3 =	rddreg [dreg:$0x2];
	[bflag:$0x3] =	sbarrier.arrive $0xFFFF;
	s2 =	simm.s32 @!p0 $0x1C01  }
0x2ad: {  	[timem:s3], [sflag:s2] =	dma.local @!p0 [hbm:s0], s1  }
0x2ae: {  	s0 =	simm.s32 @!p0 $0x1  }
0x2af: {  	_ =	swait.ge @!p0 [sflag:s0], s1  }
0x2b0: {  	s1 =	ssub.s32 @!p0 $0x0, s1;
	[sflag:s0] =	ssyncset.done @!p0 $0x0  }
0x2b1: {  	[sflag:s0] =	ssyncadd.s32 @!p0 s1  }
0x2b2: {  	[bflag:$0x3] =	sbarrier.arrive $0xFFFF  }
0x2b3: {  	_ =	shalt  }

</sc_bundles>
